<compile_context>
chip_gen: v7x
topology: tpu7x:2x2x1
jax: 0.10.2.dev20260603
libtpu: 0.0.44.dev20260713+nightly
codegen_flags: <defaults>
</compile_context>

<pallas_src>
import functools

import jax
import jax.numpy as jnp
from jax import lax
from jax.experimental import pallas as pl
from jax.experimental.pallas import tpu as pltpu
from jax.experimental.pallas import tpu_sc as plsc

_V = 1000000
_D = 32
_B = 16384

_NW = 32
_SPAN = 31232
_WBIG = 1024
_NBIG = 30
_ROWCAP = 128
_DUMMY0 = _B
_XCHUNK = 2048
_WTRASH = _B + 16
_PSHIFT = 14
_PMASK = (1 << _PSHIFT) - 1

_mesh = plsc.VectorSubcoreMesh(core_axis_name="c", subcore_axis_name="s")


@functools.partial(
    pl.kernel,
    mesh=_mesh,
    out_type=jax.ShapeDtypeStruct((_B + 32, 128), jnp.float32),
    scratch_types=[
        pltpu.VMEM((_XCHUNK,), jnp.int32),
        pltpu.VMEM((_B + 32,), jnp.int32),
        pltpu.VMEM((_B + 32,), jnp.int32),
        pltpu.VMEM((32, _WBIG), jnp.float32),
        pltpu.VMEM((32, _WBIG), jnp.float32),
        pltpu.VMEM((_ROWCAP + 1, 128), jnp.float32),
        pltpu.VMEM((_ROWCAP + 16,), jnp.int32),
        pltpu.SemaphoreType.DMA,
        pltpu.SemaphoreType.DMA,
        pltpu.SemaphoreType.DMA,
    ],
    compiler_params=pltpu.CompilerParams(needs_layout_passes=False),
)
def _sc_scan_gather(
    x_hbm, emdT_hbm, tailT_hbm, out_hbm,
    xc_v, sel_p, wl_p, win0, win1, rowbuf, posbuf,
    sem0, sem1, sem_out,
):
    wid = lax.axis_index("s") * 2 + lax.axis_index("c")
    lo = wid * _SPAN
    hi = jnp.where(wid == _NW - 1, _V, lo + _SPAN)
    lane = lax.iota(jnp.int32, 16)
    dummy = _DUMMY0 + wid

    def fire_big(w, buf, sem):
        off = pl.multiple_of(lo + w * _WBIG, _WBIG)
        pltpu.make_async_copy(
            emdT_hbm.at[:, pl.ds(off, _WBIG)], buf, sem
        ).start()

    def wait_big(w, buf, sem):
        off = pl.multiple_of(lo + w * _WBIG, _WBIG)
        pltpu.make_async_copy(
            emdT_hbm.at[:, pl.ds(off, _WBIG)], buf, sem
        ).wait()

    fire_big(0, win0, sem0)
    fire_big(1, win1, sem1)

    def chunk_body(cb, off_vec):
        pltpu.sync_copy(x_hbm.at[pl.ds(cb * _XCHUNK, _XCHUNK)], xc_v)

        def select_one(k, off_vec):
            iv = xc_v[pl.ds(k * 16, 16)]
            m = jnp.logical_and(iv >= lo, iv < hi)
            mi = jnp.where(m, 1, 0).astype(jnp.int32)
            prefix = plsc.cumsum(mi)
            slots = jnp.where(m, off_vec + prefix - 1, _WTRASH)
            packed = jax.lax.shift_left(iv - lo, _PSHIFT) | (
                lane + (cb * _XCHUNK + k * 16)
            )
            plsc.store_scatter(sel_p, [slots], packed)
            return off_vec + plsc.all_reduce_population_count(m)

        def select_body(k2, off_vec):
            off_vec = select_one(2 * k2, off_vec)
            return select_one(2 * k2 + 1, off_vec)

        return lax.fori_loop(0, _XCHUNK // 32, select_body, off_vec)

    off_vec = lax.fori_loop(
        0, _B // _XCHUNK, chunk_body, jnp.zeros((16,), jnp.int32)
    )
    n_sel = jax.lax.shift_right_logical(jnp.sum(off_vec), 4)
    sel_p[pl.ds(n_sel, 16)] = jnp.full((16,), -1, jnp.int32)
    sel_p[pl.ds(n_sel + 16, 16)] = jnp.full((16,), -1, jnp.int32)
    n_vreg = (n_sel + 15) // 16

    for k in range(_ROWCAP // 16):
        posbuf[pl.ds(k * 16, 16)] = jnp.full((16,), dummy, jnp.int32)

    def flush(off2):
        pltpu.make_async_copy(
            rowbuf.at[pl.ds(0, _ROWCAP)],
            out_hbm.at[posbuf.at[pl.ds(0, _ROWCAP)]],
            sem_out,
        ).start()
        pltpu.make_async_copy(
            rowbuf.at[pl.ds(0, _ROWCAP)],
            out_hbm.at[posbuf.at[pl.ds(0, _ROWCAP)]],
            sem_out,
        ).wait()
        for k in range(_ROWCAP // 16):
            posbuf[pl.ds(k * 16, 16)] = jnp.full((16,), dummy, jnp.int32)
        return 0

    def extract_window(w0rel, width, buf, off2):
        p_lo = w0rel << _PSHIFT
        p_hi = (w0rel + width) << _PSHIFT

        def record_one(v, offw_vec):
            pv = sel_p[pl.ds(v * 16, 16)]
            m2 = jnp.logical_and(pv >= p_lo, pv < p_hi)
            mi = jnp.where(m2, 1, 0).astype(jnp.int32)
            prefix = plsc.cumsum(mi)
            slots = jnp.where(m2, offw_vec + prefix - 1, _WTRASH)
            plsc.store_scatter(wl_p, [slots], pv)
            return offw_vec + plsc.all_reduce_population_count(m2)

        def record(v2, offw_vec):
            offw_vec = record_one(2 * v2, offw_vec)
            return record_one(2 * v2 + 1, offw_vec)

        offw_vec = lax.fori_loop(
            0, (n_vreg + 1) // 2, record, jnp.zeros((16,), jnp.int32)
        )
        cnt_w = jax.lax.shift_right_logical(jnp.sum(offw_vec), 4)
        nwv = (cnt_w + 15) // 16

        def extract(t, off2):
            pv = wl_p[pl.ds(t * 16, 16)]
            rloc = jnp.clip(
                jax.lax.shift_right_arithmetic(pv, _PSHIFT) - w0rel,
                0, width - 1,
            )
            posv = pv & _PMASK
            m3 = (lane + t * 16) < cnt_w
            mi = jnp.where(m3, 1, 0).astype(jnp.int32)
            slots = jnp.where(m3, off2 + plsc.cumsum(mi) - 1, _ROWCAP)
            for c in range(_D):
                csplat = jnp.full((16,), c, jnp.int32)
                vals = plsc.load_gather(buf, [csplat, rloc])
                plsc.store_scatter(rowbuf, [slots, csplat], vals)
            plsc.store_scatter(posbuf, [slots], posv)
            off2 = off2 + jnp.sum(mi)

            @pl.when(off2 >= _ROWCAP - 16)
            def _():
                flush(off2)

            return jnp.where(off2 >= _ROWCAP - 16, 0, off2)

        return lax.fori_loop(0, nwv, extract, off2)

    def pair_body(j, off2):
        w_a = 2 * j
        w_b = 2 * j + 1
        wait_big(w_a, win0, sem0)
        off2 = extract_window(w_a * _WBIG, _WBIG, win0, off2)

        @pl.when(w_a + 2 < _NBIG)
        def _():
            fire_big(w_a + 2, win0, sem0)

        wait_big(w_b, win1, sem1)
        off2 = extract_window(w_b * _WBIG, _WBIG, win1, off2)

        @pl.when(w_b + 2 < _NBIG)
        def _():
            fire_big(w_b + 2, win1, sem1)

        return off2

    off2 = lax.fori_loop(0, _NBIG // 2, pair_body, 0)

    pltpu.make_async_copy(
        emdT_hbm.at[:, pl.ds(pl.multiple_of(lo + _NBIG * _WBIG, 512), 512)],
        win0.at[:, pl.ds(0, 512)], sem0,
    ).start()
    pltpu.make_async_copy(
        emdT_hbm.at[:, pl.ds(pl.multiple_of(lo + _NBIG * _WBIG, 512), 512)],
        win0.at[:, pl.ds(0, 512)], sem0,
    ).wait()
    off2 = extract_window(_NBIG * _WBIG, 512, win0, off2)

    @pl.when(wid == _NW - 1)
    def _():
        pltpu.make_async_copy(
            emdT_hbm.at[:, pl.ds(999424, 512)], win0.at[:, pl.ds(0, 512)],
            sem0,
        ).start()
        pltpu.make_async_copy(
            emdT_hbm.at[:, pl.ds(999424, 512)], win0.at[:, pl.ds(0, 512)],
            sem0,
        ).wait()
        o = extract_window(_SPAN, 512, win0, off2)
        pltpu.sync_copy(tailT_hbm, win0.at[:, pl.ds(0, 128)])
        o = extract_window(999872 - 968192, 512, win0, o)
        flush(o)

    @pl.when(wid != _NW - 1)
    def _():
        flush(off2)


def kernel(x, emd):
    emd_t = emd.T
    tail_t = lax.slice(emd_t, (0, _V - 128), (_D, _V))
    out_pad = _sc_scan_gather(x, emd_t, tail_t)
    return out_pad[:_B, :_D]

# --- scband reference (transcript-rebuilt; emitter-appended) ---
"""Pipeline reference for scband-sparse-feature-43705587204339 (READ-ONLY COPY).

The authoritative reference and input builder live on the scoring server;
editing this copy changes nothing except your own understanding.
"""

import jax, jax.numpy as jnp
import numpy as np

TOTAL_NUM = 1000000
EMD_SIZE = 32
BATCH = 16384


def setup_inputs(seed: int = 0) -> dict:
    key = jax.random.key(seed)
    k_idx, k_emd = jax.random.split(key)
    x = jax.random.randint(k_idx, (BATCH,), 0, TOTAL_NUM, dtype=jnp.int64 if jax.config.jax_enable_x64 else jnp.int32).astype(jnp.int32)
    # xavier normal init: std = sqrt(2 / (fan_in + fan_out))
    std = float(np.sqrt(2.0 / (TOTAL_NUM + EMD_SIZE)))
    emd = jax.random.normal(k_emd, (TOTAL_NUM, EMD_SIZE), dtype=jnp.float32) * std
    return {"x": x, "emd": emd}


def reference(x, emd):
    # x is 1-D integer index tensor -> embedding gather (the non-2D branch)
    return jnp.take(emd, x, axis=0)

if __name__ == "__main__":
    import jax
    _d = setup_inputs()
    print(jax.jit(kernel)(*tuple(_d.values())))

</pallas_src>

<mosaic_0001>
#map = affine_map<(d0, d1) -> (0)>
#map1 = affine_map<(d0, d1) -> (0, 0)>
module attributes {stable_mosaic.version = 14 : i64} {
  func.func @_sc_scan_gather(%arg0: i32, %arg1: i32, %arg2: memref<16384xi32, #tpu.memory_space<hbm>>, %arg3: memref<32x1000000xf32, #tpu.memory_space<hbm>>, %arg4: memref<32x128xf32, #tpu.memory_space<hbm>>, %arg5: memref<16416x128xf32, #tpu.memory_space<hbm>>, %arg6: memref<2048xi32, #tpu.memory_space<vmem>>, %arg7: memref<16416xi32, #tpu.memory_space<vmem>>, %arg8: memref<16416xi32, #tpu.memory_space<vmem>>, %arg9: memref<32x1024xf32, #tpu.memory_space<vmem>>, %arg10: memref<32x1024xf32, #tpu.memory_space<vmem>>, %arg11: memref<129x128xf32, #tpu.memory_space<vmem>>, %arg12: memref<144xi32, #tpu.memory_space<vmem>>, %arg13: memref<!tpu.dma_semaphore, #tpu.memory_space<semaphore_mem>>, %arg14: memref<!tpu.dma_semaphore, #tpu.memory_space<semaphore_mem>>, %arg15: memref<!tpu.dma_semaphore, #tpu.memory_space<semaphore_mem>>) attributes {dimension_semantics = [#tpu.dimension_semantics<core_parallel>, #tpu.dimension_semantics<subcore_parallel>], iteration_bounds = array<i64: 2, 16>, scalar_prefetch = 0 : i64, scratch_operands = 10 : i64, tpu.core_type = #tpu.core_type<sc_vector_subcore>, window_params = [{transform_indices = #map}, {transform_indices = #map1}, {transform_indices = #map1}, {transform_indices = #map1}]} {
    %mul3A = arith.constant 2 : i32
    %mul3A_0 = arith.muli %arg1, %mul3A : i32
    %add3A = arith.addi %mul3A_0, %arg0 : i32
    %mul3A_1 = arith.constant 31232 : i32
    %mul3A_2 = arith.muli %add3A, %mul3A_1 : i32
    %eq3A = arith.constant 31 : i32
    %eq3A_3 = arith.cmpi eq, %add3A, %eq3A : i32
    %add3A_4 = arith.constant 31232 : i32
    %add3A_5 = arith.addi %mul3A_2, %add3A_4 : i32
    %jit3A = arith.constant 1000000 : i32
    %select_n3A = arith.select %eq3A_3, %jit3A, %add3A_5 : i32
    %iota3A = tpu.iota {dimensions = array<i32: 0>} : vector<16xi32>
    %add3A_6 = arith.constant 16384 : i32
    %add3A_7 = arith.addi %add3A_6, %add3A : i32
    %add3A_8 = arith.constant 0 : i32
    %add3A_9 = arith.addi %mul3A_2, %add3A_8 : i32
    %multiple_of3A = tpu.assume_multiple %add3A_9, 1024 : i32
    %dma_start3A = arith.constant 0 : i32
    %dma_start3A_10 = tpu.memref_slice %arg3[%dma_start3A, %multiple_of3A] : memref<32x1000000xf32, #tpu.memory_space<hbm>> -> memref<32x1024xf32, #tpu.memory_space<hbm>>
    %dma_start3A_11 = arith.constant 0 : i32
    %dma_start3A_12 = tpu.memref_slice %arg3[%dma_start3A_11, %multiple_of3A] : memref<32x1000000xf32, #tpu.memory_space<hbm>> -> memref<32x1024xf32, #tpu.memory_space<hbm>>
    tpu.enqueue_dma source(%dma_start3A_12 : memref<32x1024xf32, #tpu.memory_space<hbm>>) target(%arg9 : memref<32x1024xf32, #tpu.memory_space<vmem>>) target_semaphore(%arg13 : memref<!tpu.dma_semaphore, #tpu.memory_space<semaphore_mem>>)
    %add3A_13 = arith.constant 1024 : i32
    %add3A_14 = arith.addi %mul3A_2, %add3A_13 : i32
    %multiple_of3A_15 = tpu.assume_multiple %add3A_14, 1024 : i32
    %dma_start3A_16 = arith.constant 0 : i32
    %dma_start3A_17 = tpu.memref_slice %arg3[%dma_start3A_16, %multiple_of3A_15] : memref<32x1000000xf32, #tpu.memory_space<hbm>> -> memref<32x1024xf32, #tpu.memory_space<hbm>>
    %dma_start3A_18 = arith.constant 0 : i32
    %dma_start3A_19 = tpu.memref_slice %arg3[%dma_start3A_18, %multiple_of3A_15] : memref<32x1000000xf32, #tpu.memory_space<hbm>> -> memref<32x1024xf32, #tpu.memory_space<hbm>>
    tpu.enqueue_dma source(%dma_start3A_19 : memref<32x1024xf32, #tpu.memory_space<hbm>>) target(%arg10 : memref<32x1024xf32, #tpu.memory_space<vmem>>) target_semaphore(%arg14 : memref<!tpu.dma_semaphore, #tpu.memory_space<semaphore_mem>>)
    %broadcast_in_dim3A = arith.constant 0 : i32
    %broadcast_in_dim3A_20 = vector.broadcast %broadcast_in_dim3A : i32 to vector<16xi32>
    %scan3A = arith.constant 0 : i32
    %scan3A_21 = arith.constant 8 : i32
    %scan3A_22 = arith.addi %scan3A, %scan3A_21 : i32
    %scan3A_23 = arith.constant 1 : i32
    %scan3A_24 = scf.for %scan3A_204 = %scan3A to %scan3A_22 step %scan3A_23 iter_args(%scan3A_205 = %broadcast_in_dim3A_20) -> (vector<16xi32>)  : i32 {
      %mul3A_206 = arith.constant 2048 : i32
      %mul3A_207 = arith.muli %scan3A_204, %mul3A_206 : i32
      "tpu.region"() ({
        %run_scoped3A = tpu.sem_alloc : memref<!tpu.dma_semaphore, #tpu.memory_space<semaphore_mem>>
        %dma_start3A_214 = tpu.memref_slice %arg2[%mul3A_207] : memref<16384xi32, #tpu.memory_space<hbm>> -> memref<2048xi32, #tpu.memory_space<hbm>>
        %dma_start3A_215 = tpu.memref_slice %arg2[%mul3A_207] : memref<16384xi32, #tpu.memory_space<hbm>> -> memref<2048xi32, #tpu.memory_space<hbm>>
        tpu.enqueue_dma source(%dma_start3A_215 : memref<2048xi32, #tpu.memory_space<hbm>>) target(%arg6 : memref<2048xi32, #tpu.memory_space<vmem>>) target_semaphore(%run_scoped3A : memref<!tpu.dma_semaphore, #tpu.memory_space<semaphore_mem>>)
        %dma_wait3A_216 = tpu.memref_slice %arg2[%mul3A_207] : memref<16384xi32, #tpu.memory_space<hbm>> -> memref<2048xi32, #tpu.memory_space<hbm>>
        %dma_wait3A_217 = tpu.memref_slice %arg2[%mul3A_207] : memref<16384xi32, #tpu.memory_space<hbm>> -> memref<2048xi32, #tpu.memory_space<hbm>>
        tpu.wait_dma2 semaphore(%run_scoped3A : memref<!tpu.dma_semaphore, #tpu.memory_space<semaphore_mem>>) src(%dma_wait3A_217 : memref<2048xi32, #tpu.memory_space<hbm>>) dst(%arg6 : memref<2048xi32, #tpu.memory_space<vmem>>)
        tpu.yield
      }) : () -> ()
      %scan3A_208 = arith.constant 0 : i32
      %scan3A_209 = arith.constant 64 : i32
      %scan3A_210 = arith.addi %scan3A_208, %scan3A_209 : i32
      %scan3A_211 = arith.constant 1 : i32
      %scan3A_212 = scf.for %scan3A_214 = %scan3A_208 to %scan3A_210 step %scan3A_211 iter_args(%scan3A_215 = %scan3A_205) -> (vector<16xi32>)  : i32 {
        %mul3A_216 = arith.constant 2 : i32
        %mul3A_217 = arith.muli %mul3A_216, %scan3A_214 : i32
        %mul3A_218 = arith.constant 16 : i32
        %mul3A_219 = arith.muli %mul3A_217, %mul3A_218 : i32
        %get3A = arith.index_cast %mul3A_219 : i32 to index
        %get3A_220 = tpu.vector_load %arg6[%get3A] {strides = array<i32>} : memref<2048xi32, #tpu.memory_space<vmem>>, vector<16xi32>,
        %ge3A = vector.broadcast %mul3A_2 : i32 to vector<16xi32>
        %ge3A_221 = arith.cmpi sge, %get3A_220, %ge3A : vector<16xi32>
        %lt3A = vector.broadcast %select_n3A : i32 to vector<16xi32>
        %lt3A_222 = arith.cmpi slt, %get3A_220, %lt3A : vector<16xi32>
        %and3A_223 = arith.andi %ge3A_221, %lt3A_222 : vector<16xi1>
        %jit3A_224 = arith.constant 1 : i32
        %jit3A_225 = arith.constant 0 : i32
        %broadcast_in_dim3A_226 = vector.broadcast %jit3A_224 : i32 to vector<16xi32>
        %broadcast_in_dim3A_227 = vector.broadcast %jit3A_225 : i32 to vector<16xi32>
        %select_n3A_228 = arith.select %and3A_223, %broadcast_in_dim3A_226, %broadcast_in_dim3A_227 : vector<16xi1>, vector<16xi32>
        %broadcast_in_dim3A_229 = arith.constant true
        %broadcast_in_dim3A_230 = vector.broadcast %broadcast_in_dim3A_229 : i1 to vector<16xi1>
        %masked_cumsum3A = tpu.scan <sum>, %select_n3A_228 masked %broadcast_in_dim3A_230 : vector<16xi32>, vector<16xi1> -> vector<16xi32>
        %add3A_231 = arith.addi %scan3A_215, %masked_cumsum3A : vector<16xi32>
        %sub3A_232 = arith.constant 1 : i32
        %sub3A_233 = vector.broadcast %sub3A_232 : i32 to vector<16xi32>
        %sub3A_234 = arith.subi %add3A_231, %sub3A_233 : vector<16xi32>
        %jit3A_235 = arith.constant 16400 : i32
        %broadcast_in_dim3A_236 = vector.broadcast %jit3A_235 : i32 to vector<16xi32>
        %select_n3A_237 = arith.select %and3A_223, %sub3A_234, %broadcast_in_dim3A_236 : vector<16xi1>, vector<16xi32>
        %sub3A_238 = vector.broadcast %mul3A_2 : i32 to vector<16xi32>
        %sub3A_239 = arith.subi %get3A_220, %sub3A_238 : vector<16xi32>
        %shift_left3A = arith.constant 14 : i32
        %shift_left3A_240 = vector.broadcast %shift_left3A : i32 to vector<16xi32>
        %shift_left3A_241 = arith.shli %sub3A_239, %shift_left3A_240 : vector<16xi32>
        %mul3A_242 = arith.constant 2048 : i32
        %mul3A_243 = arith.muli %scan3A_204, %mul3A_242 : i32
        %mul3A_244 = arith.constant 16 : i32
        %mul3A_245 = arith.muli %mul3A_217, %mul3A_244 : i32
        %add3A_246 = arith.addi %mul3A_243, %mul3A_245 : i32
        %add3A_247 = vector.broadcast %add3A_246 : i32 to vector<16xi32>
        %add3A_248 = arith.addi %iota3A, %add3A_247 : vector<16xi32>
        %or3A = arith.ori %shift_left3A_241, %add3A_248 : vector<16xi32>
        tpu.vector_store_idx %arg7[%select_n3A_237], %or3A : memref<16416xi32, #tpu.memory_space<vmem>>[vector<16xi32>], vector<16xi32>,
        %all_reduce_population_count3A = tpu.all_reduce %and3A_223 {dim = 0 : i64, kind = #tpu.reduction_kind<sum>} : vector<16xi1> -> vector<16xi32>
        %add3A_249 = arith.addi %scan3A_215, %all_reduce_population_count3A : vector<16xi32>
        %mul3A_250 = arith.constant 2 : i32
        %mul3A_251 = arith.muli %mul3A_250, %scan3A_214 : i32
        %add3A_252 = arith.constant 1 : i32
        %add3A_253 = arith.addi %mul3A_251, %add3A_252 : i32
        %mul3A_254 = arith.constant 16 : i32
        %mul3A_255 = arith.muli %add3A_253, %mul3A_254 : i32
        %get3A_256 = arith.index_cast %mul3A_255 : i32 to index
        %get3A_257 = tpu.vector_load %arg6[%get3A_256] {strides = array<i32>} : memref<2048xi32, #tpu.memory_space<vmem>>, vector<16xi32>,
        %ge3A_258 = vector.broadcast %mul3A_2 : i32 to vector<16xi32>
        %ge3A_259 = arith.cmpi sge, %get3A_257, %ge3A_258 : vector<16xi32>
        %lt3A_260 = vector.broadcast %select_n3A : i32 to vector<16xi32>
        %lt3A_261 = arith.cmpi slt, %get3A_257, %lt3A_260 : vector<16xi32>
        %and3A_262 = arith.andi %ge3A_259, %lt3A_261 : vector<16xi1>
        %jit3A_263 = arith.constant 1 : i32
        %jit3A_264 = arith.constant 0 : i32
        %broadcast_in_dim3A_265 = vector.broadcast %jit3A_263 : i32 to vector<16xi32>
        %broadcast_in_dim3A_266 = vector.broadcast %jit3A_264 : i32 to vector<16xi32>
        %select_n3A_267 = arith.select %and3A_262, %broadcast_in_dim3A_265, %broadcast_in_dim3A_266 : vector<16xi1>, vector<16xi32>
        %broadcast_in_dim3A_268 = arith.constant true
        %broadcast_in_dim3A_269 = vector.broadcast %broadcast_in_dim3A_268 : i1 to vector<16xi1>
        %masked_cumsum3A_270 = tpu.scan <sum>, %select_n3A_267 masked %broadcast_in_dim3A_269 : vector<16xi32>, vector<16xi1> -> vector<16xi32>
        %add3A_271 = arith.addi %add3A_249, %masked_cumsum3A_270 : vector<16xi32>
        %sub3A_272 = arith.constant 1 : i32
        %sub3A_273 = vector.broadcast %sub3A_272 : i32 to vector<16xi32>
        %sub3A_274 = arith.subi %add3A_271, %sub3A_273 : vector<16xi32>
        %jit3A_275 = arith.constant 16400 : i32
        %broadcast_in_dim3A_276 = vector.broadcast %jit3A_275 : i32 to vector<16xi32>
        %select_n3A_277 = arith.select %and3A_262, %sub3A_274, %broadcast_in_dim3A_276 : vector<16xi1>, vector<16xi32>
        %sub3A_278 = vector.broadcast %mul3A_2 : i32 to vector<16xi32>
        %sub3A_279 = arith.subi %get3A_257, %sub3A_278 : vector<16xi32>
        %shift_left3A_280 = arith.constant 14 : i32
        %shift_left3A_281 = vector.broadcast %shift_left3A_280 : i32 to vector<16xi32>
        %shift_left3A_282 = arith.shli %sub3A_279, %shift_left3A_281 : vector<16xi32>
        %mul3A_283 = arith.constant 2048 : i32
        %mul3A_284 = arith.muli %scan3A_204, %mul3A_283 : i32
        %mul3A_285 = arith.constant 16 : i32
        %mul3A_286 = arith.muli %add3A_253, %mul3A_285 : i32
        %add3A_287 = arith.addi %mul3A_284, %mul3A_286 : i32
        %add3A_288 = vector.broadcast %add3A_287 : i32 to vector<16xi32>
        %add3A_289 = arith.addi %iota3A, %add3A_288 : vector<16xi32>
        %or3A_290 = arith.ori %shift_left3A_282, %add3A_289 : vector<16xi32>
        tpu.vector_store_idx %arg7[%select_n3A_277], %or3A_290 : memref<16416xi32, #tpu.memory_space<vmem>>[vector<16xi32>], vector<16xi32>,
        %all_reduce_population_count3A_291 = tpu.all_reduce %and3A_262 {dim = 0 : i64, kind = #tpu.reduction_kind<sum>} : vector<16xi1> -> vector<16xi32>
        %add3A_292 = arith.addi %add3A_249, %all_reduce_population_count3A_291 : vector<16xi32>
        scf.yield %add3A_292 : vector<16xi32>
      }
      %scan3A_213 = arith.constant 64 : i32
      scf.yield %scan3A_212 : vector<16xi32>
    }
    %scan3A_25 = arith.constant 8 : i32
    %reduce_sum3A = arith.constant true
    %reduce_sum3A_26 = vector.broadcast %reduce_sum3A : i1 to vector<16xi1>
    %reduce_sum3A_27 = tpu.scan <sum>, %scan3A_24 masked %reduce_sum3A_26 : vector<16xi32>, vector<16xi1> -> vector<16xi32>
    %reduce_sum3A_28 = vector.extract %reduce_sum3A_27[15] : i32 from vector<16xi32>
    %shift_right_logical3A = arith.constant 4 : i32
    %shift_right_logical3A_29 = arith.shrui %reduce_sum3A_28, %shift_right_logical3A : i32
    %broadcast_in_dim3A_30 = arith.constant -1 : i32
    %broadcast_in_dim3A_31 = vector.broadcast %broadcast_in_dim3A_30 : i32 to vector<16xi32>
    %swap3A = arith.index_cast %shift_right_logical3A_29 : i32 to index
    %swap3A_32 = tpu.vector_load %arg7[%swap3A] {strides = array<i32>} : memref<16416xi32, #tpu.memory_space<vmem>>, vector<16xi32>,
    tpu.vector_store %arg7[%swap3A], %broadcast_in_dim3A_31 {strides = array<i32>} : memref<16416xi32, #tpu.memory_space<vmem>>, vector<16xi32>,
    %broadcast_in_dim3A_33 = arith.constant -1 : i32
    %broadcast_in_dim3A_34 = vector.broadcast %broadcast_in_dim3A_33 : i32 to vector<16xi32>
    %add3A_35 = arith.constant 16 : i32
    %add3A_36 = arith.addi %shift_right_logical3A_29, %add3A_35 : i32
    %swap3A_37 = arith.index_cast %add3A_36 : i32 to index
    %swap3A_38 = tpu.vector_load %arg7[%swap3A_37] {strides = array<i32>} : memref<16416xi32, #tpu.memory_space<vmem>>, vector<16xi32>,
    tpu.vector_store %arg7[%swap3A_37], %broadcast_in_dim3A_34 {strides = array<i32>} : memref<16416xi32, #tpu.memory_space<vmem>>, vector<16xi32>,
    %add3A_39 = arith.constant 15 : i32
    %add3A_40 = arith.addi %shift_right_logical3A_29, %add3A_39 : i32
    %jit3A_41 = arith.constant 16 : i32
    %div3A = arith.divsi %add3A_40, %jit3A_41 : i32
    %sign3A = arith.constant 0 : i32
    %sign3A_42 = arith.cmpi sgt, %add3A_40, %sign3A : i32
    %sign3A_43 = arith.extui %sign3A_42 : i1 to i32
    %sign3A_44 = arith.constant 0 : i32
    %sign3A_45 = arith.cmpi slt, %add3A_40, %sign3A_44 : i32
    %sign3A_46 = arith.extui %sign3A_45 : i1 to i32
    %sign3A_47 = arith.subi %sign3A_43, %sign3A_46 : i32
    %sign3A_48 = arith.constant 0 : i32
    %sign3A_49 = arith.cmpi sgt, %jit3A_41, %sign3A_48 : i32
    %sign3A_50 = arith.extui %sign3A_49 : i1 to i32
    %sign3A_51 = arith.constant 0 : i32
    %sign3A_52 = arith.cmpi slt, %jit3A_41, %sign3A_51 : i32
    %sign3A_53 = arith.extui %sign3A_52 : i1 to i32
    %sign3A_54 = arith.subi %sign3A_50, %sign3A_53 : i32
    %ne3A = arith.cmpi ne, %sign3A_47, %sign3A_54 : i32
    %rem3A = arith.remsi %add3A_40, %jit3A_41 : i32
    %ne3A_55 = arith.constant 0 : i32
    %ne3A_56 = arith.cmpi ne, %rem3A, %ne3A_55 : i32
    %and3A = arith.andi %ne3A, %ne3A_56 : i1
    %sub3A = arith.constant 1 : i32
    %sub3A_57 = arith.subi %div3A, %sub3A : i32
    %select_n3A_58 = arith.select %and3A, %sub3A_57, %div3A : i32
    %broadcast_in_dim3A_59 = vector.broadcast %add3A_7 : i32 to vector<16xi32>
    %swap3A_60 = arith.constant 0 : index
    %swap3A_61 = tpu.vector_load %arg12[%swap3A_60] {strides = array<i32>} : memref<144xi32, #tpu.memory_space<vmem>>, vector<16xi32>,
    tpu.vector_store %arg12[%swap3A_60], %broadcast_in_dim3A_59 {strides = array<i32>} : memref<144xi32, #tpu.memory_space<vmem>>, vector<16xi32>,
    %broadcast_in_dim3A_62 = vector.broadcast %add3A_7 : i32 to vector<16xi32>
    %swap3A_63 = arith.constant 16 : index
    %swap3A_64 = tpu.vector_load %arg12[%swap3A_63] {strides = array<i32>} : memref<144xi32, #tpu.memory_space<vmem>>, vector<16xi32>,
    tpu.vector_store %arg12[%swap3A_63], %broadcast_in_dim3A_62 {strides = array<i32>} : memref<144xi32, #tpu.memory_space<vmem>>, vector<16xi32>,
    %broadcast_in_dim3A_65 = vector.broadcast %add3A_7 : i32 to vector<16xi32>
    %swap3A_66 = arith.constant 32 : index
    %swap3A_67 = tpu.vector_load %arg12[%swap3A_66] {strides = array<i32>} : memref<144xi32, #tpu.memory_space<vmem>>, vector<16xi32>,
    tpu.vector_store %arg12[%swap3A_66], %broadcast_in_dim3A_65 {strides = array<i32>} : memref<144xi32, #tpu.memory_space<vmem>>, vector<16xi32>,
    %broadcast_in_dim3A_68 = vector.broadcast %add3A_7 : i32 to vector<16xi32>
    %swap3A_69 = arith.constant 48 : index
    %swap3A_70 = tpu.vector_load %arg12[%swap3A_69] {strides = array<i32>} : memref<144xi32, #tpu.memory_space<vmem>>, vector<16xi32>,
    tpu.vector_store %arg12[%swap3A_69], %broadcast_in_dim3A_68 {strides = array<i32>} : memref<144xi32, #tpu.memory_space<vmem>>, vector<16xi32>,
    %broadcast_in_dim3A_71 = vector.broadcast %add3A_7 : i32 to vector<16xi32>
    %swap3A_72 = arith.constant 64 : index
    %swap3A_73 = tpu.vector_load %arg12[%swap3A_72] {strides = array<i32>} : memref<144xi32, #tpu.memory_space<vmem>>, vector<16xi32>,
    tpu.vector_store %arg12[%swap3A_72], %broadcast_in_dim3A_71 {strides = array<i32>} : memref<144xi32, #tpu.memory_space<vmem>>, vector<16xi32>,
    %broadcast_in_dim3A_74 = vector.broadcast %add3A_7 : i32 to vector<16xi32>
    %swap3A_75 = arith.constant 80 : index
    %swap3A_76 = tpu.vector_load %arg12[%swap3A_75] {strides = array<i32>} : memref<144xi32, #tpu.memory_space<vmem>>, vector<16xi32>,
    tpu.vector_store %arg12[%swap3A_75], %broadcast_in_dim3A_74 {strides = array<i32>} : memref<144xi32, #tpu.memory_space<vmem>>, vector<16xi32>,
    %broadcast_in_dim3A_77 = vector.broadcast %add3A_7 : i32 to vector<16xi32>
    %swap3A_78 = arith.constant 96 : index
    %swap3A_79 = tpu.vector_load %arg12[%swap3A_78] {strides = array<i32>} : memref<144xi32, #tpu.memory_space<vmem>>, vector<16xi32>,
    tpu.vector_store %arg12[%swap3A_78], %broadcast_in_dim3A_77 {strides = array<i32>} : memref<144xi32, #tpu.memory_space<vmem>>, vector<16xi32>,
    %broadcast_in_dim3A_80 = vector.broadcast %add3A_7 : i32 to vector<16xi32>
    %swap3A_81 = arith.constant 112 : index
    %swap3A_82 = tpu.vector_load %arg12[%swap3A_81] {strides = array<i32>} : memref<144xi32, #tpu.memory_space<vmem>>, vector<16xi32>,
    tpu.vector_store %arg12[%swap3A_81], %broadcast_in_dim3A_80 {strides = array<i32>} : memref<144xi32, #tpu.memory_space<vmem>>, vector<16xi32>,
    %scan3A_83 = arith.constant 0 : i32
    %scan3A_84 = arith.constant 0 : i32
    %scan3A_85 = arith.constant 15 : i32
    %scan3A_86 = arith.addi %scan3A_84, %scan3A_85 : i32
    %scan3A_87 = arith.constant 1 : i32
    %scan3A_88 = scf.for %scan3A_204 = %scan3A_84 to %scan3A_86 step %scan3A_87 iter_args(%scan3A_205 = %scan3A_83) -> (i32)  : i32 {
      %mul3A_206 = arith.constant 2 : i32
      %mul3A_207 = arith.muli %mul3A_206, %scan3A_204 : i32
      %mul3A_208 = arith.constant 2 : i32
      %mul3A_209 = arith.muli %mul3A_208, %scan3A_204 : i32
      %add3A_210 = arith.constant 1 : i32
      %add3A_211 = arith.addi %mul3A_209, %add3A_210 : i32
      %mul3A_212 = arith.constant 1024 : i32
      %mul3A_213 = arith.muli %mul3A_207, %mul3A_212 : i32
      %add3A_214 = arith.addi %mul3A_2, %mul3A_213 : i32
      %multiple_of3A_215 = tpu.assume_multiple %add3A_214, 1024 : i32
      %dma_wait3A_216 = arith.constant 0 : i32
      %dma_wait3A_217 = tpu.memref_slice %arg3[%dma_wait3A_216, %multiple_of3A_215] : memref<32x1000000xf32, #tpu.memory_space<hbm>> -> memref<32x1024xf32, #tpu.memory_space<hbm>>
      %dma_wait3A_218 = arith.constant 0 : i32
      %dma_wait3A_219 = tpu.memref_slice %arg3[%dma_wait3A_218, %multiple_of3A_215] : memref<32x1000000xf32, #tpu.memory_space<hbm>> -> memref<32x1024xf32, #tpu.memory_space<hbm>>
      tpu.wait_dma2 semaphore(%arg13 : memref<!tpu.dma_semaphore, #tpu.memory_space<semaphore_mem>>) src(%dma_wait3A_219 : memref<32x1024xf32, #tpu.memory_space<hbm>>) dst(%arg9 : memref<32x1024xf32, #tpu.memory_space<vmem>>)
      %mul3A_220 = arith.constant 1024 : i32
      %mul3A_221 = arith.muli %mul3A_207, %mul3A_220 : i32
      %shift_left3A = arith.constant 14 : i32
      %shift_left3A_222 = arith.shli %mul3A_221, %shift_left3A : i32
      %add3A_223 = arith.constant 1024 : i32
      %add3A_224 = arith.addi %mul3A_221, %add3A_223 : i32
      %shift_left3A_225 = arith.constant 14 : i32
      %shift_left3A_226 = arith.shli %add3A_224, %shift_left3A_225 : i32
      %add3A_227 = arith.constant 1 : i32
      %add3A_228 = arith.addi %select_n3A_58, %add3A_227 : i32
      %jit3A_229 = arith.constant 2 : i32
      %div3A_230 = arith.divsi %add3A_228, %jit3A_229 : i32
      %sign3A_231 = arith.constant 0 : i32
      %sign3A_232 = arith.cmpi sgt, %add3A_228, %sign3A_231 : i32
      %sign3A_233 = arith.extui %sign3A_232 : i1 to i32
      %sign3A_234 = arith.constant 0 : i32
      %sign3A_235 = arith.cmpi slt, %add3A_228, %sign3A_234 : i32
      %sign3A_236 = arith.extui %sign3A_235 : i1 to i32
      %sign3A_237 = arith.subi %sign3A_233, %sign3A_236 : i32
      %sign3A_238 = arith.constant 0 : i32
      %sign3A_239 = arith.cmpi sgt, %jit3A_229, %sign3A_238 : i32
      %sign3A_240 = arith.extui %sign3A_239 : i1 to i32
      %sign3A_241 = arith.constant 0 : i32
      %sign3A_242 = arith.cmpi slt, %jit3A_229, %sign3A_241 : i32
      %sign3A_243 = arith.extui %sign3A_242 : i1 to i32
      %sign3A_244 = arith.subi %sign3A_240, %sign3A_243 : i32
      %ne3A_245 = arith.cmpi ne, %sign3A_237, %sign3A_244 : i32
      %rem3A_246 = arith.remsi %add3A_228, %jit3A_229 : i32
      %ne3A_247 = arith.constant 0 : i32
      %ne3A_248 = arith.cmpi ne, %rem3A_246, %ne3A_247 : i32
      %and3A_249 = arith.andi %ne3A_245, %ne3A_248 : i1
      %sub3A_250 = arith.constant 1 : i32
      %sub3A_251 = arith.subi %div3A_230, %sub3A_250 : i32
      %select_n3A_252 = arith.select %and3A_249, %sub3A_251, %div3A_230 : i32
      %broadcast_in_dim3A_253 = arith.constant 0 : i32
      %broadcast_in_dim3A_254 = vector.broadcast %broadcast_in_dim3A_253 : i32 to vector<16xi32>
      %while3A_255 = arith.constant 0 : i32
      %while3A_256 = arith.subi %select_n3A_252, %while3A_255 : i32
      %while3A_257 = arith.addi %while3A_255, %while3A_256 : i32
      %while3A_258 = arith.constant 1 : i32
      %while3A_259 = arith.divsi %while3A_256, %while3A_258 : i32
      %while3A_260 = arith.muli %while3A_259, %while3A_258 : i32
      %while3A_261 = arith.addi %while3A_255, %while3A_260 : i32
      %while3A_262 = arith.constant 1 : i32
      %while3A_263 = scf.for %while3A_420 = %while3A_255 to %while3A_261 step %while3A_262 iter_args(%while3A_421 = %broadcast_in_dim3A_254) -> (vector<16xi32>)  : i32 {
        %mul3A_422 = arith.constant 2 : i32
        %mul3A_423 = arith.muli %mul3A_422, %while3A_420 : i32
        %mul3A_424 = arith.constant 16 : i32
        %mul3A_425 = arith.muli %mul3A_423, %mul3A_424 : i32
        %get3A = arith.index_cast %mul3A_425 : i32 to index
        %get3A_426 = tpu.vector_load %arg7[%get3A] {strides = array<i32>} : memref<16416xi32, #tpu.memory_space<vmem>>, vector<16xi32>,
        %ge3A = vector.broadcast %shift_left3A_222 : i32 to vector<16xi32>
        %ge3A_427 = arith.cmpi sge, %get3A_426, %ge3A : vector<16xi32>
        %lt3A_428 = vector.broadcast %shift_left3A_226 : i32 to vector<16xi32>
        %lt3A_429 = arith.cmpi slt, %get3A_426, %lt3A_428 : vector<16xi32>
        %and3A_430 = arith.andi %ge3A_427, %lt3A_429 : vector<16xi1>
        %jit3A_431 = arith.constant 1 : i32
        %jit3A_432 = arith.constant 0 : i32
        %broadcast_in_dim3A_433 = vector.broadcast %jit3A_431 : i32 to vector<16xi32>
        %broadcast_in_dim3A_434 = vector.broadcast %jit3A_432 : i32 to vector<16xi32>
        %select_n3A_435 = arith.select %and3A_430, %broadcast_in_dim3A_433, %broadcast_in_dim3A_434 : vector<16xi1>, vector<16xi32>
        %broadcast_in_dim3A_436 = arith.constant true
        %broadcast_in_dim3A_437 = vector.broadcast %broadcast_in_dim3A_436 : i1 to vector<16xi1>
        %masked_cumsum3A = tpu.scan <sum>, %select_n3A_435 masked %broadcast_in_dim3A_437 : vector<16xi32>, vector<16xi1> -> vector<16xi32>
        %add3A_438 = arith.addi %while3A_421, %masked_cumsum3A : vector<16xi32>
        %sub3A_439 = arith.constant 1 : i32
        %sub3A_440 = vector.broadcast %sub3A_439 : i32 to vector<16xi32>
        %sub3A_441 = arith.subi %add3A_438, %sub3A_440 : vector<16xi32>
        %jit3A_442 = arith.constant 16400 : i32
        %broadcast_in_dim3A_443 = vector.broadcast %jit3A_442 : i32 to vector<16xi32>
        %select_n3A_444 = arith.select %and3A_430, %sub3A_441, %broadcast_in_dim3A_443 : vector<16xi1>, vector<16xi32>
        tpu.vector_store_idx %arg8[%select_n3A_444], %get3A_426 : memref<16416xi32, #tpu.memory_space<vmem>>[vector<16xi32>], vector<16xi32>,
        %all_reduce_population_count3A = tpu.all_reduce %and3A_430 {dim = 0 : i64, kind = #tpu.reduction_kind<sum>} : vector<16xi1> -> vector<16xi32>
        %add3A_445 = arith.addi %while3A_421, %all_reduce_population_count3A : vector<16xi32>
        %mul3A_446 = arith.constant 2 : i32
        %mul3A_447 = arith.muli %mul3A_446, %while3A_420 : i32
        %add3A_448 = arith.constant 1 : i32
        %add3A_449 = arith.addi %mul3A_447, %add3A_448 : i32
        %mul3A_450 = arith.constant 16 : i32
        %mul3A_451 = arith.muli %add3A_449, %mul3A_450 : i32
        %get3A_452 = arith.index_cast %mul3A_451 : i32 to index
        %get3A_453 = tpu.vector_load %arg7[%get3A_452] {strides = array<i32>} : memref<16416xi32, #tpu.memory_space<vmem>>, vector<16xi32>,
        %ge3A_454 = vector.broadcast %shift_left3A_222 : i32 to vector<16xi32>
        %ge3A_455 = arith.cmpi sge, %get3A_453, %ge3A_454 : vector<16xi32>
        %lt3A_456 = vector.broadcast %shift_left3A_226 : i32 to vector<16xi32>
        %lt3A_457 = arith.cmpi slt, %get3A_453, %lt3A_456 : vector<16xi32>
        %and3A_458 = arith.andi %ge3A_455, %lt3A_457 : vector<16xi1>
        %jit3A_459 = arith.constant 1 : i32
        %jit3A_460 = arith.constant 0 : i32
        %broadcast_in_dim3A_461 = vector.broadcast %jit3A_459 : i32 to vector<16xi32>
        %broadcast_in_dim3A_462 = vector.broadcast %jit3A_460 : i32 to vector<16xi32>
        %select_n3A_463 = arith.select %and3A_458, %broadcast_in_dim3A_461, %broadcast_in_dim3A_462 : vector<16xi1>, vector<16xi32>
        %broadcast_in_dim3A_464 = arith.constant true
        %broadcast_in_dim3A_465 = vector.broadcast %broadcast_in_dim3A_464 : i1 to vector<16xi1>
        %masked_cumsum3A_466 = tpu.scan <sum>, %select_n3A_463 masked %broadcast_in_dim3A_465 : vector<16xi32>, vector<16xi1> -> vector<16xi32>
        %add3A_467 = arith.addi %add3A_445, %masked_cumsum3A_466 : vector<16xi32>
        %sub3A_468 = arith.constant 1 : i32
        %sub3A_469 = vector.broadcast %sub3A_468 : i32 to vector<16xi32>
        %sub3A_470 = arith.subi %add3A_467, %sub3A_469 : vector<16xi32>
        %jit3A_471 = arith.constant 16400 : i32
        %broadcast_in_dim3A_472 = vector.broadcast %jit3A_471 : i32 to vector<16xi32>
        %select_n3A_473 = arith.select %and3A_458, %sub3A_470, %broadcast_in_dim3A_472 : vector<16xi1>, vector<16xi32>
        tpu.vector_store_idx %arg8[%select_n3A_473], %get3A_453 : memref<16416xi32, #tpu.memory_space<vmem>>[vector<16xi32>], vector<16xi32>,
        %all_reduce_population_count3A_474 = tpu.all_reduce %and3A_458 {dim = 0 : i64, kind = #tpu.reduction_kind<sum>} : vector<16xi1> -> vector<16xi32>
        %add3A_475 = arith.addi %add3A_445, %all_reduce_population_count3A_474 : vector<16xi32>
        scf.yield %add3A_475 : vector<16xi32>
      }
      %while3A_264 = arith.constant 1 : i32
      %while3A_265 = scf.for %while3A_420 = %while3A_261 to %while3A_257 step %while3A_264 iter_args(%while3A_421 = %while3A_263) -> (vector<16xi32>)  : i32 {
        %mul3A_422 = arith.constant 2 : i32
        %mul3A_423 = arith.muli %mul3A_422, %while3A_420 : i32
        %mul3A_424 = arith.constant 16 : i32
        %mul3A_425 = arith.muli %mul3A_423, %mul3A_424 : i32
        %get3A = arith.index_cast %mul3A_425 : i32 to index
        %get3A_426 = tpu.vector_load %arg7[%get3A] {strides = array<i32>} : memref<16416xi32, #tpu.memory_space<vmem>>, vector<16xi32>,
        %ge3A = vector.broadcast %shift_left3A_222 : i32 to vector<16xi32>
        %ge3A_427 = arith.cmpi sge, %get3A_426, %ge3A : vector<16xi32>
        %lt3A_428 = vector.broadcast %shift_left3A_226 : i32 to vector<16xi32>
        %lt3A_429 = arith.cmpi slt, %get3A_426, %lt3A_428 : vector<16xi32>
        %and3A_430 = arith.andi %ge3A_427, %lt3A_429 : vector<16xi1>
        %jit3A_431 = arith.constant 1 : i32
        %jit3A_432 = arith.constant 0 : i32
        %broadcast_in_dim3A_433 = vector.broadcast %jit3A_431 : i32 to vector<16xi32>
        %broadcast_in_dim3A_434 = vector.broadcast %jit3A_432 : i32 to vector<16xi32>
        %select_n3A_435 = arith.select %and3A_430, %broadcast_in_dim3A_433, %broadcast_in_dim3A_434 : vector<16xi1>, vector<16xi32>
        %broadcast_in_dim3A_436 = arith.constant true
        %broadcast_in_dim3A_437 = vector.broadcast %broadcast_in_dim3A_436 : i1 to vector<16xi1>
        %masked_cumsum3A = tpu.scan <sum>, %select_n3A_435 masked %broadcast_in_dim3A_437 : vector<16xi32>, vector<16xi1> -> vector<16xi32>
        %add3A_438 = arith.addi %while3A_421, %masked_cumsum3A : vector<16xi32>
        %sub3A_439 = arith.constant 1 : i32
        %sub3A_440 = vector.broadcast %sub3A_439 : i32 to vector<16xi32>
        %sub3A_441 = arith.subi %add3A_438, %sub3A_440 : vector<16xi32>
        %jit3A_442 = arith.constant 16400 : i32
        %broadcast_in_dim3A_443 = vector.broadcast %jit3A_442 : i32 to vector<16xi32>
        %select_n3A_444 = arith.select %and3A_430, %sub3A_441, %broadcast_in_dim3A_443 : vector<16xi1>, vector<16xi32>
        tpu.vector_store_idx %arg8[%select_n3A_444], %get3A_426 : memref<16416xi32, #tpu.memory_space<vmem>>[vector<16xi32>], vector<16xi32>,
        %all_reduce_population_count3A = tpu.all_reduce %and3A_430 {dim = 0 : i64, kind = #tpu.reduction_kind<sum>} : vector<16xi1> -> vector<16xi32>
        %add3A_445 = arith.addi %while3A_421, %all_reduce_population_count3A : vector<16xi32>
        %mul3A_446 = arith.constant 2 : i32
        %mul3A_447 = arith.muli %mul3A_446, %while3A_420 : i32
        %add3A_448 = arith.constant 1 : i32
        %add3A_449 = arith.addi %mul3A_447, %add3A_448 : i32
        %mul3A_450 = arith.constant 16 : i32
        %mul3A_451 = arith.muli %add3A_449, %mul3A_450 : i32
        %get3A_452 = arith.index_cast %mul3A_451 : i32 to index
        %get3A_453 = tpu.vector_load %arg7[%get3A_452] {strides = array<i32>} : memref<16416xi32, #tpu.memory_space<vmem>>, vector<16xi32>,
        %ge3A_454 = vector.broadcast %shift_left3A_222 : i32 to vector<16xi32>
        %ge3A_455 = arith.cmpi sge, %get3A_453, %ge3A_454 : vector<16xi32>
        %lt3A_456 = vector.broadcast %shift_left3A_226 : i32 to vector<16xi32>
        %lt3A_457 = arith.cmpi slt, %get3A_453, %lt3A_456 : vector<16xi32>
        %and3A_458 = arith.andi %ge3A_455, %lt3A_457 : vector<16xi1>
        %jit3A_459 = arith.constant 1 : i32
        %jit3A_460 = arith.constant 0 : i32
        %broadcast_in_dim3A_461 = vector.broadcast %jit3A_459 : i32 to vector<16xi32>
        %broadcast_in_dim3A_462 = vector.broadcast %jit3A_460 : i32 to vector<16xi32>
        %select_n3A_463 = arith.select %and3A_458, %broadcast_in_dim3A_461, %broadcast_in_dim3A_462 : vector<16xi1>, vector<16xi32>
        %broadcast_in_dim3A_464 = arith.constant true
        %broadcast_in_dim3A_465 = vector.broadcast %broadcast_in_dim3A_464 : i1 to vector<16xi1>
        %masked_cumsum3A_466 = tpu.scan <sum>, %select_n3A_463 masked %broadcast_in_dim3A_465 : vector<16xi32>, vector<16xi1> -> vector<16xi32>
        %add3A_467 = arith.addi %add3A_445, %masked_cumsum3A_466 : vector<16xi32>
        %sub3A_468 = arith.constant 1 : i32
        %sub3A_469 = vector.broadcast %sub3A_468 : i32 to vector<16xi32>
        %sub3A_470 = arith.subi %add3A_467, %sub3A_469 : vector<16xi32>
        %jit3A_471 = arith.constant 16400 : i32
        %broadcast_in_dim3A_472 = vector.broadcast %jit3A_471 : i32 to vector<16xi32>
        %select_n3A_473 = arith.select %and3A_458, %sub3A_470, %broadcast_in_dim3A_472 : vector<16xi1>, vector<16xi32>
        tpu.vector_store_idx %arg8[%select_n3A_473], %get3A_453 : memref<16416xi32, #tpu.memory_space<vmem>>[vector<16xi32>], vector<16xi32>,
        %all_reduce_population_count3A_474 = tpu.all_reduce %and3A_458 {dim = 0 : i64, kind = #tpu.reduction_kind<sum>} : vector<16xi1> -> vector<16xi32>
        %add3A_475 = arith.addi %add3A_445, %all_reduce_population_count3A_474 : vector<16xi32>
        scf.yield %add3A_475 : vector<16xi32>
      }
      %reduce_sum3A_266 = arith.constant true
      %reduce_sum3A_267 = vector.broadcast %reduce_sum3A_266 : i1 to vector<16xi1>
      %reduce_sum3A_268 = tpu.scan <sum>, %while3A_265 masked %reduce_sum3A_267 : vector<16xi32>, vector<16xi1> -> vector<16xi32>
      %reduce_sum3A_269 = vector.extract %reduce_sum3A_268[15] : i32 from vector<16xi32>
      %shift_right_logical3A_270 = arith.constant 4 : i32
      %shift_right_logical3A_271 = arith.shrui %reduce_sum3A_269, %shift_right_logical3A_270 : i32
      %add3A_272 = arith.constant 15 : i32
      %add3A_273 = arith.addi %shift_right_logical3A_271, %add3A_272 : i32
      %jit3A_274 = arith.constant 16 : i32
      %div3A_275 = arith.divsi %add3A_273, %jit3A_274 : i32
      %sign3A_276 = arith.constant 0 : i32
      %sign3A_277 = arith.cmpi sgt, %add3A_273, %sign3A_276 : i32
      %sign3A_278 = arith.extui %sign3A_277 : i1 to i32
      %sign3A_279 = arith.constant 0 : i32
      %sign3A_280 = arith.cmpi slt, %add3A_273, %sign3A_279 : i32
      %sign3A_281 = arith.extui %sign3A_280 : i1 to i32
      %sign3A_282 = arith.subi %sign3A_278, %sign3A_281 : i32
      %sign3A_283 = arith.constant 0 : i32
      %sign3A_284 = arith.cmpi sgt, %jit3A_274, %sign3A_283 : i32
      %sign3A_285 = arith.extui %sign3A_284 : i1 to i32
      %sign3A_286 = arith.constant 0 : i32
      %sign3A_287 = arith.cmpi slt, %jit3A_274, %sign3A_286 : i32
      %sign3A_288 = arith.extui %sign3A_287 : i1 to i32
      %sign3A_289 = arith.subi %sign3A_285, %sign3A_288 : i32
      %ne3A_290 = arith.cmpi ne, %sign3A_282, %sign3A_289 : i32
      %rem3A_291 = arith.remsi %add3A_273, %jit3A_274 : i32
      %ne3A_292 = arith.constant 0 : i32
      %ne3A_293 = arith.cmpi ne, %rem3A_291, %ne3A_292 : i32
      %and3A_294 = arith.andi %ne3A_290, %ne3A_293 : i1
      %sub3A_295 = arith.constant 1 : i32
      %sub3A_296 = arith.subi %div3A_275, %sub3A_295 : i32
      %select_n3A_297 = arith.select %and3A_294, %sub3A_296, %div3A_275 : i32
      %while3A_298 = arith.constant 0 : i32
      %while3A_299 = arith.subi %select_n3A_297, %while3A_298 : i32
      %while3A_300 = arith.addi %while3A_298, %while3A_299 : i32
      %while3A_301 = arith.constant 1 : i32
      %while3A_302 = arith.divsi %while3A_299, %while3A_301 : i32
      %while3A_303 = arith.muli %while3A_302, %while3A_301 : i32
      %while3A_304 = arith.addi %while3A_298, %while3A_303 : i32
      %while3A_305 = arith.constant 1 : i32
      %while3A_306 = scf.for %while3A_420 = %while3A_298 to %while3A_304 step %while3A_305 iter_args(%while3A_421 = %scan3A_205) -> (i32)  : i32 {
        %mul3A_422 = arith.constant 16 : i32
        %mul3A_423 = arith.muli %while3A_420, %mul3A_422 : i32
        %get3A = arith.index_cast %mul3A_423 : i32 to index
        %get3A_424 = tpu.vector_load %arg8[%get3A] {strides = array<i32>} : memref<16416xi32, #tpu.memory_space<vmem>>, vector<16xi32>,
        %shift_right_arithmetic3A = arith.constant 14 : i32
        %shift_right_arithmetic3A_425 = vector.broadcast %shift_right_arithmetic3A : i32 to vector<16xi32>
        %shift_right_arithmetic3A_426 = arith.shrsi %get3A_424, %shift_right_arithmetic3A_425 : vector<16xi32>
        %sub3A_427 = vector.broadcast %mul3A_221 : i32 to vector<16xi32>
        %sub3A_428 = arith.subi %shift_right_arithmetic3A_426, %sub3A_427 : vector<16xi32>
        %jit3A_429 = arith.constant 0 : i32
        %jit3A_430 = arith.constant 1023 : i32
        %max3A = vector.broadcast %jit3A_429 : i32 to vector<16xi32>
        %max3A_431 = arith.maxsi %max3A, %sub3A_428 : vector<16xi32>
        %min3A = vector.broadcast %jit3A_430 : i32 to vector<16xi32>
        %min3A_432 = arith.minsi %min3A, %max3A_431 : vector<16xi32>
        %and3A_433 = arith.constant 16383 : i32
        %and3A_434 = vector.broadcast %and3A_433 : i32 to vector<16xi32>
        %and3A_435 = arith.andi %get3A_424, %and3A_434 : vector<16xi32>
        %mul3A_436 = arith.constant 16 : i32
        %mul3A_437 = arith.muli %while3A_420, %mul3A_436 : i32
        %add3A_438 = vector.broadcast %mul3A_437 : i32 to vector<16xi32>
        %add3A_439 = arith.addi %iota3A, %add3A_438 : vector<16xi32>
        %lt3A_440 = vector.broadcast %shift_right_logical3A_271 : i32 to vector<16xi32>
        %lt3A_441 = arith.cmpi slt, %add3A_439, %lt3A_440 : vector<16xi32>
        %jit3A_442 = arith.constant 1 : i32
        %jit3A_443 = arith.constant 0 : i32
        %broadcast_in_dim3A_444 = vector.broadcast %jit3A_442 : i32 to vector<16xi32>
        %broadcast_in_dim3A_445 = vector.broadcast %jit3A_443 : i32 to vector<16xi32>
        %select_n3A_446 = arith.select %lt3A_441, %broadcast_in_dim3A_444, %broadcast_in_dim3A_445 : vector<16xi1>, vector<16xi32>
        %broadcast_in_dim3A_447 = arith.constant true
        %broadcast_in_dim3A_448 = vector.broadcast %broadcast_in_dim3A_447 : i1 to vector<16xi1>
        %masked_cumsum3A = tpu.scan <sum>, %select_n3A_446 masked %broadcast_in_dim3A_448 : vector<16xi32>, vector<16xi1> -> vector<16xi32>
        %add3A_449 = vector.broadcast %while3A_421 : i32 to vector<16xi32>
        %add3A_450 = arith.addi %add3A_449, %masked_cumsum3A : vector<16xi32>
        %sub3A_451 = arith.constant 1 : i32
        %sub3A_452 = vector.broadcast %sub3A_451 : i32 to vector<16xi32>
        %sub3A_453 = arith.subi %add3A_450, %sub3A_452 : vector<16xi32>
        %jit3A_454 = arith.constant 128 : i32
        %broadcast_in_dim3A_455 = vector.broadcast %jit3A_454 : i32 to vector<16xi32>
        %select_n3A_456 = arith.select %lt3A_441, %sub3A_453, %broadcast_in_dim3A_455 : vector<16xi1>, vector<16xi32>
        %broadcast_in_dim3A_457 = arith.constant 0 : i32
        %broadcast_in_dim3A_458 = vector.broadcast %broadcast_in_dim3A_457 : i32 to vector<16xi32>
        %gather3A = tpu.vector_load_idx %arg9[%broadcast_in_dim3A_458, %min3A_432] : memref<32x1024xf32, #tpu.memory_space<vmem>>[vector<16xi32>, vector<16xi32>], vector<16xf32>,
        tpu.vector_store_idx %arg11[%select_n3A_456, %broadcast_in_dim3A_458], %gather3A : memref<129x128xf32, #tpu.memory_space<vmem>>[vector<16xi32>, vector<16xi32>], vector<16xf32>,
        %broadcast_in_dim3A_459 = arith.constant 1 : i32
        %broadcast_in_dim3A_460 = vector.broadcast %broadcast_in_dim3A_459 : i32 to vector<16xi32>
        %gather3A_461 = tpu.vector_load_idx %arg9[%broadcast_in_dim3A_460, %min3A_432] : memref<32x1024xf32, #tpu.memory_space<vmem>>[vector<16xi32>, vector<16xi32>], vector<16xf32>,
        tpu.vector_store_idx %arg11[%select_n3A_456, %broadcast_in_dim3A_460], %gather3A_461 : memref<129x128xf32, #tpu.memory_space<vmem>>[vector<16xi32>, vector<16xi32>], vector<16xf32>,
        %broadcast_in_dim3A_462 = arith.constant 2 : i32
        %broadcast_in_dim3A_463 = vector.broadcast %broadcast_in_dim3A_462 : i32 to vector<16xi32>
        %gather3A_464 = tpu.vector_load_idx %arg9[%broadcast_in_dim3A_463, %min3A_432] : memref<32x1024xf32, #tpu.memory_space<vmem>>[vector<16xi32>, vector<16xi32>], vector<16xf32>,
        tpu.vector_store_idx %arg11[%select_n3A_456, %broadcast_in_dim3A_463], %gather3A_464 : memref<129x128xf32, #tpu.memory_space<vmem>>[vector<16xi32>, vector<16xi32>], vector<16xf32>,
        %broadcast_in_dim3A_465 = arith.constant 3 : i32
        %broadcast_in_dim3A_466 = vector.broadcast %broadcast_in_dim3A_465 : i32 to vector<16xi32>
        %gather3A_467 = tpu.vector_load_idx %arg9[%broadcast_in_dim3A_466, %min3A_432] : memref<32x1024xf32, #tpu.memory_space<vmem>>[vector<16xi32>, vector<16xi32>], vector<16xf32>,
        tpu.vector_store_idx %arg11[%select_n3A_456, %broadcast_in_dim3A_466], %gather3A_467 : memref<129x128xf32, #tpu.memory_space<vmem>>[vector<16xi32>, vector<16xi32>], vector<16xf32>,
        %broadcast_in_dim3A_468 = arith.constant 4 : i32
        %broadcast_in_dim3A_469 = vector.broadcast %broadcast_in_dim3A_468 : i32 to vector<16xi32>
        %gather3A_470 = tpu.vector_load_idx %arg9[%broadcast_in_dim3A_469, %min3A_432] : memref<32x1024xf32, #tpu.memory_space<vmem>>[vector<16xi32>, vector<16xi32>], vector<16xf32>,
        tpu.vector_store_idx %arg11[%select_n3A_456, %broadcast_in_dim3A_469], %gather3A_470 : memref<129x128xf32, #tpu.memory_space<vmem>>[vector<16xi32>, vector<16xi32>], vector<16xf32>,
        %broadcast_in_dim3A_471 = arith.constant 5 : i32
        %broadcast_in_dim3A_472 = vector.broadcast %broadcast_in_dim3A_471 : i32 to vector<16xi32>
        %gather3A_473 = tpu.vector_load_idx %arg9[%broadcast_in_dim3A_472, %min3A_432] : memref<32x1024xf32, #tpu.memory_space<vmem>>[vector<16xi32>, vector<16xi32>], vector<16xf32>,
        tpu.vector_store_idx %arg11[%select_n3A_456, %broadcast_in_dim3A_472], %gather3A_473 : memref<129x128xf32, #tpu.memory_space<vmem>>[vector<16xi32>, vector<16xi32>], vector<16xf32>,
        %broadcast_in_dim3A_474 = arith.constant 6 : i32
        %broadcast_in_dim3A_475 = vector.broadcast %broadcast_in_dim3A_474 : i32 to vector<16xi32>
        %gather3A_476 = tpu.vector_load_idx %arg9[%broadcast_in_dim3A_475, %min3A_432] : memref<32x1024xf32, #tpu.memory_space<vmem>>[vector<16xi32>, vector<16xi32>], vector<16xf32>,
        tpu.vector_store_idx %arg11[%select_n3A_456, %broadcast_in_dim3A_475], %gather3A_476 : memref<129x128xf32, #tpu.memory_space<vmem>>[vector<16xi32>, vector<16xi32>], vector<16xf32>,
        %broadcast_in_dim3A_477 = arith.constant 7 : i32
        %broadcast_in_dim3A_478 = vector.broadcast %broadcast_in_dim3A_477 : i32 to vector<16xi32>
        %gather3A_479 = tpu.vector_load_idx %arg9[%broadcast_in_dim3A_478, %min3A_432] : memref<32x1024xf32, #tpu.memory_space<vmem>>[vector<16xi32>, vector<16xi32>], vector<16xf32>,
        tpu.vector_store_idx %arg11[%select_n3A_456, %broadcast_in_dim3A_478], %gather3A_479 : memref<129x128xf32, #tpu.memory_space<vmem>>[vector<16xi32>, vector<16xi32>], vector<16xf32>,
        %broadcast_in_dim3A_480 = arith.constant 8 : i32
        %broadcast_in_dim3A_481 = vector.broadcast %broadcast_in_dim3A_480 : i32 to vector<16xi32>
        %gather3A_482 = tpu.vector_load_idx %arg9[%broadcast_in_dim3A_481, %min3A_432] : memref<32x1024xf32, #tpu.memory_space<vmem>>[vector<16xi32>, vector<16xi32>], vector<16xf32>,
        tpu.vector_store_idx %arg11[%select_n3A_456, %broadcast_in_dim3A_481], %gather3A_482 : memref<129x128xf32, #tpu.memory_space<vmem>>[vector<16xi32>, vector<16xi32>], vector<16xf32>,
        %broadcast_in_dim3A_483 = arith.constant 9 : i32
        %broadcast_in_dim3A_484 = vector.broadcast %broadcast_in_dim3A_483 : i32 to vector<16xi32>
        %gather3A_485 = tpu.vector_load_idx %arg9[%broadcast_in_dim3A_484, %min3A_432] : memref<32x1024xf32, #tpu.memory_space<vmem>>[vector<16xi32>, vector<16xi32>], vector<16xf32>,
        tpu.vector_store_idx %arg11[%select_n3A_456, %broadcast_in_dim3A_484], %gather3A_485 : memref<129x128xf32, #tpu.memory_space<vmem>>[vector<16xi32>, vector<16xi32>], vector<16xf32>,
        %broadcast_in_dim3A_486 = arith.constant 10 : i32
        %broadcast_in_dim3A_487 = vector.broadcast %broadcast_in_dim3A_486 : i32 to vector<16xi32>
        %gather3A_488 = tpu.vector_load_idx %arg9[%broadcast_in_dim3A_487, %min3A_432] : memref<32x1024xf32, #tpu.memory_space<vmem>>[vector<16xi32>, vector<16xi32>], vector<16xf32>,
        tpu.vector_store_idx %arg11[%select_n3A_456, %broadcast_in_dim3A_487], %gather3A_488 : memref<129x128xf32, #tpu.memory_space<vmem>>[vector<16xi32>, vector<16xi32>], vector<16xf32>,
        %broadcast_in_dim3A_489 = arith.constant 11 : i32
        %broadcast_in_dim3A_490 = vector.broadcast %broadcast_in_dim3A_489 : i32 to vector<16xi32>
        %gather3A_491 = tpu.vector_load_idx %arg9[%broadcast_in_dim3A_490, %min3A_432] : memref<32x1024xf32, #tpu.memory_space<vmem>>[vector<16xi32>, vector<16xi32>], vector<16xf32>,
        tpu.vector_store_idx %arg11[%select_n3A_456, %broadcast_in_dim3A_490], %gather3A_491 : memref<129x128xf32, #tpu.memory_space<vmem>>[vector<16xi32>, vector<16xi32>], vector<16xf32>,
        %broadcast_in_dim3A_492 = arith.constant 12 : i32
        %broadcast_in_dim3A_493 = vector.broadcast %broadcast_in_dim3A_492 : i32 to vector<16xi32>
        %gather3A_494 = tpu.vector_load_idx %arg9[%broadcast_in_dim3A_493, %min3A_432] : memref<32x1024xf32, #tpu.memory_space<vmem>>[vector<16xi32>, vector<16xi32>], vector<16xf32>,
        tpu.vector_store_idx %arg11[%select_n3A_456, %broadcast_in_dim3A_493], %gather3A_494 : memref<129x128xf32, #tpu.memory_space<vmem>>[vector<16xi32>, vector<16xi32>], vector<16xf32>,
        %broadcast_in_dim3A_495 = arith.constant 13 : i32
        %broadcast_in_dim3A_496 = vector.broadcast %broadcast_in_dim3A_495 : i32 to vector<16xi32>
        %gather3A_497 = tpu.vector_load_idx %arg9[%broadcast_in_dim3A_496, %min3A_432] : memref<32x1024xf32, #tpu.memory_space<vmem>>[vector<16xi32>, vector<16xi32>], vector<16xf32>,
        tpu.vector_store_idx %arg11[%select_n3A_456, %broadcast_in_dim3A_496], %gather3A_497 : memref<129x128xf32, #tpu.memory_space<vmem>>[vector<16xi32>, vector<16xi32>], vector<16xf32>,
        %broadcast_in_dim3A_498 = arith.constant 14 : i32
        %broadcast_in_dim3A_499 = vector.broadcast %broadcast_in_dim3A_498 : i32 to vector<16xi32>
        %gather3A_500 = tpu.vector_load_idx %arg9[%broadcast_in_dim3A_499, %min3A_432] : memref<32x1024xf32, #tpu.memory_space<vmem>>[vector<16xi32>, vector<16xi32>], vector<16xf32>,
        tpu.vector_store_idx %arg11[%select_n3A_456, %broadcast_in_dim3A_499], %gather3A_500 : memref<129x128xf32, #tpu.memory_space<vmem>>[vector<16xi32>, vector<16xi32>], vector<16xf32>,
        %broadcast_in_dim3A_501 = arith.constant 15 : i32
        %broadcast_in_dim3A_502 = vector.broadcast %broadcast_in_dim3A_501 : i32 to vector<16xi32>
        %gather3A_503 = tpu.vector_load_idx %arg9[%broadcast_in_dim3A_502, %min3A_432] : memref<32x1024xf32, #tpu.memory_space<vmem>>[vector<16xi32>, vector<16xi32>], vector<16xf32>,
        tpu.vector_store_idx %arg11[%select_n3A_456, %broadcast_in_dim3A_502], %gather3A_503 : memref<129x128xf32, #tpu.memory_space<vmem>>[vector<16xi32>, vector<16xi32>], vector<16xf32>,
        %broadcast_in_dim3A_504 = arith.constant 16 : i32
        %broadcast_in_dim3A_505 = vector.broadcast %broadcast_in_dim3A_504 : i32 to vector<16xi32>
        %gather3A_506 = tpu.vector_load_idx %arg9[%broadcast_in_dim3A_505, %min3A_432] : memref<32x1024xf32, #tpu.memory_space<vmem>>[vector<16xi32>, vector<16xi32>], vector<16xf32>,
        tpu.vector_store_idx %arg11[%select_n3A_456, %broadcast_in_dim3A_505], %gather3A_506 : memref<129x128xf32, #tpu.memory_space<vmem>>[vector<16xi32>, vector<16xi32>], vector<16xf32>,
        %broadcast_in_dim3A_507 = arith.constant 17 : i32
        %broadcast_in_dim3A_508 = vector.broadcast %broadcast_in_dim3A_507 : i32 to vector<16xi32>
        %gather3A_509 = tpu.vector_load_idx %arg9[%broadcast_in_dim3A_508, %min3A_432] : memref<32x1024xf32, #tpu.memory_space<vmem>>[vector<16xi32>, vector<16xi32>], vector<16xf32>,
        tpu.vector_store_idx %arg11[%select_n3A_456, %broadcast_in_dim3A_508], %gather3A_509 : memref<129x128xf32, #tpu.memory_space<vmem>>[vector<16xi32>, vector<16xi32>], vector<16xf32>,
        %broadcast_in_dim3A_510 = arith.constant 18 : i32
        %broadcast_in_dim3A_511 = vector.broadcast %broadcast_in_dim3A_510 : i32 to vector<16xi32>
        %gather3A_512 = tpu.vector_load_idx %arg9[%broadcast_in_dim3A_511, %min3A_432] : memref<32x1024xf32, #tpu.memory_space<vmem>>[vector<16xi32>, vector<16xi32>], vector<16xf32>,
        tpu.vector_store_idx %arg11[%select_n3A_456, %broadcast_in_dim3A_511], %gather3A_512 : memref<129x128xf32, #tpu.memory_space<vmem>>[vector<16xi32>, vector<16xi32>], vector<16xf32>,
        %broadcast_in_dim3A_513 = arith.constant 19 : i32
        %broadcast_in_dim3A_514 = vector.broadcast %broadcast_in_dim3A_513 : i32 to vector<16xi32>
        %gather3A_515 = tpu.vector_load_idx %arg9[%broadcast_in_dim3A_514, %min3A_432] : memref<32x1024xf32, #tpu.memory_space<vmem>>[vector<16xi32>, vector<16xi32>], vector<16xf32>,
        tpu.vector_store_idx %arg11[%select_n3A_456, %broadcast_in_dim3A_514], %gather3A_515 : memref<129x128xf32, #tpu.memory_space<vmem>>[vector<16xi32>, vector<16xi32>], vector<16xf32>,
        %broadcast_in_dim3A_516 = arith.constant 20 : i32
        %broadcast_in_dim3A_517 = vector.broadcast %broadcast_in_dim3A_516 : i32 to vector<16xi32>
        %gather3A_518 = tpu.vector_load_idx %arg9[%broadcast_in_dim3A_517, %min3A_432] : memref<32x1024xf32, #tpu.memory_space<vmem>>[vector<16xi32>, vector<16xi32>], vector<16xf32>,
        tpu.vector_store_idx %arg11[%select_n3A_456, %broadcast_in_dim3A_517], %gather3A_518 : memref<129x128xf32, #tpu.memory_space<vmem>>[vector<16xi32>, vector<16xi32>], vector<16xf32>,
        %broadcast_in_dim3A_519 = arith.constant 21 : i32
        %broadcast_in_dim3A_520 = vector.broadcast %broadcast_in_dim3A_519 : i32 to vector<16xi32>
        %gather3A_521 = tpu.vector_load_idx %arg9[%broadcast_in_dim3A_520, %min3A_432] : memref<32x1024xf32, #tpu.memory_space<vmem>>[vector<16xi32>, vector<16xi32>], vector<16xf32>,
        tpu.vector_store_idx %arg11[%select_n3A_456, %broadcast_in_dim3A_520], %gather3A_521 : memref<129x128xf32, #tpu.memory_space<vmem>>[vector<16xi32>, vector<16xi32>], vector<16xf32>,
        %broadcast_in_dim3A_522 = arith.constant 22 : i32
        %broadcast_in_dim3A_523 = vector.broadcast %broadcast_in_dim3A_522 : i32 to vector<16xi32>
        %gather3A_524 = tpu.vector_load_idx %arg9[%broadcast_in_dim3A_523, %min3A_432] : memref<32x1024xf32, #tpu.memory_space<vmem>>[vector<16xi32>, vector<16xi32>], vector<16xf32>,
        tpu.vector_store_idx %arg11[%select_n3A_456, %broadcast_in_dim3A_523], %gather3A_524 : memref<129x128xf32, #tpu.memory_space<vmem>>[vector<16xi32>, vector<16xi32>], vector<16xf32>,
        %broadcast_in_dim3A_525 = arith.constant 23 : i32
        %broadcast_in_dim3A_526 = vector.broadcast %broadcast_in_dim3A_525 : i32 to vector<16xi32>
        %gather3A_527 = tpu.vector_load_idx %arg9[%broadcast_in_dim3A_526, %min3A_432] : memref<32x1024xf32, #tpu.memory_space<vmem>>[vector<16xi32>, vector<16xi32>], vector<16xf32>,
        tpu.vector_store_idx %arg11[%select_n3A_456, %broadcast_in_dim3A_526], %gather3A_527 : memref<129x128xf32, #tpu.memory_space<vmem>>[vector<16xi32>, vector<16xi32>], vector<16xf32>,
        %broadcast_in_dim3A_528 = arith.constant 24 : i32
        %broadcast_in_dim3A_529 = vector.broadcast %broadcast_in_dim3A_528 : i32 to vector<16xi32>
        %gather3A_530 = tpu.vector_load_idx %arg9[%broadcast_in_dim3A_529, %min3A_432] : memref<32x1024xf32, #tpu.memory_space<vmem>>[vector<16xi32>, vector<16xi32>], vector<16xf32>,
        tpu.vector_store_idx %arg11[%select_n3A_456, %broadcast_in_dim3A_529], %gather3A_530 : memref<129x128xf32, #tpu.memory_space<vmem>>[vector<16xi32>, vector<16xi32>], vector<16xf32>,
        %broadcast_in_dim3A_531 = arith.constant 25 : i32
        %broadcast_in_dim3A_532 = vector.broadcast %broadcast_in_dim3A_531 : i32 to vector<16xi32>
        %gather3A_533 = tpu.vector_load_idx %arg9[%broadcast_in_dim3A_532, %min3A_432] : memref<32x1024xf32, #tpu.memory_space<vmem>>[vector<16xi32>, vector<16xi32>], vector<16xf32>,
        tpu.vector_store_idx %arg11[%select_n3A_456, %broadcast_in_dim3A_532], %gather3A_533 : memref<129x128xf32, #tpu.memory_space<vmem>>[vector<16xi32>, vector<16xi32>], vector<16xf32>,
        %broadcast_in_dim3A_534 = arith.constant 26 : i32
        %broadcast_in_dim3A_535 = vector.broadcast %broadcast_in_dim3A_534 : i32 to vector<16xi32>
        %gather3A_536 = tpu.vector_load_idx %arg9[%broadcast_in_dim3A_535, %min3A_432] : memref<32x1024xf32, #tpu.memory_space<vmem>>[vector<16xi32>, vector<16xi32>], vector<16xf32>,
        tpu.vector_store_idx %arg11[%select_n3A_456, %broadcast_in_dim3A_535], %gather3A_536 : memref<129x128xf32, #tpu.memory_space<vmem>>[vector<16xi32>, vector<16xi32>], vector<16xf32>,
        %broadcast_in_dim3A_537 = arith.constant 27 : i32
        %broadcast_in_dim3A_538 = vector.broadcast %broadcast_in_dim3A_537 : i32 to vector<16xi32>
        %gather3A_539 = tpu.vector_load_idx %arg9[%broadcast_in_dim3A_538, %min3A_432] : memref<32x1024xf32, #tpu.memory_space<vmem>>[vector<16xi32>, vector<16xi32>], vector<16xf32>,
        tpu.vector_store_idx %arg11[%select_n3A_456, %broadcast_in_dim3A_538], %gather3A_539 : memref<129x128xf32, #tpu.memory_space<vmem>>[vector<16xi32>, vector<16xi32>], vector<16xf32>,
        %broadcast_in_dim3A_540 = arith.constant 28 : i32
        %broadcast_in_dim3A_541 = vector.broadcast %broadcast_in_dim3A_540 : i32 to vector<16xi32>
        %gather3A_542 = tpu.vector_load_idx %arg9[%broadcast_in_dim3A_541, %min3A_432] : memref<32x1024xf32, #tpu.memory_space<vmem>>[vector<16xi32>, vector<16xi32>], vector<16xf32>,
        tpu.vector_store_idx %arg11[%select_n3A_456, %broadcast_in_dim3A_541], %gather3A_542 : memref<129x128xf32, #tpu.memory_space<vmem>>[vector<16xi32>, vector<16xi32>], vector<16xf32>,
        %broadcast_in_dim3A_543 = arith.constant 29 : i32
        %broadcast_in_dim3A_544 = vector.broadcast %broadcast_in_dim3A_543 : i32 to vector<16xi32>
        %gather3A_545 = tpu.vector_load_idx %arg9[%broadcast_in_dim3A_544, %min3A_432] : memref<32x1024xf32, #tpu.memory_space<vmem>>[vector<16xi32>, vector<16xi32>], vector<16xf32>,
        tpu.vector_store_idx %arg11[%select_n3A_456, %broadcast_in_dim3A_544], %gather3A_545 : memref<129x128xf32, #tpu.memory_space<vmem>>[vector<16xi32>, vector<16xi32>], vector<16xf32>,
        %broadcast_in_dim3A_546 = arith.constant 30 : i32
        %broadcast_in_dim3A_547 = vector.broadcast %broadcast_in_dim3A_546 : i32 to vector<16xi32>
        %gather3A_548 = tpu.vector_load_idx %arg9[%broadcast_in_dim3A_547, %min3A_432] : memref<32x1024xf32, #tpu.memory_space<vmem>>[vector<16xi32>, vector<16xi32>], vector<16xf32>,
        tpu.vector_store_idx %arg11[%select_n3A_456, %broadcast_in_dim3A_547], %gather3A_548 : memref<129x128xf32, #tpu.memory_space<vmem>>[vector<16xi32>, vector<16xi32>], vector<16xf32>,
        %broadcast_in_dim3A_549 = arith.constant 31 : i32
        %broadcast_in_dim3A_550 = vector.broadcast %broadcast_in_dim3A_549 : i32 to vector<16xi32>
        %gather3A_551 = tpu.vector_load_idx %arg9[%broadcast_in_dim3A_550, %min3A_432] : memref<32x1024xf32, #tpu.memory_space<vmem>>[vector<16xi32>, vector<16xi32>], vector<16xf32>,
        tpu.vector_store_idx %arg11[%select_n3A_456, %broadcast_in_dim3A_550], %gather3A_551 : memref<129x128xf32, #tpu.memory_space<vmem>>[vector<16xi32>, vector<16xi32>], vector<16xf32>,
        tpu.vector_store_idx %arg12[%select_n3A_456], %and3A_435 : memref<144xi32, #tpu.memory_space<vmem>>[vector<16xi32>], vector<16xi32>,
        %reduce_sum3A_552 = arith.constant true
        %reduce_sum3A_553 = vector.broadcast %reduce_sum3A_552 : i1 to vector<16xi1>
        %reduce_sum3A_554 = tpu.scan <sum>, %select_n3A_446 masked %reduce_sum3A_553 : vector<16xi32>, vector<16xi1> -> vector<16xi32>
        %reduce_sum3A_555 = vector.extract %reduce_sum3A_554[15] : i32 from vector<16xi32>
        %add3A_556 = arith.addi %while3A_421, %reduce_sum3A_555 : i32
        %ge3A = arith.constant 112 : i32
        %ge3A_557 = arith.cmpi sge, %add3A_556, %ge3A : i32
        %convert_element_type3A_558 = arith.extui %ge3A_557 : i1 to i32
        %cond3A_559 = arith.constant 0 : i32
        %cond3A_560 = arith.cmpi ne, %convert_element_type3A_558, %cond3A_559 : i32
        scf.if %cond3A_560 {
          %dma_start3A_565 = arith.constant 0 : i32
          %dma_start3A_566 = arith.constant 0 : i32
          %dma_start3A_567 = tpu.memref_slice %arg11[%dma_start3A_565, %dma_start3A_566] : memref<129x128xf32, #tpu.memory_space<vmem>> -> memref<128x128xf32, #tpu.memory_space<vmem>>
          %dma_start3A_568 = arith.constant 0 : i32
          %dma_start3A_569 = tpu.memref_slice %arg12[%dma_start3A_568] : memref<144xi32, #tpu.memory_space<vmem>> -> memref<128xi32, #tpu.memory_space<vmem>>
          %dma_start3A_570 = arith.constant 0 : i32
          %dma_start3A_571 = arith.constant 0 : i32
          %dma_start3A_572 = tpu.memref_slice %arg5[%dma_start3A_570, %dma_start3A_571] : memref<16416x128xf32, #tpu.memory_space<hbm>> -> memref<16416x128xf32, #tpu.memory_space<hbm>>
          tpu.enqueue_indirect_dma source(%dma_start3A_567 : memref<128x128xf32, #tpu.memory_space<vmem>>) target(%dma_start3A_572 : memref<16416x128xf32, #tpu.memory_space<hbm>>) offsets(%dma_start3A_569 : memref<128xi32, #tpu.memory_space<vmem>>) semaphore(%arg15 : memref<!tpu.dma_semaphore, #tpu.memory_space<semaphore_mem>>)
          %dma_wait3A_573 = arith.constant 0 : i32
          %dma_wait3A_574 = arith.constant 0 : i32
          %dma_wait3A_575 = tpu.memref_slice %arg11[%dma_wait3A_573, %dma_wait3A_574] : memref<129x128xf32, #tpu.memory_space<vmem>> -> memref<128x128xf32, #tpu.memory_space<vmem>>
          %dma_wait3A_576 = arith.constant 0 : i32
          %dma_wait3A_577 = tpu.memref_slice %arg12[%dma_wait3A_576] : memref<144xi32, #tpu.memory_space<vmem>> -> memref<128xi32, #tpu.memory_space<vmem>>
          %dma_wait3A_578 = arith.constant 0 : i32
          %dma_wait3A_579 = arith.constant 0 : i32
          %dma_wait3A_580 = tpu.memref_slice %arg5[%dma_wait3A_578, %dma_wait3A_579] : memref<16416x128xf32, #tpu.memory_space<hbm>> -> memref<16416x128xf32, #tpu.memory_space<hbm>>
          tpu.wait_indirect_dma semaphore(%arg15 : memref<!tpu.dma_semaphore, #tpu.memory_space<semaphore_mem>>) src(%dma_wait3A_575 : memref<128x128xf32, #tpu.memory_space<vmem>>) dst(%dma_wait3A_580 : memref<16416x128xf32, #tpu.memory_space<hbm>>)
          %broadcast_in_dim3A_581 = vector.broadcast %add3A_7 : i32 to vector<16xi32>
          %swap3A_582 = arith.constant 0 : index
          %swap3A_583 = tpu.vector_load %arg12[%swap3A_582] {strides = array<i32>} : memref<144xi32, #tpu.memory_space<vmem>>, vector<16xi32>,
          tpu.vector_store %arg12[%swap3A_582], %broadcast_in_dim3A_581 {strides = array<i32>} : memref<144xi32, #tpu.memory_space<vmem>>, vector<16xi32>,
          %broadcast_in_dim3A_584 = vector.broadcast %add3A_7 : i32 to vector<16xi32>
          %swap3A_585 = arith.constant 16 : index
          %swap3A_586 = tpu.vector_load %arg12[%swap3A_585] {strides = array<i32>} : memref<144xi32, #tpu.memory_space<vmem>>, vector<16xi32>,
          tpu.vector_store %arg12[%swap3A_585], %broadcast_in_dim3A_584 {strides = array<i32>} : memref<144xi32, #tpu.memory_space<vmem>>, vector<16xi32>,
          %broadcast_in_dim3A_587 = vector.broadcast %add3A_7 : i32 to vector<16xi32>
          %swap3A_588 = arith.constant 32 : index
          %swap3A_589 = tpu.vector_load %arg12[%swap3A_588] {strides = array<i32>} : memref<144xi32, #tpu.memory_space<vmem>>, vector<16xi32>,
          tpu.vector_store %arg12[%swap3A_588], %broadcast_in_dim3A_587 {strides = array<i32>} : memref<144xi32, #tpu.memory_space<vmem>>, vector<16xi32>,
          %broadcast_in_dim3A_590 = vector.broadcast %add3A_7 : i32 to vector<16xi32>
          %swap3A_591 = arith.constant 48 : index
          %swap3A_592 = tpu.vector_load %arg12[%swap3A_591] {strides = array<i32>} : memref<144xi32, #tpu.memory_space<vmem>>, vector<16xi32>,
          tpu.vector_store %arg12[%swap3A_591], %broadcast_in_dim3A_590 {strides = array<i32>} : memref<144xi32, #tpu.memory_space<vmem>>, vector<16xi32>,
          %broadcast_in_dim3A_593 = vector.broadcast %add3A_7 : i32 to vector<16xi32>
          %swap3A_594 = arith.constant 64 : index
          %swap3A_595 = tpu.vector_load %arg12[%swap3A_594] {strides = array<i32>} : memref<144xi32, #tpu.memory_space<vmem>>, vector<16xi32>,
          tpu.vector_store %arg12[%swap3A_594], %broadcast_in_dim3A_593 {strides = array<i32>} : memref<144xi32, #tpu.memory_space<vmem>>, vector<16xi32>,
          %broadcast_in_dim3A_596 = vector.broadcast %add3A_7 : i32 to vector<16xi32>
          %swap3A_597 = arith.constant 80 : index
          %swap3A_598 = tpu.vector_load %arg12[%swap3A_597] {strides = array<i32>} : memref<144xi32, #tpu.memory_space<vmem>>, vector<16xi32>,
          tpu.vector_store %arg12[%swap3A_597], %broadcast_in_dim3A_596 {strides = array<i32>} : memref<144xi32, #tpu.memory_space<vmem>>, vector<16xi32>,
          %broadcast_in_dim3A_599 = vector.broadcast %add3A_7 : i32 to vector<16xi32>
          %swap3A_600 = arith.constant 96 : index
          %swap3A_601 = tpu.vector_load %arg12[%swap3A_600] {strides = array<i32>} : memref<144xi32, #tpu.memory_space<vmem>>, vector<16xi32>,
          tpu.vector_store %arg12[%swap3A_600], %broadcast_in_dim3A_599 {strides = array<i32>} : memref<144xi32, #tpu.memory_space<vmem>>, vector<16xi32>,
          %broadcast_in_dim3A_602 = vector.broadcast %add3A_7 : i32 to vector<16xi32>
          %swap3A_603 = arith.constant 112 : index
          %swap3A_604 = tpu.vector_load %arg12[%swap3A_603] {strides = array<i32>} : memref<144xi32, #tpu.memory_space<vmem>>, vector<16xi32>,
          tpu.vector_store %arg12[%swap3A_603], %broadcast_in_dim3A_602 {strides = array<i32>} : memref<144xi32, #tpu.memory_space<vmem>>, vector<16xi32>,
        } else {
        }
        %ge3A_561 = arith.constant 112 : i32
        %ge3A_562 = arith.cmpi sge, %add3A_556, %ge3A_561 : i32
        %jit3A_563 = arith.constant 0 : i32
        %select_n3A_564 = arith.select %ge3A_562, %jit3A_563, %add3A_556 : i32
        scf.yield %select_n3A_564 : i32
      }
      %while3A_307 = arith.constant 1 : i32
      %while3A_308 = scf.for %while3A_420 = %while3A_304 to %while3A_300 step %while3A_307 iter_args(%while3A_421 = %while3A_306) -> (i32)  : i32 {
        %mul3A_422 = arith.constant 16 : i32
        %mul3A_423 = arith.muli %while3A_420, %mul3A_422 : i32
        %get3A = arith.index_cast %mul3A_423 : i32 to index
        %get3A_424 = tpu.vector_load %arg8[%get3A] {strides = array<i32>} : memref<16416xi32, #tpu.memory_space<vmem>>, vector<16xi32>,
        %shift_right_arithmetic3A = arith.constant 14 : i32
        %shift_right_arithmetic3A_425 = vector.broadcast %shift_right_arithmetic3A : i32 to vector<16xi32>
        %shift_right_arithmetic3A_426 = arith.shrsi %get3A_424, %shift_right_arithmetic3A_425 : vector<16xi32>
        %sub3A_427 = vector.broadcast %mul3A_221 : i32 to vector<16xi32>
        %sub3A_428 = arith.subi %shift_right_arithmetic3A_426, %sub3A_427 : vector<16xi32>
        %jit3A_429 = arith.constant 0 : i32
        %jit3A_430 = arith.constant 1023 : i32
        %max3A = vector.broadcast %jit3A_429 : i32 to vector<16xi32>
        %max3A_431 = arith.maxsi %max3A, %sub3A_428 : vector<16xi32>
        %min3A = vector.broadcast %jit3A_430 : i32 to vector<16xi32>
        %min3A_432 = arith.minsi %min3A, %max3A_431 : vector<16xi32>
        %and3A_433 = arith.constant 16383 : i32
        %and3A_434 = vector.broadcast %and3A_433 : i32 to vector<16xi32>
        %and3A_435 = arith.andi %get3A_424, %and3A_434 : vector<16xi32>
        %mul3A_436 = arith.constant 16 : i32
        %mul3A_437 = arith.muli %while3A_420, %mul3A_436 : i32
        %add3A_438 = vector.broadcast %mul3A_437 : i32 to vector<16xi32>
        %add3A_439 = arith.addi %iota3A, %add3A_438 : vector<16xi32>
        %lt3A_440 = vector.broadcast %shift_right_logical3A_271 : i32 to vector<16xi32>
        %lt3A_441 = arith.cmpi slt, %add3A_439, %lt3A_440 : vector<16xi32>
        %jit3A_442 = arith.constant 1 : i32
        %jit3A_443 = arith.constant 0 : i32
        %broadcast_in_dim3A_444 = vector.broadcast %jit3A_442 : i32 to vector<16xi32>
        %broadcast_in_dim3A_445 = vector.broadcast %jit3A_443 : i32 to vector<16xi32>
        %select_n3A_446 = arith.select %lt3A_441, %broadcast_in_dim3A_444, %broadcast_in_dim3A_445 : vector<16xi1>, vector<16xi32>
        %broadcast_in_dim3A_447 = arith.constant true
        %broadcast_in_dim3A_448 = vector.broadcast %broadcast_in_dim3A_447 : i1 to vector<16xi1>
        %masked_cumsum3A = tpu.scan <sum>, %select_n3A_446 masked %broadcast_in_dim3A_448 : vector<16xi32>, vector<16xi1> -> vector<16xi32>
        %add3A_449 = vector.broadcast %while3A_421 : i32 to vector<16xi32>
        %add3A_450 = arith.addi %add3A_449, %masked_cumsum3A : vector<16xi32>
        %sub3A_451 = arith.constant 1 : i32
        %sub3A_452 = vector.broadcast %sub3A_451 : i32 to vector<16xi32>
        %sub3A_453 = arith.subi %add3A_450, %sub3A_452 : vector<16xi32>
        %jit3A_454 = arith.constant 128 : i32
        %broadcast_in_dim3A_455 = vector.broadcast %jit3A_454 : i32 to vector<16xi32>
        %select_n3A_456 = arith.select %lt3A_441, %sub3A_453, %broadcast_in_dim3A_455 : vector<16xi1>, vector<16xi32>
        %broadcast_in_dim3A_457 = arith.constant 0 : i32
        %broadcast_in_dim3A_458 = vector.broadcast %broadcast_in_dim3A_457 : i32 to vector<16xi32>
        %gather3A = tpu.vector_load_idx %arg9[%broadcast_in_dim3A_458, %min3A_432] : memref<32x1024xf32, #tpu.memory_space<vmem>>[vector<16xi32>, vector<16xi32>], vector<16xf32>,
        tpu.vector_store_idx %arg11[%select_n3A_456, %broadcast_in_dim3A_458], %gather3A : memref<129x128xf32, #tpu.memory_space<vmem>>[vector<16xi32>, vector<16xi32>], vector<16xf32>,
        %broadcast_in_dim3A_459 = arith.constant 1 : i32
        %broadcast_in_dim3A_460 = vector.broadcast %broadcast_in_dim3A_459 : i32 to vector<16xi32>
        %gather3A_461 = tpu.vector_load_idx %arg9[%broadcast_in_dim3A_460, %min3A_432] : memref<32x1024xf32, #tpu.memory_space<vmem>>[vector<16xi32>, vector<16xi32>], vector<16xf32>,
        tpu.vector_store_idx %arg11[%select_n3A_456, %broadcast_in_dim3A_460], %gather3A_461 : memref<129x128xf32, #tpu.memory_space<vmem>>[vector<16xi32>, vector<16xi32>], vector<16xf32>,
        %broadcast_in_dim3A_462 = arith.constant 2 : i32
        %broadcast_in_dim3A_463 = vector.broadcast %broadcast_in_dim3A_462 : i32 to vector<16xi32>
        %gather3A_464 = tpu.vector_load_idx %arg9[%broadcast_in_dim3A_463, %min3A_432] : memref<32x1024xf32, #tpu.memory_space<vmem>>[vector<16xi32>, vector<16xi32>], vector<16xf32>,
        tpu.vector_store_idx %arg11[%select_n3A_456, %broadcast_in_dim3A_463], %gather3A_464 : memref<129x128xf32, #tpu.memory_space<vmem>>[vector<16xi32>, vector<16xi32>], vector<16xf32>,
        %broadcast_in_dim3A_465 = arith.constant 3 : i32
        %broadcast_in_dim3A_466 = vector.broadcast %broadcast_in_dim3A_465 : i32 to vector<16xi32>
        %gather3A_467 = tpu.vector_load_idx %arg9[%broadcast_in_dim3A_466, %min3A_432] : memref<32x1024xf32, #tpu.memory_space<vmem>>[vector<16xi32>, vector<16xi32>], vector<16xf32>,
        tpu.vector_store_idx %arg11[%select_n3A_456, %broadcast_in_dim3A_466], %gather3A_467 : memref<129x128xf32, #tpu.memory_space<vmem>>[vector<16xi32>, vector<16xi32>], vector<16xf32>,
        %broadcast_in_dim3A_468 = arith.constant 4 : i32
        %broadcast_in_dim3A_469 = vector.broadcast %broadcast_in_dim3A_468 : i32 to vector<16xi32>
        %gather3A_470 = tpu.vector_load_idx %arg9[%broadcast_in_dim3A_469, %min3A_432] : memref<32x1024xf32, #tpu.memory_space<vmem>>[vector<16xi32>, vector<16xi32>], vector<16xf32>,
        tpu.vector_store_idx %arg11[%select_n3A_456, %broadcast_in_dim3A_469], %gather3A_470 : memref<129x128xf32, #tpu.memory_space<vmem>>[vector<16xi32>, vector<16xi32>], vector<16xf32>,
        %broadcast_in_dim3A_471 = arith.constant 5 : i32
        %broadcast_in_dim3A_472 = vector.broadcast %broadcast_in_dim3A_471 : i32 to vector<16xi32>
        %gather3A_473 = tpu.vector_load_idx %arg9[%broadcast_in_dim3A_472, %min3A_432] : memref<32x1024xf32, #tpu.memory_space<vmem>>[vector<16xi32>, vector<16xi32>], vector<16xf32>,
        tpu.vector_store_idx %arg11[%select_n3A_456, %broadcast_in_dim3A_472], %gather3A_473 : memref<129x128xf32, #tpu.memory_space<vmem>>[vector<16xi32>, vector<16xi32>], vector<16xf32>,
        %broadcast_in_dim3A_474 = arith.constant 6 : i32
        %broadcast_in_dim3A_475 = vector.broadcast %broadcast_in_dim3A_474 : i32 to vector<16xi32>
        %gather3A_476 = tpu.vector_load_idx %arg9[%broadcast_in_dim3A_475, %min3A_432] : memref<32x1024xf32, #tpu.memory_space<vmem>>[vector<16xi32>, vector<16xi32>], vector<16xf32>,
        tpu.vector_store_idx %arg11[%select_n3A_456, %broadcast_in_dim3A_475], %gather3A_476 : memref<129x128xf32, #tpu.memory_space<vmem>>[vector<16xi32>, vector<16xi32>], vector<16xf32>,
        %broadcast_in_dim3A_477 = arith.constant 7 : i32
        %broadcast_in_dim3A_478 = vector.broadcast %broadcast_in_dim3A_477 : i32 to vector<16xi32>
        %gather3A_479 = tpu.vector_load_idx %arg9[%broadcast_in_dim3A_478, %min3A_432] : memref<32x1024xf32, #tpu.memory_space<vmem>>[vector<16xi32>, vector<16xi32>], vector<16xf32>,
        tpu.vector_store_idx %arg11[%select_n3A_456, %broadcast_in_dim3A_478], %gather3A_479 : memref<129x128xf32, #tpu.memory_space<vmem>>[vector<16xi32>, vector<16xi32>], vector<16xf32>,
        %broadcast_in_dim3A_480 = arith.constant 8 : i32
        %broadcast_in_dim3A_481 = vector.broadcast %broadcast_in_dim3A_480 : i32 to vector<16xi32>
        %gather3A_482 = tpu.vector_load_idx %arg9[%broadcast_in_dim3A_481, %min3A_432] : memref<32x1024xf32, #tpu.memory_space<vmem>>[vector<16xi32>, vector<16xi32>], vector<16xf32>,
        tpu.vector_store_idx %arg11[%select_n3A_456, %broadcast_in_dim3A_481], %gather3A_482 : memref<129x128xf32, #tpu.memory_space<vmem>>[vector<16xi32>, vector<16xi32>], vector<16xf32>,
        %broadcast_in_dim3A_483 = arith.constant 9 : i32
        %broadcast_in_dim3A_484 = vector.broadcast %broadcast_in_dim3A_483 : i32 to vector<16xi32>
        %gather3A_485 = tpu.vector_load_idx %arg9[%broadcast_in_dim3A_484, %min3A_432] : memref<32x1024xf32, #tpu.memory_space<vmem>>[vector<16xi32>, vector<16xi32>], vector<16xf32>,
        tpu.vector_store_idx %arg11[%select_n3A_456, %broadcast_in_dim3A_484], %gather3A_485 : memref<129x128xf32, #tpu.memory_space<vmem>>[vector<16xi32>, vector<16xi32>], vector<16xf32>,
        %broadcast_in_dim3A_486 = arith.constant 10 : i32
        %broadcast_in_dim3A_487 = vector.broadcast %broadcast_in_dim3A_486 : i32 to vector<16xi32>
        %gather3A_488 = tpu.vector_load_idx %arg9[%broadcast_in_dim3A_487, %min3A_432] : memref<32x1024xf32, #tpu.memory_space<vmem>>[vector<16xi32>, vector<16xi32>], vector<16xf32>,
        tpu.vector_store_idx %arg11[%select_n3A_456, %broadcast_in_dim3A_487], %gather3A_488 : memref<129x128xf32, #tpu.memory_space<vmem>>[vector<16xi32>, vector<16xi32>], vector<16xf32>,
        %broadcast_in_dim3A_489 = arith.constant 11 : i32
        %broadcast_in_dim3A_490 = vector.broadcast %broadcast_in_dim3A_489 : i32 to vector<16xi32>
        %gather3A_491 = tpu.vector_load_idx %arg9[%broadcast_in_dim3A_490, %min3A_432] : memref<32x1024xf32, #tpu.memory_space<vmem>>[vector<16xi32>, vector<16xi32>], vector<16xf32>,
        tpu.vector_store_idx %arg11[%select_n3A_456, %broadcast_in_dim3A_490], %gather3A_491 : memref<129x128xf32, #tpu.memory_space<vmem>>[vector<16xi32>, vector<16xi32>], vector<16xf32>,
        %broadcast_in_dim3A_492 = arith.constant 12 : i32
        %broadcast_in_dim3A_493 = vector.broadcast %broadcast_in_dim3A_492 : i32 to vector<16xi32>
        %gather3A_494 = tpu.vector_load_idx %arg9[%broadcast_in_dim3A_493, %min3A_432] : memref<32x1024xf32, #tpu.memory_space<vmem>>[vector<16xi32>, vector<16xi32>], vector<16xf32>,
        tpu.vector_store_idx %arg11[%select_n3A_456, %broadcast_in_dim3A_493], %gather3A_494 : memref<129x128xf32, #tpu.memory_space<vmem>>[vector<16xi32>, vector<16xi32>], vector<16xf32>,
        %broadcast_in_dim3A_495 = arith.constant 13 : i32
        %broadcast_in_dim3A_496 = vector.broadcast %broadcast_in_dim3A_495 : i32 to vector<16xi32>
        %gather3A_497 = tpu.vector_load_idx %arg9[%broadcast_in_dim3A_496, %min3A_432] : memref<32x1024xf32, #tpu.memory_space<vmem>>[vector<16xi32>, vector<16xi32>], vector<16xf32>,
        tpu.vector_store_idx %arg11[%select_n3A_456, %broadcast_in_dim3A_496], %gather3A_497 : memref<129x128xf32, #tpu.memory_space<vmem>>[vector<16xi32>, vector<16xi32>], vector<16xf32>,
        %broadcast_in_dim3A_498 = arith.constant 14 : i32
        %broadcast_in_dim3A_499 = vector.broadcast %broadcast_in_dim3A_498 : i32 to vector<16xi32>
        %gather3A_500 = tpu.vector_load_idx %arg9[%broadcast_in_dim3A_499, %min3A_432] : memref<32x1024xf32, #tpu.memory_space<vmem>>[vector<16xi32>, vector<16xi32>], vector<16xf32>,
        tpu.vector_store_idx %arg11[%select_n3A_456, %broadcast_in_dim3A_499], %gather3A_500 : memref<129x128xf32, #tpu.memory_space<vmem>>[vector<16xi32>, vector<16xi32>], vector<16xf32>,
        %broadcast_in_dim3A_501 = arith.constant 15 : i32
        %broadcast_in_dim3A_502 = vector.broadcast %broadcast_in_dim3A_501 : i32 to vector<16xi32>
        %gather3A_503 = tpu.vector_load_idx %arg9[%broadcast_in_dim3A_502, %min3A_432] : memref<32x1024xf32, #tpu.memory_space<vmem>>[vector<16xi32>, vector<16xi32>], vector<16xf32>,
        tpu.vector_store_idx %arg11[%select_n3A_456, %broadcast_in_dim3A_502], %gather3A_503 : memref<129x128xf32, #tpu.memory_space<vmem>>[vector<16xi32>, vector<16xi32>], vector<16xf32>,
        %broadcast_in_dim3A_504 = arith.constant 16 : i32
        %broadcast_in_dim3A_505 = vector.broadcast %broadcast_in_dim3A_504 : i32 to vector<16xi32>
        %gather3A_506 = tpu.vector_load_idx %arg9[%broadcast_in_dim3A_505, %min3A_432] : memref<32x1024xf32, #tpu.memory_space<vmem>>[vector<16xi32>, vector<16xi32>], vector<16xf32>,
        tpu.vector_store_idx %arg11[%select_n3A_456, %broadcast_in_dim3A_505], %gather3A_506 : memref<129x128xf32, #tpu.memory_space<vmem>>[vector<16xi32>, vector<16xi32>], vector<16xf32>,
        %broadcast_in_dim3A_507 = arith.constant 17 : i32
        %broadcast_in_dim3A_508 = vector.broadcast %broadcast_in_dim3A_507 : i32 to vector<16xi32>
        %gather3A_509 = tpu.vector_load_idx %arg9[%broadcast_in_dim3A_508, %min3A_432] : memref<32x1024xf32, #tpu.memory_space<vmem>>[vector<16xi32>, vector<16xi32>], vector<16xf32>,
        tpu.vector_store_idx %arg11[%select_n3A_456, %broadcast_in_dim3A_508], %gather3A_509 : memref<129x128xf32, #tpu.memory_space<vmem>>[vector<16xi32>, vector<16xi32>], vector<16xf32>,
        %broadcast_in_dim3A_510 = arith.constant 18 : i32
        %broadcast_in_dim3A_511 = vector.broadcast %broadcast_in_dim3A_510 : i32 to vector<16xi32>
        %gather3A_512 = tpu.vector_load_idx %arg9[%broadcast_in_dim3A_511, %min3A_432] : memref<32x1024xf32, #tpu.memory_space<vmem>>[vector<16xi32>, vector<16xi32>], vector<16xf32>,
        tpu.vector_store_idx %arg11[%select_n3A_456, %broadcast_in_dim3A_511], %gather3A_512 : memref<129x128xf32, #tpu.memory_space<vmem>>[vector<16xi32>, vector<16xi32>], vector<16xf32>,
        %broadcast_in_dim3A_513 = arith.constant 19 : i32
        %broadcast_in_dim3A_514 = vector.broadcast %broadcast_in_dim3A_513 : i32 to vector<16xi32>
        %gather3A_515 = tpu.vector_load_idx %arg9[%broadcast_in_dim3A_514, %min3A_432] : memref<32x1024xf32, #tpu.memory_space<vmem>>[vector<16xi32>, vector<16xi32>], vector<16xf32>,
        tpu.vector_store_idx %arg11[%select_n3A_456, %broadcast_in_dim3A_514], %gather3A_515 : memref<129x128xf32, #tpu.memory_space<vmem>>[vector<16xi32>, vector<16xi32>], vector<16xf32>,
        %broadcast_in_dim3A_516 = arith.constant 20 : i32
        %broadcast_in_dim3A_517 = vector.broadcast %broadcast_in_dim3A_516 : i32 to vector<16xi32>
        %gather3A_518 = tpu.vector_load_idx %arg9[%broadcast_in_dim3A_517, %min3A_432] : memref<32x1024xf32, #tpu.memory_space<vmem>>[vector<16xi32>, vector<16xi32>], vector<16xf32>,
        tpu.vector_store_idx %arg11[%select_n3A_456, %broadcast_in_dim3A_517], %gather3A_518 : memref<129x128xf32, #tpu.memory_space<vmem>>[vector<16xi32>, vector<16xi32>], vector<16xf32>,
        %broadcast_in_dim3A_519 = arith.constant 21 : i32
        %broadcast_in_dim3A_520 = vector.broadcast %broadcast_in_dim3A_519 : i32 to vector<16xi32>
        %gather3A_521 = tpu.vector_load_idx %arg9[%broadcast_in_dim3A_520, %min3A_432] : memref<32x1024xf32, #tpu.memory_space<vmem>>[vector<16xi32>, vector<16xi32>], vector<16xf32>,
        tpu.vector_store_idx %arg11[%select_n3A_456, %broadcast_in_dim3A_520], %gather3A_521 : memref<129x128xf32, #tpu.memory_space<vmem>>[vector<16xi32>, vector<16xi32>], vector<16xf32>,
        %broadcast_in_dim3A_522 = arith.constant 22 : i32
        %broadcast_in_dim3A_523 = vector.broadcast %broadcast_in_dim3A_522 : i32 to vector<16xi32>
        %gather3A_524 = tpu.vector_load_idx %arg9[%broadcast_in_dim3A_523, %min3A_432] : memref<32x1024xf32, #tpu.memory_space<vmem>>[vector<16xi32>, vector<16xi32>], vector<16xf32>,
        tpu.vector_store_idx %arg11[%select_n3A_456, %broadcast_in_dim3A_523], %gather3A_524 : memref<129x128xf32, #tpu.memory_space<vmem>>[vector<16xi32>, vector<16xi32>], vector<16xf32>,
        %broadcast_in_dim3A_525 = arith.constant 23 : i32
        %broadcast_in_dim3A_526 = vector.broadcast %broadcast_in_dim3A_525 : i32 to vector<16xi32>
        %gather3A_527 = tpu.vector_load_idx %arg9[%broadcast_in_dim3A_526, %min3A_432] : memref<32x1024xf32, #tpu.memory_space<vmem>>[vector<16xi32>, vector<16xi32>], vector<16xf32>,
        tpu.vector_store_idx %arg11[%select_n3A_456, %broadcast_in_dim3A_526], %gather3A_527 : memref<129x128xf32, #tpu.memory_space<vmem>>[vector<16xi32>, vector<16xi32>], vector<16xf32>,
        %broadcast_in_dim3A_528 = arith.constant 24 : i32
        %broadcast_in_dim3A_529 = vector.broadcast %broadcast_in_dim3A_528 : i32 to vector<16xi32>
        %gather3A_530 = tpu.vector_load_idx %arg9[%broadcast_in_dim3A_529, %min3A_432] : memref<32x1024xf32, #tpu.memory_space<vmem>>[vector<16xi32>, vector<16xi32>], vector<16xf32>,
        tpu.vector_store_idx %arg11[%select_n3A_456, %broadcast_in_dim3A_529], %gather3A_530 : memref<129x128xf32, #tpu.memory_space<vmem>>[vector<16xi32>, vector<16xi32>], vector<16xf32>,
        %broadcast_in_dim3A_531 = arith.constant 25 : i32
        %broadcast_in_dim3A_532 = vector.broadcast %broadcast_in_dim3A_531 : i32 to vector<16xi32>
        %gather3A_533 = tpu.vector_load_idx %arg9[%broadcast_in_dim3A_532, %min3A_432] : memref<32x1024xf32, #tpu.memory_space<vmem>>[vector<16xi32>, vector<16xi32>], vector<16xf32>,
        tpu.vector_store_idx %arg11[%select_n3A_456, %broadcast_in_dim3A_532], %gather3A_533 : memref<129x128xf32, #tpu.memory_space<vmem>>[vector<16xi32>, vector<16xi32>], vector<16xf32>,
        %broadcast_in_dim3A_534 = arith.constant 26 : i32
        %broadcast_in_dim3A_535 = vector.broadcast %broadcast_in_dim3A_534 : i32 to vector<16xi32>
        %gather3A_536 = tpu.vector_load_idx %arg9[%broadcast_in_dim3A_535, %min3A_432] : memref<32x1024xf32, #tpu.memory_space<vmem>>[vector<16xi32>, vector<16xi32>], vector<16xf32>,
        tpu.vector_store_idx %arg11[%select_n3A_456, %broadcast_in_dim3A_535], %gather3A_536 : memref<129x128xf32, #tpu.memory_space<vmem>>[vector<16xi32>, vector<16xi32>], vector<16xf32>,
        %broadcast_in_dim3A_537 = arith.constant 27 : i32
        %broadcast_in_dim3A_538 = vector.broadcast %broadcast_in_dim3A_537 : i32 to vector<16xi32>
        %gather3A_539 = tpu.vector_load_idx %arg9[%broadcast_in_dim3A_538, %min3A_432] : memref<32x1024xf32, #tpu.memory_space<vmem>>[vector<16xi32>, vector<16xi32>], vector<16xf32>,
        tpu.vector_store_idx %arg11[%select_n3A_456, %broadcast_in_dim3A_538], %gather3A_539 : memref<129x128xf32, #tpu.memory_space<vmem>>[vector<16xi32>, vector<16xi32>], vector<16xf32>,
        %broadcast_in_dim3A_540 = arith.constant 28 : i32
        %broadcast_in_dim3A_541 = vector.broadcast %broadcast_in_dim3A_540 : i32 to vector<16xi32>
        %gather3A_542 = tpu.vector_load_idx %arg9[%broadcast_in_dim3A_541, %min3A_432] : memref<32x1024xf32, #tpu.memory_space<vmem>>[vector<16xi32>, vector<16xi32>], vector<16xf32>,
        tpu.vector_store_idx %arg11[%select_n3A_456, %broadcast_in_dim3A_541], %gather3A_542 : memref<129x128xf32, #tpu.memory_space<vmem>>[vector<16xi32>, vector<16xi32>], vector<16xf32>,
        %broadcast_in_dim3A_543 = arith.constant 29 : i32
        %broadcast_in_dim3A_544 = vector.broadcast %broadcast_in_dim3A_543 : i32 to vector<16xi32>
        %gather3A_545 = tpu.vector_load_idx %arg9[%broadcast_in_dim3A_544, %min3A_432] : memref<32x1024xf32, #tpu.memory_space<vmem>>[vector<16xi32>, vector<16xi32>], vector<16xf32>,
        tpu.vector_store_idx %arg11[%select_n3A_456, %broadcast_in_dim3A_544], %gather3A_545 : memref<129x128xf32, #tpu.memory_space<vmem>>[vector<16xi32>, vector<16xi32>], vector<16xf32>,
        %broadcast_in_dim3A_546 = arith.constant 30 : i32
        %broadcast_in_dim3A_547 = vector.broadcast %broadcast_in_dim3A_546 : i32 to vector<16xi32>
        %gather3A_548 = tpu.vector_load_idx %arg9[%broadcast_in_dim3A_547, %min3A_432] : memref<32x1024xf32, #tpu.memory_space<vmem>>[vector<16xi32>, vector<16xi32>], vector<16xf32>,
        tpu.vector_store_idx %arg11[%select_n3A_456, %broadcast_in_dim3A_547], %gather3A_548 : memref<129x128xf32, #tpu.memory_space<vmem>>[vector<16xi32>, vector<16xi32>], vector<16xf32>,
        %broadcast_in_dim3A_549 = arith.constant 31 : i32
        %broadcast_in_dim3A_550 = vector.broadcast %broadcast_in_dim3A_549 : i32 to vector<16xi32>
        %gather3A_551 = tpu.vector_load_idx %arg9[%broadcast_in_dim3A_550, %min3A_432] : memref<32x1024xf32, #tpu.memory_space<vmem>>[vector<16xi32>, vector<16xi32>], vector<16xf32>,
        tpu.vector_store_idx %arg11[%select_n3A_456, %broadcast_in_dim3A_550], %gather3A_551 : memref<129x128xf32, #tpu.memory_space<vmem>>[vector<16xi32>, vector<16xi32>], vector<16xf32>,
        tpu.vector_store_idx %arg12[%select_n3A_456], %and3A_435 : memref<144xi32, #tpu.memory_space<vmem>>[vector<16xi32>], vector<16xi32>,
        %reduce_sum3A_552 = arith.constant true
        %reduce_sum3A_553 = vector.broadcast %reduce_sum3A_552 : i1 to vector<16xi1>
        %reduce_sum3A_554 = tpu.scan <sum>, %select_n3A_446 masked %reduce_sum3A_553 : vector<16xi32>, vector<16xi1> -> vector<16xi32>
        %reduce_sum3A_555 = vector.extract %reduce_sum3A_554[15] : i32 from vector<16xi32>
        %add3A_556 = arith.addi %while3A_421, %reduce_sum3A_555 : i32
        %ge3A = arith.constant 112 : i32
        %ge3A_557 = arith.cmpi sge, %add3A_556, %ge3A : i32
        %convert_element_type3A_558 = arith.extui %ge3A_557 : i1 to i32
        %cond3A_559 = arith.constant 0 : i32
        %cond3A_560 = arith.cmpi ne, %convert_element_type3A_558, %cond3A_559 : i32
        scf.if %cond3A_560 {
          %dma_start3A_565 = arith.constant 0 : i32
          %dma_start3A_566 = arith.constant 0 : i32
          %dma_start3A_567 = tpu.memref_slice %arg11[%dma_start3A_565, %dma_start3A_566] : memref<129x128xf32, #tpu.memory_space<vmem>> -> memref<128x128xf32, #tpu.memory_space<vmem>>
          %dma_start3A_568 = arith.constant 0 : i32
          %dma_start3A_569 = tpu.memref_slice %arg12[%dma_start3A_568] : memref<144xi32, #tpu.memory_space<vmem>> -> memref<128xi32, #tpu.memory_space<vmem>>
          %dma_start3A_570 = arith.constant 0 : i32
          %dma_start3A_571 = arith.constant 0 : i32
          %dma_start3A_572 = tpu.memref_slice %arg5[%dma_start3A_570, %dma_start3A_571] : memref<16416x128xf32, #tpu.memory_space<hbm>> -> memref<16416x128xf32, #tpu.memory_space<hbm>>
          tpu.enqueue_indirect_dma source(%dma_start3A_567 : memref<128x128xf32, #tpu.memory_space<vmem>>) target(%dma_start3A_572 : memref<16416x128xf32, #tpu.memory_space<hbm>>) offsets(%dma_start3A_569 : memref<128xi32, #tpu.memory_space<vmem>>) semaphore(%arg15 : memref<!tpu.dma_semaphore, #tpu.memory_space<semaphore_mem>>)
          %dma_wait3A_573 = arith.constant 0 : i32
          %dma_wait3A_574 = arith.constant 0 : i32
          %dma_wait3A_575 = tpu.memref_slice %arg11[%dma_wait3A_573, %dma_wait3A_574] : memref<129x128xf32, #tpu.memory_space<vmem>> -> memref<128x128xf32, #tpu.memory_space<vmem>>
          %dma_wait3A_576 = arith.constant 0 : i32
          %dma_wait3A_577 = tpu.memref_slice %arg12[%dma_wait3A_576] : memref<144xi32, #tpu.memory_space<vmem>> -> memref<128xi32, #tpu.memory_space<vmem>>
          %dma_wait3A_578 = arith.constant 0 : i32
          %dma_wait3A_579 = arith.constant 0 : i32
          %dma_wait3A_580 = tpu.memref_slice %arg5[%dma_wait3A_578, %dma_wait3A_579] : memref<16416x128xf32, #tpu.memory_space<hbm>> -> memref<16416x128xf32, #tpu.memory_space<hbm>>
          tpu.wait_indirect_dma semaphore(%arg15 : memref<!tpu.dma_semaphore, #tpu.memory_space<semaphore_mem>>) src(%dma_wait3A_575 : memref<128x128xf32, #tpu.memory_space<vmem>>) dst(%dma_wait3A_580 : memref<16416x128xf32, #tpu.memory_space<hbm>>)
          %broadcast_in_dim3A_581 = vector.broadcast %add3A_7 : i32 to vector<16xi32>
          %swap3A_582 = arith.constant 0 : index
          %swap3A_583 = tpu.vector_load %arg12[%swap3A_582] {strides = array<i32>} : memref<144xi32, #tpu.memory_space<vmem>>, vector<16xi32>,
          tpu.vector_store %arg12[%swap3A_582], %broadcast_in_dim3A_581 {strides = array<i32>} : memref<144xi32, #tpu.memory_space<vmem>>, vector<16xi32>,
          %broadcast_in_dim3A_584 = vector.broadcast %add3A_7 : i32 to vector<16xi32>
          %swap3A_585 = arith.constant 16 : index
          %swap3A_586 = tpu.vector_load %arg12[%swap3A_585] {strides = array<i32>} : memref<144xi32, #tpu.memory_space<vmem>>, vector<16xi32>,
          tpu.vector_store %arg12[%swap3A_585], %broadcast_in_dim3A_584 {strides = array<i32>} : memref<144xi32, #tpu.memory_space<vmem>>, vector<16xi32>,
          %broadcast_in_dim3A_587 = vector.broadcast %add3A_7 : i32 to vector<16xi32>
          %swap3A_588 = arith.constant 32 : index
          %swap3A_589 = tpu.vector_load %arg12[%swap3A_588] {strides = array<i32>} : memref<144xi32, #tpu.memory_space<vmem>>, vector<16xi32>,
          tpu.vector_store %arg12[%swap3A_588], %broadcast_in_dim3A_587 {strides = array<i32>} : memref<144xi32, #tpu.memory_space<vmem>>, vector<16xi32>,
          %broadcast_in_dim3A_590 = vector.broadcast %add3A_7 : i32 to vector<16xi32>
          %swap3A_591 = arith.constant 48 : index
          %swap3A_592 = tpu.vector_load %arg12[%swap3A_591] {strides = array<i32>} : memref<144xi32, #tpu.memory_space<vmem>>, vector<16xi32>,
          tpu.vector_store %arg12[%swap3A_591], %broadcast_in_dim3A_590 {strides = array<i32>} : memref<144xi32, #tpu.memory_space<vmem>>, vector<16xi32>,
          %broadcast_in_dim3A_593 = vector.broadcast %add3A_7 : i32 to vector<16xi32>
          %swap3A_594 = arith.constant 64 : index
          %swap3A_595 = tpu.vector_load %arg12[%swap3A_594] {strides = array<i32>} : memref<144xi32, #tpu.memory_space<vmem>>, vector<16xi32>,
          tpu.vector_store %arg12[%swap3A_594], %broadcast_in_dim3A_593 {strides = array<i32>} : memref<144xi32, #tpu.memory_space<vmem>>, vector<16xi32>,
          %broadcast_in_dim3A_596 = vector.broadcast %add3A_7 : i32 to vector<16xi32>
          %swap3A_597 = arith.constant 80 : index
          %swap3A_598 = tpu.vector_load %arg12[%swap3A_597] {strides = array<i32>} : memref<144xi32, #tpu.memory_space<vmem>>, vector<16xi32>,
          tpu.vector_store %arg12[%swap3A_597], %broadcast_in_dim3A_596 {strides = array<i32>} : memref<144xi32, #tpu.memory_space<vmem>>, vector<16xi32>,
          %broadcast_in_dim3A_599 = vector.broadcast %add3A_7 : i32 to vector<16xi32>
          %swap3A_600 = arith.constant 96 : index
          %swap3A_601 = tpu.vector_load %arg12[%swap3A_600] {strides = array<i32>} : memref<144xi32, #tpu.memory_space<vmem>>, vector<16xi32>,
          tpu.vector_store %arg12[%swap3A_600], %broadcast_in_dim3A_599 {strides = array<i32>} : memref<144xi32, #tpu.memory_space<vmem>>, vector<16xi32>,
          %broadcast_in_dim3A_602 = vector.broadcast %add3A_7 : i32 to vector<16xi32>
          %swap3A_603 = arith.constant 112 : index
          %swap3A_604 = tpu.vector_load %arg12[%swap3A_603] {strides = array<i32>} : memref<144xi32, #tpu.memory_space<vmem>>, vector<16xi32>,
          tpu.vector_store %arg12[%swap3A_603], %broadcast_in_dim3A_602 {strides = array<i32>} : memref<144xi32, #tpu.memory_space<vmem>>, vector<16xi32>,
        } else {
        }
        %ge3A_561 = arith.constant 112 : i32
        %ge3A_562 = arith.cmpi sge, %add3A_556, %ge3A_561 : i32
        %jit3A_563 = arith.constant 0 : i32
        %select_n3A_564 = arith.select %ge3A_562, %jit3A_563, %add3A_556 : i32
        scf.yield %select_n3A_564 : i32
      }
      %add3A_309 = arith.constant 2 : i32
      %add3A_310 = arith.addi %mul3A_207, %add3A_309 : i32
      %lt3A = arith.constant 30 : i32
      %lt3A_311 = arith.cmpi slt, %add3A_310, %lt3A : i32
      %convert_element_type3A_312 = arith.extui %lt3A_311 : i1 to i32
      %cond3A_313 = arith.constant 0 : i32
      %cond3A_314 = arith.cmpi ne, %convert_element_type3A_312, %cond3A_313 : i32
      scf.if %cond3A_314 {
        %add3A_420 = arith.constant 2 : i32
        %add3A_421 = arith.addi %mul3A_207, %add3A_420 : i32
        %mul3A_422 = arith.constant 1024 : i32
        %mul3A_423 = arith.muli %add3A_421, %mul3A_422 : i32
        %add3A_424 = arith.addi %mul3A_2, %mul3A_423 : i32
        %multiple_of3A_425 = tpu.assume_multiple %add3A_424, 1024 : i32
        %dma_start3A_426 = arith.constant 0 : i32
        %dma_start3A_427 = tpu.memref_slice %arg3[%dma_start3A_426, %multiple_of3A_425] : memref<32x1000000xf32, #tpu.memory_space<hbm>> -> memref<32x1024xf32, #tpu.memory_space<hbm>>
        %dma_start3A_428 = arith.constant 0 : i32
        %dma_start3A_429 = tpu.memref_slice %arg3[%dma_start3A_428, %multiple_of3A_425] : memref<32x1000000xf32, #tpu.memory_space<hbm>> -> memref<32x1024xf32, #tpu.memory_space<hbm>>
        tpu.enqueue_dma source(%dma_start3A_429 : memref<32x1024xf32, #tpu.memory_space<hbm>>) target(%arg9 : memref<32x1024xf32, #tpu.memory_space<vmem>>) target_semaphore(%arg13 : memref<!tpu.dma_semaphore, #tpu.memory_space<semaphore_mem>>)
      } else {
      }
      %mul3A_315 = arith.constant 1024 : i32
      %mul3A_316 = arith.muli %add3A_211, %mul3A_315 : i32
      %add3A_317 = arith.addi %mul3A_2, %mul3A_316 : i32
      %multiple_of3A_318 = tpu.assume_multiple %add3A_317, 1024 : i32
      %dma_wait3A_319 = arith.constant 0 : i32
      %dma_wait3A_320 = tpu.memref_slice %arg3[%dma_wait3A_319, %multiple_of3A_318] : memref<32x1000000xf32, #tpu.memory_space<hbm>> -> memref<32x1024xf32, #tpu.memory_space<hbm>>
      %dma_wait3A_321 = arith.constant 0 : i32
      %dma_wait3A_322 = tpu.memref_slice %arg3[%dma_wait3A_321, %multiple_of3A_318] : memref<32x1000000xf32, #tpu.memory_space<hbm>> -> memref<32x1024xf32, #tpu.memory_space<hbm>>
      tpu.wait_dma2 semaphore(%arg14 : memref<!tpu.dma_semaphore, #tpu.memory_space<semaphore_mem>>) src(%dma_wait3A_322 : memref<32x1024xf32, #tpu.memory_space<hbm>>) dst(%arg10 : memref<32x1024xf32, #tpu.memory_space<vmem>>)
      %mul3A_323 = arith.constant 1024 : i32
      %mul3A_324 = arith.muli %add3A_211, %mul3A_323 : i32
      %shift_left3A_325 = arith.constant 14 : i32
      %shift_left3A_326 = arith.shli %mul3A_324, %shift_left3A_325 : i32
      %add3A_327 = arith.constant 1024 : i32
      %add3A_328 = arith.addi %mul3A_324, %add3A_327 : i32
      %shift_left3A_329 = arith.constant 14 : i32
      %shift_left3A_330 = arith.shli %add3A_328, %shift_left3A_329 : i32
      %add3A_331 = arith.constant 1 : i32
      %add3A_332 = arith.addi %select_n3A_58, %add3A_331 : i32
      %jit3A_333 = arith.constant 2 : i32
      %div3A_334 = arith.divsi %add3A_332, %jit3A_333 : i32
      %sign3A_335 = arith.constant 0 : i32
      %sign3A_336 = arith.cmpi sgt, %add3A_332, %sign3A_335 : i32
      %sign3A_337 = arith.extui %sign3A_336 : i1 to i32
      %sign3A_338 = arith.constant 0 : i32
      %sign3A_339 = arith.cmpi slt, %add3A_332, %sign3A_338 : i32
      %sign3A_340 = arith.extui %sign3A_339 : i1 to i32
      %sign3A_341 = arith.subi %sign3A_337, %sign3A_340 : i32
      %sign3A_342 = arith.constant 0 : i32
      %sign3A_343 = arith.cmpi sgt, %jit3A_333, %sign3A_342 : i32
      %sign3A_344 = arith.extui %sign3A_343 : i1 to i32
      %sign3A_345 = arith.constant 0 : i32
      %sign3A_346 = arith.cmpi slt, %jit3A_333, %sign3A_345 : i32
      %sign3A_347 = arith.extui %sign3A_346 : i1 to i32
      %sign3A_348 = arith.subi %sign3A_344, %sign3A_347 : i32
      %ne3A_349 = arith.cmpi ne, %sign3A_341, %sign3A_348 : i32
      %rem3A_350 = arith.remsi %add3A_332, %jit3A_333 : i32
      %ne3A_351 = arith.constant 0 : i32
      %ne3A_352 = arith.cmpi ne, %rem3A_350, %ne3A_351 : i32
      %and3A_353 = arith.andi %ne3A_349, %ne3A_352 : i1
      %sub3A_354 = arith.constant 1 : i32
      %sub3A_355 = arith.subi %div3A_334, %sub3A_354 : i32
      %select_n3A_356 = arith.select %and3A_353, %sub3A_355, %div3A_334 : i32
      %broadcast_in_dim3A_357 = arith.constant 0 : i32
      %broadcast_in_dim3A_358 = vector.broadcast %broadcast_in_dim3A_357 : i32 to vector<16xi32>
      %while3A_359 = arith.constant 0 : i32
      %while3A_360 = arith.subi %select_n3A_356, %while3A_359 : i32
      %while3A_361 = arith.addi %while3A_359, %while3A_360 : i32
      %while3A_362 = arith.constant 1 : i32
      %while3A_363 = arith.divsi %while3A_360, %while3A_362 : i32
      %while3A_364 = arith.muli %while3A_363, %while3A_362 : i32
      %while3A_365 = arith.addi %while3A_359, %while3A_364 : i32
      %while3A_366 = arith.constant 1 : i32
      %while3A_367 = scf.for %while3A_420 = %while3A_359 to %while3A_365 step %while3A_366 iter_args(%while3A_421 = %broadcast_in_dim3A_358) -> (vector<16xi32>)  : i32 {
        %mul3A_422 = arith.constant 2 : i32
        %mul3A_423 = arith.muli %mul3A_422, %while3A_420 : i32
        %mul3A_424 = arith.constant 16 : i32
        %mul3A_425 = arith.muli %mul3A_423, %mul3A_424 : i32
        %get3A = arith.index_cast %mul3A_425 : i32 to index
        %get3A_426 = tpu.vector_load %arg7[%get3A] {strides = array<i32>} : memref<16416xi32, #tpu.memory_space<vmem>>, vector<16xi32>,
        %ge3A = vector.broadcast %shift_left3A_326 : i32 to vector<16xi32>
        %ge3A_427 = arith.cmpi sge, %get3A_426, %ge3A : vector<16xi32>
        %lt3A_428 = vector.broadcast %shift_left3A_330 : i32 to vector<16xi32>
        %lt3A_429 = arith.cmpi slt, %get3A_426, %lt3A_428 : vector<16xi32>
        %and3A_430 = arith.andi %ge3A_427, %lt3A_429 : vector<16xi1>
        %jit3A_431 = arith.constant 1 : i32
        %jit3A_432 = arith.constant 0 : i32
        %broadcast_in_dim3A_433 = vector.broadcast %jit3A_431 : i32 to vector<16xi32>
        %broadcast_in_dim3A_434 = vector.broadcast %jit3A_432 : i32 to vector<16xi32>
        %select_n3A_435 = arith.select %and3A_430, %broadcast_in_dim3A_433, %broadcast_in_dim3A_434 : vector<16xi1>, vector<16xi32>
        %broadcast_in_dim3A_436 = arith.constant true
        %broadcast_in_dim3A_437 = vector.broadcast %broadcast_in_dim3A_436 : i1 to vector<16xi1>
        %masked_cumsum3A = tpu.scan <sum>, %select_n3A_435 masked %broadcast_in_dim3A_437 : vector<16xi32>, vector<16xi1> -> vector<16xi32>
        %add3A_438 = arith.addi %while3A_421, %masked_cumsum3A : vector<16xi32>
        %sub3A_439 = arith.constant 1 : i32
        %sub3A_440 = vector.broadcast %sub3A_439 : i32 to vector<16xi32>
        %sub3A_441 = arith.subi %add3A_438, %sub3A_440 : vector<16xi32>
        %jit3A_442 = arith.constant 16400 : i32
        %broadcast_in_dim3A_443 = vector.broadcast %jit3A_442 : i32 to vector<16xi32>
        %select_n3A_444 = arith.select %and3A_430, %sub3A_441, %broadcast_in_dim3A_443 : vector<16xi1>, vector<16xi32>
        tpu.vector_store_idx %arg8[%select_n3A_444], %get3A_426 : memref<16416xi32, #tpu.memory_space<vmem>>[vector<16xi32>], vector<16xi32>,
        %all_reduce_population_count3A = tpu.all_reduce %and3A_430 {dim = 0 : i64, kind = #tpu.reduction_kind<sum>} : vector<16xi1> -> vector<16xi32>
        %add3A_445 = arith.addi %while3A_421, %all_reduce_population_count3A : vector<16xi32>
        %mul3A_446 = arith.constant 2 : i32
        %mul3A_447 = arith.muli %mul3A_446, %while3A_420 : i32
        %add3A_448 = arith.constant 1 : i32
        %add3A_449 = arith.addi %mul3A_447, %add3A_448 : i32
        %mul3A_450 = arith.constant 16 : i32
        %mul3A_451 = arith.muli %add3A_449, %mul3A_450 : i32
        %get3A_452 = arith.index_cast %mul3A_451 : i32 to index
        %get3A_453 = tpu.vector_load %arg7[%get3A_452] {strides = array<i32>} : memref<16416xi32, #tpu.memory_space<vmem>>, vector<16xi32>,
        %ge3A_454 = vector.broadcast %shift_left3A_326 : i32 to vector<16xi32>
        %ge3A_455 = arith.cmpi sge, %get3A_453, %ge3A_454 : vector<16xi32>
        %lt3A_456 = vector.broadcast %shift_left3A_330 : i32 to vector<16xi32>
        %lt3A_457 = arith.cmpi slt, %get3A_453, %lt3A_456 : vector<16xi32>
        %and3A_458 = arith.andi %ge3A_455, %lt3A_457 : vector<16xi1>
        %jit3A_459 = arith.constant 1 : i32
        %jit3A_460 = arith.constant 0 : i32
        %broadcast_in_dim3A_461 = vector.broadcast %jit3A_459 : i32 to vector<16xi32>
        %broadcast_in_dim3A_462 = vector.broadcast %jit3A_460 : i32 to vector<16xi32>
        %select_n3A_463 = arith.select %and3A_458, %broadcast_in_dim3A_461, %broadcast_in_dim3A_462 : vector<16xi1>, vector<16xi32>
        %broadcast_in_dim3A_464 = arith.constant true
        %broadcast_in_dim3A_465 = vector.broadcast %broadcast_in_dim3A_464 : i1 to vector<16xi1>
        %masked_cumsum3A_466 = tpu.scan <sum>, %select_n3A_463 masked %broadcast_in_dim3A_465 : vector<16xi32>, vector<16xi1> -> vector<16xi32>
        %add3A_467 = arith.addi %add3A_445, %masked_cumsum3A_466 : vector<16xi32>
        %sub3A_468 = arith.constant 1 : i32
        %sub3A_469 = vector.broadcast %sub3A_468 : i32 to vector<16xi32>
        %sub3A_470 = arith.subi %add3A_467, %sub3A_469 : vector<16xi32>
        %jit3A_471 = arith.constant 16400 : i32
        %broadcast_in_dim3A_472 = vector.broadcast %jit3A_471 : i32 to vector<16xi32>
        %select_n3A_473 = arith.select %and3A_458, %sub3A_470, %broadcast_in_dim3A_472 : vector<16xi1>, vector<16xi32>
        tpu.vector_store_idx %arg8[%select_n3A_473], %get3A_453 : memref<16416xi32, #tpu.memory_space<vmem>>[vector<16xi32>], vector<16xi32>,
        %all_reduce_population_count3A_474 = tpu.all_reduce %and3A_458 {dim = 0 : i64, kind = #tpu.reduction_kind<sum>} : vector<16xi1> -> vector<16xi32>
        %add3A_475 = arith.addi %add3A_445, %all_reduce_population_count3A_474 : vector<16xi32>
        scf.yield %add3A_475 : vector<16xi32>
      }
      %while3A_368 = arith.constant 1 : i32
      %while3A_369 = scf.for %while3A_420 = %while3A_365 to %while3A_361 step %while3A_368 iter_args(%while3A_421 = %while3A_367) -> (vector<16xi32>)  : i32 {
        %mul3A_422 = arith.constant 2 : i32
        %mul3A_423 = arith.muli %mul3A_422, %while3A_420 : i32
        %mul3A_424 = arith.constant 16 : i32
        %mul3A_425 = arith.muli %mul3A_423, %mul3A_424 : i32
        %get3A = arith.index_cast %mul3A_425 : i32 to index
        %get3A_426 = tpu.vector_load %arg7[%get3A] {strides = array<i32>} : memref<16416xi32, #tpu.memory_space<vmem>>, vector<16xi32>,
        %ge3A = vector.broadcast %shift_left3A_326 : i32 to vector<16xi32>
        %ge3A_427 = arith.cmpi sge, %get3A_426, %ge3A : vector<16xi32>
        %lt3A_428 = vector.broadcast %shift_left3A_330 : i32 to vector<16xi32>
        %lt3A_429 = arith.cmpi slt, %get3A_426, %lt3A_428 : vector<16xi32>
        %and3A_430 = arith.andi %ge3A_427, %lt3A_429 : vector<16xi1>
        %jit3A_431 = arith.constant 1 : i32
        %jit3A_432 = arith.constant 0 : i32
        %broadcast_in_dim3A_433 = vector.broadcast %jit3A_431 : i32 to vector<16xi32>
        %broadcast_in_dim3A_434 = vector.broadcast %jit3A_432 : i32 to vector<16xi32>
        %select_n3A_435 = arith.select %and3A_430, %broadcast_in_dim3A_433, %broadcast_in_dim3A_434 : vector<16xi1>, vector<16xi32>
        %broadcast_in_dim3A_436 = arith.constant true
        %broadcast_in_dim3A_437 = vector.broadcast %broadcast_in_dim3A_436 : i1 to vector<16xi1>
        %masked_cumsum3A = tpu.scan <sum>, %select_n3A_435 masked %broadcast_in_dim3A_437 : vector<16xi32>, vector<16xi1> -> vector<16xi32>
        %add3A_438 = arith.addi %while3A_421, %masked_cumsum3A : vector<16xi32>
        %sub3A_439 = arith.constant 1 : i32
        %sub3A_440 = vector.broadcast %sub3A_439 : i32 to vector<16xi32>
        %sub3A_441 = arith.subi %add3A_438, %sub3A_440 : vector<16xi32>
        %jit3A_442 = arith.constant 16400 : i32
        %broadcast_in_dim3A_443 = vector.broadcast %jit3A_442 : i32 to vector<16xi32>
        %select_n3A_444 = arith.select %and3A_430, %sub3A_441, %broadcast_in_dim3A_443 : vector<16xi1>, vector<16xi32>
        tpu.vector_store_idx %arg8[%select_n3A_444], %get3A_426 : memref<16416xi32, #tpu.memory_space<vmem>>[vector<16xi32>], vector<16xi32>,
        %all_reduce_population_count3A = tpu.all_reduce %and3A_430 {dim = 0 : i64, kind = #tpu.reduction_kind<sum>} : vector<16xi1> -> vector<16xi32>
        %add3A_445 = arith.addi %while3A_421, %all_reduce_population_count3A : vector<16xi32>
        %mul3A_446 = arith.constant 2 : i32
        %mul3A_447 = arith.muli %mul3A_446, %while3A_420 : i32
        %add3A_448 = arith.constant 1 : i32
        %add3A_449 = arith.addi %mul3A_447, %add3A_448 : i32
        %mul3A_450 = arith.constant 16 : i32
        %mul3A_451 = arith.muli %add3A_449, %mul3A_450 : i32
        %get3A_452 = arith.index_cast %mul3A_451 : i32 to index
        %get3A_453 = tpu.vector_load %arg7[%get3A_452] {strides = array<i32>} : memref<16416xi32, #tpu.memory_space<vmem>>, vector<16xi32>,
        %ge3A_454 = vector.broadcast %shift_left3A_326 : i32 to vector<16xi32>
        %ge3A_455 = arith.cmpi sge, %get3A_453, %ge3A_454 : vector<16xi32>
        %lt3A_456 = vector.broadcast %shift_left3A_330 : i32 to vector<16xi32>
        %lt3A_457 = arith.cmpi slt, %get3A_453, %lt3A_456 : vector<16xi32>
        %and3A_458 = arith.andi %ge3A_455, %lt3A_457 : vector<16xi1>
        %jit3A_459 = arith.constant 1 : i32
        %jit3A_460 = arith.constant 0 : i32
        %broadcast_in_dim3A_461 = vector.broadcast %jit3A_459 : i32 to vector<16xi32>
        %broadcast_in_dim3A_462 = vector.broadcast %jit3A_460 : i32 to vector<16xi32>
        %select_n3A_463 = arith.select %and3A_458, %broadcast_in_dim3A_461, %broadcast_in_dim3A_462 : vector<16xi1>, vector<16xi32>
        %broadcast_in_dim3A_464 = arith.constant true
        %broadcast_in_dim3A_465 = vector.broadcast %broadcast_in_dim3A_464 : i1 to vector<16xi1>
        %masked_cumsum3A_466 = tpu.scan <sum>, %select_n3A_463 masked %broadcast_in_dim3A_465 : vector<16xi32>, vector<16xi1> -> vector<16xi32>
        %add3A_467 = arith.addi %add3A_445, %masked_cumsum3A_466 : vector<16xi32>
        %sub3A_468 = arith.constant 1 : i32
        %sub3A_469 = vector.broadcast %sub3A_468 : i32 to vector<16xi32>
        %sub3A_470 = arith.subi %add3A_467, %sub3A_469 : vector<16xi32>
        %jit3A_471 = arith.constant 16400 : i32
        %broadcast_in_dim3A_472 = vector.broadcast %jit3A_471 : i32 to vector<16xi32>
        %select_n3A_473 = arith.select %and3A_458, %sub3A_470, %broadcast_in_dim3A_472 : vector<16xi1>, vector<16xi32>
        tpu.vector_store_idx %arg8[%select_n3A_473], %get3A_453 : memref<16416xi32, #tpu.memory_space<vmem>>[vector<16xi32>], vector<16xi32>,
        %all_reduce_population_count3A_474 = tpu.all_reduce %and3A_458 {dim = 0 : i64, kind = #tpu.reduction_kind<sum>} : vector<16xi1> -> vector<16xi32>
        %add3A_475 = arith.addi %add3A_445, %all_reduce_population_count3A_474 : vector<16xi32>
        scf.yield %add3A_475 : vector<16xi32>
      }
      %reduce_sum3A_370 = arith.constant true
      %reduce_sum3A_371 = vector.broadcast %reduce_sum3A_370 : i1 to vector<16xi1>
      %reduce_sum3A_372 = tpu.scan <sum>, %while3A_369 masked %reduce_sum3A_371 : vector<16xi32>, vector<16xi1> -> vector<16xi32>
      %reduce_sum3A_373 = vector.extract %reduce_sum3A_372[15] : i32 from vector<16xi32>
      %shift_right_logical3A_374 = arith.constant 4 : i32
      %shift_right_logical3A_375 = arith.shrui %reduce_sum3A_373, %shift_right_logical3A_374 : i32
      %add3A_376 = arith.constant 15 : i32
      %add3A_377 = arith.addi %shift_right_logical3A_375, %add3A_376 : i32
      %jit3A_378 = arith.constant 16 : i32
      %div3A_379 = arith.divsi %add3A_377, %jit3A_378 : i32
      %sign3A_380 = arith.constant 0 : i32
      %sign3A_381 = arith.cmpi sgt, %add3A_377, %sign3A_380 : i32
      %sign3A_382 = arith.extui %sign3A_381 : i1 to i32
      %sign3A_383 = arith.constant 0 : i32
      %sign3A_384 = arith.cmpi slt, %add3A_377, %sign3A_383 : i32
      %sign3A_385 = arith.extui %sign3A_384 : i1 to i32
      %sign3A_386 = arith.subi %sign3A_382, %sign3A_385 : i32
      %sign3A_387 = arith.constant 0 : i32
      %sign3A_388 = arith.cmpi sgt, %jit3A_378, %sign3A_387 : i32
      %sign3A_389 = arith.extui %sign3A_388 : i1 to i32
      %sign3A_390 = arith.constant 0 : i32
      %sign3A_391 = arith.cmpi slt, %jit3A_378, %sign3A_390 : i32
      %sign3A_392 = arith.extui %sign3A_391 : i1 to i32
      %sign3A_393 = arith.subi %sign3A_389, %sign3A_392 : i32
      %ne3A_394 = arith.cmpi ne, %sign3A_386, %sign3A_393 : i32
      %rem3A_395 = arith.remsi %add3A_377, %jit3A_378 : i32
      %ne3A_396 = arith.constant 0 : i32
      %ne3A_397 = arith.cmpi ne, %rem3A_395, %ne3A_396 : i32
      %and3A_398 = arith.andi %ne3A_394, %ne3A_397 : i1
      %sub3A_399 = arith.constant 1 : i32
      %sub3A_400 = arith.subi %div3A_379, %sub3A_399 : i32
      %select_n3A_401 = arith.select %and3A_398, %sub3A_400, %div3A_379 : i32
      %while3A_402 = arith.constant 0 : i32
      %while3A_403 = arith.subi %select_n3A_401, %while3A_402 : i32
      %while3A_404 = arith.addi %while3A_402, %while3A_403 : i32
      %while3A_405 = arith.constant 1 : i32
      %while3A_406 = arith.divsi %while3A_403, %while3A_405 : i32
      %while3A_407 = arith.muli %while3A_406, %while3A_405 : i32
      %while3A_408 = arith.addi %while3A_402, %while3A_407 : i32
      %while3A_409 = arith.constant 1 : i32
      %while3A_410 = scf.for %while3A_420 = %while3A_402 to %while3A_408 step %while3A_409 iter_args(%while3A_421 = %while3A_308) -> (i32)  : i32 {
        %mul3A_422 = arith.constant 16 : i32
        %mul3A_423 = arith.muli %while3A_420, %mul3A_422 : i32
        %get3A = arith.index_cast %mul3A_423 : i32 to index
        %get3A_424 = tpu.vector_load %arg8[%get3A] {strides = array<i32>} : memref<16416xi32, #tpu.memory_space<vmem>>, vector<16xi32>,
        %shift_right_arithmetic3A = arith.constant 14 : i32
        %shift_right_arithmetic3A_425 = vector.broadcast %shift_right_arithmetic3A : i32 to vector<16xi32>
        %shift_right_arithmetic3A_426 = arith.shrsi %get3A_424, %shift_right_arithmetic3A_425 : vector<16xi32>
        %sub3A_427 = vector.broadcast %mul3A_324 : i32 to vector<16xi32>
        %sub3A_428 = arith.subi %shift_right_arithmetic3A_426, %sub3A_427 : vector<16xi32>
        %jit3A_429 = arith.constant 0 : i32
        %jit3A_430 = arith.constant 1023 : i32
        %max3A = vector.broadcast %jit3A_429 : i32 to vector<16xi32>
        %max3A_431 = arith.maxsi %max3A, %sub3A_428 : vector<16xi32>
        %min3A = vector.broadcast %jit3A_430 : i32 to vector<16xi32>
        %min3A_432 = arith.minsi %min3A, %max3A_431 : vector<16xi32>
        %and3A_433 = arith.constant 16383 : i32
        %and3A_434 = vector.broadcast %and3A_433 : i32 to vector<16xi32>
        %and3A_435 = arith.andi %get3A_424, %and3A_434 : vector<16xi32>
        %mul3A_436 = arith.constant 16 : i32
        %mul3A_437 = arith.muli %while3A_420, %mul3A_436 : i32
        %add3A_438 = vector.broadcast %mul3A_437 : i32 to vector<16xi32>
        %add3A_439 = arith.addi %iota3A, %add3A_438 : vector<16xi32>
        %lt3A_440 = vector.broadcast %shift_right_logical3A_375 : i32 to vector<16xi32>
        %lt3A_441 = arith.cmpi slt, %add3A_439, %lt3A_440 : vector<16xi32>
        %jit3A_442 = arith.constant 1 : i32
        %jit3A_443 = arith.constant 0 : i32
        %broadcast_in_dim3A_444 = vector.broadcast %jit3A_442 : i32 to vector<16xi32>
        %broadcast_in_dim3A_445 = vector.broadcast %jit3A_443 : i32 to vector<16xi32>
        %select_n3A_446 = arith.select %lt3A_441, %broadcast_in_dim3A_444, %broadcast_in_dim3A_445 : vector<16xi1>, vector<16xi32>
        %broadcast_in_dim3A_447 = arith.constant true
        %broadcast_in_dim3A_448 = vector.broadcast %broadcast_in_dim3A_447 : i1 to vector<16xi1>
        %masked_cumsum3A = tpu.scan <sum>, %select_n3A_446 masked %broadcast_in_dim3A_448 : vector<16xi32>, vector<16xi1> -> vector<16xi32>
        %add3A_449 = vector.broadcast %while3A_421 : i32 to vector<16xi32>
        %add3A_450 = arith.addi %add3A_449, %masked_cumsum3A : vector<16xi32>
        %sub3A_451 = arith.constant 1 : i32
        %sub3A_452 = vector.broadcast %sub3A_451 : i32 to vector<16xi32>
        %sub3A_453 = arith.subi %add3A_450, %sub3A_452 : vector<16xi32>
        %jit3A_454 = arith.constant 128 : i32
        %broadcast_in_dim3A_455 = vector.broadcast %jit3A_454 : i32 to vector<16xi32>
        %select_n3A_456 = arith.select %lt3A_441, %sub3A_453, %broadcast_in_dim3A_455 : vector<16xi1>, vector<16xi32>
        %broadcast_in_dim3A_457 = arith.constant 0 : i32
        %broadcast_in_dim3A_458 = vector.broadcast %broadcast_in_dim3A_457 : i32 to vector<16xi32>
        %gather3A = tpu.vector_load_idx %arg10[%broadcast_in_dim3A_458, %min3A_432] : memref<32x1024xf32, #tpu.memory_space<vmem>>[vector<16xi32>, vector<16xi32>], vector<16xf32>,
        tpu.vector_store_idx %arg11[%select_n3A_456, %broadcast_in_dim3A_458], %gather3A : memref<129x128xf32, #tpu.memory_space<vmem>>[vector<16xi32>, vector<16xi32>], vector<16xf32>,
        %broadcast_in_dim3A_459 = arith.constant 1 : i32
        %broadcast_in_dim3A_460 = vector.broadcast %broadcast_in_dim3A_459 : i32 to vector<16xi32>
        %gather3A_461 = tpu.vector_load_idx %arg10[%broadcast_in_dim3A_460, %min3A_432] : memref<32x1024xf32, #tpu.memory_space<vmem>>[vector<16xi32>, vector<16xi32>], vector<16xf32>,
        tpu.vector_store_idx %arg11[%select_n3A_456, %broadcast_in_dim3A_460], %gather3A_461 : memref<129x128xf32, #tpu.memory_space<vmem>>[vector<16xi32>, vector<16xi32>], vector<16xf32>,
        %broadcast_in_dim3A_462 = arith.constant 2 : i32
        %broadcast_in_dim3A_463 = vector.broadcast %broadcast_in_dim3A_462 : i32 to vector<16xi32>
        %gather3A_464 = tpu.vector_load_idx %arg10[%broadcast_in_dim3A_463, %min3A_432] : memref<32x1024xf32, #tpu.memory_space<vmem>>[vector<16xi32>, vector<16xi32>], vector<16xf32>,
        tpu.vector_store_idx %arg11[%select_n3A_456, %broadcast_in_dim3A_463], %gather3A_464 : memref<129x128xf32, #tpu.memory_space<vmem>>[vector<16xi32>, vector<16xi32>], vector<16xf32>,
        %broadcast_in_dim3A_465 = arith.constant 3 : i32
        %broadcast_in_dim3A_466 = vector.broadcast %broadcast_in_dim3A_465 : i32 to vector<16xi32>
        %gather3A_467 = tpu.vector_load_idx %arg10[%broadcast_in_dim3A_466, %min3A_432] : memref<32x1024xf32, #tpu.memory_space<vmem>>[vector<16xi32>, vector<16xi32>], vector<16xf32>,
        tpu.vector_store_idx %arg11[%select_n3A_456, %broadcast_in_dim3A_466], %gather3A_467 : memref<129x128xf32, #tpu.memory_space<vmem>>[vector<16xi32>, vector<16xi32>], vector<16xf32>,
        %broadcast_in_dim3A_468 = arith.constant 4 : i32
        %broadcast_in_dim3A_469 = vector.broadcast %broadcast_in_dim3A_468 : i32 to vector<16xi32>
        %gather3A_470 = tpu.vector_load_idx %arg10[%broadcast_in_dim3A_469, %min3A_432] : memref<32x1024xf32, #tpu.memory_space<vmem>>[vector<16xi32>, vector<16xi32>], vector<16xf32>,
        tpu.vector_store_idx %arg11[%select_n3A_456, %broadcast_in_dim3A_469], %gather3A_470 : memref<129x128xf32, #tpu.memory_space<vmem>>[vector<16xi32>, vector<16xi32>], vector<16xf32>,
        %broadcast_in_dim3A_471 = arith.constant 5 : i32
        %broadcast_in_dim3A_472 = vector.broadcast %broadcast_in_dim3A_471 : i32 to vector<16xi32>
        %gather3A_473 = tpu.vector_load_idx %arg10[%broadcast_in_dim3A_472, %min3A_432] : memref<32x1024xf32, #tpu.memory_space<vmem>>[vector<16xi32>, vector<16xi32>], vector<16xf32>,
        tpu.vector_store_idx %arg11[%select_n3A_456, %broadcast_in_dim3A_472], %gather3A_473 : memref<129x128xf32, #tpu.memory_space<vmem>>[vector<16xi32>, vector<16xi32>], vector<16xf32>,
        %broadcast_in_dim3A_474 = arith.constant 6 : i32
        %broadcast_in_dim3A_475 = vector.broadcast %broadcast_in_dim3A_474 : i32 to vector<16xi32>
        %gather3A_476 = tpu.vector_load_idx %arg10[%broadcast_in_dim3A_475, %min3A_432] : memref<32x1024xf32, #tpu.memory_space<vmem>>[vector<16xi32>, vector<16xi32>], vector<16xf32>,
        tpu.vector_store_idx %arg11[%select_n3A_456, %broadcast_in_dim3A_475], %gather3A_476 : memref<129x128xf32, #tpu.memory_space<vmem>>[vector<16xi32>, vector<16xi32>], vector<16xf32>,
        %broadcast_in_dim3A_477 = arith.constant 7 : i32
        %broadcast_in_dim3A_478 = vector.broadcast %broadcast_in_dim3A_477 : i32 to vector<16xi32>
        %gather3A_479 = tpu.vector_load_idx %arg10[%broadcast_in_dim3A_478, %min3A_432] : memref<32x1024xf32, #tpu.memory_space<vmem>>[vector<16xi32>, vector<16xi32>], vector<16xf32>,
        tpu.vector_store_idx %arg11[%select_n3A_456, %broadcast_in_dim3A_478], %gather3A_479 : memref<129x128xf32, #tpu.memory_space<vmem>>[vector<16xi32>, vector<16xi32>], vector<16xf32>,
        %broadcast_in_dim3A_480 = arith.constant 8 : i32
        %broadcast_in_dim3A_481 = vector.broadcast %broadcast_in_dim3A_480 : i32 to vector<16xi32>
        %gather3A_482 = tpu.vector_load_idx %arg10[%broadcast_in_dim3A_481, %min3A_432] : memref<32x1024xf32, #tpu.memory_space<vmem>>[vector<16xi32>, vector<16xi32>], vector<16xf32>,
        tpu.vector_store_idx %arg11[%select_n3A_456, %broadcast_in_dim3A_481], %gather3A_482 : memref<129x128xf32, #tpu.memory_space<vmem>>[vector<16xi32>, vector<16xi32>], vector<16xf32>,
        %broadcast_in_dim3A_483 = arith.constant 9 : i32
        %broadcast_in_dim3A_484 = vector.broadcast %broadcast_in_dim3A_483 : i32 to vector<16xi32>
        %gather3A_485 = tpu.vector_load_idx %arg10[%broadcast_in_dim3A_484, %min3A_432] : memref<32x1024xf32, #tpu.memory_space<vmem>>[vector<16xi32>, vector<16xi32>], vector<16xf32>,
        tpu.vector_store_idx %arg11[%select_n3A_456, %broadcast_in_dim3A_484], %gather3A_485 : memref<129x128xf32, #tpu.memory_space<vmem>>[vector<16xi32>, vector<16xi32>], vector<16xf32>,
        %broadcast_in_dim3A_486 = arith.constant 10 : i32
        %broadcast_in_dim3A_487 = vector.broadcast %broadcast_in_dim3A_486 : i32 to vector<16xi32>
        %gather3A_488 = tpu.vector_load_idx %arg10[%broadcast_in_dim3A_487, %min3A_432] : memref<32x1024xf32, #tpu.memory_space<vmem>>[vector<16xi32>, vector<16xi32>], vector<16xf32>,
        tpu.vector_store_idx %arg11[%select_n3A_456, %broadcast_in_dim3A_487], %gather3A_488 : memref<129x128xf32, #tpu.memory_space<vmem>>[vector<16xi32>, vector<16xi32>], vector<16xf32>,
        %broadcast_in_dim3A_489 = arith.constant 11 : i32
        %broadcast_in_dim3A_490 = vector.broadcast %broadcast_in_dim3A_489 : i32 to vector<16xi32>
        %gather3A_491 = tpu.vector_load_idx %arg10[%broadcast_in_dim3A_490, %min3A_432] : memref<32x1024xf32, #tpu.memory_space<vmem>>[vector<16xi32>, vector<16xi32>], vector<16xf32>,
        tpu.vector_store_idx %arg11[%select_n3A_456, %broadcast_in_dim3A_490], %gather3A_491 : memref<129x128xf32, #tpu.memory_space<vmem>>[vector<16xi32>, vector<16xi32>], vector<16xf32>,
        %broadcast_in_dim3A_492 = arith.constant 12 : i32
        %broadcast_in_dim3A_493 = vector.broadcast %broadcast_in_dim3A_492 : i32 to vector<16xi32>
        %gather3A_494 = tpu.vector_load_idx %arg10[%broadcast_in_dim3A_493, %min3A_432] : memref<32x1024xf32, #tpu.memory_space<vmem>>[vector<16xi32>, vector<16xi32>], vector<16xf32>,
        tpu.vector_store_idx %arg11[%select_n3A_456, %broadcast_in_dim3A_493], %gather3A_494 : memref<129x128xf32, #tpu.memory_space<vmem>>[vector<16xi32>, vector<16xi32>], vector<16xf32>,
        %broadcast_in_dim3A_495 = arith.constant 13 : i32
        %broadcast_in_dim3A_496 = vector.broadcast %broadcast_in_dim3A_495 : i32 to vector<16xi32>
        %gather3A_497 = tpu.vector_load_idx %arg10[%broadcast_in_dim3A_496, %min3A_432] : memref<32x1024xf32, #tpu.memory_space<vmem>>[vector<16xi32>, vector<16xi32>], vector<16xf32>,
        tpu.vector_store_idx %arg11[%select_n3A_456, %broadcast_in_dim3A_496], %gather3A_497 : memref<129x128xf32, #tpu.memory_space<vmem>>[vector<16xi32>, vector<16xi32>], vector<16xf32>,
        %broadcast_in_dim3A_498 = arith.constant 14 : i32
        %broadcast_in_dim3A_499 = vector.broadcast %broadcast_in_dim3A_498 : i32 to vector<16xi32>
        %gather3A_500 = tpu.vector_load_idx %arg10[%broadcast_in_dim3A_499, %min3A_432] : memref<32x1024xf32, #tpu.memory_space<vmem>>[vector<16xi32>, vector<16xi32>], vector<16xf32>,
        tpu.vector_store_idx %arg11[%select_n3A_456, %broadcast_in_dim3A_499], %gather3A_500 : memref<129x128xf32, #tpu.memory_space<vmem>>[vector<16xi32>, vector<16xi32>], vector<16xf32>,
        %broadcast_in_dim3A_501 = arith.constant 15 : i32
        %broadcast_in_dim3A_502 = vector.broadcast %broadcast_in_dim3A_501 : i32 to vector<16xi32>
        %gather3A_503 = tpu.vector_load_idx %arg10[%broadcast_in_dim3A_502, %min3A_432] : memref<32x1024xf32, #tpu.memory_space<vmem>>[vector<16xi32>, vector<16xi32>], vector<16xf32>,
        tpu.vector_store_idx %arg11[%select_n3A_456, %broadcast_in_dim3A_502], %gather3A_503 : memref<129x128xf32, #tpu.memory_space<vmem>>[vector<16xi32>, vector<16xi32>], vector<16xf32>,
        %broadcast_in_dim3A_504 = arith.constant 16 : i32
        %broadcast_in_dim3A_505 = vector.broadcast %broadcast_in_dim3A_504 : i32 to vector<16xi32>
        %gather3A_506 = tpu.vector_load_idx %arg10[%broadcast_in_dim3A_505, %min3A_432] : memref<32x1024xf32, #tpu.memory_space<vmem>>[vector<16xi32>, vector<16xi32>], vector<16xf32>,
        tpu.vector_store_idx %arg11[%select_n3A_456, %broadcast_in_dim3A_505], %gather3A_506 : memref<129x128xf32, #tpu.memory_space<vmem>>[vector<16xi32>, vector<16xi32>], vector<16xf32>,
        %broadcast_in_dim3A_507 = arith.constant 17 : i32
        %broadcast_in_dim3A_508 = vector.broadcast %broadcast_in_dim3A_507 : i32 to vector<16xi32>
        %gather3A_509 = tpu.vector_load_idx %arg10[%broadcast_in_dim3A_508, %min3A_432] : memref<32x1024xf32, #tpu.memory_space<vmem>>[vector<16xi32>, vector<16xi32>], vector<16xf32>,
        tpu.vector_store_idx %arg11[%select_n3A_456, %broadcast_in_dim3A_508], %gather3A_509 : memref<129x128xf32, #tpu.memory_space<vmem>>[vector<16xi32>, vector<16xi32>], vector<16xf32>,
        %broadcast_in_dim3A_510 = arith.constant 18 : i32
        %broadcast_in_dim3A_511 = vector.broadcast %broadcast_in_dim3A_510 : i32 to vector<16xi32>
        %gather3A_512 = tpu.vector_load_idx %arg10[%broadcast_in_dim3A_511, %min3A_432] : memref<32x1024xf32, #tpu.memory_space<vmem>>[vector<16xi32>, vector<16xi32>], vector<16xf32>,
        tpu.vector_store_idx %arg11[%select_n3A_456, %broadcast_in_dim3A_511], %gather3A_512 : memref<129x128xf32, #tpu.memory_space<vmem>>[vector<16xi32>, vector<16xi32>], vector<16xf32>,
        %broadcast_in_dim3A_513 = arith.constant 19 : i32
        %broadcast_in_dim3A_514 = vector.broadcast %broadcast_in_dim3A_513 : i32 to vector<16xi32>
        %gather3A_515 = tpu.vector_load_idx %arg10[%broadcast_in_dim3A_514, %min3A_432] : memref<32x1024xf32, #tpu.memory_space<vmem>>[vector<16xi32>, vector<16xi32>], vector<16xf32>,
        tpu.vector_store_idx %arg11[%select_n3A_456, %broadcast_in_dim3A_514], %gather3A_515 : memref<129x128xf32, #tpu.memory_space<vmem>>[vector<16xi32>, vector<16xi32>], vector<16xf32>,
        %broadcast_in_dim3A_516 = arith.constant 20 : i32
        %broadcast_in_dim3A_517 = vector.broadcast %broadcast_in_dim3A_516 : i32 to vector<16xi32>
        %gather3A_518 = tpu.vector_load_idx %arg10[%broadcast_in_dim3A_517, %min3A_432] : memref<32x1024xf32, #tpu.memory_space<vmem>>[vector<16xi32>, vector<16xi32>], vector<16xf32>,
        tpu.vector_store_idx %arg11[%select_n3A_456, %broadcast_in_dim3A_517], %gather3A_518 : memref<129x128xf32, #tpu.memory_space<vmem>>[vector<16xi32>, vector<16xi32>], vector<16xf32>,
        %broadcast_in_dim3A_519 = arith.constant 21 : i32
        %broadcast_in_dim3A_520 = vector.broadcast %broadcast_in_dim3A_519 : i32 to vector<16xi32>
        %gather3A_521 = tpu.vector_load_idx %arg10[%broadcast_in_dim3A_520, %min3A_432] : memref<32x1024xf32, #tpu.memory_space<vmem>>[vector<16xi32>, vector<16xi32>], vector<16xf32>,
        tpu.vector_store_idx %arg11[%select_n3A_456, %broadcast_in_dim3A_520], %gather3A_521 : memref<129x128xf32, #tpu.memory_space<vmem>>[vector<16xi32>, vector<16xi32>], vector<16xf32>,
        %broadcast_in_dim3A_522 = arith.constant 22 : i32
        %broadcast_in_dim3A_523 = vector.broadcast %broadcast_in_dim3A_522 : i32 to vector<16xi32>
        %gather3A_524 = tpu.vector_load_idx %arg10[%broadcast_in_dim3A_523, %min3A_432] : memref<32x1024xf32, #tpu.memory_space<vmem>>[vector<16xi32>, vector<16xi32>], vector<16xf32>,
        tpu.vector_store_idx %arg11[%select_n3A_456, %broadcast_in_dim3A_523], %gather3A_524 : memref<129x128xf32, #tpu.memory_space<vmem>>[vector<16xi32>, vector<16xi32>], vector<16xf32>,
        %broadcast_in_dim3A_525 = arith.constant 23 : i32
        %broadcast_in_dim3A_526 = vector.broadcast %broadcast_in_dim3A_525 : i32 to vector<16xi32>
        %gather3A_527 = tpu.vector_load_idx %arg10[%broadcast_in_dim3A_526, %min3A_432] : memref<32x1024xf32, #tpu.memory_space<vmem>>[vector<16xi32>, vector<16xi32>], vector<16xf32>,
        tpu.vector_store_idx %arg11[%select_n3A_456, %broadcast_in_dim3A_526], %gather3A_527 : memref<129x128xf32, #tpu.memory_space<vmem>>[vector<16xi32>, vector<16xi32>], vector<16xf32>,
        %broadcast_in_dim3A_528 = arith.constant 24 : i32
        %broadcast_in_dim3A_529 = vector.broadcast %broadcast_in_dim3A_528 : i32 to vector<16xi32>
        %gather3A_530 = tpu.vector_load_idx %arg10[%broadcast_in_dim3A_529, %min3A_432] : memref<32x1024xf32, #tpu.memory_space<vmem>>[vector<16xi32>, vector<16xi32>], vector<16xf32>,
        tpu.vector_store_idx %arg11[%select_n3A_456, %broadcast_in_dim3A_529], %gather3A_530 : memref<129x128xf32, #tpu.memory_space<vmem>>[vector<16xi32>, vector<16xi32>], vector<16xf32>,
        %broadcast_in_dim3A_531 = arith.constant 25 : i32
        %broadcast_in_dim3A_532 = vector.broadcast %broadcast_in_dim3A_531 : i32 to vector<16xi32>
        %gather3A_533 = tpu.vector_load_idx %arg10[%broadcast_in_dim3A_532, %min3A_432] : memref<32x1024xf32, #tpu.memory_space<vmem>>[vector<16xi32>, vector<16xi32>], vector<16xf32>,
        tpu.vector_store_idx %arg11[%select_n3A_456, %broadcast_in_dim3A_532], %gather3A_533 : memref<129x128xf32, #tpu.memory_space<vmem>>[vector<16xi32>, vector<16xi32>], vector<16xf32>,
        %broadcast_in_dim3A_534 = arith.constant 26 : i32
        %broadcast_in_dim3A_535 = vector.broadcast %broadcast_in_dim3A_534 : i32 to vector<16xi32>
        %gather3A_536 = tpu.vector_load_idx %arg10[%broadcast_in_dim3A_535, %min3A_432] : memref<32x1024xf32, #tpu.memory_space<vmem>>[vector<16xi32>, vector<16xi32>], vector<16xf32>,
        tpu.vector_store_idx %arg11[%select_n3A_456, %broadcast_in_dim3A_535], %gather3A_536 : memref<129x128xf32, #tpu.memory_space<vmem>>[vector<16xi32>, vector<16xi32>], vector<16xf32>,
        %broadcast_in_dim3A_537 = arith.constant 27 : i32
        %broadcast_in_dim3A_538 = vector.broadcast %broadcast_in_dim3A_537 : i32 to vector<16xi32>
        %gather3A_539 = tpu.vector_load_idx %arg10[%broadcast_in_dim3A_538, %min3A_432] : memref<32x1024xf32, #tpu.memory_space<vmem>>[vector<16xi32>, vector<16xi32>], vector<16xf32>,
        tpu.vector_store_idx %arg11[%select_n3A_456, %broadcast_in_dim3A_538], %gather3A_539 : memref<129x128xf32, #tpu.memory_space<vmem>>[vector<16xi32>, vector<16xi32>], vector<16xf32>,
        %broadcast_in_dim3A_540 = arith.constant 28 : i32
        %broadcast_in_dim3A_541 = vector.broadcast %broadcast_in_dim3A_540 : i32 to vector<16xi32>
        %gather3A_542 = tpu.vector_load_idx %arg10[%broadcast_in_dim3A_541, %min3A_432] : memref<32x1024xf32, #tpu.memory_space<vmem>>[vector<16xi32>, vector<16xi32>], vector<16xf32>,
        tpu.vector_store_idx %arg11[%select_n3A_456, %broadcast_in_dim3A_541], %gather3A_542 : memref<129x128xf32, #tpu.memory_space<vmem>>[vector<16xi32>, vector<16xi32>], vector<16xf32>,
        %broadcast_in_dim3A_543 = arith.constant 29 : i32
        %broadcast_in_dim3A_544 = vector.broadcast %broadcast_in_dim3A_543 : i32 to vector<16xi32>
        %gather3A_545 = tpu.vector_load_idx %arg10[%broadcast_in_dim3A_544, %min3A_432] : memref<32x1024xf32, #tpu.memory_space<vmem>>[vector<16xi32>, vector<16xi32>], vector<16xf32>,
        tpu.vector_store_idx %arg11[%select_n3A_456, %broadcast_in_dim3A_544], %gather3A_545 : memref<129x128xf32, #tpu.memory_space<vmem>>[vector<16xi32>, vector<16xi32>], vector<16xf32>,
        %broadcast_in_dim3A_546 = arith.constant 30 : i32
        %broadcast_in_dim3A_547 = vector.broadcast %broadcast_in_dim3A_546 : i32 to vector<16xi32>
        %gather3A_548 = tpu.vector_load_idx %arg10[%broadcast_in_dim3A_547, %min3A_432] : memref<32x1024xf32, #tpu.memory_space<vmem>>[vector<16xi32>, vector<16xi32>], vector<16xf32>,
        tpu.vector_store_idx %arg11[%select_n3A_456, %broadcast_in_dim3A_547], %gather3A_548 : memref<129x128xf32, #tpu.memory_space<vmem>>[vector<16xi32>, vector<16xi32>], vector<16xf32>,
        %broadcast_in_dim3A_549 = arith.constant 31 : i32
        %broadcast_in_dim3A_550 = vector.broadcast %broadcast_in_dim3A_549 : i32 to vector<16xi32>
        %gather3A_551 = tpu.vector_load_idx %arg10[%broadcast_in_dim3A_550, %min3A_432] : memref<32x1024xf32, #tpu.memory_space<vmem>>[vector<16xi32>, vector<16xi32>], vector<16xf32>,
        tpu.vector_store_idx %arg11[%select_n3A_456, %broadcast_in_dim3A_550], %gather3A_551 : memref<129x128xf32, #tpu.memory_space<vmem>>[vector<16xi32>, vector<16xi32>], vector<16xf32>,
        tpu.vector_store_idx %arg12[%select_n3A_456], %and3A_435 : memref<144xi32, #tpu.memory_space<vmem>>[vector<16xi32>], vector<16xi32>,
        %reduce_sum3A_552 = arith.constant true
        %reduce_sum3A_553 = vector.broadcast %reduce_sum3A_552 : i1 to vector<16xi1>
        %reduce_sum3A_554 = tpu.scan <sum>, %select_n3A_446 masked %reduce_sum3A_553 : vector<16xi32>, vector<16xi1> -> vector<16xi32>
        %reduce_sum3A_555 = vector.extract %reduce_sum3A_554[15] : i32 from vector<16xi32>
        %add3A_556 = arith.addi %while3A_421, %reduce_sum3A_555 : i32
        %ge3A = arith.constant 112 : i32
        %ge3A_557 = arith.cmpi sge, %add3A_556, %ge3A : i32
        %convert_element_type3A_558 = arith.extui %ge3A_557 : i1 to i32
        %cond3A_559 = arith.constant 0 : i32
        %cond3A_560 = arith.cmpi ne, %convert_element_type3A_558, %cond3A_559 : i32
        scf.if %cond3A_560 {
          %dma_start3A_565 = arith.constant 0 : i32
          %dma_start3A_566 = arith.constant 0 : i32
          %dma_start3A_567 = tpu.memref_slice %arg11[%dma_start3A_565, %dma_start3A_566] : memref<129x128xf32, #tpu.memory_space<vmem>> -> memref<128x128xf32, #tpu.memory_space<vmem>>
          %dma_start3A_568 = arith.constant 0 : i32
          %dma_start3A_569 = tpu.memref_slice %arg12[%dma_start3A_568] : memref<144xi32, #tpu.memory_space<vmem>> -> memref<128xi32, #tpu.memory_space<vmem>>
          %dma_start3A_570 = arith.constant 0 : i32
          %dma_start3A_571 = arith.constant 0 : i32
          %dma_start3A_572 = tpu.memref_slice %arg5[%dma_start3A_570, %dma_start3A_571] : memref<16416x128xf32, #tpu.memory_space<hbm>> -> memref<16416x128xf32, #tpu.memory_space<hbm>>
          tpu.enqueue_indirect_dma source(%dma_start3A_567 : memref<128x128xf32, #tpu.memory_space<vmem>>) target(%dma_start3A_572 : memref<16416x128xf32, #tpu.memory_space<hbm>>) offsets(%dma_start3A_569 : memref<128xi32, #tpu.memory_space<vmem>>) semaphore(%arg15 : memref<!tpu.dma_semaphore, #tpu.memory_space<semaphore_mem>>)
          %dma_wait3A_573 = arith.constant 0 : i32
          %dma_wait3A_574 = arith.constant 0 : i32
          %dma_wait3A_575 = tpu.memref_slice %arg11[%dma_wait3A_573, %dma_wait3A_574] : memref<129x128xf32, #tpu.memory_space<vmem>> -> memref<128x128xf32, #tpu.memory_space<vmem>>
          %dma_wait3A_576 = arith.constant 0 : i32
          %dma_wait3A_577 = tpu.memref_slice %arg12[%dma_wait3A_576] : memref<144xi32, #tpu.memory_space<vmem>> -> memref<128xi32, #tpu.memory_space<vmem>>
          %dma_wait3A_578 = arith.constant 0 : i32
          %dma_wait3A_579 = arith.constant 0 : i32
          %dma_wait3A_580 = tpu.memref_slice %arg5[%dma_wait3A_578, %dma_wait3A_579] : memref<16416x128xf32, #tpu.memory_space<hbm>> -> memref<16416x128xf32, #tpu.memory_space<hbm>>
          tpu.wait_indirect_dma semaphore(%arg15 : memref<!tpu.dma_semaphore, #tpu.memory_space<semaphore_mem>>) src(%dma_wait3A_575 : memref<128x128xf32, #tpu.memory_space<vmem>>) dst(%dma_wait3A_580 : memref<16416x128xf32, #tpu.memory_space<hbm>>)
          %broadcast_in_dim3A_581 = vector.broadcast %add3A_7 : i32 to vector<16xi32>
          %swap3A_582 = arith.constant 0 : index
          %swap3A_583 = tpu.vector_load %arg12[%swap3A_582] {strides = array<i32>} : memref<144xi32, #tpu.memory_space<vmem>>, vector<16xi32>,
          tpu.vector_store %arg12[%swap3A_582], %broadcast_in_dim3A_581 {strides = array<i32>} : memref<144xi32, #tpu.memory_space<vmem>>, vector<16xi32>,
          %broadcast_in_dim3A_584 = vector.broadcast %add3A_7 : i32 to vector<16xi32>
          %swap3A_585 = arith.constant 16 : index
          %swap3A_586 = tpu.vector_load %arg12[%swap3A_585] {strides = array<i32>} : memref<144xi32, #tpu.memory_space<vmem>>, vector<16xi32>,
          tpu.vector_store %arg12[%swap3A_585], %broadcast_in_dim3A_584 {strides = array<i32>} : memref<144xi32, #tpu.memory_space<vmem>>, vector<16xi32>,
          %broadcast_in_dim3A_587 = vector.broadcast %add3A_7 : i32 to vector<16xi32>
          %swap3A_588 = arith.constant 32 : index
          %swap3A_589 = tpu.vector_load %arg12[%swap3A_588] {strides = array<i32>} : memref<144xi32, #tpu.memory_space<vmem>>, vector<16xi32>,
          tpu.vector_store %arg12[%swap3A_588], %broadcast_in_dim3A_587 {strides = array<i32>} : memref<144xi32, #tpu.memory_space<vmem>>, vector<16xi32>,
          %broadcast_in_dim3A_590 = vector.broadcast %add3A_7 : i32 to vector<16xi32>
          %swap3A_591 = arith.constant 48 : index
          %swap3A_592 = tpu.vector_load %arg12[%swap3A_591] {strides = array<i32>} : memref<144xi32, #tpu.memory_space<vmem>>, vector<16xi32>,
          tpu.vector_store %arg12[%swap3A_591], %broadcast_in_dim3A_590 {strides = array<i32>} : memref<144xi32, #tpu.memory_space<vmem>>, vector<16xi32>,
          %broadcast_in_dim3A_593 = vector.broadcast %add3A_7 : i32 to vector<16xi32>
          %swap3A_594 = arith.constant 64 : index
          %swap3A_595 = tpu.vector_load %arg12[%swap3A_594] {strides = array<i32>} : memref<144xi32, #tpu.memory_space<vmem>>, vector<16xi32>,
          tpu.vector_store %arg12[%swap3A_594], %broadcast_in_dim3A_593 {strides = array<i32>} : memref<144xi32, #tpu.memory_space<vmem>>, vector<16xi32>,
          %broadcast_in_dim3A_596 = vector.broadcast %add3A_7 : i32 to vector<16xi32>
          %swap3A_597 = arith.constant 80 : index
          %swap3A_598 = tpu.vector_load %arg12[%swap3A_597] {strides = array<i32>} : memref<144xi32, #tpu.memory_space<vmem>>, vector<16xi32>,
          tpu.vector_store %arg12[%swap3A_597], %broadcast_in_dim3A_596 {strides = array<i32>} : memref<144xi32, #tpu.memory_space<vmem>>, vector<16xi32>,
          %broadcast_in_dim3A_599 = vector.broadcast %add3A_7 : i32 to vector<16xi32>
          %swap3A_600 = arith.constant 96 : index
          %swap3A_601 = tpu.vector_load %arg12[%swap3A_600] {strides = array<i32>} : memref<144xi32, #tpu.memory_space<vmem>>, vector<16xi32>,
          tpu.vector_store %arg12[%swap3A_600], %broadcast_in_dim3A_599 {strides = array<i32>} : memref<144xi32, #tpu.memory_space<vmem>>, vector<16xi32>,
          %broadcast_in_dim3A_602 = vector.broadcast %add3A_7 : i32 to vector<16xi32>
          %swap3A_603 = arith.constant 112 : index
          %swap3A_604 = tpu.vector_load %arg12[%swap3A_603] {strides = array<i32>} : memref<144xi32, #tpu.memory_space<vmem>>, vector<16xi32>,
          tpu.vector_store %arg12[%swap3A_603], %broadcast_in_dim3A_602 {strides = array<i32>} : memref<144xi32, #tpu.memory_space<vmem>>, vector<16xi32>,
        } else {
        }
        %ge3A_561 = arith.constant 112 : i32
        %ge3A_562 = arith.cmpi sge, %add3A_556, %ge3A_561 : i32
        %jit3A_563 = arith.constant 0 : i32
        %select_n3A_564 = arith.select %ge3A_562, %jit3A_563, %add3A_556 : i32
        scf.yield %select_n3A_564 : i32
      }
      %while3A_411 = arith.constant 1 : i32
      %while3A_412 = scf.for %while3A_420 = %while3A_408 to %while3A_404 step %while3A_411 iter_args(%while3A_421 = %while3A_410) -> (i32)  : i32 {
        %mul3A_422 = arith.constant 16 : i32
        %mul3A_423 = arith.muli %while3A_420, %mul3A_422 : i32
        %get3A = arith.index_cast %mul3A_423 : i32 to index
        %get3A_424 = tpu.vector_load %arg8[%get3A] {strides = array<i32>} : memref<16416xi32, #tpu.memory_space<vmem>>, vector<16xi32>,
        %shift_right_arithmetic3A = arith.constant 14 : i32
        %shift_right_arithmetic3A_425 = vector.broadcast %shift_right_arithmetic3A : i32 to vector<16xi32>
        %shift_right_arithmetic3A_426 = arith.shrsi %get3A_424, %shift_right_arithmetic3A_425 : vector<16xi32>
        %sub3A_427 = vector.broadcast %mul3A_324 : i32 to vector<16xi32>
        %sub3A_428 = arith.subi %shift_right_arithmetic3A_426, %sub3A_427 : vector<16xi32>
        %jit3A_429 = arith.constant 0 : i32
        %jit3A_430 = arith.constant 1023 : i32
        %max3A = vector.broadcast %jit3A_429 : i32 to vector<16xi32>
        %max3A_431 = arith.maxsi %max3A, %sub3A_428 : vector<16xi32>
        %min3A = vector.broadcast %jit3A_430 : i32 to vector<16xi32>
        %min3A_432 = arith.minsi %min3A, %max3A_431 : vector<16xi32>
        %and3A_433 = arith.constant 16383 : i32
        %and3A_434 = vector.broadcast %and3A_433 : i32 to vector<16xi32>
        %and3A_435 = arith.andi %get3A_424, %and3A_434 : vector<16xi32>
        %mul3A_436 = arith.constant 16 : i32
        %mul3A_437 = arith.muli %while3A_420, %mul3A_436 : i32
        %add3A_438 = vector.broadcast %mul3A_437 : i32 to vector<16xi32>
        %add3A_439 = arith.addi %iota3A, %add3A_438 : vector<16xi32>
        %lt3A_440 = vector.broadcast %shift_right_logical3A_375 : i32 to vector<16xi32>
        %lt3A_441 = arith.cmpi slt, %add3A_439, %lt3A_440 : vector<16xi32>
        %jit3A_442 = arith.constant 1 : i32
        %jit3A_443 = arith.constant 0 : i32
        %broadcast_in_dim3A_444 = vector.broadcast %jit3A_442 : i32 to vector<16xi32>
        %broadcast_in_dim3A_445 = vector.broadcast %jit3A_443 : i32 to vector<16xi32>
        %select_n3A_446 = arith.select %lt3A_441, %broadcast_in_dim3A_444, %broadcast_in_dim3A_445 : vector<16xi1>, vector<16xi32>
        %broadcast_in_dim3A_447 = arith.constant true
        %broadcast_in_dim3A_448 = vector.broadcast %broadcast_in_dim3A_447 : i1 to vector<16xi1>
        %masked_cumsum3A = tpu.scan <sum>, %select_n3A_446 masked %broadcast_in_dim3A_448 : vector<16xi32>, vector<16xi1> -> vector<16xi32>
        %add3A_449 = vector.broadcast %while3A_421 : i32 to vector<16xi32>
        %add3A_450 = arith.addi %add3A_449, %masked_cumsum3A : vector<16xi32>
        %sub3A_451 = arith.constant 1 : i32
        %sub3A_452 = vector.broadcast %sub3A_451 : i32 to vector<16xi32>
        %sub3A_453 = arith.subi %add3A_450, %sub3A_452 : vector<16xi32>
        %jit3A_454 = arith.constant 128 : i32
        %broadcast_in_dim3A_455 = vector.broadcast %jit3A_454 : i32 to vector<16xi32>
        %select_n3A_456 = arith.select %lt3A_441, %sub3A_453, %broadcast_in_dim3A_455 : vector<16xi1>, vector<16xi32>
        %broadcast_in_dim3A_457 = arith.constant 0 : i32
        %broadcast_in_dim3A_458 = vector.broadcast %broadcast_in_dim3A_457 : i32 to vector<16xi32>
        %gather3A = tpu.vector_load_idx %arg10[%broadcast_in_dim3A_458, %min3A_432] : memref<32x1024xf32, #tpu.memory_space<vmem>>[vector<16xi32>, vector<16xi32>], vector<16xf32>,
        tpu.vector_store_idx %arg11[%select_n3A_456, %broadcast_in_dim3A_458], %gather3A : memref<129x128xf32, #tpu.memory_space<vmem>>[vector<16xi32>, vector<16xi32>], vector<16xf32>,
        %broadcast_in_dim3A_459 = arith.constant 1 : i32
        %broadcast_in_dim3A_460 = vector.broadcast %broadcast_in_dim3A_459 : i32 to vector<16xi32>
        %gather3A_461 = tpu.vector_load_idx %arg10[%broadcast_in_dim3A_460, %min3A_432] : memref<32x1024xf32, #tpu.memory_space<vmem>>[vector<16xi32>, vector<16xi32>], vector<16xf32>,
        tpu.vector_store_idx %arg11[%select_n3A_456, %broadcast_in_dim3A_460], %gather3A_461 : memref<129x128xf32, #tpu.memory_space<vmem>>[vector<16xi32>, vector<16xi32>], vector<16xf32>,
        %broadcast_in_dim3A_462 = arith.constant 2 : i32
        %broadcast_in_dim3A_463 = vector.broadcast %broadcast_in_dim3A_462 : i32 to vector<16xi32>
        %gather3A_464 = tpu.vector_load_idx %arg10[%broadcast_in_dim3A_463, %min3A_432] : memref<32x1024xf32, #tpu.memory_space<vmem>>[vector<16xi32>, vector<16xi32>], vector<16xf32>,
        tpu.vector_store_idx %arg11[%select_n3A_456, %broadcast_in_dim3A_463], %gather3A_464 : memref<129x128xf32, #tpu.memory_space<vmem>>[vector<16xi32>, vector<16xi32>], vector<16xf32>,
        %broadcast_in_dim3A_465 = arith.constant 3 : i32
        %broadcast_in_dim3A_466 = vector.broadcast %broadcast_in_dim3A_465 : i32 to vector<16xi32>
        %gather3A_467 = tpu.vector_load_idx %arg10[%broadcast_in_dim3A_466, %min3A_432] : memref<32x1024xf32, #tpu.memory_space<vmem>>[vector<16xi32>, vector<16xi32>], vector<16xf32>,
        tpu.vector_store_idx %arg11[%select_n3A_456, %broadcast_in_dim3A_466], %gather3A_467 : memref<129x128xf32, #tpu.memory_space<vmem>>[vector<16xi32>, vector<16xi32>], vector<16xf32>,
        %broadcast_in_dim3A_468 = arith.constant 4 : i32
        %broadcast_in_dim3A_469 = vector.broadcast %broadcast_in_dim3A_468 : i32 to vector<16xi32>
        %gather3A_470 = tpu.vector_load_idx %arg10[%broadcast_in_dim3A_469, %min3A_432] : memref<32x1024xf32, #tpu.memory_space<vmem>>[vector<16xi32>, vector<16xi32>], vector<16xf32>,
        tpu.vector_store_idx %arg11[%select_n3A_456, %broadcast_in_dim3A_469], %gather3A_470 : memref<129x128xf32, #tpu.memory_space<vmem>>[vector<16xi32>, vector<16xi32>], vector<16xf32>,
        %broadcast_in_dim3A_471 = arith.constant 5 : i32
        %broadcast_in_dim3A_472 = vector.broadcast %broadcast_in_dim3A_471 : i32 to vector<16xi32>
        %gather3A_473 = tpu.vector_load_idx %arg10[%broadcast_in_dim3A_472, %min3A_432] : memref<32x1024xf32, #tpu.memory_space<vmem>>[vector<16xi32>, vector<16xi32>], vector<16xf32>,
        tpu.vector_store_idx %arg11[%select_n3A_456, %broadcast_in_dim3A_472], %gather3A_473 : memref<129x128xf32, #tpu.memory_space<vmem>>[vector<16xi32>, vector<16xi32>], vector<16xf32>,
        %broadcast_in_dim3A_474 = arith.constant 6 : i32
        %broadcast_in_dim3A_475 = vector.broadcast %broadcast_in_dim3A_474 : i32 to vector<16xi32>
        %gather3A_476 = tpu.vector_load_idx %arg10[%broadcast_in_dim3A_475, %min3A_432] : memref<32x1024xf32, #tpu.memory_space<vmem>>[vector<16xi32>, vector<16xi32>], vector<16xf32>,
        tpu.vector_store_idx %arg11[%select_n3A_456, %broadcast_in_dim3A_475], %gather3A_476 : memref<129x128xf32, #tpu.memory_space<vmem>>[vector<16xi32>, vector<16xi32>], vector<16xf32>,
        %broadcast_in_dim3A_477 = arith.constant 7 : i32
        %broadcast_in_dim3A_478 = vector.broadcast %broadcast_in_dim3A_477 : i32 to vector<16xi32>
        %gather3A_479 = tpu.vector_load_idx %arg10[%broadcast_in_dim3A_478, %min3A_432] : memref<32x1024xf32, #tpu.memory_space<vmem>>[vector<16xi32>, vector<16xi32>], vector<16xf32>,
        tpu.vector_store_idx %arg11[%select_n3A_456, %broadcast_in_dim3A_478], %gather3A_479 : memref<129x128xf32, #tpu.memory_space<vmem>>[vector<16xi32>, vector<16xi32>], vector<16xf32>,
        %broadcast_in_dim3A_480 = arith.constant 8 : i32
        %broadcast_in_dim3A_481 = vector.broadcast %broadcast_in_dim3A_480 : i32 to vector<16xi32>
        %gather3A_482 = tpu.vector_load_idx %arg10[%broadcast_in_dim3A_481, %min3A_432] : memref<32x1024xf32, #tpu.memory_space<vmem>>[vector<16xi32>, vector<16xi32>], vector<16xf32>,
        tpu.vector_store_idx %arg11[%select_n3A_456, %broadcast_in_dim3A_481], %gather3A_482 : memref<129x128xf32, #tpu.memory_space<vmem>>[vector<16xi32>, vector<16xi32>], vector<16xf32>,
        %broadcast_in_dim3A_483 = arith.constant 9 : i32
        %broadcast_in_dim3A_484 = vector.broadcast %broadcast_in_dim3A_483 : i32 to vector<16xi32>
        %gather3A_485 = tpu.vector_load_idx %arg10[%broadcast_in_dim3A_484, %min3A_432] : memref<32x1024xf32, #tpu.memory_space<vmem>>[vector<16xi32>, vector<16xi32>], vector<16xf32>,
        tpu.vector_store_idx %arg11[%select_n3A_456, %broadcast_in_dim3A_484], %gather3A_485 : memref<129x128xf32, #tpu.memory_space<vmem>>[vector<16xi32>, vector<16xi32>], vector<16xf32>,
        %broadcast_in_dim3A_486 = arith.constant 10 : i32
        %broadcast_in_dim3A_487 = vector.broadcast %broadcast_in_dim3A_486 : i32 to vector<16xi32>
        %gather3A_488 = tpu.vector_load_idx %arg10[%broadcast_in_dim3A_487, %min3A_432] : memref<32x1024xf32, #tpu.memory_space<vmem>>[vector<16xi32>, vector<16xi32>], vector<16xf32>,
        tpu.vector_store_idx %arg11[%select_n3A_456, %broadcast_in_dim3A_487], %gather3A_488 : memref<129x128xf32, #tpu.memory_space<vmem>>[vector<16xi32>, vector<16xi32>], vector<16xf32>,
        %broadcast_in_dim3A_489 = arith.constant 11 : i32
        %broadcast_in_dim3A_490 = vector.broadcast %broadcast_in_dim3A_489 : i32 to vector<16xi32>
        %gather3A_491 = tpu.vector_load_idx %arg10[%broadcast_in_dim3A_490, %min3A_432] : memref<32x1024xf32, #tpu.memory_space<vmem>>[vector<16xi32>, vector<16xi32>], vector<16xf32>,
        tpu.vector_store_idx %arg11[%select_n3A_456, %broadcast_in_dim3A_490], %gather3A_491 : memref<129x128xf32, #tpu.memory_space<vmem>>[vector<16xi32>, vector<16xi32>], vector<16xf32>,
        %broadcast_in_dim3A_492 = arith.constant 12 : i32
        %broadcast_in_dim3A_493 = vector.broadcast %broadcast_in_dim3A_492 : i32 to vector<16xi32>
        %gather3A_494 = tpu.vector_load_idx %arg10[%broadcast_in_dim3A_493, %min3A_432] : memref<32x1024xf32, #tpu.memory_space<vmem>>[vector<16xi32>, vector<16xi32>], vector<16xf32>,
        tpu.vector_store_idx %arg11[%select_n3A_456, %broadcast_in_dim3A_493], %gather3A_494 : memref<129x128xf32, #tpu.memory_space<vmem>>[vector<16xi32>, vector<16xi32>], vector<16xf32>,
        %broadcast_in_dim3A_495 = arith.constant 13 : i32
        %broadcast_in_dim3A_496 = vector.broadcast %broadcast_in_dim3A_495 : i32 to vector<16xi32>
        %gather3A_497 = tpu.vector_load_idx %arg10[%broadcast_in_dim3A_496, %min3A_432] : memref<32x1024xf32, #tpu.memory_space<vmem>>[vector<16xi32>, vector<16xi32>], vector<16xf32>,
        tpu.vector_store_idx %arg11[%select_n3A_456, %broadcast_in_dim3A_496], %gather3A_497 : memref<129x128xf32, #tpu.memory_space<vmem>>[vector<16xi32>, vector<16xi32>], vector<16xf32>,
        %broadcast_in_dim3A_498 = arith.constant 14 : i32
        %broadcast_in_dim3A_499 = vector.broadcast %broadcast_in_dim3A_498 : i32 to vector<16xi32>
        %gather3A_500 = tpu.vector_load_idx %arg10[%broadcast_in_dim3A_499, %min3A_432] : memref<32x1024xf32, #tpu.memory_space<vmem>>[vector<16xi32>, vector<16xi32>], vector<16xf32>,
        tpu.vector_store_idx %arg11[%select_n3A_456, %broadcast_in_dim3A_499], %gather3A_500 : memref<129x128xf32, #tpu.memory_space<vmem>>[vector<16xi32>, vector<16xi32>], vector<16xf32>,
        %broadcast_in_dim3A_501 = arith.constant 15 : i32
        %broadcast_in_dim3A_502 = vector.broadcast %broadcast_in_dim3A_501 : i32 to vector<16xi32>
        %gather3A_503 = tpu.vector_load_idx %arg10[%broadcast_in_dim3A_502, %min3A_432] : memref<32x1024xf32, #tpu.memory_space<vmem>>[vector<16xi32>, vector<16xi32>], vector<16xf32>,
        tpu.vector_store_idx %arg11[%select_n3A_456, %broadcast_in_dim3A_502], %gather3A_503 : memref<129x128xf32, #tpu.memory_space<vmem>>[vector<16xi32>, vector<16xi32>], vector<16xf32>,
        %broadcast_in_dim3A_504 = arith.constant 16 : i32
        %broadcast_in_dim3A_505 = vector.broadcast %broadcast_in_dim3A_504 : i32 to vector<16xi32>
        %gather3A_506 = tpu.vector_load_idx %arg10[%broadcast_in_dim3A_505, %min3A_432] : memref<32x1024xf32, #tpu.memory_space<vmem>>[vector<16xi32>, vector<16xi32>], vector<16xf32>,
        tpu.vector_store_idx %arg11[%select_n3A_456, %broadcast_in_dim3A_505], %gather3A_506 : memref<129x128xf32, #tpu.memory_space<vmem>>[vector<16xi32>, vector<16xi32>], vector<16xf32>,
        %broadcast_in_dim3A_507 = arith.constant 17 : i32
        %broadcast_in_dim3A_508 = vector.broadcast %broadcast_in_dim3A_507 : i32 to vector<16xi32>
        %gather3A_509 = tpu.vector_load_idx %arg10[%broadcast_in_dim3A_508, %min3A_432] : memref<32x1024xf32, #tpu.memory_space<vmem>>[vector<16xi32>, vector<16xi32>], vector<16xf32>,
        tpu.vector_store_idx %arg11[%select_n3A_456, %broadcast_in_dim3A_508], %gather3A_509 : memref<129x128xf32, #tpu.memory_space<vmem>>[vector<16xi32>, vector<16xi32>], vector<16xf32>,
        %broadcast_in_dim3A_510 = arith.constant 18 : i32
        %broadcast_in_dim3A_511 = vector.broadcast %broadcast_in_dim3A_510 : i32 to vector<16xi32>
        %gather3A_512 = tpu.vector_load_idx %arg10[%broadcast_in_dim3A_511, %min3A_432] : memref<32x1024xf32, #tpu.memory_space<vmem>>[vector<16xi32>, vector<16xi32>], vector<16xf32>,
        tpu.vector_store_idx %arg11[%select_n3A_456, %broadcast_in_dim3A_511], %gather3A_512 : memref<129x128xf32, #tpu.memory_space<vmem>>[vector<16xi32>, vector<16xi32>], vector<16xf32>,
        %broadcast_in_dim3A_513 = arith.constant 19 : i32
        %broadcast_in_dim3A_514 = vector.broadcast %broadcast_in_dim3A_513 : i32 to vector<16xi32>
        %gather3A_515 = tpu.vector_load_idx %arg10[%broadcast_in_dim3A_514, %min3A_432] : memref<32x1024xf32, #tpu.memory_space<vmem>>[vector<16xi32>, vector<16xi32>], vector<16xf32>,
        tpu.vector_store_idx %arg11[%select_n3A_456, %broadcast_in_dim3A_514], %gather3A_515 : memref<129x128xf32, #tpu.memory_space<vmem>>[vector<16xi32>, vector<16xi32>], vector<16xf32>,
        %broadcast_in_dim3A_516 = arith.constant 20 : i32
        %broadcast_in_dim3A_517 = vector.broadcast %broadcast_in_dim3A_516 : i32 to vector<16xi32>
        %gather3A_518 = tpu.vector_load_idx %arg10[%broadcast_in_dim3A_517, %min3A_432] : memref<32x1024xf32, #tpu.memory_space<vmem>>[vector<16xi32>, vector<16xi32>], vector<16xf32>,
        tpu.vector_store_idx %arg11[%select_n3A_456, %broadcast_in_dim3A_517], %gather3A_518 : memref<129x128xf32, #tpu.memory_space<vmem>>[vector<16xi32>, vector<16xi32>], vector<16xf32>,
        %broadcast_in_dim3A_519 = arith.constant 21 : i32
        %broadcast_in_dim3A_520 = vector.broadcast %broadcast_in_dim3A_519 : i32 to vector<16xi32>
        %gather3A_521 = tpu.vector_load_idx %arg10[%broadcast_in_dim3A_520, %min3A_432] : memref<32x1024xf32, #tpu.memory_space<vmem>>[vector<16xi32>, vector<16xi32>], vector<16xf32>,
        tpu.vector_store_idx %arg11[%select_n3A_456, %broadcast_in_dim3A_520], %gather3A_521 : memref<129x128xf32, #tpu.memory_space<vmem>>[vector<16xi32>, vector<16xi32>], vector<16xf32>,
        %broadcast_in_dim3A_522 = arith.constant 22 : i32
        %broadcast_in_dim3A_523 = vector.broadcast %broadcast_in_dim3A_522 : i32 to vector<16xi32>
        %gather3A_524 = tpu.vector_load_idx %arg10[%broadcast_in_dim3A_523, %min3A_432] : memref<32x1024xf32, #tpu.memory_space<vmem>>[vector<16xi32>, vector<16xi32>], vector<16xf32>,
        tpu.vector_store_idx %arg11[%select_n3A_456, %broadcast_in_dim3A_523], %gather3A_524 : memref<129x128xf32, #tpu.memory_space<vmem>>[vector<16xi32>, vector<16xi32>], vector<16xf32>,
        %broadcast_in_dim3A_525 = arith.constant 23 : i32
        %broadcast_in_dim3A_526 = vector.broadcast %broadcast_in_dim3A_525 : i32 to vector<16xi32>
        %gather3A_527 = tpu.vector_load_idx %arg10[%broadcast_in_dim3A_526, %min3A_432] : memref<32x1024xf32, #tpu.memory_space<vmem>>[vector<16xi32>, vector<16xi32>], vector<16xf32>,
        tpu.vector_store_idx %arg11[%select_n3A_456, %broadcast_in_dim3A_526], %gather3A_527 : memref<129x128xf32, #tpu.memory_space<vmem>>[vector<16xi32>, vector<16xi32>], vector<16xf32>,
        %broadcast_in_dim3A_528 = arith.constant 24 : i32
        %broadcast_in_dim3A_529 = vector.broadcast %broadcast_in_dim3A_528 : i32 to vector<16xi32>
        %gather3A_530 = tpu.vector_load_idx %arg10[%broadcast_in_dim3A_529, %min3A_432] : memref<32x1024xf32, #tpu.memory_space<vmem>>[vector<16xi32>, vector<16xi32>], vector<16xf32>,
        tpu.vector_store_idx %arg11[%select_n3A_456, %broadcast_in_dim3A_529], %gather3A_530 : memref<129x128xf32, #tpu.memory_space<vmem>>[vector<16xi32>, vector<16xi32>], vector<16xf32>,
        %broadcast_in_dim3A_531 = arith.constant 25 : i32
        %broadcast_in_dim3A_532 = vector.broadcast %broadcast_in_dim3A_531 : i32 to vector<16xi32>
        %gather3A_533 = tpu.vector_load_idx %arg10[%broadcast_in_dim3A_532, %min3A_432] : memref<32x1024xf32, #tpu.memory_space<vmem>>[vector<16xi32>, vector<16xi32>], vector<16xf32>,
        tpu.vector_store_idx %arg11[%select_n3A_456, %broadcast_in_dim3A_532], %gather3A_533 : memref<129x128xf32, #tpu.memory_space<vmem>>[vector<16xi32>, vector<16xi32>], vector<16xf32>,
        %broadcast_in_dim3A_534 = arith.constant 26 : i32
        %broadcast_in_dim3A_535 = vector.broadcast %broadcast_in_dim3A_534 : i32 to vector<16xi32>
        %gather3A_536 = tpu.vector_load_idx %arg10[%broadcast_in_dim3A_535, %min3A_432] : memref<32x1024xf32, #tpu.memory_space<vmem>>[vector<16xi32>, vector<16xi32>], vector<16xf32>,
        tpu.vector_store_idx %arg11[%select_n3A_456, %broadcast_in_dim3A_535], %gather3A_536 : memref<129x128xf32, #tpu.memory_space<vmem>>[vector<16xi32>, vector<16xi32>], vector<16xf32>,
        %broadcast_in_dim3A_537 = arith.constant 27 : i32
        %broadcast_in_dim3A_538 = vector.broadcast %broadcast_in_dim3A_537 : i32 to vector<16xi32>
        %gather3A_539 = tpu.vector_load_idx %arg10[%broadcast_in_dim3A_538, %min3A_432] : memref<32x1024xf32, #tpu.memory_space<vmem>>[vector<16xi32>, vector<16xi32>], vector<16xf32>,
        tpu.vector_store_idx %arg11[%select_n3A_456, %broadcast_in_dim3A_538], %gather3A_539 : memref<129x128xf32, #tpu.memory_space<vmem>>[vector<16xi32>, vector<16xi32>], vector<16xf32>,
        %broadcast_in_dim3A_540 = arith.constant 28 : i32
        %broadcast_in_dim3A_541 = vector.broadcast %broadcast_in_dim3A_540 : i32 to vector<16xi32>
        %gather3A_542 = tpu.vector_load_idx %arg10[%broadcast_in_dim3A_541, %min3A_432] : memref<32x1024xf32, #tpu.memory_space<vmem>>[vector<16xi32>, vector<16xi32>], vector<16xf32>,
        tpu.vector_store_idx %arg11[%select_n3A_456, %broadcast_in_dim3A_541], %gather3A_542 : memref<129x128xf32, #tpu.memory_space<vmem>>[vector<16xi32>, vector<16xi32>], vector<16xf32>,
        %broadcast_in_dim3A_543 = arith.constant 29 : i32
        %broadcast_in_dim3A_544 = vector.broadcast %broadcast_in_dim3A_543 : i32 to vector<16xi32>
        %gather3A_545 = tpu.vector_load_idx %arg10[%broadcast_in_dim3A_544, %min3A_432] : memref<32x1024xf32, #tpu.memory_space<vmem>>[vector<16xi32>, vector<16xi32>], vector<16xf32>,
        tpu.vector_store_idx %arg11[%select_n3A_456, %broadcast_in_dim3A_544], %gather3A_545 : memref<129x128xf32, #tpu.memory_space<vmem>>[vector<16xi32>, vector<16xi32>], vector<16xf32>,
        %broadcast_in_dim3A_546 = arith.constant 30 : i32
        %broadcast_in_dim3A_547 = vector.broadcast %broadcast_in_dim3A_546 : i32 to vector<16xi32>
        %gather3A_548 = tpu.vector_load_idx %arg10[%broadcast_in_dim3A_547, %min3A_432] : memref<32x1024xf32, #tpu.memory_space<vmem>>[vector<16xi32>, vector<16xi32>], vector<16xf32>,
        tpu.vector_store_idx %arg11[%select_n3A_456, %broadcast_in_dim3A_547], %gather3A_548 : memref<129x128xf32, #tpu.memory_space<vmem>>[vector<16xi32>, vector<16xi32>], vector<16xf32>,
        %broadcast_in_dim3A_549 = arith.constant 31 : i32
        %broadcast_in_dim3A_550 = vector.broadcast %broadcast_in_dim3A_549 : i32 to vector<16xi32>
        %gather3A_551 = tpu.vector_load_idx %arg10[%broadcast_in_dim3A_550, %min3A_432] : memref<32x1024xf32, #tpu.memory_space<vmem>>[vector<16xi32>, vector<16xi32>], vector<16xf32>,
        tpu.vector_store_idx %arg11[%select_n3A_456, %broadcast_in_dim3A_550], %gather3A_551 : memref<129x128xf32, #tpu.memory_space<vmem>>[vector<16xi32>, vector<16xi32>], vector<16xf32>,
        tpu.vector_store_idx %arg12[%select_n3A_456], %and3A_435 : memref<144xi32, #tpu.memory_space<vmem>>[vector<16xi32>], vector<16xi32>,
        %reduce_sum3A_552 = arith.constant true
        %reduce_sum3A_553 = vector.broadcast %reduce_sum3A_552 : i1 to vector<16xi1>
        %reduce_sum3A_554 = tpu.scan <sum>, %select_n3A_446 masked %reduce_sum3A_553 : vector<16xi32>, vector<16xi1> -> vector<16xi32>
        %reduce_sum3A_555 = vector.extract %reduce_sum3A_554[15] : i32 from vector<16xi32>
        %add3A_556 = arith.addi %while3A_421, %reduce_sum3A_555 : i32
        %ge3A = arith.constant 112 : i32
        %ge3A_557 = arith.cmpi sge, %add3A_556, %ge3A : i32
        %convert_element_type3A_558 = arith.extui %ge3A_557 : i1 to i32
        %cond3A_559 = arith.constant 0 : i32
        %cond3A_560 = arith.cmpi ne, %convert_element_type3A_558, %cond3A_559 : i32
        scf.if %cond3A_560 {
          %dma_start3A_565 = arith.constant 0 : i32
          %dma_start3A_566 = arith.constant 0 : i32
          %dma_start3A_567 = tpu.memref_slice %arg11[%dma_start3A_565, %dma_start3A_566] : memref<129x128xf32, #tpu.memory_space<vmem>> -> memref<128x128xf32, #tpu.memory_space<vmem>>
          %dma_start3A_568 = arith.constant 0 : i32
          %dma_start3A_569 = tpu.memref_slice %arg12[%dma_start3A_568] : memref<144xi32, #tpu.memory_space<vmem>> -> memref<128xi32, #tpu.memory_space<vmem>>
          %dma_start3A_570 = arith.constant 0 : i32
          %dma_start3A_571 = arith.constant 0 : i32
          %dma_start3A_572 = tpu.memref_slice %arg5[%dma_start3A_570, %dma_start3A_571] : memref<16416x128xf32, #tpu.memory_space<hbm>> -> memref<16416x128xf32, #tpu.memory_space<hbm>>
          tpu.enqueue_indirect_dma source(%dma_start3A_567 : memref<128x128xf32, #tpu.memory_space<vmem>>) target(%dma_start3A_572 : memref<16416x128xf32, #tpu.memory_space<hbm>>) offsets(%dma_start3A_569 : memref<128xi32, #tpu.memory_space<vmem>>) semaphore(%arg15 : memref<!tpu.dma_semaphore, #tpu.memory_space<semaphore_mem>>)
          %dma_wait3A_573 = arith.constant 0 : i32
          %dma_wait3A_574 = arith.constant 0 : i32
          %dma_wait3A_575 = tpu.memref_slice %arg11[%dma_wait3A_573, %dma_wait3A_574] : memref<129x128xf32, #tpu.memory_space<vmem>> -> memref<128x128xf32, #tpu.memory_space<vmem>>
          %dma_wait3A_576 = arith.constant 0 : i32
          %dma_wait3A_577 = tpu.memref_slice %arg12[%dma_wait3A_576] : memref<144xi32, #tpu.memory_space<vmem>> -> memref<128xi32, #tpu.memory_space<vmem>>
          %dma_wait3A_578 = arith.constant 0 : i32
          %dma_wait3A_579 = arith.constant 0 : i32
          %dma_wait3A_580 = tpu.memref_slice %arg5[%dma_wait3A_578, %dma_wait3A_579] : memref<16416x128xf32, #tpu.memory_space<hbm>> -> memref<16416x128xf32, #tpu.memory_space<hbm>>
          tpu.wait_indirect_dma semaphore(%arg15 : memref<!tpu.dma_semaphore, #tpu.memory_space<semaphore_mem>>) src(%dma_wait3A_575 : memref<128x128xf32, #tpu.memory_space<vmem>>) dst(%dma_wait3A_580 : memref<16416x128xf32, #tpu.memory_space<hbm>>)
          %broadcast_in_dim3A_581 = vector.broadcast %add3A_7 : i32 to vector<16xi32>
          %swap3A_582 = arith.constant 0 : index
          %swap3A_583 = tpu.vector_load %arg12[%swap3A_582] {strides = array<i32>} : memref<144xi32, #tpu.memory_space<vmem>>, vector<16xi32>,
          tpu.vector_store %arg12[%swap3A_582], %broadcast_in_dim3A_581 {strides = array<i32>} : memref<144xi32, #tpu.memory_space<vmem>>, vector<16xi32>,
          %broadcast_in_dim3A_584 = vector.broadcast %add3A_7 : i32 to vector<16xi32>
          %swap3A_585 = arith.constant 16 : index
          %swap3A_586 = tpu.vector_load %arg12[%swap3A_585] {strides = array<i32>} : memref<144xi32, #tpu.memory_space<vmem>>, vector<16xi32>,
          tpu.vector_store %arg12[%swap3A_585], %broadcast_in_dim3A_584 {strides = array<i32>} : memref<144xi32, #tpu.memory_space<vmem>>, vector<16xi32>,
          %broadcast_in_dim3A_587 = vector.broadcast %add3A_7 : i32 to vector<16xi32>
          %swap3A_588 = arith.constant 32 : index
          %swap3A_589 = tpu.vector_load %arg12[%swap3A_588] {strides = array<i32>} : memref<144xi32, #tpu.memory_space<vmem>>, vector<16xi32>,
          tpu.vector_store %arg12[%swap3A_588], %broadcast_in_dim3A_587 {strides = array<i32>} : memref<144xi32, #tpu.memory_space<vmem>>, vector<16xi32>,
          %broadcast_in_dim3A_590 = vector.broadcast %add3A_7 : i32 to vector<16xi32>
          %swap3A_591 = arith.constant 48 : index
          %swap3A_592 = tpu.vector_load %arg12[%swap3A_591] {strides = array<i32>} : memref<144xi32, #tpu.memory_space<vmem>>, vector<16xi32>,
          tpu.vector_store %arg12[%swap3A_591], %broadcast_in_dim3A_590 {strides = array<i32>} : memref<144xi32, #tpu.memory_space<vmem>>, vector<16xi32>,
          %broadcast_in_dim3A_593 = vector.broadcast %add3A_7 : i32 to vector<16xi32>
          %swap3A_594 = arith.constant 64 : index
          %swap3A_595 = tpu.vector_load %arg12[%swap3A_594] {strides = array<i32>} : memref<144xi32, #tpu.memory_space<vmem>>, vector<16xi32>,
          tpu.vector_store %arg12[%swap3A_594], %broadcast_in_dim3A_593 {strides = array<i32>} : memref<144xi32, #tpu.memory_space<vmem>>, vector<16xi32>,
          %broadcast_in_dim3A_596 = vector.broadcast %add3A_7 : i32 to vector<16xi32>
          %swap3A_597 = arith.constant 80 : index
          %swap3A_598 = tpu.vector_load %arg12[%swap3A_597] {strides = array<i32>} : memref<144xi32, #tpu.memory_space<vmem>>, vector<16xi32>,
          tpu.vector_store %arg12[%swap3A_597], %broadcast_in_dim3A_596 {strides = array<i32>} : memref<144xi32, #tpu.memory_space<vmem>>, vector<16xi32>,
          %broadcast_in_dim3A_599 = vector.broadcast %add3A_7 : i32 to vector<16xi32>
          %swap3A_600 = arith.constant 96 : index
          %swap3A_601 = tpu.vector_load %arg12[%swap3A_600] {strides = array<i32>} : memref<144xi32, #tpu.memory_space<vmem>>, vector<16xi32>,
          tpu.vector_store %arg12[%swap3A_600], %broadcast_in_dim3A_599 {strides = array<i32>} : memref<144xi32, #tpu.memory_space<vmem>>, vector<16xi32>,
          %broadcast_in_dim3A_602 = vector.broadcast %add3A_7 : i32 to vector<16xi32>
          %swap3A_603 = arith.constant 112 : index
          %swap3A_604 = tpu.vector_load %arg12[%swap3A_603] {strides = array<i32>} : memref<144xi32, #tpu.memory_space<vmem>>, vector<16xi32>,
          tpu.vector_store %arg12[%swap3A_603], %broadcast_in_dim3A_602 {strides = array<i32>} : memref<144xi32, #tpu.memory_space<vmem>>, vector<16xi32>,
        } else {
        }
        %ge3A_561 = arith.constant 112 : i32
        %ge3A_562 = arith.cmpi sge, %add3A_556, %ge3A_561 : i32
        %jit3A_563 = arith.constant 0 : i32
        %select_n3A_564 = arith.select %ge3A_562, %jit3A_563, %add3A_556 : i32
        scf.yield %select_n3A_564 : i32
      }
      %add3A_413 = arith.constant 2 : i32
      %add3A_414 = arith.addi %add3A_211, %add3A_413 : i32
      %lt3A_415 = arith.constant 30 : i32
      %lt3A_416 = arith.cmpi slt, %add3A_414, %lt3A_415 : i32
      %convert_element_type3A_417 = arith.extui %lt3A_416 : i1 to i32
      %cond3A_418 = arith.constant 0 : i32
      %cond3A_419 = arith.cmpi ne, %convert_element_type3A_417, %cond3A_418 : i32
      scf.if %cond3A_419 {
        %add3A_420 = arith.constant 2 : i32
        %add3A_421 = arith.addi %add3A_211, %add3A_420 : i32
        %mul3A_422 = arith.constant 1024 : i32
        %mul3A_423 = arith.muli %add3A_421, %mul3A_422 : i32
        %add3A_424 = arith.addi %mul3A_2, %mul3A_423 : i32
        %multiple_of3A_425 = tpu.assume_multiple %add3A_424, 1024 : i32
        %dma_start3A_426 = arith.constant 0 : i32
        %dma_start3A_427 = tpu.memref_slice %arg3[%dma_start3A_426, %multiple_of3A_425] : memref<32x1000000xf32, #tpu.memory_space<hbm>> -> memref<32x1024xf32, #tpu.memory_space<hbm>>
        %dma_start3A_428 = arith.constant 0 : i32
        %dma_start3A_429 = tpu.memref_slice %arg3[%dma_start3A_428, %multiple_of3A_425] : memref<32x1000000xf32, #tpu.memory_space<hbm>> -> memref<32x1024xf32, #tpu.memory_space<hbm>>
        tpu.enqueue_dma source(%dma_start3A_429 : memref<32x1024xf32, #tpu.memory_space<hbm>>) target(%arg10 : memref<32x1024xf32, #tpu.memory_space<vmem>>) target_semaphore(%arg14 : memref<!tpu.dma_semaphore, #tpu.memory_space<semaphore_mem>>)
      } else {
      }
      scf.yield %while3A_412 : i32
    }
    %scan3A_89 = arith.constant 15 : i32
    %add3A_90 = arith.constant 30720 : i32
    %add3A_91 = arith.addi %mul3A_2, %add3A_90 : i32
    %multiple_of3A_92 = tpu.assume_multiple %add3A_91, 512 : i32
    %dma_start3A_93 = arith.constant 0 : i32
    %dma_start3A_94 = arith.constant 0 : i32
    %dma_start3A_95 = tpu.memref_slice %arg9[%dma_start3A_93, %dma_start3A_94] : memref<32x1024xf32, #tpu.memory_space<vmem>> -> memref<32x512xf32, #tpu.memory_space<vmem>>
    %dma_start3A_96 = arith.constant 0 : i32
    %dma_start3A_97 = tpu.memref_slice %arg3[%dma_start3A_96, %multiple_of3A_92] : memref<32x1000000xf32, #tpu.memory_space<hbm>> -> memref<32x512xf32, #tpu.memory_space<hbm>>
    %dma_start3A_98 = arith.constant 0 : i32
    %dma_start3A_99 = arith.constant 0 : i32
    %dma_start3A_100 = tpu.memref_slice %arg9[%dma_start3A_98, %dma_start3A_99] : memref<32x1024xf32, #tpu.memory_space<vmem>> -> memref<32x512xf32, #tpu.memory_space<vmem>>
    %dma_start3A_101 = arith.constant 0 : i32
    %dma_start3A_102 = tpu.memref_slice %arg3[%dma_start3A_101, %multiple_of3A_92] : memref<32x1000000xf32, #tpu.memory_space<hbm>> -> memref<32x512xf32, #tpu.memory_space<hbm>>
    tpu.enqueue_dma source(%dma_start3A_102 : memref<32x512xf32, #tpu.memory_space<hbm>>) target(%dma_start3A_100 : memref<32x512xf32, #tpu.memory_space<vmem>>) target_semaphore(%arg13 : memref<!tpu.dma_semaphore, #tpu.memory_space<semaphore_mem>>)
    %add3A_103 = arith.constant 30720 : i32
    %add3A_104 = arith.addi %mul3A_2, %add3A_103 : i32
    %multiple_of3A_105 = tpu.assume_multiple %add3A_104, 512 : i32
    %dma_wait3A = arith.constant 0 : i32
    %dma_wait3A_106 = arith.constant 0 : i32
    %dma_wait3A_107 = tpu.memref_slice %arg9[%dma_wait3A, %dma_wait3A_106] : memref<32x1024xf32, #tpu.memory_space<vmem>> -> memref<32x512xf32, #tpu.memory_space<vmem>>
    %dma_wait3A_108 = arith.constant 0 : i32
    %dma_wait3A_109 = tpu.memref_slice %arg3[%dma_wait3A_108, %multiple_of3A_105] : memref<32x1000000xf32, #tpu.memory_space<hbm>> -> memref<32x512xf32, #tpu.memory_space<hbm>>
    %dma_wait3A_110 = arith.constant 0 : i32
    %dma_wait3A_111 = arith.constant 0 : i32
    %dma_wait3A_112 = tpu.memref_slice %arg9[%dma_wait3A_110, %dma_wait3A_111] : memref<32x1024xf32, #tpu.memory_space<vmem>> -> memref<32x512xf32, #tpu.memory_space<vmem>>
    %dma_wait3A_113 = arith.constant 0 : i32
    %dma_wait3A_114 = tpu.memref_slice %arg3[%dma_wait3A_113, %multiple_of3A_105] : memref<32x1000000xf32, #tpu.memory_space<hbm>> -> memref<32x512xf32, #tpu.memory_space<hbm>>
    tpu.wait_dma2 semaphore(%arg13 : memref<!tpu.dma_semaphore, #tpu.memory_space<semaphore_mem>>) src(%dma_wait3A_114 : memref<32x512xf32, #tpu.memory_space<hbm>>) dst(%dma_wait3A_112 : memref<32x512xf32, #tpu.memory_space<vmem>>)
    %add3A_115 = arith.constant 1 : i32
    %add3A_116 = arith.addi %select_n3A_58, %add3A_115 : i32
    %jit3A_117 = arith.constant 2 : i32
    %div3A_118 = arith.divsi %add3A_116, %jit3A_117 : i32
    %sign3A_119 = arith.constant 0 : i32
    %sign3A_120 = arith.cmpi sgt, %add3A_116, %sign3A_119 : i32
    %sign3A_121 = arith.extui %sign3A_120 : i1 to i32
    %sign3A_122 = arith.constant 0 : i32
    %sign3A_123 = arith.cmpi slt, %add3A_116, %sign3A_122 : i32
    %sign3A_124 = arith.extui %sign3A_123 : i1 to i32
    %sign3A_125 = arith.subi %sign3A_121, %sign3A_124 : i32
    %sign3A_126 = arith.constant 0 : i32
    %sign3A_127 = arith.cmpi sgt, %jit3A_117, %sign3A_126 : i32
    %sign3A_128 = arith.extui %sign3A_127 : i1 to i32
    %sign3A_129 = arith.constant 0 : i32
    %sign3A_130 = arith.cmpi slt, %jit3A_117, %sign3A_129 : i32
    %sign3A_131 = arith.extui %sign3A_130 : i1 to i32
    %sign3A_132 = arith.subi %sign3A_128, %sign3A_131 : i32
    %ne3A_133 = arith.cmpi ne, %sign3A_125, %sign3A_132 : i32
    %rem3A_134 = arith.remsi %add3A_116, %jit3A_117 : i32
    %ne3A_135 = arith.constant 0 : i32
    %ne3A_136 = arith.cmpi ne, %rem3A_134, %ne3A_135 : i32
    %and3A_137 = arith.andi %ne3A_133, %ne3A_136 : i1
    %sub3A_138 = arith.constant 1 : i32
    %sub3A_139 = arith.subi %div3A_118, %sub3A_138 : i32
    %select_n3A_140 = arith.select %and3A_137, %sub3A_139, %div3A_118 : i32
    %broadcast_in_dim3A_141 = arith.constant 0 : i32
    %broadcast_in_dim3A_142 = vector.broadcast %broadcast_in_dim3A_141 : i32 to vector<16xi32>
    %while3A = arith.constant 0 : i32
    %while3A_143 = arith.subi %select_n3A_140, %while3A : i32
    %while3A_144 = arith.addi %while3A, %while3A_143 : i32
    %while3A_145 = arith.constant 1 : i32
    %while3A_146 = arith.divsi %while3A_143, %while3A_145 : i32
    %while3A_147 = arith.muli %while3A_146, %while3A_145 : i32
    %while3A_148 = arith.addi %while3A, %while3A_147 : i32
    %while3A_149 = arith.constant 1 : i32
    %while3A_150 = scf.for %while3A_204 = %while3A to %while3A_148 step %while3A_149 iter_args(%while3A_205 = %broadcast_in_dim3A_142) -> (vector<16xi32>)  : i32 {
      %mul3A_206 = arith.constant 2 : i32
      %mul3A_207 = arith.muli %mul3A_206, %while3A_204 : i32
      %mul3A_208 = arith.constant 16 : i32
      %mul3A_209 = arith.muli %mul3A_207, %mul3A_208 : i32
      %get3A = arith.index_cast %mul3A_209 : i32 to index
      %get3A_210 = tpu.vector_load %arg7[%get3A] {strides = array<i32>} : memref<16416xi32, #tpu.memory_space<vmem>>, vector<16xi32>,
      %ge3A = arith.constant 503316480 : i32
      %ge3A_211 = vector.broadcast %ge3A : i32 to vector<16xi32>
      %ge3A_212 = arith.cmpi sge, %get3A_210, %ge3A_211 : vector<16xi32>
      %lt3A = arith.constant 511705088 : i32
      %lt3A_213 = vector.broadcast %lt3A : i32 to vector<16xi32>
      %lt3A_214 = arith.cmpi slt, %get3A_210, %lt3A_213 : vector<16xi32>
      %and3A_215 = arith.andi %ge3A_212, %lt3A_214 : vector<16xi1>
      %jit3A_216 = arith.constant 1 : i32
      %jit3A_217 = arith.constant 0 : i32
      %broadcast_in_dim3A_218 = vector.broadcast %jit3A_216 : i32 to vector<16xi32>
      %broadcast_in_dim3A_219 = vector.broadcast %jit3A_217 : i32 to vector<16xi32>
      %select_n3A_220 = arith.select %and3A_215, %broadcast_in_dim3A_218, %broadcast_in_dim3A_219 : vector<16xi1>, vector<16xi32>
      %broadcast_in_dim3A_221 = arith.constant true
      %broadcast_in_dim3A_222 = vector.broadcast %broadcast_in_dim3A_221 : i1 to vector<16xi1>
      %masked_cumsum3A = tpu.scan <sum>, %select_n3A_220 masked %broadcast_in_dim3A_222 : vector<16xi32>, vector<16xi1> -> vector<16xi32>
      %add3A_223 = arith.addi %while3A_205, %masked_cumsum3A : vector<16xi32>
      %sub3A_224 = arith.constant 1 : i32
      %sub3A_225 = vector.broadcast %sub3A_224 : i32 to vector<16xi32>
      %sub3A_226 = arith.subi %add3A_223, %sub3A_225 : vector<16xi32>
      %jit3A_227 = arith.constant 16400 : i32
      %broadcast_in_dim3A_228 = vector.broadcast %jit3A_227 : i32 to vector<16xi32>
      %select_n3A_229 = arith.select %and3A_215, %sub3A_226, %broadcast_in_dim3A_228 : vector<16xi1>, vector<16xi32>
      tpu.vector_store_idx %arg8[%select_n3A_229], %get3A_210 : memref<16416xi32, #tpu.memory_space<vmem>>[vector<16xi32>], vector<16xi32>,
      %all_reduce_population_count3A = tpu.all_reduce %and3A_215 {dim = 0 : i64, kind = #tpu.reduction_kind<sum>} : vector<16xi1> -> vector<16xi32>
      %add3A_230 = arith.addi %while3A_205, %all_reduce_population_count3A : vector<16xi32>
      %mul3A_231 = arith.constant 2 : i32
      %mul3A_232 = arith.muli %mul3A_231, %while3A_204 : i32
      %add3A_233 = arith.constant 1 : i32
      %add3A_234 = arith.addi %mul3A_232, %add3A_233 : i32
      %mul3A_235 = arith.constant 16 : i32
      %mul3A_236 = arith.muli %add3A_234, %mul3A_235 : i32
      %get3A_237 = arith.index_cast %mul3A_236 : i32 to index
      %get3A_238 = tpu.vector_load %arg7[%get3A_237] {strides = array<i32>} : memref<16416xi32, #tpu.memory_space<vmem>>, vector<16xi32>,
      %ge3A_239 = arith.constant 503316480 : i32
      %ge3A_240 = vector.broadcast %ge3A_239 : i32 to vector<16xi32>
      %ge3A_241 = arith.cmpi sge, %get3A_238, %ge3A_240 : vector<16xi32>
      %lt3A_242 = arith.constant 511705088 : i32
      %lt3A_243 = vector.broadcast %lt3A_242 : i32 to vector<16xi32>
      %lt3A_244 = arith.cmpi slt, %get3A_238, %lt3A_243 : vector<16xi32>
      %and3A_245 = arith.andi %ge3A_241, %lt3A_244 : vector<16xi1>
      %jit3A_246 = arith.constant 1 : i32
      %jit3A_247 = arith.constant 0 : i32
      %broadcast_in_dim3A_248 = vector.broadcast %jit3A_246 : i32 to vector<16xi32>
      %broadcast_in_dim3A_249 = vector.broadcast %jit3A_247 : i32 to vector<16xi32>
      %select_n3A_250 = arith.select %and3A_245, %broadcast_in_dim3A_248, %broadcast_in_dim3A_249 : vector<16xi1>, vector<16xi32>
      %broadcast_in_dim3A_251 = arith.constant true
      %broadcast_in_dim3A_252 = vector.broadcast %broadcast_in_dim3A_251 : i1 to vector<16xi1>
      %masked_cumsum3A_253 = tpu.scan <sum>, %select_n3A_250 masked %broadcast_in_dim3A_252 : vector<16xi32>, vector<16xi1> -> vector<16xi32>
      %add3A_254 = arith.addi %add3A_230, %masked_cumsum3A_253 : vector<16xi32>
      %sub3A_255 = arith.constant 1 : i32
      %sub3A_256 = vector.broadcast %sub3A_255 : i32 to vector<16xi32>
      %sub3A_257 = arith.subi %add3A_254, %sub3A_256 : vector<16xi32>
      %jit3A_258 = arith.constant 16400 : i32
      %broadcast_in_dim3A_259 = vector.broadcast %jit3A_258 : i32 to vector<16xi32>
      %select_n3A_260 = arith.select %and3A_245, %sub3A_257, %broadcast_in_dim3A_259 : vector<16xi1>, vector<16xi32>
      tpu.vector_store_idx %arg8[%select_n3A_260], %get3A_238 : memref<16416xi32, #tpu.memory_space<vmem>>[vector<16xi32>], vector<16xi32>,
      %all_reduce_population_count3A_261 = tpu.all_reduce %and3A_245 {dim = 0 : i64, kind = #tpu.reduction_kind<sum>} : vector<16xi1> -> vector<16xi32>
      %add3A_262 = arith.addi %add3A_230, %all_reduce_population_count3A_261 : vector<16xi32>
      scf.yield %add3A_262 : vector<16xi32>
    }
    %while3A_151 = arith.constant 1 : i32
    %while3A_152 = scf.for %while3A_204 = %while3A_148 to %while3A_144 step %while3A_151 iter_args(%while3A_205 = %while3A_150) -> (vector<16xi32>)  : i32 {
      %mul3A_206 = arith.constant 2 : i32
      %mul3A_207 = arith.muli %mul3A_206, %while3A_204 : i32
      %mul3A_208 = arith.constant 16 : i32
      %mul3A_209 = arith.muli %mul3A_207, %mul3A_208 : i32
      %get3A = arith.index_cast %mul3A_209 : i32 to index
      %get3A_210 = tpu.vector_load %arg7[%get3A] {strides = array<i32>} : memref<16416xi32, #tpu.memory_space<vmem>>, vector<16xi32>,
      %ge3A = arith.constant 503316480 : i32
      %ge3A_211 = vector.broadcast %ge3A : i32 to vector<16xi32>
      %ge3A_212 = arith.cmpi sge, %get3A_210, %ge3A_211 : vector<16xi32>
      %lt3A = arith.constant 511705088 : i32
      %lt3A_213 = vector.broadcast %lt3A : i32 to vector<16xi32>
      %lt3A_214 = arith.cmpi slt, %get3A_210, %lt3A_213 : vector<16xi32>
      %and3A_215 = arith.andi %ge3A_212, %lt3A_214 : vector<16xi1>
      %jit3A_216 = arith.constant 1 : i32
      %jit3A_217 = arith.constant 0 : i32
      %broadcast_in_dim3A_218 = vector.broadcast %jit3A_216 : i32 to vector<16xi32>
      %broadcast_in_dim3A_219 = vector.broadcast %jit3A_217 : i32 to vector<16xi32>
      %select_n3A_220 = arith.select %and3A_215, %broadcast_in_dim3A_218, %broadcast_in_dim3A_219 : vector<16xi1>, vector<16xi32>
      %broadcast_in_dim3A_221 = arith.constant true
      %broadcast_in_dim3A_222 = vector.broadcast %broadcast_in_dim3A_221 : i1 to vector<16xi1>
      %masked_cumsum3A = tpu.scan <sum>, %select_n3A_220 masked %broadcast_in_dim3A_222 : vector<16xi32>, vector<16xi1> -> vector<16xi32>
      %add3A_223 = arith.addi %while3A_205, %masked_cumsum3A : vector<16xi32>
      %sub3A_224 = arith.constant 1 : i32
      %sub3A_225 = vector.broadcast %sub3A_224 : i32 to vector<16xi32>
      %sub3A_226 = arith.subi %add3A_223, %sub3A_225 : vector<16xi32>
      %jit3A_227 = arith.constant 16400 : i32
      %broadcast_in_dim3A_228 = vector.broadcast %jit3A_227 : i32 to vector<16xi32>
      %select_n3A_229 = arith.select %and3A_215, %sub3A_226, %broadcast_in_dim3A_228 : vector<16xi1>, vector<16xi32>
      tpu.vector_store_idx %arg8[%select_n3A_229], %get3A_210 : memref<16416xi32, #tpu.memory_space<vmem>>[vector<16xi32>], vector<16xi32>,
      %all_reduce_population_count3A = tpu.all_reduce %and3A_215 {dim = 0 : i64, kind = #tpu.reduction_kind<sum>} : vector<16xi1> -> vector<16xi32>
      %add3A_230 = arith.addi %while3A_205, %all_reduce_population_count3A : vector<16xi32>
      %mul3A_231 = arith.constant 2 : i32
      %mul3A_232 = arith.muli %mul3A_231, %while3A_204 : i32
      %add3A_233 = arith.constant 1 : i32
      %add3A_234 = arith.addi %mul3A_232, %add3A_233 : i32
      %mul3A_235 = arith.constant 16 : i32
      %mul3A_236 = arith.muli %add3A_234, %mul3A_235 : i32
      %get3A_237 = arith.index_cast %mul3A_236 : i32 to index
      %get3A_238 = tpu.vector_load %arg7[%get3A_237] {strides = array<i32>} : memref<16416xi32, #tpu.memory_space<vmem>>, vector<16xi32>,
      %ge3A_239 = arith.constant 503316480 : i32
      %ge3A_240 = vector.broadcast %ge3A_239 : i32 to vector<16xi32>
      %ge3A_241 = arith.cmpi sge, %get3A_238, %ge3A_240 : vector<16xi32>
      %lt3A_242 = arith.constant 511705088 : i32
      %lt3A_243 = vector.broadcast %lt3A_242 : i32 to vector<16xi32>
      %lt3A_244 = arith.cmpi slt, %get3A_238, %lt3A_243 : vector<16xi32>
      %and3A_245 = arith.andi %ge3A_241, %lt3A_244 : vector<16xi1>
      %jit3A_246 = arith.constant 1 : i32
      %jit3A_247 = arith.constant 0 : i32
      %broadcast_in_dim3A_248 = vector.broadcast %jit3A_246 : i32 to vector<16xi32>
      %broadcast_in_dim3A_249 = vector.broadcast %jit3A_247 : i32 to vector<16xi32>
      %select_n3A_250 = arith.select %and3A_245, %broadcast_in_dim3A_248, %broadcast_in_dim3A_249 : vector<16xi1>, vector<16xi32>
      %broadcast_in_dim3A_251 = arith.constant true
      %broadcast_in_dim3A_252 = vector.broadcast %broadcast_in_dim3A_251 : i1 to vector<16xi1>
      %masked_cumsum3A_253 = tpu.scan <sum>, %select_n3A_250 masked %broadcast_in_dim3A_252 : vector<16xi32>, vector<16xi1> -> vector<16xi32>
      %add3A_254 = arith.addi %add3A_230, %masked_cumsum3A_253 : vector<16xi32>
      %sub3A_255 = arith.constant 1 : i32
      %sub3A_256 = vector.broadcast %sub3A_255 : i32 to vector<16xi32>
      %sub3A_257 = arith.subi %add3A_254, %sub3A_256 : vector<16xi32>
      %jit3A_258 = arith.constant 16400 : i32
      %broadcast_in_dim3A_259 = vector.broadcast %jit3A_258 : i32 to vector<16xi32>
      %select_n3A_260 = arith.select %and3A_245, %sub3A_257, %broadcast_in_dim3A_259 : vector<16xi1>, vector<16xi32>
      tpu.vector_store_idx %arg8[%select_n3A_260], %get3A_238 : memref<16416xi32, #tpu.memory_space<vmem>>[vector<16xi32>], vector<16xi32>,
      %all_reduce_population_count3A_261 = tpu.all_reduce %and3A_245 {dim = 0 : i64, kind = #tpu.reduction_kind<sum>} : vector<16xi1> -> vector<16xi32>
      %add3A_262 = arith.addi %add3A_230, %all_reduce_population_count3A_261 : vector<16xi32>
      scf.yield %add3A_262 : vector<16xi32>
    }
    %reduce_sum3A_153 = arith.constant true
    %reduce_sum3A_154 = vector.broadcast %reduce_sum3A_153 : i1 to vector<16xi1>
    %reduce_sum3A_155 = tpu.scan <sum>, %while3A_152 masked %reduce_sum3A_154 : vector<16xi32>, vector<16xi1> -> vector<16xi32>
    %reduce_sum3A_156 = vector.extract %reduce_sum3A_155[15] : i32 from vector<16xi32>
    %shift_right_logical3A_157 = arith.constant 4 : i32
    %shift_right_logical3A_158 = arith.shrui %reduce_sum3A_156, %shift_right_logical3A_157 : i32
    %add3A_159 = arith.constant 15 : i32
    %add3A_160 = arith.addi %shift_right_logical3A_158, %add3A_159 : i32
    %jit3A_161 = arith.constant 16 : i32
    %div3A_162 = arith.divsi %add3A_160, %jit3A_161 : i32
    %sign3A_163 = arith.constant 0 : i32
    %sign3A_164 = arith.cmpi sgt, %add3A_160, %sign3A_163 : i32
    %sign3A_165 = arith.extui %sign3A_164 : i1 to i32
    %sign3A_166 = arith.constant 0 : i32
    %sign3A_167 = arith.cmpi slt, %add3A_160, %sign3A_166 : i32
    %sign3A_168 = arith.extui %sign3A_167 : i1 to i32
    %sign3A_169 = arith.subi %sign3A_165, %sign3A_168 : i32
    %sign3A_170 = arith.constant 0 : i32
    %sign3A_171 = arith.cmpi sgt, %jit3A_161, %sign3A_170 : i32
    %sign3A_172 = arith.extui %sign3A_171 : i1 to i32
    %sign3A_173 = arith.constant 0 : i32
    %sign3A_174 = arith.cmpi slt, %jit3A_161, %sign3A_173 : i32
    %sign3A_175 = arith.extui %sign3A_174 : i1 to i32
    %sign3A_176 = arith.subi %sign3A_172, %sign3A_175 : i32
    %ne3A_177 = arith.cmpi ne, %sign3A_169, %sign3A_176 : i32
    %rem3A_178 = arith.remsi %add3A_160, %jit3A_161 : i32
    %ne3A_179 = arith.constant 0 : i32
    %ne3A_180 = arith.cmpi ne, %rem3A_178, %ne3A_179 : i32
    %and3A_181 = arith.andi %ne3A_177, %ne3A_180 : i1
    %sub3A_182 = arith.constant 1 : i32
    %sub3A_183 = arith.subi %div3A_162, %sub3A_182 : i32
    %select_n3A_184 = arith.select %and3A_181, %sub3A_183, %div3A_162 : i32
    %while3A_185 = arith.constant 0 : i32
    %while3A_186 = arith.subi %select_n3A_184, %while3A_185 : i32
    %while3A_187 = arith.addi %while3A_185, %while3A_186 : i32
    %while3A_188 = arith.constant 1 : i32
    %while3A_189 = arith.divsi %while3A_186, %while3A_188 : i32
    %while3A_190 = arith.muli %while3A_189, %while3A_188 : i32
    %while3A_191 = arith.addi %while3A_185, %while3A_190 : i32
    %while3A_192 = arith.constant 1 : i32
    %while3A_193 = scf.for %while3A_204 = %while3A_185 to %while3A_191 step %while3A_192 iter_args(%while3A_205 = %scan3A_88) -> (i32)  : i32 {
      %mul3A_206 = arith.constant 16 : i32
      %mul3A_207 = arith.muli %while3A_204, %mul3A_206 : i32
      %get3A = arith.index_cast %mul3A_207 : i32 to index
      %get3A_208 = tpu.vector_load %arg8[%get3A] {strides = array<i32>} : memref<16416xi32, #tpu.memory_space<vmem>>, vector<16xi32>,
      %shift_right_arithmetic3A = arith.constant 14 : i32
      %shift_right_arithmetic3A_209 = vector.broadcast %shift_right_arithmetic3A : i32 to vector<16xi32>
      %shift_right_arithmetic3A_210 = arith.shrsi %get3A_208, %shift_right_arithmetic3A_209 : vector<16xi32>
      %sub3A_211 = arith.constant 30720 : i32
      %sub3A_212 = vector.broadcast %sub3A_211 : i32 to vector<16xi32>
      %sub3A_213 = arith.subi %shift_right_arithmetic3A_210, %sub3A_212 : vector<16xi32>
      %jit3A_214 = arith.constant 0 : i32
      %jit3A_215 = arith.constant 511 : i32
      %max3A = vector.broadcast %jit3A_214 : i32 to vector<16xi32>
      %max3A_216 = arith.maxsi %max3A, %sub3A_213 : vector<16xi32>
      %min3A = vector.broadcast %jit3A_215 : i32 to vector<16xi32>
      %min3A_217 = arith.minsi %min3A, %max3A_216 : vector<16xi32>
      %and3A_218 = arith.constant 16383 : i32
      %and3A_219 = vector.broadcast %and3A_218 : i32 to vector<16xi32>
      %and3A_220 = arith.andi %get3A_208, %and3A_219 : vector<16xi32>
      %mul3A_221 = arith.constant 16 : i32
      %mul3A_222 = arith.muli %while3A_204, %mul3A_221 : i32
      %add3A_223 = vector.broadcast %mul3A_222 : i32 to vector<16xi32>
      %add3A_224 = arith.addi %iota3A, %add3A_223 : vector<16xi32>
      %lt3A = vector.broadcast %shift_right_logical3A_158 : i32 to vector<16xi32>
      %lt3A_225 = arith.cmpi slt, %add3A_224, %lt3A : vector<16xi32>
      %jit3A_226 = arith.constant 1 : i32
      %jit3A_227 = arith.constant 0 : i32
      %broadcast_in_dim3A_228 = vector.broadcast %jit3A_226 : i32 to vector<16xi32>
      %broadcast_in_dim3A_229 = vector.broadcast %jit3A_227 : i32 to vector<16xi32>
      %select_n3A_230 = arith.select %lt3A_225, %broadcast_in_dim3A_228, %broadcast_in_dim3A_229 : vector<16xi1>, vector<16xi32>
      %broadcast_in_dim3A_231 = arith.constant true
      %broadcast_in_dim3A_232 = vector.broadcast %broadcast_in_dim3A_231 : i1 to vector<16xi1>
      %masked_cumsum3A = tpu.scan <sum>, %select_n3A_230 masked %broadcast_in_dim3A_232 : vector<16xi32>, vector<16xi1> -> vector<16xi32>
      %add3A_233 = vector.broadcast %while3A_205 : i32 to vector<16xi32>
      %add3A_234 = arith.addi %add3A_233, %masked_cumsum3A : vector<16xi32>
      %sub3A_235 = arith.constant 1 : i32
      %sub3A_236 = vector.broadcast %sub3A_235 : i32 to vector<16xi32>
      %sub3A_237 = arith.subi %add3A_234, %sub3A_236 : vector<16xi32>
      %jit3A_238 = arith.constant 128 : i32
      %broadcast_in_dim3A_239 = vector.broadcast %jit3A_238 : i32 to vector<16xi32>
      %select_n3A_240 = arith.select %lt3A_225, %sub3A_237, %broadcast_in_dim3A_239 : vector<16xi1>, vector<16xi32>
      %broadcast_in_dim3A_241 = arith.constant 0 : i32
      %broadcast_in_dim3A_242 = vector.broadcast %broadcast_in_dim3A_241 : i32 to vector<16xi32>
      %gather3A = tpu.vector_load_idx %arg9[%broadcast_in_dim3A_242, %min3A_217] : memref<32x1024xf32, #tpu.memory_space<vmem>>[vector<16xi32>, vector<16xi32>], vector<16xf32>,
      tpu.vector_store_idx %arg11[%select_n3A_240, %broadcast_in_dim3A_242], %gather3A : memref<129x128xf32, #tpu.memory_space<vmem>>[vector<16xi32>, vector<16xi32>], vector<16xf32>,
      %broadcast_in_dim3A_243 = arith.constant 1 : i32
      %broadcast_in_dim3A_244 = vector.broadcast %broadcast_in_dim3A_243 : i32 to vector<16xi32>
      %gather3A_245 = tpu.vector_load_idx %arg9[%broadcast_in_dim3A_244, %min3A_217] : memref<32x1024xf32, #tpu.memory_space<vmem>>[vector<16xi32>, vector<16xi32>], vector<16xf32>,
      tpu.vector_store_idx %arg11[%select_n3A_240, %broadcast_in_dim3A_244], %gather3A_245 : memref<129x128xf32, #tpu.memory_space<vmem>>[vector<16xi32>, vector<16xi32>], vector<16xf32>,
      %broadcast_in_dim3A_246 = arith.constant 2 : i32
      %broadcast_in_dim3A_247 = vector.broadcast %broadcast_in_dim3A_246 : i32 to vector<16xi32>
      %gather3A_248 = tpu.vector_load_idx %arg9[%broadcast_in_dim3A_247, %min3A_217] : memref<32x1024xf32, #tpu.memory_space<vmem>>[vector<16xi32>, vector<16xi32>], vector<16xf32>,
      tpu.vector_store_idx %arg11[%select_n3A_240, %broadcast_in_dim3A_247], %gather3A_248 : memref<129x128xf32, #tpu.memory_space<vmem>>[vector<16xi32>, vector<16xi32>], vector<16xf32>,
      %broadcast_in_dim3A_249 = arith.constant 3 : i32
      %broadcast_in_dim3A_250 = vector.broadcast %broadcast_in_dim3A_249 : i32 to vector<16xi32>
      %gather3A_251 = tpu.vector_load_idx %arg9[%broadcast_in_dim3A_250, %min3A_217] : memref<32x1024xf32, #tpu.memory_space<vmem>>[vector<16xi32>, vector<16xi32>], vector<16xf32>,
      tpu.vector_store_idx %arg11[%select_n3A_240, %broadcast_in_dim3A_250], %gather3A_251 : memref<129x128xf32, #tpu.memory_space<vmem>>[vector<16xi32>, vector<16xi32>], vector<16xf32>,
      %broadcast_in_dim3A_252 = arith.constant 4 : i32
      %broadcast_in_dim3A_253 = vector.broadcast %broadcast_in_dim3A_252 : i32 to vector<16xi32>
      %gather3A_254 = tpu.vector_load_idx %arg9[%broadcast_in_dim3A_253, %min3A_217] : memref<32x1024xf32, #tpu.memory_space<vmem>>[vector<16xi32>, vector<16xi32>], vector<16xf32>,
      tpu.vector_store_idx %arg11[%select_n3A_240, %broadcast_in_dim3A_253], %gather3A_254 : memref<129x128xf32, #tpu.memory_space<vmem>>[vector<16xi32>, vector<16xi32>], vector<16xf32>,
      %broadcast_in_dim3A_255 = arith.constant 5 : i32
      %broadcast_in_dim3A_256 = vector.broadcast %broadcast_in_dim3A_255 : i32 to vector<16xi32>
      %gather3A_257 = tpu.vector_load_idx %arg9[%broadcast_in_dim3A_256, %min3A_217] : memref<32x1024xf32, #tpu.memory_space<vmem>>[vector<16xi32>, vector<16xi32>], vector<16xf32>,
      tpu.vector_store_idx %arg11[%select_n3A_240, %broadcast_in_dim3A_256], %gather3A_257 : memref<129x128xf32, #tpu.memory_space<vmem>>[vector<16xi32>, vector<16xi32>], vector<16xf32>,
      %broadcast_in_dim3A_258 = arith.constant 6 : i32
      %broadcast_in_dim3A_259 = vector.broadcast %broadcast_in_dim3A_258 : i32 to vector<16xi32>
      %gather3A_260 = tpu.vector_load_idx %arg9[%broadcast_in_dim3A_259, %min3A_217] : memref<32x1024xf32, #tpu.memory_space<vmem>>[vector<16xi32>, vector<16xi32>], vector<16xf32>,
      tpu.vector_store_idx %arg11[%select_n3A_240, %broadcast_in_dim3A_259], %gather3A_260 : memref<129x128xf32, #tpu.memory_space<vmem>>[vector<16xi32>, vector<16xi32>], vector<16xf32>,
      %broadcast_in_dim3A_261 = arith.constant 7 : i32
      %broadcast_in_dim3A_262 = vector.broadcast %broadcast_in_dim3A_261 : i32 to vector<16xi32>
      %gather3A_263 = tpu.vector_load_idx %arg9[%broadcast_in_dim3A_262, %min3A_217] : memref<32x1024xf32, #tpu.memory_space<vmem>>[vector<16xi32>, vector<16xi32>], vector<16xf32>,
      tpu.vector_store_idx %arg11[%select_n3A_240, %broadcast_in_dim3A_262], %gather3A_263 : memref<129x128xf32, #tpu.memory_space<vmem>>[vector<16xi32>, vector<16xi32>], vector<16xf32>,
      %broadcast_in_dim3A_264 = arith.constant 8 : i32
      %broadcast_in_dim3A_265 = vector.broadcast %broadcast_in_dim3A_264 : i32 to vector<16xi32>
      %gather3A_266 = tpu.vector_load_idx %arg9[%broadcast_in_dim3A_265, %min3A_217] : memref<32x1024xf32, #tpu.memory_space<vmem>>[vector<16xi32>, vector<16xi32>], vector<16xf32>,
      tpu.vector_store_idx %arg11[%select_n3A_240, %broadcast_in_dim3A_265], %gather3A_266 : memref<129x128xf32, #tpu.memory_space<vmem>>[vector<16xi32>, vector<16xi32>], vector<16xf32>,
      %broadcast_in_dim3A_267 = arith.constant 9 : i32
      %broadcast_in_dim3A_268 = vector.broadcast %broadcast_in_dim3A_267 : i32 to vector<16xi32>
      %gather3A_269 = tpu.vector_load_idx %arg9[%broadcast_in_dim3A_268, %min3A_217] : memref<32x1024xf32, #tpu.memory_space<vmem>>[vector<16xi32>, vector<16xi32>], vector<16xf32>,
      tpu.vector_store_idx %arg11[%select_n3A_240, %broadcast_in_dim3A_268], %gather3A_269 : memref<129x128xf32, #tpu.memory_space<vmem>>[vector<16xi32>, vector<16xi32>], vector<16xf32>,
      %broadcast_in_dim3A_270 = arith.constant 10 : i32
      %broadcast_in_dim3A_271 = vector.broadcast %broadcast_in_dim3A_270 : i32 to vector<16xi32>
      %gather3A_272 = tpu.vector_load_idx %arg9[%broadcast_in_dim3A_271, %min3A_217] : memref<32x1024xf32, #tpu.memory_space<vmem>>[vector<16xi32>, vector<16xi32>], vector<16xf32>,
      tpu.vector_store_idx %arg11[%select_n3A_240, %broadcast_in_dim3A_271], %gather3A_272 : memref<129x128xf32, #tpu.memory_space<vmem>>[vector<16xi32>, vector<16xi32>], vector<16xf32>,
      %broadcast_in_dim3A_273 = arith.constant 11 : i32
      %broadcast_in_dim3A_274 = vector.broadcast %broadcast_in_dim3A_273 : i32 to vector<16xi32>
      %gather3A_275 = tpu.vector_load_idx %arg9[%broadcast_in_dim3A_274, %min3A_217] : memref<32x1024xf32, #tpu.memory_space<vmem>>[vector<16xi32>, vector<16xi32>], vector<16xf32>,
      tpu.vector_store_idx %arg11[%select_n3A_240, %broadcast_in_dim3A_274], %gather3A_275 : memref<129x128xf32, #tpu.memory_space<vmem>>[vector<16xi32>, vector<16xi32>], vector<16xf32>,
      %broadcast_in_dim3A_276 = arith.constant 12 : i32
      %broadcast_in_dim3A_277 = vector.broadcast %broadcast_in_dim3A_276 : i32 to vector<16xi32>
      %gather3A_278 = tpu.vector_load_idx %arg9[%broadcast_in_dim3A_277, %min3A_217] : memref<32x1024xf32, #tpu.memory_space<vmem>>[vector<16xi32>, vector<16xi32>], vector<16xf32>,
      tpu.vector_store_idx %arg11[%select_n3A_240, %broadcast_in_dim3A_277], %gather3A_278 : memref<129x128xf32, #tpu.memory_space<vmem>>[vector<16xi32>, vector<16xi32>], vector<16xf32>,
      %broadcast_in_dim3A_279 = arith.constant 13 : i32
      %broadcast_in_dim3A_280 = vector.broadcast %broadcast_in_dim3A_279 : i32 to vector<16xi32>
      %gather3A_281 = tpu.vector_load_idx %arg9[%broadcast_in_dim3A_280, %min3A_217] : memref<32x1024xf32, #tpu.memory_space<vmem>>[vector<16xi32>, vector<16xi32>], vector<16xf32>,
      tpu.vector_store_idx %arg11[%select_n3A_240, %broadcast_in_dim3A_280], %gather3A_281 : memref<129x128xf32, #tpu.memory_space<vmem>>[vector<16xi32>, vector<16xi32>], vector<16xf32>,
      %broadcast_in_dim3A_282 = arith.constant 14 : i32
      %broadcast_in_dim3A_283 = vector.broadcast %broadcast_in_dim3A_282 : i32 to vector<16xi32>
      %gather3A_284 = tpu.vector_load_idx %arg9[%broadcast_in_dim3A_283, %min3A_217] : memref<32x1024xf32, #tpu.memory_space<vmem>>[vector<16xi32>, vector<16xi32>], vector<16xf32>,
      tpu.vector_store_idx %arg11[%select_n3A_240, %broadcast_in_dim3A_283], %gather3A_284 : memref<129x128xf32, #tpu.memory_space<vmem>>[vector<16xi32>, vector<16xi32>], vector<16xf32>,
      %broadcast_in_dim3A_285 = arith.constant 15 : i32
      %broadcast_in_dim3A_286 = vector.broadcast %broadcast_in_dim3A_285 : i32 to vector<16xi32>
      %gather3A_287 = tpu.vector_load_idx %arg9[%broadcast_in_dim3A_286, %min3A_217] : memref<32x1024xf32, #tpu.memory_space<vmem>>[vector<16xi32>, vector<16xi32>], vector<16xf32>,
      tpu.vector_store_idx %arg11[%select_n3A_240, %broadcast_in_dim3A_286], %gather3A_287 : memref<129x128xf32, #tpu.memory_space<vmem>>[vector<16xi32>, vector<16xi32>], vector<16xf32>,
      %broadcast_in_dim3A_288 = arith.constant 16 : i32
      %broadcast_in_dim3A_289 = vector.broadcast %broadcast_in_dim3A_288 : i32 to vector<16xi32>
      %gather3A_290 = tpu.vector_load_idx %arg9[%broadcast_in_dim3A_289, %min3A_217] : memref<32x1024xf32, #tpu.memory_space<vmem>>[vector<16xi32>, vector<16xi32>], vector<16xf32>,
      tpu.vector_store_idx %arg11[%select_n3A_240, %broadcast_in_dim3A_289], %gather3A_290 : memref<129x128xf32, #tpu.memory_space<vmem>>[vector<16xi32>, vector<16xi32>], vector<16xf32>,
      %broadcast_in_dim3A_291 = arith.constant 17 : i32
      %broadcast_in_dim3A_292 = vector.broadcast %broadcast_in_dim3A_291 : i32 to vector<16xi32>
      %gather3A_293 = tpu.vector_load_idx %arg9[%broadcast_in_dim3A_292, %min3A_217] : memref<32x1024xf32, #tpu.memory_space<vmem>>[vector<16xi32>, vector<16xi32>], vector<16xf32>,
      tpu.vector_store_idx %arg11[%select_n3A_240, %broadcast_in_dim3A_292], %gather3A_293 : memref<129x128xf32, #tpu.memory_space<vmem>>[vector<16xi32>, vector<16xi32>], vector<16xf32>,
      %broadcast_in_dim3A_294 = arith.constant 18 : i32
      %broadcast_in_dim3A_295 = vector.broadcast %broadcast_in_dim3A_294 : i32 to vector<16xi32>
      %gather3A_296 = tpu.vector_load_idx %arg9[%broadcast_in_dim3A_295, %min3A_217] : memref<32x1024xf32, #tpu.memory_space<vmem>>[vector<16xi32>, vector<16xi32>], vector<16xf32>,
      tpu.vector_store_idx %arg11[%select_n3A_240, %broadcast_in_dim3A_295], %gather3A_296 : memref<129x128xf32, #tpu.memory_space<vmem>>[vector<16xi32>, vector<16xi32>], vector<16xf32>,
      %broadcast_in_dim3A_297 = arith.constant 19 : i32
      %broadcast_in_dim3A_298 = vector.broadcast %broadcast_in_dim3A_297 : i32 to vector<16xi32>
      %gather3A_299 = tpu.vector_load_idx %arg9[%broadcast_in_dim3A_298, %min3A_217] : memref<32x1024xf32, #tpu.memory_space<vmem>>[vector<16xi32>, vector<16xi32>], vector<16xf32>,
      tpu.vector_store_idx %arg11[%select_n3A_240, %broadcast_in_dim3A_298], %gather3A_299 : memref<129x128xf32, #tpu.memory_space<vmem>>[vector<16xi32>, vector<16xi32>], vector<16xf32>,
      %broadcast_in_dim3A_300 = arith.constant 20 : i32
      %broadcast_in_dim3A_301 = vector.broadcast %broadcast_in_dim3A_300 : i32 to vector<16xi32>
      %gather3A_302 = tpu.vector_load_idx %arg9[%broadcast_in_dim3A_301, %min3A_217] : memref<32x1024xf32, #tpu.memory_space<vmem>>[vector<16xi32>, vector<16xi32>], vector<16xf32>,
      tpu.vector_store_idx %arg11[%select_n3A_240, %broadcast_in_dim3A_301], %gather3A_302 : memref<129x128xf32, #tpu.memory_space<vmem>>[vector<16xi32>, vector<16xi32>], vector<16xf32>,
      %broadcast_in_dim3A_303 = arith.constant 21 : i32
      %broadcast_in_dim3A_304 = vector.broadcast %broadcast_in_dim3A_303 : i32 to vector<16xi32>
      %gather3A_305 = tpu.vector_load_idx %arg9[%broadcast_in_dim3A_304, %min3A_217] : memref<32x1024xf32, #tpu.memory_space<vmem>>[vector<16xi32>, vector<16xi32>], vector<16xf32>,
      tpu.vector_store_idx %arg11[%select_n3A_240, %broadcast_in_dim3A_304], %gather3A_305 : memref<129x128xf32, #tpu.memory_space<vmem>>[vector<16xi32>, vector<16xi32>], vector<16xf32>,
      %broadcast_in_dim3A_306 = arith.constant 22 : i32
      %broadcast_in_dim3A_307 = vector.broadcast %broadcast_in_dim3A_306 : i32 to vector<16xi32>
      %gather3A_308 = tpu.vector_load_idx %arg9[%broadcast_in_dim3A_307, %min3A_217] : memref<32x1024xf32, #tpu.memory_space<vmem>>[vector<16xi32>, vector<16xi32>], vector<16xf32>,
      tpu.vector_store_idx %arg11[%select_n3A_240, %broadcast_in_dim3A_307], %gather3A_308 : memref<129x128xf32, #tpu.memory_space<vmem>>[vector<16xi32>, vector<16xi32>], vector<16xf32>,
      %broadcast_in_dim3A_309 = arith.constant 23 : i32
      %broadcast_in_dim3A_310 = vector.broadcast %broadcast_in_dim3A_309 : i32 to vector<16xi32>
      %gather3A_311 = tpu.vector_load_idx %arg9[%broadcast_in_dim3A_310, %min3A_217] : memref<32x1024xf32, #tpu.memory_space<vmem>>[vector<16xi32>, vector<16xi32>], vector<16xf32>,
      tpu.vector_store_idx %arg11[%select_n3A_240, %broadcast_in_dim3A_310], %gather3A_311 : memref<129x128xf32, #tpu.memory_space<vmem>>[vector<16xi32>, vector<16xi32>], vector<16xf32>,
      %broadcast_in_dim3A_312 = arith.constant 24 : i32
      %broadcast_in_dim3A_313 = vector.broadcast %broadcast_in_dim3A_312 : i32 to vector<16xi32>
      %gather3A_314 = tpu.vector_load_idx %arg9[%broadcast_in_dim3A_313, %min3A_217] : memref<32x1024xf32, #tpu.memory_space<vmem>>[vector<16xi32>, vector<16xi32>], vector<16xf32>,
      tpu.vector_store_idx %arg11[%select_n3A_240, %broadcast_in_dim3A_313], %gather3A_314 : memref<129x128xf32, #tpu.memory_space<vmem>>[vector<16xi32>, vector<16xi32>], vector<16xf32>,
      %broadcast_in_dim3A_315 = arith.constant 25 : i32
      %broadcast_in_dim3A_316 = vector.broadcast %broadcast_in_dim3A_315 : i32 to vector<16xi32>
      %gather3A_317 = tpu.vector_load_idx %arg9[%broadcast_in_dim3A_316, %min3A_217] : memref<32x1024xf32, #tpu.memory_space<vmem>>[vector<16xi32>, vector<16xi32>], vector<16xf32>,
      tpu.vector_store_idx %arg11[%select_n3A_240, %broadcast_in_dim3A_316], %gather3A_317 : memref<129x128xf32, #tpu.memory_space<vmem>>[vector<16xi32>, vector<16xi32>], vector<16xf32>,
      %broadcast_in_dim3A_318 = arith.constant 26 : i32
      %broadcast_in_dim3A_319 = vector.broadcast %broadcast_in_dim3A_318 : i32 to vector<16xi32>
      %gather3A_320 = tpu.vector_load_idx %arg9[%broadcast_in_dim3A_319, %min3A_217] : memref<32x1024xf32, #tpu.memory_space<vmem>>[vector<16xi32>, vector<16xi32>], vector<16xf32>,
      tpu.vector_store_idx %arg11[%select_n3A_240, %broadcast_in_dim3A_319], %gather3A_320 : memref<129x128xf32, #tpu.memory_space<vmem>>[vector<16xi32>, vector<16xi32>], vector<16xf32>,
      %broadcast_in_dim3A_321 = arith.constant 27 : i32
      %broadcast_in_dim3A_322 = vector.broadcast %broadcast_in_dim3A_321 : i32 to vector<16xi32>
      %gather3A_323 = tpu.vector_load_idx %arg9[%broadcast_in_dim3A_322, %min3A_217] : memref<32x1024xf32, #tpu.memory_space<vmem>>[vector<16xi32>, vector<16xi32>], vector<16xf32>,
      tpu.vector_store_idx %arg11[%select_n3A_240, %broadcast_in_dim3A_322], %gather3A_323 : memref<129x128xf32, #tpu.memory_space<vmem>>[vector<16xi32>, vector<16xi32>], vector<16xf32>,
      %broadcast_in_dim3A_324 = arith.constant 28 : i32
      %broadcast_in_dim3A_325 = vector.broadcast %broadcast_in_dim3A_324 : i32 to vector<16xi32>
      %gather3A_326 = tpu.vector_load_idx %arg9[%broadcast_in_dim3A_325, %min3A_217] : memref<32x1024xf32, #tpu.memory_space<vmem>>[vector<16xi32>, vector<16xi32>], vector<16xf32>,
      tpu.vector_store_idx %arg11[%select_n3A_240, %broadcast_in_dim3A_325], %gather3A_326 : memref<129x128xf32, #tpu.memory_space<vmem>>[vector<16xi32>, vector<16xi32>], vector<16xf32>,
      %broadcast_in_dim3A_327 = arith.constant 29 : i32
      %broadcast_in_dim3A_328 = vector.broadcast %broadcast_in_dim3A_327 : i32 to vector<16xi32>
      %gather3A_329 = tpu.vector_load_idx %arg9[%broadcast_in_dim3A_328, %min3A_217] : memref<32x1024xf32, #tpu.memory_space<vmem>>[vector<16xi32>, vector<16xi32>], vector<16xf32>,
      tpu.vector_store_idx %arg11[%select_n3A_240, %broadcast_in_dim3A_328], %gather3A_329 : memref<129x128xf32, #tpu.memory_space<vmem>>[vector<16xi32>, vector<16xi32>], vector<16xf32>,
      %broadcast_in_dim3A_330 = arith.constant 30 : i32
      %broadcast_in_dim3A_331 = vector.broadcast %broadcast_in_dim3A_330 : i32 to vector<16xi32>
      %gather3A_332 = tpu.vector_load_idx %arg9[%broadcast_in_dim3A_331, %min3A_217] : memref<32x1024xf32, #tpu.memory_space<vmem>>[vector<16xi32>, vector<16xi32>], vector<16xf32>,
      tpu.vector_store_idx %arg11[%select_n3A_240, %broadcast_in_dim3A_331], %gather3A_332 : memref<129x128xf32, #tpu.memory_space<vmem>>[vector<16xi32>, vector<16xi32>], vector<16xf32>,
      %broadcast_in_dim3A_333 = arith.constant 31 : i32
      %broadcast_in_dim3A_334 = vector.broadcast %broadcast_in_dim3A_333 : i32 to vector<16xi32>
      %gather3A_335 = tpu.vector_load_idx %arg9[%broadcast_in_dim3A_334, %min3A_217] : memref<32x1024xf32, #tpu.memory_space<vmem>>[vector<16xi32>, vector<16xi32>], vector<16xf32>,
      tpu.vector_store_idx %arg11[%select_n3A_240, %broadcast_in_dim3A_334], %gather3A_335 : memref<129x128xf32, #tpu.memory_space<vmem>>[vector<16xi32>, vector<16xi32>], vector<16xf32>,
      tpu.vector_store_idx %arg12[%select_n3A_240], %and3A_220 : memref<144xi32, #tpu.memory_space<vmem>>[vector<16xi32>], vector<16xi32>,
      %reduce_sum3A_336 = arith.constant true
      %reduce_sum3A_337 = vector.broadcast %reduce_sum3A_336 : i1 to vector<16xi1>
      %reduce_sum3A_338 = tpu.scan <sum>, %select_n3A_230 masked %reduce_sum3A_337 : vector<16xi32>, vector<16xi1> -> vector<16xi32>
      %reduce_sum3A_339 = vector.extract %reduce_sum3A_338[15] : i32 from vector<16xi32>
      %add3A_340 = arith.addi %while3A_205, %reduce_sum3A_339 : i32
      %ge3A = arith.constant 112 : i32
      %ge3A_341 = arith.cmpi sge, %add3A_340, %ge3A : i32
      %convert_element_type3A_342 = arith.extui %ge3A_341 : i1 to i32
      %cond3A_343 = arith.constant 0 : i32
      %cond3A_344 = arith.cmpi ne, %convert_element_type3A_342, %cond3A_343 : i32
      scf.if %cond3A_344 {
        %dma_start3A_349 = arith.constant 0 : i32
        %dma_start3A_350 = arith.constant 0 : i32
        %dma_start3A_351 = tpu.memref_slice %arg11[%dma_start3A_349, %dma_start3A_350] : memref<129x128xf32, #tpu.memory_space<vmem>> -> memref<128x128xf32, #tpu.memory_space<vmem>>
        %dma_start3A_352 = arith.constant 0 : i32
        %dma_start3A_353 = tpu.memref_slice %arg12[%dma_start3A_352] : memref<144xi32, #tpu.memory_space<vmem>> -> memref<128xi32, #tpu.memory_space<vmem>>
        %dma_start3A_354 = arith.constant 0 : i32
        %dma_start3A_355 = arith.constant 0 : i32
        %dma_start3A_356 = tpu.memref_slice %arg5[%dma_start3A_354, %dma_start3A_355] : memref<16416x128xf32, #tpu.memory_space<hbm>> -> memref<16416x128xf32, #tpu.memory_space<hbm>>
        tpu.enqueue_indirect_dma source(%dma_start3A_351 : memref<128x128xf32, #tpu.memory_space<vmem>>) target(%dma_start3A_356 : memref<16416x128xf32, #tpu.memory_space<hbm>>) offsets(%dma_start3A_353 : memref<128xi32, #tpu.memory_space<vmem>>) semaphore(%arg15 : memref<!tpu.dma_semaphore, #tpu.memory_space<semaphore_mem>>)
        %dma_wait3A_357 = arith.constant 0 : i32
        %dma_wait3A_358 = arith.constant 0 : i32
        %dma_wait3A_359 = tpu.memref_slice %arg11[%dma_wait3A_357, %dma_wait3A_358] : memref<129x128xf32, #tpu.memory_space<vmem>> -> memref<128x128xf32, #tpu.memory_space<vmem>>
        %dma_wait3A_360 = arith.constant 0 : i32
        %dma_wait3A_361 = tpu.memref_slice %arg12[%dma_wait3A_360] : memref<144xi32, #tpu.memory_space<vmem>> -> memref<128xi32, #tpu.memory_space<vmem>>
        %dma_wait3A_362 = arith.constant 0 : i32
        %dma_wait3A_363 = arith.constant 0 : i32
        %dma_wait3A_364 = tpu.memref_slice %arg5[%dma_wait3A_362, %dma_wait3A_363] : memref<16416x128xf32, #tpu.memory_space<hbm>> -> memref<16416x128xf32, #tpu.memory_space<hbm>>
        tpu.wait_indirect_dma semaphore(%arg15 : memref<!tpu.dma_semaphore, #tpu.memory_space<semaphore_mem>>) src(%dma_wait3A_359 : memref<128x128xf32, #tpu.memory_space<vmem>>) dst(%dma_wait3A_364 : memref<16416x128xf32, #tpu.memory_space<hbm>>)
        %broadcast_in_dim3A_365 = vector.broadcast %add3A_7 : i32 to vector<16xi32>
        %swap3A_366 = arith.constant 0 : index
        %swap3A_367 = tpu.vector_load %arg12[%swap3A_366] {strides = array<i32>} : memref<144xi32, #tpu.memory_space<vmem>>, vector<16xi32>,
        tpu.vector_store %arg12[%swap3A_366], %broadcast_in_dim3A_365 {strides = array<i32>} : memref<144xi32, #tpu.memory_space<vmem>>, vector<16xi32>,
        %broadcast_in_dim3A_368 = vector.broadcast %add3A_7 : i32 to vector<16xi32>
        %swap3A_369 = arith.constant 16 : index
        %swap3A_370 = tpu.vector_load %arg12[%swap3A_369] {strides = array<i32>} : memref<144xi32, #tpu.memory_space<vmem>>, vector<16xi32>,
        tpu.vector_store %arg12[%swap3A_369], %broadcast_in_dim3A_368 {strides = array<i32>} : memref<144xi32, #tpu.memory_space<vmem>>, vector<16xi32>,
        %broadcast_in_dim3A_371 = vector.broadcast %add3A_7 : i32 to vector<16xi32>
        %swap3A_372 = arith.constant 32 : index
        %swap3A_373 = tpu.vector_load %arg12[%swap3A_372] {strides = array<i32>} : memref<144xi32, #tpu.memory_space<vmem>>, vector<16xi32>,
        tpu.vector_store %arg12[%swap3A_372], %broadcast_in_dim3A_371 {strides = array<i32>} : memref<144xi32, #tpu.memory_space<vmem>>, vector<16xi32>,
        %broadcast_in_dim3A_374 = vector.broadcast %add3A_7 : i32 to vector<16xi32>
        %swap3A_375 = arith.constant 48 : index
        %swap3A_376 = tpu.vector_load %arg12[%swap3A_375] {strides = array<i32>} : memref<144xi32, #tpu.memory_space<vmem>>, vector<16xi32>,
        tpu.vector_store %arg12[%swap3A_375], %broadcast_in_dim3A_374 {strides = array<i32>} : memref<144xi32, #tpu.memory_space<vmem>>, vector<16xi32>,
        %broadcast_in_dim3A_377 = vector.broadcast %add3A_7 : i32 to vector<16xi32>
        %swap3A_378 = arith.constant 64 : index
        %swap3A_379 = tpu.vector_load %arg12[%swap3A_378] {strides = array<i32>} : memref<144xi32, #tpu.memory_space<vmem>>, vector<16xi32>,
        tpu.vector_store %arg12[%swap3A_378], %broadcast_in_dim3A_377 {strides = array<i32>} : memref<144xi32, #tpu.memory_space<vmem>>, vector<16xi32>,
        %broadcast_in_dim3A_380 = vector.broadcast %add3A_7 : i32 to vector<16xi32>
        %swap3A_381 = arith.constant 80 : index
        %swap3A_382 = tpu.vector_load %arg12[%swap3A_381] {strides = array<i32>} : memref<144xi32, #tpu.memory_space<vmem>>, vector<16xi32>,
        tpu.vector_store %arg12[%swap3A_381], %broadcast_in_dim3A_380 {strides = array<i32>} : memref<144xi32, #tpu.memory_space<vmem>>, vector<16xi32>,
        %broadcast_in_dim3A_383 = vector.broadcast %add3A_7 : i32 to vector<16xi32>
        %swap3A_384 = arith.constant 96 : index
        %swap3A_385 = tpu.vector_load %arg12[%swap3A_384] {strides = array<i32>} : memref<144xi32, #tpu.memory_space<vmem>>, vector<16xi32>,
        tpu.vector_store %arg12[%swap3A_384], %broadcast_in_dim3A_383 {strides = array<i32>} : memref<144xi32, #tpu.memory_space<vmem>>, vector<16xi32>,
        %broadcast_in_dim3A_386 = vector.broadcast %add3A_7 : i32 to vector<16xi32>
        %swap3A_387 = arith.constant 112 : index
        %swap3A_388 = tpu.vector_load %arg12[%swap3A_387] {strides = array<i32>} : memref<144xi32, #tpu.memory_space<vmem>>, vector<16xi32>,
        tpu.vector_store %arg12[%swap3A_387], %broadcast_in_dim3A_386 {strides = array<i32>} : memref<144xi32, #tpu.memory_space<vmem>>, vector<16xi32>,
      } else {
      }
      %ge3A_345 = arith.constant 112 : i32
      %ge3A_346 = arith.cmpi sge, %add3A_340, %ge3A_345 : i32
      %jit3A_347 = arith.constant 0 : i32
      %select_n3A_348 = arith.select %ge3A_346, %jit3A_347, %add3A_340 : i32
      scf.yield %select_n3A_348 : i32
    }
    %while3A_194 = arith.constant 1 : i32
    %while3A_195 = scf.for %while3A_204 = %while3A_191 to %while3A_187 step %while3A_194 iter_args(%while3A_205 = %while3A_193) -> (i32)  : i32 {
      %mul3A_206 = arith.constant 16 : i32
      %mul3A_207 = arith.muli %while3A_204, %mul3A_206 : i32
      %get3A = arith.index_cast %mul3A_207 : i32 to index
      %get3A_208 = tpu.vector_load %arg8[%get3A] {strides = array<i32>} : memref<16416xi32, #tpu.memory_space<vmem>>, vector<16xi32>,
      %shift_right_arithmetic3A = arith.constant 14 : i32
      %shift_right_arithmetic3A_209 = vector.broadcast %shift_right_arithmetic3A : i32 to vector<16xi32>
      %shift_right_arithmetic3A_210 = arith.shrsi %get3A_208, %shift_right_arithmetic3A_209 : vector<16xi32>
      %sub3A_211 = arith.constant 30720 : i32
      %sub3A_212 = vector.broadcast %sub3A_211 : i32 to vector<16xi32>
      %sub3A_213 = arith.subi %shift_right_arithmetic3A_210, %sub3A_212 : vector<16xi32>
      %jit3A_214 = arith.constant 0 : i32
      %jit3A_215 = arith.constant 511 : i32
      %max3A = vector.broadcast %jit3A_214 : i32 to vector<16xi32>
      %max3A_216 = arith.maxsi %max3A, %sub3A_213 : vector<16xi32>
      %min3A = vector.broadcast %jit3A_215 : i32 to vector<16xi32>
      %min3A_217 = arith.minsi %min3A, %max3A_216 : vector<16xi32>
      %and3A_218 = arith.constant 16383 : i32
      %and3A_219 = vector.broadcast %and3A_218 : i32 to vector<16xi32>
      %and3A_220 = arith.andi %get3A_208, %and3A_219 : vector<16xi32>
      %mul3A_221 = arith.constant 16 : i32
      %mul3A_222 = arith.muli %while3A_204, %mul3A_221 : i32
      %add3A_223 = vector.broadcast %mul3A_222 : i32 to vector<16xi32>
      %add3A_224 = arith.addi %iota3A, %add3A_223 : vector<16xi32>
      %lt3A = vector.broadcast %shift_right_logical3A_158 : i32 to vector<16xi32>
      %lt3A_225 = arith.cmpi slt, %add3A_224, %lt3A : vector<16xi32>
      %jit3A_226 = arith.constant 1 : i32
      %jit3A_227 = arith.constant 0 : i32
      %broadcast_in_dim3A_228 = vector.broadcast %jit3A_226 : i32 to vector<16xi32>
      %broadcast_in_dim3A_229 = vector.broadcast %jit3A_227 : i32 to vector<16xi32>
      %select_n3A_230 = arith.select %lt3A_225, %broadcast_in_dim3A_228, %broadcast_in_dim3A_229 : vector<16xi1>, vector<16xi32>
      %broadcast_in_dim3A_231 = arith.constant true
      %broadcast_in_dim3A_232 = vector.broadcast %broadcast_in_dim3A_231 : i1 to vector<16xi1>
      %masked_cumsum3A = tpu.scan <sum>, %select_n3A_230 masked %broadcast_in_dim3A_232 : vector<16xi32>, vector<16xi1> -> vector<16xi32>
      %add3A_233 = vector.broadcast %while3A_205 : i32 to vector<16xi32>
      %add3A_234 = arith.addi %add3A_233, %masked_cumsum3A : vector<16xi32>
      %sub3A_235 = arith.constant 1 : i32
      %sub3A_236 = vector.broadcast %sub3A_235 : i32 to vector<16xi32>
      %sub3A_237 = arith.subi %add3A_234, %sub3A_236 : vector<16xi32>
      %jit3A_238 = arith.constant 128 : i32
      %broadcast_in_dim3A_239 = vector.broadcast %jit3A_238 : i32 to vector<16xi32>
      %select_n3A_240 = arith.select %lt3A_225, %sub3A_237, %broadcast_in_dim3A_239 : vector<16xi1>, vector<16xi32>
      %broadcast_in_dim3A_241 = arith.constant 0 : i32
      %broadcast_in_dim3A_242 = vector.broadcast %broadcast_in_dim3A_241 : i32 to vector<16xi32>
      %gather3A = tpu.vector_load_idx %arg9[%broadcast_in_dim3A_242, %min3A_217] : memref<32x1024xf32, #tpu.memory_space<vmem>>[vector<16xi32>, vector<16xi32>], vector<16xf32>,
      tpu.vector_store_idx %arg11[%select_n3A_240, %broadcast_in_dim3A_242], %gather3A : memref<129x128xf32, #tpu.memory_space<vmem>>[vector<16xi32>, vector<16xi32>], vector<16xf32>,
      %broadcast_in_dim3A_243 = arith.constant 1 : i32
      %broadcast_in_dim3A_244 = vector.broadcast %broadcast_in_dim3A_243 : i32 to vector<16xi32>
      %gather3A_245 = tpu.vector_load_idx %arg9[%broadcast_in_dim3A_244, %min3A_217] : memref<32x1024xf32, #tpu.memory_space<vmem>>[vector<16xi32>, vector<16xi32>], vector<16xf32>,
      tpu.vector_store_idx %arg11[%select_n3A_240, %broadcast_in_dim3A_244], %gather3A_245 : memref<129x128xf32, #tpu.memory_space<vmem>>[vector<16xi32>, vector<16xi32>], vector<16xf32>,
      %broadcast_in_dim3A_246 = arith.constant 2 : i32
      %broadcast_in_dim3A_247 = vector.broadcast %broadcast_in_dim3A_246 : i32 to vector<16xi32>
      %gather3A_248 = tpu.vector_load_idx %arg9[%broadcast_in_dim3A_247, %min3A_217] : memref<32x1024xf32, #tpu.memory_space<vmem>>[vector<16xi32>, vector<16xi32>], vector<16xf32>,
      tpu.vector_store_idx %arg11[%select_n3A_240, %broadcast_in_dim3A_247], %gather3A_248 : memref<129x128xf32, #tpu.memory_space<vmem>>[vector<16xi32>, vector<16xi32>], vector<16xf32>,
      %broadcast_in_dim3A_249 = arith.constant 3 : i32
      %broadcast_in_dim3A_250 = vector.broadcast %broadcast_in_dim3A_249 : i32 to vector<16xi32>
      %gather3A_251 = tpu.vector_load_idx %arg9[%broadcast_in_dim3A_250, %min3A_217] : memref<32x1024xf32, #tpu.memory_space<vmem>>[vector<16xi32>, vector<16xi32>], vector<16xf32>,
      tpu.vector_store_idx %arg11[%select_n3A_240, %broadcast_in_dim3A_250], %gather3A_251 : memref<129x128xf32, #tpu.memory_space<vmem>>[vector<16xi32>, vector<16xi32>], vector<16xf32>,
      %broadcast_in_dim3A_252 = arith.constant 4 : i32
      %broadcast_in_dim3A_253 = vector.broadcast %broadcast_in_dim3A_252 : i32 to vector<16xi32>
      %gather3A_254 = tpu.vector_load_idx %arg9[%broadcast_in_dim3A_253, %min3A_217] : memref<32x1024xf32, #tpu.memory_space<vmem>>[vector<16xi32>, vector<16xi32>], vector<16xf32>,
      tpu.vector_store_idx %arg11[%select_n3A_240, %broadcast_in_dim3A_253], %gather3A_254 : memref<129x128xf32, #tpu.memory_space<vmem>>[vector<16xi32>, vector<16xi32>], vector<16xf32>,
      %broadcast_in_dim3A_255 = arith.constant 5 : i32
      %broadcast_in_dim3A_256 = vector.broadcast %broadcast_in_dim3A_255 : i32 to vector<16xi32>
      %gather3A_257 = tpu.vector_load_idx %arg9[%broadcast_in_dim3A_256, %min3A_217] : memref<32x1024xf32, #tpu.memory_space<vmem>>[vector<16xi32>, vector<16xi32>], vector<16xf32>,
      tpu.vector_store_idx %arg11[%select_n3A_240, %broadcast_in_dim3A_256], %gather3A_257 : memref<129x128xf32, #tpu.memory_space<vmem>>[vector<16xi32>, vector<16xi32>], vector<16xf32>,
      %broadcast_in_dim3A_258 = arith.constant 6 : i32
      %broadcast_in_dim3A_259 = vector.broadcast %broadcast_in_dim3A_258 : i32 to vector<16xi32>
      %gather3A_260 = tpu.vector_load_idx %arg9[%broadcast_in_dim3A_259, %min3A_217] : memref<32x1024xf32, #tpu.memory_space<vmem>>[vector<16xi32>, vector<16xi32>], vector<16xf32>,
      tpu.vector_store_idx %arg11[%select_n3A_240, %broadcast_in_dim3A_259], %gather3A_260 : memref<129x128xf32, #tpu.memory_space<vmem>>[vector<16xi32>, vector<16xi32>], vector<16xf32>,
      %broadcast_in_dim3A_261 = arith.constant 7 : i32
      %broadcast_in_dim3A_262 = vector.broadcast %broadcast_in_dim3A_261 : i32 to vector<16xi32>
      %gather3A_263 = tpu.vector_load_idx %arg9[%broadcast_in_dim3A_262, %min3A_217] : memref<32x1024xf32, #tpu.memory_space<vmem>>[vector<16xi32>, vector<16xi32>], vector<16xf32>,
      tpu.vector_store_idx %arg11[%select_n3A_240, %broadcast_in_dim3A_262], %gather3A_263 : memref<129x128xf32, #tpu.memory_space<vmem>>[vector<16xi32>, vector<16xi32>], vector<16xf32>,
      %broadcast_in_dim3A_264 = arith.constant 8 : i32
      %broadcast_in_dim3A_265 = vector.broadcast %broadcast_in_dim3A_264 : i32 to vector<16xi32>
      %gather3A_266 = tpu.vector_load_idx %arg9[%broadcast_in_dim3A_265, %min3A_217] : memref<32x1024xf32, #tpu.memory_space<vmem>>[vector<16xi32>, vector<16xi32>], vector<16xf32>,
      tpu.vector_store_idx %arg11[%select_n3A_240, %broadcast_in_dim3A_265], %gather3A_266 : memref<129x128xf32, #tpu.memory_space<vmem>>[vector<16xi32>, vector<16xi32>], vector<16xf32>,
      %broadcast_in_dim3A_267 = arith.constant 9 : i32
      %broadcast_in_dim3A_268 = vector.broadcast %broadcast_in_dim3A_267 : i32 to vector<16xi32>
      %gather3A_269 = tpu.vector_load_idx %arg9[%broadcast_in_dim3A_268, %min3A_217] : memref<32x1024xf32, #tpu.memory_space<vmem>>[vector<16xi32>, vector<16xi32>], vector<16xf32>,
      tpu.vector_store_idx %arg11[%select_n3A_240, %broadcast_in_dim3A_268], %gather3A_269 : memref<129x128xf32, #tpu.memory_space<vmem>>[vector<16xi32>, vector<16xi32>], vector<16xf32>,
      %broadcast_in_dim3A_270 = arith.constant 10 : i32
      %broadcast_in_dim3A_271 = vector.broadcast %broadcast_in_dim3A_270 : i32 to vector<16xi32>
      %gather3A_272 = tpu.vector_load_idx %arg9[%broadcast_in_dim3A_271, %min3A_217] : memref<32x1024xf32, #tpu.memory_space<vmem>>[vector<16xi32>, vector<16xi32>], vector<16xf32>,
      tpu.vector_store_idx %arg11[%select_n3A_240, %broadcast_in_dim3A_271], %gather3A_272 : memref<129x128xf32, #tpu.memory_space<vmem>>[vector<16xi32>, vector<16xi32>], vector<16xf32>,
      %broadcast_in_dim3A_273 = arith.constant 11 : i32
      %broadcast_in_dim3A_274 = vector.broadcast %broadcast_in_dim3A_273 : i32 to vector<16xi32>
      %gather3A_275 = tpu.vector_load_idx %arg9[%broadcast_in_dim3A_274, %min3A_217] : memref<32x1024xf32, #tpu.memory_space<vmem>>[vector<16xi32>, vector<16xi32>], vector<16xf32>,
      tpu.vector_store_idx %arg11[%select_n3A_240, %broadcast_in_dim3A_274], %gather3A_275 : memref<129x128xf32, #tpu.memory_space<vmem>>[vector<16xi32>, vector<16xi32>], vector<16xf32>,
      %broadcast_in_dim3A_276 = arith.constant 12 : i32
      %broadcast_in_dim3A_277 = vector.broadcast %broadcast_in_dim3A_276 : i32 to vector<16xi32>
      %gather3A_278 = tpu.vector_load_idx %arg9[%broadcast_in_dim3A_277, %min3A_217] : memref<32x1024xf32, #tpu.memory_space<vmem>>[vector<16xi32>, vector<16xi32>], vector<16xf32>,
      tpu.vector_store_idx %arg11[%select_n3A_240, %broadcast_in_dim3A_277], %gather3A_278 : memref<129x128xf32, #tpu.memory_space<vmem>>[vector<16xi32>, vector<16xi32>], vector<16xf32>,
      %broadcast_in_dim3A_279 = arith.constant 13 : i32
      %broadcast_in_dim3A_280 = vector.broadcast %broadcast_in_dim3A_279 : i32 to vector<16xi32>
      %gather3A_281 = tpu.vector_load_idx %arg9[%broadcast_in_dim3A_280, %min3A_217] : memref<32x1024xf32, #tpu.memory_space<vmem>>[vector<16xi32>, vector<16xi32>], vector<16xf32>,
      tpu.vector_store_idx %arg11[%select_n3A_240, %broadcast_in_dim3A_280], %gather3A_281 : memref<129x128xf32, #tpu.memory_space<vmem>>[vector<16xi32>, vector<16xi32>], vector<16xf32>,
      %broadcast_in_dim3A_282 = arith.constant 14 : i32
      %broadcast_in_dim3A_283 = vector.broadcast %broadcast_in_dim3A_282 : i32 to vector<16xi32>
      %gather3A_284 = tpu.vector_load_idx %arg9[%broadcast_in_dim3A_283, %min3A_217] : memref<32x1024xf32, #tpu.memory_space<vmem>>[vector<16xi32>, vector<16xi32>], vector<16xf32>,
      tpu.vector_store_idx %arg11[%select_n3A_240, %broadcast_in_dim3A_283], %gather3A_284 : memref<129x128xf32, #tpu.memory_space<vmem>>[vector<16xi32>, vector<16xi32>], vector<16xf32>,
      %broadcast_in_dim3A_285 = arith.constant 15 : i32
      %broadcast_in_dim3A_286 = vector.broadcast %broadcast_in_dim3A_285 : i32 to vector<16xi32>
      %gather3A_287 = tpu.vector_load_idx %arg9[%broadcast_in_dim3A_286, %min3A_217] : memref<32x1024xf32, #tpu.memory_space<vmem>>[vector<16xi32>, vector<16xi32>], vector<16xf32>,
      tpu.vector_store_idx %arg11[%select_n3A_240, %broadcast_in_dim3A_286], %gather3A_287 : memref<129x128xf32, #tpu.memory_space<vmem>>[vector<16xi32>, vector<16xi32>], vector<16xf32>,
      %broadcast_in_dim3A_288 = arith.constant 16 : i32
      %broadcast_in_dim3A_289 = vector.broadcast %broadcast_in_dim3A_288 : i32 to vector<16xi32>
      %gather3A_290 = tpu.vector_load_idx %arg9[%broadcast_in_dim3A_289, %min3A_217] : memref<32x1024xf32, #tpu.memory_space<vmem>>[vector<16xi32>, vector<16xi32>], vector<16xf32>,
      tpu.vector_store_idx %arg11[%select_n3A_240, %broadcast_in_dim3A_289], %gather3A_290 : memref<129x128xf32, #tpu.memory_space<vmem>>[vector<16xi32>, vector<16xi32>], vector<16xf32>,
      %broadcast_in_dim3A_291 = arith.constant 17 : i32
      %broadcast_in_dim3A_292 = vector.broadcast %broadcast_in_dim3A_291 : i32 to vector<16xi32>
      %gather3A_293 = tpu.vector_load_idx %arg9[%broadcast_in_dim3A_292, %min3A_217] : memref<32x1024xf32, #tpu.memory_space<vmem>>[vector<16xi32>, vector<16xi32>], vector<16xf32>,
      tpu.vector_store_idx %arg11[%select_n3A_240, %broadcast_in_dim3A_292], %gather3A_293 : memref<129x128xf32, #tpu.memory_space<vmem>>[vector<16xi32>, vector<16xi32>], vector<16xf32>,
      %broadcast_in_dim3A_294 = arith.constant 18 : i32
      %broadcast_in_dim3A_295 = vector.broadcast %broadcast_in_dim3A_294 : i32 to vector<16xi32>
      %gather3A_296 = tpu.vector_load_idx %arg9[%broadcast_in_dim3A_295, %min3A_217] : memref<32x1024xf32, #tpu.memory_space<vmem>>[vector<16xi32>, vector<16xi32>], vector<16xf32>,
      tpu.vector_store_idx %arg11[%select_n3A_240, %broadcast_in_dim3A_295], %gather3A_296 : memref<129x128xf32, #tpu.memory_space<vmem>>[vector<16xi32>, vector<16xi32>], vector<16xf32>,
      %broadcast_in_dim3A_297 = arith.constant 19 : i32
      %broadcast_in_dim3A_298 = vector.broadcast %broadcast_in_dim3A_297 : i32 to vector<16xi32>
      %gather3A_299 = tpu.vector_load_idx %arg9[%broadcast_in_dim3A_298, %min3A_217] : memref<32x1024xf32, #tpu.memory_space<vmem>>[vector<16xi32>, vector<16xi32>], vector<16xf32>,
      tpu.vector_store_idx %arg11[%select_n3A_240, %broadcast_in_dim3A_298], %gather3A_299 : memref<129x128xf32, #tpu.memory_space<vmem>>[vector<16xi32>, vector<16xi32>], vector<16xf32>,
      %broadcast_in_dim3A_300 = arith.constant 20 : i32
      %broadcast_in_dim3A_301 = vector.broadcast %broadcast_in_dim3A_300 : i32 to vector<16xi32>
      %gather3A_302 = tpu.vector_load_idx %arg9[%broadcast_in_dim3A_301, %min3A_217] : memref<32x1024xf32, #tpu.memory_space<vmem>>[vector<16xi32>, vector<16xi32>], vector<16xf32>,
      tpu.vector_store_idx %arg11[%select_n3A_240, %broadcast_in_dim3A_301], %gather3A_302 : memref<129x128xf32, #tpu.memory_space<vmem>>[vector<16xi32>, vector<16xi32>], vector<16xf32>,
      %broadcast_in_dim3A_303 = arith.constant 21 : i32
      %broadcast_in_dim3A_304 = vector.broadcast %broadcast_in_dim3A_303 : i32 to vector<16xi32>
      %gather3A_305 = tpu.vector_load_idx %arg9[%broadcast_in_dim3A_304, %min3A_217] : memref<32x1024xf32, #tpu.memory_space<vmem>>[vector<16xi32>, vector<16xi32>], vector<16xf32>,
      tpu.vector_store_idx %arg11[%select_n3A_240, %broadcast_in_dim3A_304], %gather3A_305 : memref<129x128xf32, #tpu.memory_space<vmem>>[vector<16xi32>, vector<16xi32>], vector<16xf32>,
      %broadcast_in_dim3A_306 = arith.constant 22 : i32
      %broadcast_in_dim3A_307 = vector.broadcast %broadcast_in_dim3A_306 : i32 to vector<16xi32>
      %gather3A_308 = tpu.vector_load_idx %arg9[%broadcast_in_dim3A_307, %min3A_217] : memref<32x1024xf32, #tpu.memory_space<vmem>>[vector<16xi32>, vector<16xi32>], vector<16xf32>,
      tpu.vector_store_idx %arg11[%select_n3A_240, %broadcast_in_dim3A_307], %gather3A_308 : memref<129x128xf32, #tpu.memory_space<vmem>>[vector<16xi32>, vector<16xi32>], vector<16xf32>,
      %broadcast_in_dim3A_309 = arith.constant 23 : i32
      %broadcast_in_dim3A_310 = vector.broadcast %broadcast_in_dim3A_309 : i32 to vector<16xi32>
      %gather3A_311 = tpu.vector_load_idx %arg9[%broadcast_in_dim3A_310, %min3A_217] : memref<32x1024xf32, #tpu.memory_space<vmem>>[vector<16xi32>, vector<16xi32>], vector<16xf32>,
      tpu.vector_store_idx %arg11[%select_n3A_240, %broadcast_in_dim3A_310], %gather3A_311 : memref<129x128xf32, #tpu.memory_space<vmem>>[vector<16xi32>, vector<16xi32>], vector<16xf32>,
      %broadcast_in_dim3A_312 = arith.constant 24 : i32
      %broadcast_in_dim3A_313 = vector.broadcast %broadcast_in_dim3A_312 : i32 to vector<16xi32>
      %gather3A_314 = tpu.vector_load_idx %arg9[%broadcast_in_dim3A_313, %min3A_217] : memref<32x1024xf32, #tpu.memory_space<vmem>>[vector<16xi32>, vector<16xi32>], vector<16xf32>,
      tpu.vector_store_idx %arg11[%select_n3A_240, %broadcast_in_dim3A_313], %gather3A_314 : memref<129x128xf32, #tpu.memory_space<vmem>>[vector<16xi32>, vector<16xi32>], vector<16xf32>,
      %broadcast_in_dim3A_315 = arith.constant 25 : i32
      %broadcast_in_dim3A_316 = vector.broadcast %broadcast_in_dim3A_315 : i32 to vector<16xi32>
      %gather3A_317 = tpu.vector_load_idx %arg9[%broadcast_in_dim3A_316, %min3A_217] : memref<32x1024xf32, #tpu.memory_space<vmem>>[vector<16xi32>, vector<16xi32>], vector<16xf32>,
      tpu.vector_store_idx %arg11[%select_n3A_240, %broadcast_in_dim3A_316], %gather3A_317 : memref<129x128xf32, #tpu.memory_space<vmem>>[vector<16xi32>, vector<16xi32>], vector<16xf32>,
      %broadcast_in_dim3A_318 = arith.constant 26 : i32
      %broadcast_in_dim3A_319 = vector.broadcast %broadcast_in_dim3A_318 : i32 to vector<16xi32>
      %gather3A_320 = tpu.vector_load_idx %arg9[%broadcast_in_dim3A_319, %min3A_217] : memref<32x1024xf32, #tpu.memory_space<vmem>>[vector<16xi32>, vector<16xi32>], vector<16xf32>,
      tpu.vector_store_idx %arg11[%select_n3A_240, %broadcast_in_dim3A_319], %gather3A_320 : memref<129x128xf32, #tpu.memory_space<vmem>>[vector<16xi32>, vector<16xi32>], vector<16xf32>,
      %broadcast_in_dim3A_321 = arith.constant 27 : i32
      %broadcast_in_dim3A_322 = vector.broadcast %broadcast_in_dim3A_321 : i32 to vector<16xi32>
      %gather3A_323 = tpu.vector_load_idx %arg9[%broadcast_in_dim3A_322, %min3A_217] : memref<32x1024xf32, #tpu.memory_space<vmem>>[vector<16xi32>, vector<16xi32>], vector<16xf32>,
      tpu.vector_store_idx %arg11[%select_n3A_240, %broadcast_in_dim3A_322], %gather3A_323 : memref<129x128xf32, #tpu.memory_space<vmem>>[vector<16xi32>, vector<16xi32>], vector<16xf32>,
      %broadcast_in_dim3A_324 = arith.constant 28 : i32
      %broadcast_in_dim3A_325 = vector.broadcast %broadcast_in_dim3A_324 : i32 to vector<16xi32>
      %gather3A_326 = tpu.vector_load_idx %arg9[%broadcast_in_dim3A_325, %min3A_217] : memref<32x1024xf32, #tpu.memory_space<vmem>>[vector<16xi32>, vector<16xi32>], vector<16xf32>,
      tpu.vector_store_idx %arg11[%select_n3A_240, %broadcast_in_dim3A_325], %gather3A_326 : memref<129x128xf32, #tpu.memory_space<vmem>>[vector<16xi32>, vector<16xi32>], vector<16xf32>,
      %broadcast_in_dim3A_327 = arith.constant 29 : i32
      %broadcast_in_dim3A_328 = vector.broadcast %broadcast_in_dim3A_327 : i32 to vector<16xi32>
      %gather3A_329 = tpu.vector_load_idx %arg9[%broadcast_in_dim3A_328, %min3A_217] : memref<32x1024xf32, #tpu.memory_space<vmem>>[vector<16xi32>, vector<16xi32>], vector<16xf32>,
      tpu.vector_store_idx %arg11[%select_n3A_240, %broadcast_in_dim3A_328], %gather3A_329 : memref<129x128xf32, #tpu.memory_space<vmem>>[vector<16xi32>, vector<16xi32>], vector<16xf32>,
      %broadcast_in_dim3A_330 = arith.constant 30 : i32
      %broadcast_in_dim3A_331 = vector.broadcast %broadcast_in_dim3A_330 : i32 to vector<16xi32>
      %gather3A_332 = tpu.vector_load_idx %arg9[%broadcast_in_dim3A_331, %min3A_217] : memref<32x1024xf32, #tpu.memory_space<vmem>>[vector<16xi32>, vector<16xi32>], vector<16xf32>,
      tpu.vector_store_idx %arg11[%select_n3A_240, %broadcast_in_dim3A_331], %gather3A_332 : memref<129x128xf32, #tpu.memory_space<vmem>>[vector<16xi32>, vector<16xi32>], vector<16xf32>,
      %broadcast_in_dim3A_333 = arith.constant 31 : i32
      %broadcast_in_dim3A_334 = vector.broadcast %broadcast_in_dim3A_333 : i32 to vector<16xi32>
      %gather3A_335 = tpu.vector_load_idx %arg9[%broadcast_in_dim3A_334, %min3A_217] : memref<32x1024xf32, #tpu.memory_space<vmem>>[vector<16xi32>, vector<16xi32>], vector<16xf32>,
      tpu.vector_store_idx %arg11[%select_n3A_240, %broadcast_in_dim3A_334], %gather3A_335 : memref<129x128xf32, #tpu.memory_space<vmem>>[vector<16xi32>, vector<16xi32>], vector<16xf32>,
      tpu.vector_store_idx %arg12[%select_n3A_240], %and3A_220 : memref<144xi32, #tpu.memory_space<vmem>>[vector<16xi32>], vector<16xi32>,
      %reduce_sum3A_336 = arith.constant true
      %reduce_sum3A_337 = vector.broadcast %reduce_sum3A_336 : i1 to vector<16xi1>
      %reduce_sum3A_338 = tpu.scan <sum>, %select_n3A_230 masked %reduce_sum3A_337 : vector<16xi32>, vector<16xi1> -> vector<16xi32>
      %reduce_sum3A_339 = vector.extract %reduce_sum3A_338[15] : i32 from vector<16xi32>
      %add3A_340 = arith.addi %while3A_205, %reduce_sum3A_339 : i32
      %ge3A = arith.constant 112 : i32
      %ge3A_341 = arith.cmpi sge, %add3A_340, %ge3A : i32
      %convert_element_type3A_342 = arith.extui %ge3A_341 : i1 to i32
      %cond3A_343 = arith.constant 0 : i32
      %cond3A_344 = arith.cmpi ne, %convert_element_type3A_342, %cond3A_343 : i32
      scf.if %cond3A_344 {
        %dma_start3A_349 = arith.constant 0 : i32
        %dma_start3A_350 = arith.constant 0 : i32
        %dma_start3A_351 = tpu.memref_slice %arg11[%dma_start3A_349, %dma_start3A_350] : memref<129x128xf32, #tpu.memory_space<vmem>> -> memref<128x128xf32, #tpu.memory_space<vmem>>
        %dma_start3A_352 = arith.constant 0 : i32
        %dma_start3A_353 = tpu.memref_slice %arg12[%dma_start3A_352] : memref<144xi32, #tpu.memory_space<vmem>> -> memref<128xi32, #tpu.memory_space<vmem>>
        %dma_start3A_354 = arith.constant 0 : i32
        %dma_start3A_355 = arith.constant 0 : i32
        %dma_start3A_356 = tpu.memref_slice %arg5[%dma_start3A_354, %dma_start3A_355] : memref<16416x128xf32, #tpu.memory_space<hbm>> -> memref<16416x128xf32, #tpu.memory_space<hbm>>
        tpu.enqueue_indirect_dma source(%dma_start3A_351 : memref<128x128xf32, #tpu.memory_space<vmem>>) target(%dma_start3A_356 : memref<16416x128xf32, #tpu.memory_space<hbm>>) offsets(%dma_start3A_353 : memref<128xi32, #tpu.memory_space<vmem>>) semaphore(%arg15 : memref<!tpu.dma_semaphore, #tpu.memory_space<semaphore_mem>>)
        %dma_wait3A_357 = arith.constant 0 : i32
        %dma_wait3A_358 = arith.constant 0 : i32
        %dma_wait3A_359 = tpu.memref_slice %arg11[%dma_wait3A_357, %dma_wait3A_358] : memref<129x128xf32, #tpu.memory_space<vmem>> -> memref<128x128xf32, #tpu.memory_space<vmem>>
        %dma_wait3A_360 = arith.constant 0 : i32
        %dma_wait3A_361 = tpu.memref_slice %arg12[%dma_wait3A_360] : memref<144xi32, #tpu.memory_space<vmem>> -> memref<128xi32, #tpu.memory_space<vmem>>
        %dma_wait3A_362 = arith.constant 0 : i32
        %dma_wait3A_363 = arith.constant 0 : i32
        %dma_wait3A_364 = tpu.memref_slice %arg5[%dma_wait3A_362, %dma_wait3A_363] : memref<16416x128xf32, #tpu.memory_space<hbm>> -> memref<16416x128xf32, #tpu.memory_space<hbm>>
        tpu.wait_indirect_dma semaphore(%arg15 : memref<!tpu.dma_semaphore, #tpu.memory_space<semaphore_mem>>) src(%dma_wait3A_359 : memref<128x128xf32, #tpu.memory_space<vmem>>) dst(%dma_wait3A_364 : memref<16416x128xf32, #tpu.memory_space<hbm>>)
        %broadcast_in_dim3A_365 = vector.broadcast %add3A_7 : i32 to vector<16xi32>
        %swap3A_366 = arith.constant 0 : index
        %swap3A_367 = tpu.vector_load %arg12[%swap3A_366] {strides = array<i32>} : memref<144xi32, #tpu.memory_space<vmem>>, vector<16xi32>,
        tpu.vector_store %arg12[%swap3A_366], %broadcast_in_dim3A_365 {strides = array<i32>} : memref<144xi32, #tpu.memory_space<vmem>>, vector<16xi32>,
        %broadcast_in_dim3A_368 = vector.broadcast %add3A_7 : i32 to vector<16xi32>
        %swap3A_369 = arith.constant 16 : index
        %swap3A_370 = tpu.vector_load %arg12[%swap3A_369] {strides = array<i32>} : memref<144xi32, #tpu.memory_space<vmem>>, vector<16xi32>,
        tpu.vector_store %arg12[%swap3A_369], %broadcast_in_dim3A_368 {strides = array<i32>} : memref<144xi32, #tpu.memory_space<vmem>>, vector<16xi32>,
        %broadcast_in_dim3A_371 = vector.broadcast %add3A_7 : i32 to vector<16xi32>
        %swap3A_372 = arith.constant 32 : index
        %swap3A_373 = tpu.vector_load %arg12[%swap3A_372] {strides = array<i32>} : memref<144xi32, #tpu.memory_space<vmem>>, vector<16xi32>,
        tpu.vector_store %arg12[%swap3A_372], %broadcast_in_dim3A_371 {strides = array<i32>} : memref<144xi32, #tpu.memory_space<vmem>>, vector<16xi32>,
        %broadcast_in_dim3A_374 = vector.broadcast %add3A_7 : i32 to vector<16xi32>
        %swap3A_375 = arith.constant 48 : index
        %swap3A_376 = tpu.vector_load %arg12[%swap3A_375] {strides = array<i32>} : memref<144xi32, #tpu.memory_space<vmem>>, vector<16xi32>,
        tpu.vector_store %arg12[%swap3A_375], %broadcast_in_dim3A_374 {strides = array<i32>} : memref<144xi32, #tpu.memory_space<vmem>>, vector<16xi32>,
        %broadcast_in_dim3A_377 = vector.broadcast %add3A_7 : i32 to vector<16xi32>
        %swap3A_378 = arith.constant 64 : index
        %swap3A_379 = tpu.vector_load %arg12[%swap3A_378] {strides = array<i32>} : memref<144xi32, #tpu.memory_space<vmem>>, vector<16xi32>,
        tpu.vector_store %arg12[%swap3A_378], %broadcast_in_dim3A_377 {strides = array<i32>} : memref<144xi32, #tpu.memory_space<vmem>>, vector<16xi32>,
        %broadcast_in_dim3A_380 = vector.broadcast %add3A_7 : i32 to vector<16xi32>
        %swap3A_381 = arith.constant 80 : index
        %swap3A_382 = tpu.vector_load %arg12[%swap3A_381] {strides = array<i32>} : memref<144xi32, #tpu.memory_space<vmem>>, vector<16xi32>,
        tpu.vector_store %arg12[%swap3A_381], %broadcast_in_dim3A_380 {strides = array<i32>} : memref<144xi32, #tpu.memory_space<vmem>>, vector<16xi32>,
        %broadcast_in_dim3A_383 = vector.broadcast %add3A_7 : i32 to vector<16xi32>
        %swap3A_384 = arith.constant 96 : index
        %swap3A_385 = tpu.vector_load %arg12[%swap3A_384] {strides = array<i32>} : memref<144xi32, #tpu.memory_space<vmem>>, vector<16xi32>,
        tpu.vector_store %arg12[%swap3A_384], %broadcast_in_dim3A_383 {strides = array<i32>} : memref<144xi32, #tpu.memory_space<vmem>>, vector<16xi32>,
        %broadcast_in_dim3A_386 = vector.broadcast %add3A_7 : i32 to vector<16xi32>
        %swap3A_387 = arith.constant 112 : index
        %swap3A_388 = tpu.vector_load %arg12[%swap3A_387] {strides = array<i32>} : memref<144xi32, #tpu.memory_space<vmem>>, vector<16xi32>,
        tpu.vector_store %arg12[%swap3A_387], %broadcast_in_dim3A_386 {strides = array<i32>} : memref<144xi32, #tpu.memory_space<vmem>>, vector<16xi32>,
      } else {
      }
      %ge3A_345 = arith.constant 112 : i32
      %ge3A_346 = arith.cmpi sge, %add3A_340, %ge3A_345 : i32
      %jit3A_347 = arith.constant 0 : i32
      %select_n3A_348 = arith.select %ge3A_346, %jit3A_347, %add3A_340 : i32
      scf.yield %select_n3A_348 : i32
    }
    %eq3A_196 = arith.constant 31 : i32
    %eq3A_197 = arith.cmpi eq, %add3A, %eq3A_196 : i32
    %convert_element_type3A = arith.extui %eq3A_197 : i1 to i32
    %cond3A = arith.constant 0 : i32
    %cond3A_198 = arith.cmpi ne, %convert_element_type3A, %cond3A : i32
    scf.if %cond3A_198 {
      %dma_start3A_204 = arith.constant 0 : i32
      %dma_start3A_205 = arith.constant 0 : i32
      %dma_start3A_206 = tpu.memref_slice %arg9[%dma_start3A_204, %dma_start3A_205] : memref<32x1024xf32, #tpu.memory_space<vmem>> -> memref<32x512xf32, #tpu.memory_space<vmem>>
      %dma_start3A_207 = arith.constant 0 : i32
      %dma_start3A_208 = arith.constant 999424 : i32
      %dma_start3A_209 = tpu.memref_slice %arg3[%dma_start3A_207, %dma_start3A_208] : memref<32x1000000xf32, #tpu.memory_space<hbm>> -> memref<32x512xf32, #tpu.memory_space<hbm>>
      %dma_start3A_210 = arith.constant 0 : i32
      %dma_start3A_211 = arith.constant 0 : i32
      %dma_start3A_212 = tpu.memref_slice %arg9[%dma_start3A_210, %dma_start3A_211] : memref<32x1024xf32, #tpu.memory_space<vmem>> -> memref<32x512xf32, #tpu.memory_space<vmem>>
      %dma_start3A_213 = arith.constant 0 : i32
      %dma_start3A_214 = arith.constant 999424 : i32
      %dma_start3A_215 = tpu.memref_slice %arg3[%dma_start3A_213, %dma_start3A_214] : memref<32x1000000xf32, #tpu.memory_space<hbm>> -> memref<32x512xf32, #tpu.memory_space<hbm>>
      tpu.enqueue_dma source(%dma_start3A_215 : memref<32x512xf32, #tpu.memory_space<hbm>>) target(%dma_start3A_212 : memref<32x512xf32, #tpu.memory_space<vmem>>) target_semaphore(%arg13 : memref<!tpu.dma_semaphore, #tpu.memory_space<semaphore_mem>>)
      %dma_wait3A_216 = arith.constant 0 : i32
      %dma_wait3A_217 = arith.constant 0 : i32
      %dma_wait3A_218 = tpu.memref_slice %arg9[%dma_wait3A_216, %dma_wait3A_217] : memref<32x1024xf32, #tpu.memory_space<vmem>> -> memref<32x512xf32, #tpu.memory_space<vmem>>
      %dma_wait3A_219 = arith.constant 0 : i32
      %dma_wait3A_220 = arith.constant 999424 : i32
      %dma_wait3A_221 = tpu.memref_slice %arg3[%dma_wait3A_219, %dma_wait3A_220] : memref<32x1000000xf32, #tpu.memory_space<hbm>> -> memref<32x512xf32, #tpu.memory_space<hbm>>
      %dma_wait3A_222 = arith.constant 0 : i32
      %dma_wait3A_223 = arith.constant 0 : i32
      %dma_wait3A_224 = tpu.memref_slice %arg9[%dma_wait3A_222, %dma_wait3A_223] : memref<32x1024xf32, #tpu.memory_space<vmem>> -> memref<32x512xf32, #tpu.memory_space<vmem>>
      %dma_wait3A_225 = arith.constant 0 : i32
      %dma_wait3A_226 = arith.constant 999424 : i32
      %dma_wait3A_227 = tpu.memref_slice %arg3[%dma_wait3A_225, %dma_wait3A_226] : memref<32x1000000xf32, #tpu.memory_space<hbm>> -> memref<32x512xf32, #tpu.memory_space<hbm>>
      tpu.wait_dma2 semaphore(%arg13 : memref<!tpu.dma_semaphore, #tpu.memory_space<semaphore_mem>>) src(%dma_wait3A_227 : memref<32x512xf32, #tpu.memory_space<hbm>>) dst(%dma_wait3A_224 : memref<32x512xf32, #tpu.memory_space<vmem>>)
      %add3A_228 = arith.constant 1 : i32
      %add3A_229 = arith.addi %select_n3A_58, %add3A_228 : i32
      %jit3A_230 = arith.constant 2 : i32
      %div3A_231 = arith.divsi %add3A_229, %jit3A_230 : i32
      %sign3A_232 = arith.constant 0 : i32
      %sign3A_233 = arith.cmpi sgt, %add3A_229, %sign3A_232 : i32
      %sign3A_234 = arith.extui %sign3A_233 : i1 to i32
      %sign3A_235 = arith.constant 0 : i32
      %sign3A_236 = arith.cmpi slt, %add3A_229, %sign3A_235 : i32
      %sign3A_237 = arith.extui %sign3A_236 : i1 to i32
      %sign3A_238 = arith.subi %sign3A_234, %sign3A_237 : i32
      %sign3A_239 = arith.constant 0 : i32
      %sign3A_240 = arith.cmpi sgt, %jit3A_230, %sign3A_239 : i32
      %sign3A_241 = arith.extui %sign3A_240 : i1 to i32
      %sign3A_242 = arith.constant 0 : i32
      %sign3A_243 = arith.cmpi slt, %jit3A_230, %sign3A_242 : i32
      %sign3A_244 = arith.extui %sign3A_243 : i1 to i32
      %sign3A_245 = arith.subi %sign3A_241, %sign3A_244 : i32
      %ne3A_246 = arith.cmpi ne, %sign3A_238, %sign3A_245 : i32
      %rem3A_247 = arith.remsi %add3A_229, %jit3A_230 : i32
      %ne3A_248 = arith.constant 0 : i32
      %ne3A_249 = arith.cmpi ne, %rem3A_247, %ne3A_248 : i32
      %and3A_250 = arith.andi %ne3A_246, %ne3A_249 : i1
      %sub3A_251 = arith.constant 1 : i32
      %sub3A_252 = arith.subi %div3A_231, %sub3A_251 : i32
      %select_n3A_253 = arith.select %and3A_250, %sub3A_252, %div3A_231 : i32
      %broadcast_in_dim3A_254 = arith.constant 0 : i32
      %broadcast_in_dim3A_255 = vector.broadcast %broadcast_in_dim3A_254 : i32 to vector<16xi32>
      %while3A_256 = arith.constant 0 : i32
      %while3A_257 = arith.subi %select_n3A_253, %while3A_256 : i32
      %while3A_258 = arith.addi %while3A_256, %while3A_257 : i32
      %while3A_259 = arith.constant 1 : i32
      %while3A_260 = arith.divsi %while3A_257, %while3A_259 : i32
      %while3A_261 = arith.muli %while3A_260, %while3A_259 : i32
      %while3A_262 = arith.addi %while3A_256, %while3A_261 : i32
      %while3A_263 = arith.constant 1 : i32
      %while3A_264 = scf.for %while3A_432 = %while3A_256 to %while3A_262 step %while3A_263 iter_args(%while3A_433 = %broadcast_in_dim3A_255) -> (vector<16xi32>)  : i32 {
        %mul3A_434 = arith.constant 2 : i32
        %mul3A_435 = arith.muli %mul3A_434, %while3A_432 : i32
        %mul3A_436 = arith.constant 16 : i32
        %mul3A_437 = arith.muli %mul3A_435, %mul3A_436 : i32
        %get3A = arith.index_cast %mul3A_437 : i32 to index
        %get3A_438 = tpu.vector_load %arg7[%get3A] {strides = array<i32>} : memref<16416xi32, #tpu.memory_space<vmem>>, vector<16xi32>,
        %ge3A = arith.constant 511705088 : i32
        %ge3A_439 = vector.broadcast %ge3A : i32 to vector<16xi32>
        %ge3A_440 = arith.cmpi sge, %get3A_438, %ge3A_439 : vector<16xi32>
        %lt3A = arith.constant 520093696 : i32
        %lt3A_441 = vector.broadcast %lt3A : i32 to vector<16xi32>
        %lt3A_442 = arith.cmpi slt, %get3A_438, %lt3A_441 : vector<16xi32>
        %and3A_443 = arith.andi %ge3A_440, %lt3A_442 : vector<16xi1>
        %jit3A_444 = arith.constant 1 : i32
        %jit3A_445 = arith.constant 0 : i32
        %broadcast_in_dim3A_446 = vector.broadcast %jit3A_444 : i32 to vector<16xi32>
        %broadcast_in_dim3A_447 = vector.broadcast %jit3A_445 : i32 to vector<16xi32>
        %select_n3A_448 = arith.select %and3A_443, %broadcast_in_dim3A_446, %broadcast_in_dim3A_447 : vector<16xi1>, vector<16xi32>
        %broadcast_in_dim3A_449 = arith.constant true
        %broadcast_in_dim3A_450 = vector.broadcast %broadcast_in_dim3A_449 : i1 to vector<16xi1>
        %masked_cumsum3A = tpu.scan <sum>, %select_n3A_448 masked %broadcast_in_dim3A_450 : vector<16xi32>, vector<16xi1> -> vector<16xi32>
        %add3A_451 = arith.addi %while3A_433, %masked_cumsum3A : vector<16xi32>
        %sub3A_452 = arith.constant 1 : i32
        %sub3A_453 = vector.broadcast %sub3A_452 : i32 to vector<16xi32>
        %sub3A_454 = arith.subi %add3A_451, %sub3A_453 : vector<16xi32>
        %jit3A_455 = arith.constant 16400 : i32
        %broadcast_in_dim3A_456 = vector.broadcast %jit3A_455 : i32 to vector<16xi32>
        %select_n3A_457 = arith.select %and3A_443, %sub3A_454, %broadcast_in_dim3A_456 : vector<16xi1>, vector<16xi32>
        tpu.vector_store_idx %arg8[%select_n3A_457], %get3A_438 : memref<16416xi32, #tpu.memory_space<vmem>>[vector<16xi32>], vector<16xi32>,
        %all_reduce_population_count3A = tpu.all_reduce %and3A_443 {dim = 0 : i64, kind = #tpu.reduction_kind<sum>} : vector<16xi1> -> vector<16xi32>
        %add3A_458 = arith.addi %while3A_433, %all_reduce_population_count3A : vector<16xi32>
        %mul3A_459 = arith.constant 2 : i32
        %mul3A_460 = arith.muli %mul3A_459, %while3A_432 : i32
        %add3A_461 = arith.constant 1 : i32
        %add3A_462 = arith.addi %mul3A_460, %add3A_461 : i32
        %mul3A_463 = arith.constant 16 : i32
        %mul3A_464 = arith.muli %add3A_462, %mul3A_463 : i32
        %get3A_465 = arith.index_cast %mul3A_464 : i32 to index
        %get3A_466 = tpu.vector_load %arg7[%get3A_465] {strides = array<i32>} : memref<16416xi32, #tpu.memory_space<vmem>>, vector<16xi32>,
        %ge3A_467 = arith.constant 511705088 : i32
        %ge3A_468 = vector.broadcast %ge3A_467 : i32 to vector<16xi32>
        %ge3A_469 = arith.cmpi sge, %get3A_466, %ge3A_468 : vector<16xi32>
        %lt3A_470 = arith.constant 520093696 : i32
        %lt3A_471 = vector.broadcast %lt3A_470 : i32 to vector<16xi32>
        %lt3A_472 = arith.cmpi slt, %get3A_466, %lt3A_471 : vector<16xi32>
        %and3A_473 = arith.andi %ge3A_469, %lt3A_472 : vector<16xi1>
        %jit3A_474 = arith.constant 1 : i32
        %jit3A_475 = arith.constant 0 : i32
        %broadcast_in_dim3A_476 = vector.broadcast %jit3A_474 : i32 to vector<16xi32>
        %broadcast_in_dim3A_477 = vector.broadcast %jit3A_475 : i32 to vector<16xi32>
        %select_n3A_478 = arith.select %and3A_473, %broadcast_in_dim3A_476, %broadcast_in_dim3A_477 : vector<16xi1>, vector<16xi32>
        %broadcast_in_dim3A_479 = arith.constant true
        %broadcast_in_dim3A_480 = vector.broadcast %broadcast_in_dim3A_479 : i1 to vector<16xi1>
        %masked_cumsum3A_481 = tpu.scan <sum>, %select_n3A_478 masked %broadcast_in_dim3A_480 : vector<16xi32>, vector<16xi1> -> vector<16xi32>
        %add3A_482 = arith.addi %add3A_458, %masked_cumsum3A_481 : vector<16xi32>
        %sub3A_483 = arith.constant 1 : i32
        %sub3A_484 = vector.broadcast %sub3A_483 : i32 to vector<16xi32>
        %sub3A_485 = arith.subi %add3A_482, %sub3A_484 : vector<16xi32>
        %jit3A_486 = arith.constant 16400 : i32
        %broadcast_in_dim3A_487 = vector.broadcast %jit3A_486 : i32 to vector<16xi32>
        %select_n3A_488 = arith.select %and3A_473, %sub3A_485, %broadcast_in_dim3A_487 : vector<16xi1>, vector<16xi32>
        tpu.vector_store_idx %arg8[%select_n3A_488], %get3A_466 : memref<16416xi32, #tpu.memory_space<vmem>>[vector<16xi32>], vector<16xi32>,
        %all_reduce_population_count3A_489 = tpu.all_reduce %and3A_473 {dim = 0 : i64, kind = #tpu.reduction_kind<sum>} : vector<16xi1> -> vector<16xi32>
        %add3A_490 = arith.addi %add3A_458, %all_reduce_population_count3A_489 : vector<16xi32>
        scf.yield %add3A_490 : vector<16xi32>
      }
      %while3A_265 = arith.constant 1 : i32
      %while3A_266 = scf.for %while3A_432 = %while3A_262 to %while3A_258 step %while3A_265 iter_args(%while3A_433 = %while3A_264) -> (vector<16xi32>)  : i32 {
        %mul3A_434 = arith.constant 2 : i32
        %mul3A_435 = arith.muli %mul3A_434, %while3A_432 : i32
        %mul3A_436 = arith.constant 16 : i32
        %mul3A_437 = arith.muli %mul3A_435, %mul3A_436 : i32
        %get3A = arith.index_cast %mul3A_437 : i32 to index
        %get3A_438 = tpu.vector_load %arg7[%get3A] {strides = array<i32>} : memref<16416xi32, #tpu.memory_space<vmem>>, vector<16xi32>,
        %ge3A = arith.constant 511705088 : i32
        %ge3A_439 = vector.broadcast %ge3A : i32 to vector<16xi32>
        %ge3A_440 = arith.cmpi sge, %get3A_438, %ge3A_439 : vector<16xi32>
        %lt3A = arith.constant 520093696 : i32
        %lt3A_441 = vector.broadcast %lt3A : i32 to vector<16xi32>
        %lt3A_442 = arith.cmpi slt, %get3A_438, %lt3A_441 : vector<16xi32>
        %and3A_443 = arith.andi %ge3A_440, %lt3A_442 : vector<16xi1>
        %jit3A_444 = arith.constant 1 : i32
        %jit3A_445 = arith.constant 0 : i32
        %broadcast_in_dim3A_446 = vector.broadcast %jit3A_444 : i32 to vector<16xi32>
        %broadcast_in_dim3A_447 = vector.broadcast %jit3A_445 : i32 to vector<16xi32>
        %select_n3A_448 = arith.select %and3A_443, %broadcast_in_dim3A_446, %broadcast_in_dim3A_447 : vector<16xi1>, vector<16xi32>
        %broadcast_in_dim3A_449 = arith.constant true
        %broadcast_in_dim3A_450 = vector.broadcast %broadcast_in_dim3A_449 : i1 to vector<16xi1>
        %masked_cumsum3A = tpu.scan <sum>, %select_n3A_448 masked %broadcast_in_dim3A_450 : vector<16xi32>, vector<16xi1> -> vector<16xi32>
        %add3A_451 = arith.addi %while3A_433, %masked_cumsum3A : vector<16xi32>
        %sub3A_452 = arith.constant 1 : i32
        %sub3A_453 = vector.broadcast %sub3A_452 : i32 to vector<16xi32>
        %sub3A_454 = arith.subi %add3A_451, %sub3A_453 : vector<16xi32>
        %jit3A_455 = arith.constant 16400 : i32
        %broadcast_in_dim3A_456 = vector.broadcast %jit3A_455 : i32 to vector<16xi32>
        %select_n3A_457 = arith.select %and3A_443, %sub3A_454, %broadcast_in_dim3A_456 : vector<16xi1>, vector<16xi32>
        tpu.vector_store_idx %arg8[%select_n3A_457], %get3A_438 : memref<16416xi32, #tpu.memory_space<vmem>>[vector<16xi32>], vector<16xi32>,
        %all_reduce_population_count3A = tpu.all_reduce %and3A_443 {dim = 0 : i64, kind = #tpu.reduction_kind<sum>} : vector<16xi1> -> vector<16xi32>
        %add3A_458 = arith.addi %while3A_433, %all_reduce_population_count3A : vector<16xi32>
        %mul3A_459 = arith.constant 2 : i32
        %mul3A_460 = arith.muli %mul3A_459, %while3A_432 : i32
        %add3A_461 = arith.constant 1 : i32
        %add3A_462 = arith.addi %mul3A_460, %add3A_461 : i32
        %mul3A_463 = arith.constant 16 : i32
        %mul3A_464 = arith.muli %add3A_462, %mul3A_463 : i32
        %get3A_465 = arith.index_cast %mul3A_464 : i32 to index
        %get3A_466 = tpu.vector_load %arg7[%get3A_465] {strides = array<i32>} : memref<16416xi32, #tpu.memory_space<vmem>>, vector<16xi32>,
        %ge3A_467 = arith.constant 511705088 : i32
        %ge3A_468 = vector.broadcast %ge3A_467 : i32 to vector<16xi32>
        %ge3A_469 = arith.cmpi sge, %get3A_466, %ge3A_468 : vector<16xi32>
        %lt3A_470 = arith.constant 520093696 : i32
        %lt3A_471 = vector.broadcast %lt3A_470 : i32 to vector<16xi32>
        %lt3A_472 = arith.cmpi slt, %get3A_466, %lt3A_471 : vector<16xi32>
        %and3A_473 = arith.andi %ge3A_469, %lt3A_472 : vector<16xi1>
        %jit3A_474 = arith.constant 1 : i32
        %jit3A_475 = arith.constant 0 : i32
        %broadcast_in_dim3A_476 = vector.broadcast %jit3A_474 : i32 to vector<16xi32>
        %broadcast_in_dim3A_477 = vector.broadcast %jit3A_475 : i32 to vector<16xi32>
        %select_n3A_478 = arith.select %and3A_473, %broadcast_in_dim3A_476, %broadcast_in_dim3A_477 : vector<16xi1>, vector<16xi32>
        %broadcast_in_dim3A_479 = arith.constant true
        %broadcast_in_dim3A_480 = vector.broadcast %broadcast_in_dim3A_479 : i1 to vector<16xi1>
        %masked_cumsum3A_481 = tpu.scan <sum>, %select_n3A_478 masked %broadcast_in_dim3A_480 : vector<16xi32>, vector<16xi1> -> vector<16xi32>
        %add3A_482 = arith.addi %add3A_458, %masked_cumsum3A_481 : vector<16xi32>
        %sub3A_483 = arith.constant 1 : i32
        %sub3A_484 = vector.broadcast %sub3A_483 : i32 to vector<16xi32>
        %sub3A_485 = arith.subi %add3A_482, %sub3A_484 : vector<16xi32>
        %jit3A_486 = arith.constant 16400 : i32
        %broadcast_in_dim3A_487 = vector.broadcast %jit3A_486 : i32 to vector<16xi32>
        %select_n3A_488 = arith.select %and3A_473, %sub3A_485, %broadcast_in_dim3A_487 : vector<16xi1>, vector<16xi32>
        tpu.vector_store_idx %arg8[%select_n3A_488], %get3A_466 : memref<16416xi32, #tpu.memory_space<vmem>>[vector<16xi32>], vector<16xi32>,
        %all_reduce_population_count3A_489 = tpu.all_reduce %and3A_473 {dim = 0 : i64, kind = #tpu.reduction_kind<sum>} : vector<16xi1> -> vector<16xi32>
        %add3A_490 = arith.addi %add3A_458, %all_reduce_population_count3A_489 : vector<16xi32>
        scf.yield %add3A_490 : vector<16xi32>
      }
      %reduce_sum3A_267 = arith.constant true
      %reduce_sum3A_268 = vector.broadcast %reduce_sum3A_267 : i1 to vector<16xi1>
      %reduce_sum3A_269 = tpu.scan <sum>, %while3A_266 masked %reduce_sum3A_268 : vector<16xi32>, vector<16xi1> -> vector<16xi32>
      %reduce_sum3A_270 = vector.extract %reduce_sum3A_269[15] : i32 from vector<16xi32>
      %shift_right_logical3A_271 = arith.constant 4 : i32
      %shift_right_logical3A_272 = arith.shrui %reduce_sum3A_270, %shift_right_logical3A_271 : i32
      %add3A_273 = arith.constant 15 : i32
      %add3A_274 = arith.addi %shift_right_logical3A_272, %add3A_273 : i32
      %jit3A_275 = arith.constant 16 : i32
      %div3A_276 = arith.divsi %add3A_274, %jit3A_275 : i32
      %sign3A_277 = arith.constant 0 : i32
      %sign3A_278 = arith.cmpi sgt, %add3A_274, %sign3A_277 : i32
      %sign3A_279 = arith.extui %sign3A_278 : i1 to i32
      %sign3A_280 = arith.constant 0 : i32
      %sign3A_281 = arith.cmpi slt, %add3A_274, %sign3A_280 : i32
      %sign3A_282 = arith.extui %sign3A_281 : i1 to i32
      %sign3A_283 = arith.subi %sign3A_279, %sign3A_282 : i32
      %sign3A_284 = arith.constant 0 : i32
      %sign3A_285 = arith.cmpi sgt, %jit3A_275, %sign3A_284 : i32
      %sign3A_286 = arith.extui %sign3A_285 : i1 to i32
      %sign3A_287 = arith.constant 0 : i32
      %sign3A_288 = arith.cmpi slt, %jit3A_275, %sign3A_287 : i32
      %sign3A_289 = arith.extui %sign3A_288 : i1 to i32
      %sign3A_290 = arith.subi %sign3A_286, %sign3A_289 : i32
      %ne3A_291 = arith.cmpi ne, %sign3A_283, %sign3A_290 : i32
      %rem3A_292 = arith.remsi %add3A_274, %jit3A_275 : i32
      %ne3A_293 = arith.constant 0 : i32
      %ne3A_294 = arith.cmpi ne, %rem3A_292, %ne3A_293 : i32
      %and3A_295 = arith.andi %ne3A_291, %ne3A_294 : i1
      %sub3A_296 = arith.constant 1 : i32
      %sub3A_297 = arith.subi %div3A_276, %sub3A_296 : i32
      %select_n3A_298 = arith.select %and3A_295, %sub3A_297, %div3A_276 : i32
      %while3A_299 = arith.constant 0 : i32
      %while3A_300 = arith.subi %select_n3A_298, %while3A_299 : i32
      %while3A_301 = arith.addi %while3A_299, %while3A_300 : i32
      %while3A_302 = arith.constant 1 : i32
      %while3A_303 = arith.divsi %while3A_300, %while3A_302 : i32
      %while3A_304 = arith.muli %while3A_303, %while3A_302 : i32
      %while3A_305 = arith.addi %while3A_299, %while3A_304 : i32
      %while3A_306 = arith.constant 1 : i32
      %while3A_307 = scf.for %while3A_432 = %while3A_299 to %while3A_305 step %while3A_306 iter_args(%while3A_433 = %while3A_195) -> (i32)  : i32 {
        %mul3A_434 = arith.constant 16 : i32
        %mul3A_435 = arith.muli %while3A_432, %mul3A_434 : i32
        %get3A = arith.index_cast %mul3A_435 : i32 to index
        %get3A_436 = tpu.vector_load %arg8[%get3A] {strides = array<i32>} : memref<16416xi32, #tpu.memory_space<vmem>>, vector<16xi32>,
        %shift_right_arithmetic3A = arith.constant 14 : i32
        %shift_right_arithmetic3A_437 = vector.broadcast %shift_right_arithmetic3A : i32 to vector<16xi32>
        %shift_right_arithmetic3A_438 = arith.shrsi %get3A_436, %shift_right_arithmetic3A_437 : vector<16xi32>
        %sub3A_439 = arith.constant 31232 : i32
        %sub3A_440 = vector.broadcast %sub3A_439 : i32 to vector<16xi32>
        %sub3A_441 = arith.subi %shift_right_arithmetic3A_438, %sub3A_440 : vector<16xi32>
        %jit3A_442 = arith.constant 0 : i32
        %jit3A_443 = arith.constant 511 : i32
        %max3A = vector.broadcast %jit3A_442 : i32 to vector<16xi32>
        %max3A_444 = arith.maxsi %max3A, %sub3A_441 : vector<16xi32>
        %min3A = vector.broadcast %jit3A_443 : i32 to vector<16xi32>
        %min3A_445 = arith.minsi %min3A, %max3A_444 : vector<16xi32>
        %and3A_446 = arith.constant 16383 : i32
        %and3A_447 = vector.broadcast %and3A_446 : i32 to vector<16xi32>
        %and3A_448 = arith.andi %get3A_436, %and3A_447 : vector<16xi32>
        %mul3A_449 = arith.constant 16 : i32
        %mul3A_450 = arith.muli %while3A_432, %mul3A_449 : i32
        %add3A_451 = vector.broadcast %mul3A_450 : i32 to vector<16xi32>
        %add3A_452 = arith.addi %iota3A, %add3A_451 : vector<16xi32>
        %lt3A = vector.broadcast %shift_right_logical3A_272 : i32 to vector<16xi32>
        %lt3A_453 = arith.cmpi slt, %add3A_452, %lt3A : vector<16xi32>
        %jit3A_454 = arith.constant 1 : i32
        %jit3A_455 = arith.constant 0 : i32
        %broadcast_in_dim3A_456 = vector.broadcast %jit3A_454 : i32 to vector<16xi32>
        %broadcast_in_dim3A_457 = vector.broadcast %jit3A_455 : i32 to vector<16xi32>
        %select_n3A_458 = arith.select %lt3A_453, %broadcast_in_dim3A_456, %broadcast_in_dim3A_457 : vector<16xi1>, vector<16xi32>
        %broadcast_in_dim3A_459 = arith.constant true
        %broadcast_in_dim3A_460 = vector.broadcast %broadcast_in_dim3A_459 : i1 to vector<16xi1>
        %masked_cumsum3A = tpu.scan <sum>, %select_n3A_458 masked %broadcast_in_dim3A_460 : vector<16xi32>, vector<16xi1> -> vector<16xi32>
        %add3A_461 = vector.broadcast %while3A_433 : i32 to vector<16xi32>
        %add3A_462 = arith.addi %add3A_461, %masked_cumsum3A : vector<16xi32>
        %sub3A_463 = arith.constant 1 : i32
        %sub3A_464 = vector.broadcast %sub3A_463 : i32 to vector<16xi32>
        %sub3A_465 = arith.subi %add3A_462, %sub3A_464 : vector<16xi32>
        %jit3A_466 = arith.constant 128 : i32
        %broadcast_in_dim3A_467 = vector.broadcast %jit3A_466 : i32 to vector<16xi32>
        %select_n3A_468 = arith.select %lt3A_453, %sub3A_465, %broadcast_in_dim3A_467 : vector<16xi1>, vector<16xi32>
        %broadcast_in_dim3A_469 = arith.constant 0 : i32
        %broadcast_in_dim3A_470 = vector.broadcast %broadcast_in_dim3A_469 : i32 to vector<16xi32>
        %gather3A = tpu.vector_load_idx %arg9[%broadcast_in_dim3A_470, %min3A_445] : memref<32x1024xf32, #tpu.memory_space<vmem>>[vector<16xi32>, vector<16xi32>], vector<16xf32>,
        tpu.vector_store_idx %arg11[%select_n3A_468, %broadcast_in_dim3A_470], %gather3A : memref<129x128xf32, #tpu.memory_space<vmem>>[vector<16xi32>, vector<16xi32>], vector<16xf32>,
        %broadcast_in_dim3A_471 = arith.constant 1 : i32
        %broadcast_in_dim3A_472 = vector.broadcast %broadcast_in_dim3A_471 : i32 to vector<16xi32>
        %gather3A_473 = tpu.vector_load_idx %arg9[%broadcast_in_dim3A_472, %min3A_445] : memref<32x1024xf32, #tpu.memory_space<vmem>>[vector<16xi32>, vector<16xi32>], vector<16xf32>,
        tpu.vector_store_idx %arg11[%select_n3A_468, %broadcast_in_dim3A_472], %gather3A_473 : memref<129x128xf32, #tpu.memory_space<vmem>>[vector<16xi32>, vector<16xi32>], vector<16xf32>,
        %broadcast_in_dim3A_474 = arith.constant 2 : i32
        %broadcast_in_dim3A_475 = vector.broadcast %broadcast_in_dim3A_474 : i32 to vector<16xi32>
        %gather3A_476 = tpu.vector_load_idx %arg9[%broadcast_in_dim3A_475, %min3A_445] : memref<32x1024xf32, #tpu.memory_space<vmem>>[vector<16xi32>, vector<16xi32>], vector<16xf32>,
        tpu.vector_store_idx %arg11[%select_n3A_468, %broadcast_in_dim3A_475], %gather3A_476 : memref<129x128xf32, #tpu.memory_space<vmem>>[vector<16xi32>, vector<16xi32>], vector<16xf32>,
        %broadcast_in_dim3A_477 = arith.constant 3 : i32
        %broadcast_in_dim3A_478 = vector.broadcast %broadcast_in_dim3A_477 : i32 to vector<16xi32>
        %gather3A_479 = tpu.vector_load_idx %arg9[%broadcast_in_dim3A_478, %min3A_445] : memref<32x1024xf32, #tpu.memory_space<vmem>>[vector<16xi32>, vector<16xi32>], vector<16xf32>,
        tpu.vector_store_idx %arg11[%select_n3A_468, %broadcast_in_dim3A_478], %gather3A_479 : memref<129x128xf32, #tpu.memory_space<vmem>>[vector<16xi32>, vector<16xi32>], vector<16xf32>,
        %broadcast_in_dim3A_480 = arith.constant 4 : i32
        %broadcast_in_dim3A_481 = vector.broadcast %broadcast_in_dim3A_480 : i32 to vector<16xi32>
        %gather3A_482 = tpu.vector_load_idx %arg9[%broadcast_in_dim3A_481, %min3A_445] : memref<32x1024xf32, #tpu.memory_space<vmem>>[vector<16xi32>, vector<16xi32>], vector<16xf32>,
        tpu.vector_store_idx %arg11[%select_n3A_468, %broadcast_in_dim3A_481], %gather3A_482 : memref<129x128xf32, #tpu.memory_space<vmem>>[vector<16xi32>, vector<16xi32>], vector<16xf32>,
        %broadcast_in_dim3A_483 = arith.constant 5 : i32
        %broadcast_in_dim3A_484 = vector.broadcast %broadcast_in_dim3A_483 : i32 to vector<16xi32>
        %gather3A_485 = tpu.vector_load_idx %arg9[%broadcast_in_dim3A_484, %min3A_445] : memref<32x1024xf32, #tpu.memory_space<vmem>>[vector<16xi32>, vector<16xi32>], vector<16xf32>,
        tpu.vector_store_idx %arg11[%select_n3A_468, %broadcast_in_dim3A_484], %gather3A_485 : memref<129x128xf32, #tpu.memory_space<vmem>>[vector<16xi32>, vector<16xi32>], vector<16xf32>,
        %broadcast_in_dim3A_486 = arith.constant 6 : i32
        %broadcast_in_dim3A_487 = vector.broadcast %broadcast_in_dim3A_486 : i32 to vector<16xi32>
        %gather3A_488 = tpu.vector_load_idx %arg9[%broadcast_in_dim3A_487, %min3A_445] : memref<32x1024xf32, #tpu.memory_space<vmem>>[vector<16xi32>, vector<16xi32>], vector<16xf32>,
        tpu.vector_store_idx %arg11[%select_n3A_468, %broadcast_in_dim3A_487], %gather3A_488 : memref<129x128xf32, #tpu.memory_space<vmem>>[vector<16xi32>, vector<16xi32>], vector<16xf32>,
        %broadcast_in_dim3A_489 = arith.constant 7 : i32
        %broadcast_in_dim3A_490 = vector.broadcast %broadcast_in_dim3A_489 : i32 to vector<16xi32>
        %gather3A_491 = tpu.vector_load_idx %arg9[%broadcast_in_dim3A_490, %min3A_445] : memref<32x1024xf32, #tpu.memory_space<vmem>>[vector<16xi32>, vector<16xi32>], vector<16xf32>,
        tpu.vector_store_idx %arg11[%select_n3A_468, %broadcast_in_dim3A_490], %gather3A_491 : memref<129x128xf32, #tpu.memory_space<vmem>>[vector<16xi32>, vector<16xi32>], vector<16xf32>,
        %broadcast_in_dim3A_492 = arith.constant 8 : i32
        %broadcast_in_dim3A_493 = vector.broadcast %broadcast_in_dim3A_492 : i32 to vector<16xi32>
        %gather3A_494 = tpu.vector_load_idx %arg9[%broadcast_in_dim3A_493, %min3A_445] : memref<32x1024xf32, #tpu.memory_space<vmem>>[vector<16xi32>, vector<16xi32>], vector<16xf32>,
        tpu.vector_store_idx %arg11[%select_n3A_468, %broadcast_in_dim3A_493], %gather3A_494 : memref<129x128xf32, #tpu.memory_space<vmem>>[vector<16xi32>, vector<16xi32>], vector<16xf32>,
        %broadcast_in_dim3A_495 = arith.constant 9 : i32
        %broadcast_in_dim3A_496 = vector.broadcast %broadcast_in_dim3A_495 : i32 to vector<16xi32>
        %gather3A_497 = tpu.vector_load_idx %arg9[%broadcast_in_dim3A_496, %min3A_445] : memref<32x1024xf32, #tpu.memory_space<vmem>>[vector<16xi32>, vector<16xi32>], vector<16xf32>,
        tpu.vector_store_idx %arg11[%select_n3A_468, %broadcast_in_dim3A_496], %gather3A_497 : memref<129x128xf32, #tpu.memory_space<vmem>>[vector<16xi32>, vector<16xi32>], vector<16xf32>,
        %broadcast_in_dim3A_498 = arith.constant 10 : i32
        %broadcast_in_dim3A_499 = vector.broadcast %broadcast_in_dim3A_498 : i32 to vector<16xi32>
        %gather3A_500 = tpu.vector_load_idx %arg9[%broadcast_in_dim3A_499, %min3A_445] : memref<32x1024xf32, #tpu.memory_space<vmem>>[vector<16xi32>, vector<16xi32>], vector<16xf32>,
        tpu.vector_store_idx %arg11[%select_n3A_468, %broadcast_in_dim3A_499], %gather3A_500 : memref<129x128xf32, #tpu.memory_space<vmem>>[vector<16xi32>, vector<16xi32>], vector<16xf32>,
        %broadcast_in_dim3A_501 = arith.constant 11 : i32
        %broadcast_in_dim3A_502 = vector.broadcast %broadcast_in_dim3A_501 : i32 to vector<16xi32>
        %gather3A_503 = tpu.vector_load_idx %arg9[%broadcast_in_dim3A_502, %min3A_445] : memref<32x1024xf32, #tpu.memory_space<vmem>>[vector<16xi32>, vector<16xi32>], vector<16xf32>,
        tpu.vector_store_idx %arg11[%select_n3A_468, %broadcast_in_dim3A_502], %gather3A_503 : memref<129x128xf32, #tpu.memory_space<vmem>>[vector<16xi32>, vector<16xi32>], vector<16xf32>,
        %broadcast_in_dim3A_504 = arith.constant 12 : i32
        %broadcast_in_dim3A_505 = vector.broadcast %broadcast_in_dim3A_504 : i32 to vector<16xi32>
        %gather3A_506 = tpu.vector_load_idx %arg9[%broadcast_in_dim3A_505, %min3A_445] : memref<32x1024xf32, #tpu.memory_space<vmem>>[vector<16xi32>, vector<16xi32>], vector<16xf32>,
        tpu.vector_store_idx %arg11[%select_n3A_468, %broadcast_in_dim3A_505], %gather3A_506 : memref<129x128xf32, #tpu.memory_space<vmem>>[vector<16xi32>, vector<16xi32>], vector<16xf32>,
        %broadcast_in_dim3A_507 = arith.constant 13 : i32
        %broadcast_in_dim3A_508 = vector.broadcast %broadcast_in_dim3A_507 : i32 to vector<16xi32>
        %gather3A_509 = tpu.vector_load_idx %arg9[%broadcast_in_dim3A_508, %min3A_445] : memref<32x1024xf32, #tpu.memory_space<vmem>>[vector<16xi32>, vector<16xi32>], vector<16xf32>,
        tpu.vector_store_idx %arg11[%select_n3A_468, %broadcast_in_dim3A_508], %gather3A_509 : memref<129x128xf32, #tpu.memory_space<vmem>>[vector<16xi32>, vector<16xi32>], vector<16xf32>,
        %broadcast_in_dim3A_510 = arith.constant 14 : i32
        %broadcast_in_dim3A_511 = vector.broadcast %broadcast_in_dim3A_510 : i32 to vector<16xi32>
        %gather3A_512 = tpu.vector_load_idx %arg9[%broadcast_in_dim3A_511, %min3A_445] : memref<32x1024xf32, #tpu.memory_space<vmem>>[vector<16xi32>, vector<16xi32>], vector<16xf32>,
        tpu.vector_store_idx %arg11[%select_n3A_468, %broadcast_in_dim3A_511], %gather3A_512 : memref<129x128xf32, #tpu.memory_space<vmem>>[vector<16xi32>, vector<16xi32>], vector<16xf32>,
        %broadcast_in_dim3A_513 = arith.constant 15 : i32
        %broadcast_in_dim3A_514 = vector.broadcast %broadcast_in_dim3A_513 : i32 to vector<16xi32>
        %gather3A_515 = tpu.vector_load_idx %arg9[%broadcast_in_dim3A_514, %min3A_445] : memref<32x1024xf32, #tpu.memory_space<vmem>>[vector<16xi32>, vector<16xi32>], vector<16xf32>,
        tpu.vector_store_idx %arg11[%select_n3A_468, %broadcast_in_dim3A_514], %gather3A_515 : memref<129x128xf32, #tpu.memory_space<vmem>>[vector<16xi32>, vector<16xi32>], vector<16xf32>,
        %broadcast_in_dim3A_516 = arith.constant 16 : i32
        %broadcast_in_dim3A_517 = vector.broadcast %broadcast_in_dim3A_516 : i32 to vector<16xi32>
        %gather3A_518 = tpu.vector_load_idx %arg9[%broadcast_in_dim3A_517, %min3A_445] : memref<32x1024xf32, #tpu.memory_space<vmem>>[vector<16xi32>, vector<16xi32>], vector<16xf32>,
        tpu.vector_store_idx %arg11[%select_n3A_468, %broadcast_in_dim3A_517], %gather3A_518 : memref<129x128xf32, #tpu.memory_space<vmem>>[vector<16xi32>, vector<16xi32>], vector<16xf32>,
        %broadcast_in_dim3A_519 = arith.constant 17 : i32
        %broadcast_in_dim3A_520 = vector.broadcast %broadcast_in_dim3A_519 : i32 to vector<16xi32>
        %gather3A_521 = tpu.vector_load_idx %arg9[%broadcast_in_dim3A_520, %min3A_445] : memref<32x1024xf32, #tpu.memory_space<vmem>>[vector<16xi32>, vector<16xi32>], vector<16xf32>,
        tpu.vector_store_idx %arg11[%select_n3A_468, %broadcast_in_dim3A_520], %gather3A_521 : memref<129x128xf32, #tpu.memory_space<vmem>>[vector<16xi32>, vector<16xi32>], vector<16xf32>,
        %broadcast_in_dim3A_522 = arith.constant 18 : i32
        %broadcast_in_dim3A_523 = vector.broadcast %broadcast_in_dim3A_522 : i32 to vector<16xi32>
        %gather3A_524 = tpu.vector_load_idx %arg9[%broadcast_in_dim3A_523, %min3A_445] : memref<32x1024xf32, #tpu.memory_space<vmem>>[vector<16xi32>, vector<16xi32>], vector<16xf32>,
        tpu.vector_store_idx %arg11[%select_n3A_468, %broadcast_in_dim3A_523], %gather3A_524 : memref<129x128xf32, #tpu.memory_space<vmem>>[vector<16xi32>, vector<16xi32>], vector<16xf32>,
        %broadcast_in_dim3A_525 = arith.constant 19 : i32
        %broadcast_in_dim3A_526 = vector.broadcast %broadcast_in_dim3A_525 : i32 to vector<16xi32>
        %gather3A_527 = tpu.vector_load_idx %arg9[%broadcast_in_dim3A_526, %min3A_445] : memref<32x1024xf32, #tpu.memory_space<vmem>>[vector<16xi32>, vector<16xi32>], vector<16xf32>,
        tpu.vector_store_idx %arg11[%select_n3A_468, %broadcast_in_dim3A_526], %gather3A_527 : memref<129x128xf32, #tpu.memory_space<vmem>>[vector<16xi32>, vector<16xi32>], vector<16xf32>,
        %broadcast_in_dim3A_528 = arith.constant 20 : i32
        %broadcast_in_dim3A_529 = vector.broadcast %broadcast_in_dim3A_528 : i32 to vector<16xi32>
        %gather3A_530 = tpu.vector_load_idx %arg9[%broadcast_in_dim3A_529, %min3A_445] : memref<32x1024xf32, #tpu.memory_space<vmem>>[vector<16xi32>, vector<16xi32>], vector<16xf32>,
        tpu.vector_store_idx %arg11[%select_n3A_468, %broadcast_in_dim3A_529], %gather3A_530 : memref<129x128xf32, #tpu.memory_space<vmem>>[vector<16xi32>, vector<16xi32>], vector<16xf32>,
        %broadcast_in_dim3A_531 = arith.constant 21 : i32
        %broadcast_in_dim3A_532 = vector.broadcast %broadcast_in_dim3A_531 : i32 to vector<16xi32>
        %gather3A_533 = tpu.vector_load_idx %arg9[%broadcast_in_dim3A_532, %min3A_445] : memref<32x1024xf32, #tpu.memory_space<vmem>>[vector<16xi32>, vector<16xi32>], vector<16xf32>,
        tpu.vector_store_idx %arg11[%select_n3A_468, %broadcast_in_dim3A_532], %gather3A_533 : memref<129x128xf32, #tpu.memory_space<vmem>>[vector<16xi32>, vector<16xi32>], vector<16xf32>,
        %broadcast_in_dim3A_534 = arith.constant 22 : i32
        %broadcast_in_dim3A_535 = vector.broadcast %broadcast_in_dim3A_534 : i32 to vector<16xi32>
        %gather3A_536 = tpu.vector_load_idx %arg9[%broadcast_in_dim3A_535, %min3A_445] : memref<32x1024xf32, #tpu.memory_space<vmem>>[vector<16xi32>, vector<16xi32>], vector<16xf32>,
        tpu.vector_store_idx %arg11[%select_n3A_468, %broadcast_in_dim3A_535], %gather3A_536 : memref<129x128xf32, #tpu.memory_space<vmem>>[vector<16xi32>, vector<16xi32>], vector<16xf32>,
        %broadcast_in_dim3A_537 = arith.constant 23 : i32
        %broadcast_in_dim3A_538 = vector.broadcast %broadcast_in_dim3A_537 : i32 to vector<16xi32>
        %gather3A_539 = tpu.vector_load_idx %arg9[%broadcast_in_dim3A_538, %min3A_445] : memref<32x1024xf32, #tpu.memory_space<vmem>>[vector<16xi32>, vector<16xi32>], vector<16xf32>,
        tpu.vector_store_idx %arg11[%select_n3A_468, %broadcast_in_dim3A_538], %gather3A_539 : memref<129x128xf32, #tpu.memory_space<vmem>>[vector<16xi32>, vector<16xi32>], vector<16xf32>,
        %broadcast_in_dim3A_540 = arith.constant 24 : i32
        %broadcast_in_dim3A_541 = vector.broadcast %broadcast_in_dim3A_540 : i32 to vector<16xi32>
        %gather3A_542 = tpu.vector_load_idx %arg9[%broadcast_in_dim3A_541, %min3A_445] : memref<32x1024xf32, #tpu.memory_space<vmem>>[vector<16xi32>, vector<16xi32>], vector<16xf32>,
        tpu.vector_store_idx %arg11[%select_n3A_468, %broadcast_in_dim3A_541], %gather3A_542 : memref<129x128xf32, #tpu.memory_space<vmem>>[vector<16xi32>, vector<16xi32>], vector<16xf32>,
        %broadcast_in_dim3A_543 = arith.constant 25 : i32
        %broadcast_in_dim3A_544 = vector.broadcast %broadcast_in_dim3A_543 : i32 to vector<16xi32>
        %gather3A_545 = tpu.vector_load_idx %arg9[%broadcast_in_dim3A_544, %min3A_445] : memref<32x1024xf32, #tpu.memory_space<vmem>>[vector<16xi32>, vector<16xi32>], vector<16xf32>,
        tpu.vector_store_idx %arg11[%select_n3A_468, %broadcast_in_dim3A_544], %gather3A_545 : memref<129x128xf32, #tpu.memory_space<vmem>>[vector<16xi32>, vector<16xi32>], vector<16xf32>,
        %broadcast_in_dim3A_546 = arith.constant 26 : i32
        %broadcast_in_dim3A_547 = vector.broadcast %broadcast_in_dim3A_546 : i32 to vector<16xi32>
        %gather3A_548 = tpu.vector_load_idx %arg9[%broadcast_in_dim3A_547, %min3A_445] : memref<32x1024xf32, #tpu.memory_space<vmem>>[vector<16xi32>, vector<16xi32>], vector<16xf32>,
        tpu.vector_store_idx %arg11[%select_n3A_468, %broadcast_in_dim3A_547], %gather3A_548 : memref<129x128xf32, #tpu.memory_space<vmem>>[vector<16xi32>, vector<16xi32>], vector<16xf32>,
        %broadcast_in_dim3A_549 = arith.constant 27 : i32
        %broadcast_in_dim3A_550 = vector.broadcast %broadcast_in_dim3A_549 : i32 to vector<16xi32>
        %gather3A_551 = tpu.vector_load_idx %arg9[%broadcast_in_dim3A_550, %min3A_445] : memref<32x1024xf32, #tpu.memory_space<vmem>>[vector<16xi32>, vector<16xi32>], vector<16xf32>,
        tpu.vector_store_idx %arg11[%select_n3A_468, %broadcast_in_dim3A_550], %gather3A_551 : memref<129x128xf32, #tpu.memory_space<vmem>>[vector<16xi32>, vector<16xi32>], vector<16xf32>,
        %broadcast_in_dim3A_552 = arith.constant 28 : i32
        %broadcast_in_dim3A_553 = vector.broadcast %broadcast_in_dim3A_552 : i32 to vector<16xi32>
        %gather3A_554 = tpu.vector_load_idx %arg9[%broadcast_in_dim3A_553, %min3A_445] : memref<32x1024xf32, #tpu.memory_space<vmem>>[vector<16xi32>, vector<16xi32>], vector<16xf32>,
        tpu.vector_store_idx %arg11[%select_n3A_468, %broadcast_in_dim3A_553], %gather3A_554 : memref<129x128xf32, #tpu.memory_space<vmem>>[vector<16xi32>, vector<16xi32>], vector<16xf32>,
        %broadcast_in_dim3A_555 = arith.constant 29 : i32
        %broadcast_in_dim3A_556 = vector.broadcast %broadcast_in_dim3A_555 : i32 to vector<16xi32>
        %gather3A_557 = tpu.vector_load_idx %arg9[%broadcast_in_dim3A_556, %min3A_445] : memref<32x1024xf32, #tpu.memory_space<vmem>>[vector<16xi32>, vector<16xi32>], vector<16xf32>,
        tpu.vector_store_idx %arg11[%select_n3A_468, %broadcast_in_dim3A_556], %gather3A_557 : memref<129x128xf32, #tpu.memory_space<vmem>>[vector<16xi32>, vector<16xi32>], vector<16xf32>,
        %broadcast_in_dim3A_558 = arith.constant 30 : i32
        %broadcast_in_dim3A_559 = vector.broadcast %broadcast_in_dim3A_558 : i32 to vector<16xi32>
        %gather3A_560 = tpu.vector_load_idx %arg9[%broadcast_in_dim3A_559, %min3A_445] : memref<32x1024xf32, #tpu.memory_space<vmem>>[vector<16xi32>, vector<16xi32>], vector<16xf32>,
        tpu.vector_store_idx %arg11[%select_n3A_468, %broadcast_in_dim3A_559], %gather3A_560 : memref<129x128xf32, #tpu.memory_space<vmem>>[vector<16xi32>, vector<16xi32>], vector<16xf32>,
        %broadcast_in_dim3A_561 = arith.constant 31 : i32
        %broadcast_in_dim3A_562 = vector.broadcast %broadcast_in_dim3A_561 : i32 to vector<16xi32>
        %gather3A_563 = tpu.vector_load_idx %arg9[%broadcast_in_dim3A_562, %min3A_445] : memref<32x1024xf32, #tpu.memory_space<vmem>>[vector<16xi32>, vector<16xi32>], vector<16xf32>,
        tpu.vector_store_idx %arg11[%select_n3A_468, %broadcast_in_dim3A_562], %gather3A_563 : memref<129x128xf32, #tpu.memory_space<vmem>>[vector<16xi32>, vector<16xi32>], vector<16xf32>,
        tpu.vector_store_idx %arg12[%select_n3A_468], %and3A_448 : memref<144xi32, #tpu.memory_space<vmem>>[vector<16xi32>], vector<16xi32>,
        %reduce_sum3A_564 = arith.constant true
        %reduce_sum3A_565 = vector.broadcast %reduce_sum3A_564 : i1 to vector<16xi1>
        %reduce_sum3A_566 = tpu.scan <sum>, %select_n3A_458 masked %reduce_sum3A_565 : vector<16xi32>, vector<16xi1> -> vector<16xi32>
        %reduce_sum3A_567 = vector.extract %reduce_sum3A_566[15] : i32 from vector<16xi32>
        %add3A_568 = arith.addi %while3A_433, %reduce_sum3A_567 : i32
        %ge3A = arith.constant 112 : i32
        %ge3A_569 = arith.cmpi sge, %add3A_568, %ge3A : i32
        %convert_element_type3A_570 = arith.extui %ge3A_569 : i1 to i32
        %cond3A_571 = arith.constant 0 : i32
        %cond3A_572 = arith.cmpi ne, %convert_element_type3A_570, %cond3A_571 : i32
        scf.if %cond3A_572 {
          %dma_start3A_577 = arith.constant 0 : i32
          %dma_start3A_578 = arith.constant 0 : i32
          %dma_start3A_579 = tpu.memref_slice %arg11[%dma_start3A_577, %dma_start3A_578] : memref<129x128xf32, #tpu.memory_space<vmem>> -> memref<128x128xf32, #tpu.memory_space<vmem>>
          %dma_start3A_580 = arith.constant 0 : i32
          %dma_start3A_581 = tpu.memref_slice %arg12[%dma_start3A_580] : memref<144xi32, #tpu.memory_space<vmem>> -> memref<128xi32, #tpu.memory_space<vmem>>
          %dma_start3A_582 = arith.constant 0 : i32
          %dma_start3A_583 = arith.constant 0 : i32
          %dma_start3A_584 = tpu.memref_slice %arg5[%dma_start3A_582, %dma_start3A_583] : memref<16416x128xf32, #tpu.memory_space<hbm>> -> memref<16416x128xf32, #tpu.memory_space<hbm>>
          tpu.enqueue_indirect_dma source(%dma_start3A_579 : memref<128x128xf32, #tpu.memory_space<vmem>>) target(%dma_start3A_584 : memref<16416x128xf32, #tpu.memory_space<hbm>>) offsets(%dma_start3A_581 : memref<128xi32, #tpu.memory_space<vmem>>) semaphore(%arg15 : memref<!tpu.dma_semaphore, #tpu.memory_space<semaphore_mem>>)
          %dma_wait3A_585 = arith.constant 0 : i32
          %dma_wait3A_586 = arith.constant 0 : i32
          %dma_wait3A_587 = tpu.memref_slice %arg11[%dma_wait3A_585, %dma_wait3A_586] : memref<129x128xf32, #tpu.memory_space<vmem>> -> memref<128x128xf32, #tpu.memory_space<vmem>>
          %dma_wait3A_588 = arith.constant 0 : i32
          %dma_wait3A_589 = tpu.memref_slice %arg12[%dma_wait3A_588] : memref<144xi32, #tpu.memory_space<vmem>> -> memref<128xi32, #tpu.memory_space<vmem>>
          %dma_wait3A_590 = arith.constant 0 : i32
          %dma_wait3A_591 = arith.constant 0 : i32
          %dma_wait3A_592 = tpu.memref_slice %arg5[%dma_wait3A_590, %dma_wait3A_591] : memref<16416x128xf32, #tpu.memory_space<hbm>> -> memref<16416x128xf32, #tpu.memory_space<hbm>>
          tpu.wait_indirect_dma semaphore(%arg15 : memref<!tpu.dma_semaphore, #tpu.memory_space<semaphore_mem>>) src(%dma_wait3A_587 : memref<128x128xf32, #tpu.memory_space<vmem>>) dst(%dma_wait3A_592 : memref<16416x128xf32, #tpu.memory_space<hbm>>)
          %broadcast_in_dim3A_593 = vector.broadcast %add3A_7 : i32 to vector<16xi32>
          %swap3A_594 = arith.constant 0 : index
          %swap3A_595 = tpu.vector_load %arg12[%swap3A_594] {strides = array<i32>} : memref<144xi32, #tpu.memory_space<vmem>>, vector<16xi32>,
          tpu.vector_store %arg12[%swap3A_594], %broadcast_in_dim3A_593 {strides = array<i32>} : memref<144xi32, #tpu.memory_space<vmem>>, vector<16xi32>,
          %broadcast_in_dim3A_596 = vector.broadcast %add3A_7 : i32 to vector<16xi32>
          %swap3A_597 = arith.constant 16 : index
          %swap3A_598 = tpu.vector_load %arg12[%swap3A_597] {strides = array<i32>} : memref<144xi32, #tpu.memory_space<vmem>>, vector<16xi32>,
          tpu.vector_store %arg12[%swap3A_597], %broadcast_in_dim3A_596 {strides = array<i32>} : memref<144xi32, #tpu.memory_space<vmem>>, vector<16xi32>,
          %broadcast_in_dim3A_599 = vector.broadcast %add3A_7 : i32 to vector<16xi32>
          %swap3A_600 = arith.constant 32 : index
          %swap3A_601 = tpu.vector_load %arg12[%swap3A_600] {strides = array<i32>} : memref<144xi32, #tpu.memory_space<vmem>>, vector<16xi32>,
          tpu.vector_store %arg12[%swap3A_600], %broadcast_in_dim3A_599 {strides = array<i32>} : memref<144xi32, #tpu.memory_space<vmem>>, vector<16xi32>,
          %broadcast_in_dim3A_602 = vector.broadcast %add3A_7 : i32 to vector<16xi32>
          %swap3A_603 = arith.constant 48 : index
          %swap3A_604 = tpu.vector_load %arg12[%swap3A_603] {strides = array<i32>} : memref<144xi32, #tpu.memory_space<vmem>>, vector<16xi32>,
          tpu.vector_store %arg12[%swap3A_603], %broadcast_in_dim3A_602 {strides = array<i32>} : memref<144xi32, #tpu.memory_space<vmem>>, vector<16xi32>,
          %broadcast_in_dim3A_605 = vector.broadcast %add3A_7 : i32 to vector<16xi32>
          %swap3A_606 = arith.constant 64 : index
          %swap3A_607 = tpu.vector_load %arg12[%swap3A_606] {strides = array<i32>} : memref<144xi32, #tpu.memory_space<vmem>>, vector<16xi32>,
          tpu.vector_store %arg12[%swap3A_606], %broadcast_in_dim3A_605 {strides = array<i32>} : memref<144xi32, #tpu.memory_space<vmem>>, vector<16xi32>,
          %broadcast_in_dim3A_608 = vector.broadcast %add3A_7 : i32 to vector<16xi32>
          %swap3A_609 = arith.constant 80 : index
          %swap3A_610 = tpu.vector_load %arg12[%swap3A_609] {strides = array<i32>} : memref<144xi32, #tpu.memory_space<vmem>>, vector<16xi32>,
          tpu.vector_store %arg12[%swap3A_609], %broadcast_in_dim3A_608 {strides = array<i32>} : memref<144xi32, #tpu.memory_space<vmem>>, vector<16xi32>,
          %broadcast_in_dim3A_611 = vector.broadcast %add3A_7 : i32 to vector<16xi32>
          %swap3A_612 = arith.constant 96 : index
          %swap3A_613 = tpu.vector_load %arg12[%swap3A_612] {strides = array<i32>} : memref<144xi32, #tpu.memory_space<vmem>>, vector<16xi32>,
          tpu.vector_store %arg12[%swap3A_612], %broadcast_in_dim3A_611 {strides = array<i32>} : memref<144xi32, #tpu.memory_space<vmem>>, vector<16xi32>,
          %broadcast_in_dim3A_614 = vector.broadcast %add3A_7 : i32 to vector<16xi32>
          %swap3A_615 = arith.constant 112 : index
          %swap3A_616 = tpu.vector_load %arg12[%swap3A_615] {strides = array<i32>} : memref<144xi32, #tpu.memory_space<vmem>>, vector<16xi32>,
          tpu.vector_store %arg12[%swap3A_615], %broadcast_in_dim3A_614 {strides = array<i32>} : memref<144xi32, #tpu.memory_space<vmem>>, vector<16xi32>,
        } else {
        }
        %ge3A_573 = arith.constant 112 : i32
        %ge3A_574 = arith.cmpi sge, %add3A_568, %ge3A_573 : i32
        %jit3A_575 = arith.constant 0 : i32
        %select_n3A_576 = arith.select %ge3A_574, %jit3A_575, %add3A_568 : i32
        scf.yield %select_n3A_576 : i32
      }
      %while3A_308 = arith.constant 1 : i32
      %while3A_309 = scf.for %while3A_432 = %while3A_305 to %while3A_301 step %while3A_308 iter_args(%while3A_433 = %while3A_307) -> (i32)  : i32 {
        %mul3A_434 = arith.constant 16 : i32
        %mul3A_435 = arith.muli %while3A_432, %mul3A_434 : i32
        %get3A = arith.index_cast %mul3A_435 : i32 to index
        %get3A_436 = tpu.vector_load %arg8[%get3A] {strides = array<i32>} : memref<16416xi32, #tpu.memory_space<vmem>>, vector<16xi32>,
        %shift_right_arithmetic3A = arith.constant 14 : i32
        %shift_right_arithmetic3A_437 = vector.broadcast %shift_right_arithmetic3A : i32 to vector<16xi32>
        %shift_right_arithmetic3A_438 = arith.shrsi %get3A_436, %shift_right_arithmetic3A_437 : vector<16xi32>
        %sub3A_439 = arith.constant 31232 : i32
        %sub3A_440 = vector.broadcast %sub3A_439 : i32 to vector<16xi32>
        %sub3A_441 = arith.subi %shift_right_arithmetic3A_438, %sub3A_440 : vector<16xi32>
        %jit3A_442 = arith.constant 0 : i32
        %jit3A_443 = arith.constant 511 : i32
        %max3A = vector.broadcast %jit3A_442 : i32 to vector<16xi32>
        %max3A_444 = arith.maxsi %max3A, %sub3A_441 : vector<16xi32>
        %min3A = vector.broadcast %jit3A_443 : i32 to vector<16xi32>
        %min3A_445 = arith.minsi %min3A, %max3A_444 : vector<16xi32>
        %and3A_446 = arith.constant 16383 : i32
        %and3A_447 = vector.broadcast %and3A_446 : i32 to vector<16xi32>
        %and3A_448 = arith.andi %get3A_436, %and3A_447 : vector<16xi32>
        %mul3A_449 = arith.constant 16 : i32
        %mul3A_450 = arith.muli %while3A_432, %mul3A_449 : i32
        %add3A_451 = vector.broadcast %mul3A_450 : i32 to vector<16xi32>
        %add3A_452 = arith.addi %iota3A, %add3A_451 : vector<16xi32>
        %lt3A = vector.broadcast %shift_right_logical3A_272 : i32 to vector<16xi32>
        %lt3A_453 = arith.cmpi slt, %add3A_452, %lt3A : vector<16xi32>
        %jit3A_454 = arith.constant 1 : i32
        %jit3A_455 = arith.constant 0 : i32
        %broadcast_in_dim3A_456 = vector.broadcast %jit3A_454 : i32 to vector<16xi32>
        %broadcast_in_dim3A_457 = vector.broadcast %jit3A_455 : i32 to vector<16xi32>
        %select_n3A_458 = arith.select %lt3A_453, %broadcast_in_dim3A_456, %broadcast_in_dim3A_457 : vector<16xi1>, vector<16xi32>
        %broadcast_in_dim3A_459 = arith.constant true
        %broadcast_in_dim3A_460 = vector.broadcast %broadcast_in_dim3A_459 : i1 to vector<16xi1>
        %masked_cumsum3A = tpu.scan <sum>, %select_n3A_458 masked %broadcast_in_dim3A_460 : vector<16xi32>, vector<16xi1> -> vector<16xi32>
        %add3A_461 = vector.broadcast %while3A_433 : i32 to vector<16xi32>
        %add3A_462 = arith.addi %add3A_461, %masked_cumsum3A : vector<16xi32>
        %sub3A_463 = arith.constant 1 : i32
        %sub3A_464 = vector.broadcast %sub3A_463 : i32 to vector<16xi32>
        %sub3A_465 = arith.subi %add3A_462, %sub3A_464 : vector<16xi32>
        %jit3A_466 = arith.constant 128 : i32
        %broadcast_in_dim3A_467 = vector.broadcast %jit3A_466 : i32 to vector<16xi32>
        %select_n3A_468 = arith.select %lt3A_453, %sub3A_465, %broadcast_in_dim3A_467 : vector<16xi1>, vector<16xi32>
        %broadcast_in_dim3A_469 = arith.constant 0 : i32
        %broadcast_in_dim3A_470 = vector.broadcast %broadcast_in_dim3A_469 : i32 to vector<16xi32>
        %gather3A = tpu.vector_load_idx %arg9[%broadcast_in_dim3A_470, %min3A_445] : memref<32x1024xf32, #tpu.memory_space<vmem>>[vector<16xi32>, vector<16xi32>], vector<16xf32>,
        tpu.vector_store_idx %arg11[%select_n3A_468, %broadcast_in_dim3A_470], %gather3A : memref<129x128xf32, #tpu.memory_space<vmem>>[vector<16xi32>, vector<16xi32>], vector<16xf32>,
        %broadcast_in_dim3A_471 = arith.constant 1 : i32
        %broadcast_in_dim3A_472 = vector.broadcast %broadcast_in_dim3A_471 : i32 to vector<16xi32>
        %gather3A_473 = tpu.vector_load_idx %arg9[%broadcast_in_dim3A_472, %min3A_445] : memref<32x1024xf32, #tpu.memory_space<vmem>>[vector<16xi32>, vector<16xi32>], vector<16xf32>,
        tpu.vector_store_idx %arg11[%select_n3A_468, %broadcast_in_dim3A_472], %gather3A_473 : memref<129x128xf32, #tpu.memory_space<vmem>>[vector<16xi32>, vector<16xi32>], vector<16xf32>,
        %broadcast_in_dim3A_474 = arith.constant 2 : i32
        %broadcast_in_dim3A_475 = vector.broadcast %broadcast_in_dim3A_474 : i32 to vector<16xi32>
        %gather3A_476 = tpu.vector_load_idx %arg9[%broadcast_in_dim3A_475, %min3A_445] : memref<32x1024xf32, #tpu.memory_space<vmem>>[vector<16xi32>, vector<16xi32>], vector<16xf32>,
        tpu.vector_store_idx %arg11[%select_n3A_468, %broadcast_in_dim3A_475], %gather3A_476 : memref<129x128xf32, #tpu.memory_space<vmem>>[vector<16xi32>, vector<16xi32>], vector<16xf32>,
        %broadcast_in_dim3A_477 = arith.constant 3 : i32
        %broadcast_in_dim3A_478 = vector.broadcast %broadcast_in_dim3A_477 : i32 to vector<16xi32>
        %gather3A_479 = tpu.vector_load_idx %arg9[%broadcast_in_dim3A_478, %min3A_445] : memref<32x1024xf32, #tpu.memory_space<vmem>>[vector<16xi32>, vector<16xi32>], vector<16xf32>,
        tpu.vector_store_idx %arg11[%select_n3A_468, %broadcast_in_dim3A_478], %gather3A_479 : memref<129x128xf32, #tpu.memory_space<vmem>>[vector<16xi32>, vector<16xi32>], vector<16xf32>,
        %broadcast_in_dim3A_480 = arith.constant 4 : i32
        %broadcast_in_dim3A_481 = vector.broadcast %broadcast_in_dim3A_480 : i32 to vector<16xi32>
        %gather3A_482 = tpu.vector_load_idx %arg9[%broadcast_in_dim3A_481, %min3A_445] : memref<32x1024xf32, #tpu.memory_space<vmem>>[vector<16xi32>, vector<16xi32>], vector<16xf32>,
        tpu.vector_store_idx %arg11[%select_n3A_468, %broadcast_in_dim3A_481], %gather3A_482 : memref<129x128xf32, #tpu.memory_space<vmem>>[vector<16xi32>, vector<16xi32>], vector<16xf32>,
        %broadcast_in_dim3A_483 = arith.constant 5 : i32
        %broadcast_in_dim3A_484 = vector.broadcast %broadcast_in_dim3A_483 : i32 to vector<16xi32>
        %gather3A_485 = tpu.vector_load_idx %arg9[%broadcast_in_dim3A_484, %min3A_445] : memref<32x1024xf32, #tpu.memory_space<vmem>>[vector<16xi32>, vector<16xi32>], vector<16xf32>,
        tpu.vector_store_idx %arg11[%select_n3A_468, %broadcast_in_dim3A_484], %gather3A_485 : memref<129x128xf32, #tpu.memory_space<vmem>>[vector<16xi32>, vector<16xi32>], vector<16xf32>,
        %broadcast_in_dim3A_486 = arith.constant 6 : i32
        %broadcast_in_dim3A_487 = vector.broadcast %broadcast_in_dim3A_486 : i32 to vector<16xi32>
        %gather3A_488 = tpu.vector_load_idx %arg9[%broadcast_in_dim3A_487, %min3A_445] : memref<32x1024xf32, #tpu.memory_space<vmem>>[vector<16xi32>, vector<16xi32>], vector<16xf32>,
        tpu.vector_store_idx %arg11[%select_n3A_468, %broadcast_in_dim3A_487], %gather3A_488 : memref<129x128xf32, #tpu.memory_space<vmem>>[vector<16xi32>, vector<16xi32>], vector<16xf32>,
        %broadcast_in_dim3A_489 = arith.constant 7 : i32
        %broadcast_in_dim3A_490 = vector.broadcast %broadcast_in_dim3A_489 : i32 to vector<16xi32>
        %gather3A_491 = tpu.vector_load_idx %arg9[%broadcast_in_dim3A_490, %min3A_445] : memref<32x1024xf32, #tpu.memory_space<vmem>>[vector<16xi32>, vector<16xi32>], vector<16xf32>,
        tpu.vector_store_idx %arg11[%select_n3A_468, %broadcast_in_dim3A_490], %gather3A_491 : memref<129x128xf32, #tpu.memory_space<vmem>>[vector<16xi32>, vector<16xi32>], vector<16xf32>,
        %broadcast_in_dim3A_492 = arith.constant 8 : i32
        %broadcast_in_dim3A_493 = vector.broadcast %broadcast_in_dim3A_492 : i32 to vector<16xi32>
        %gather3A_494 = tpu.vector_load_idx %arg9[%broadcast_in_dim3A_493, %min3A_445] : memref<32x1024xf32, #tpu.memory_space<vmem>>[vector<16xi32>, vector<16xi32>], vector<16xf32>,
        tpu.vector_store_idx %arg11[%select_n3A_468, %broadcast_in_dim3A_493], %gather3A_494 : memref<129x128xf32, #tpu.memory_space<vmem>>[vector<16xi32>, vector<16xi32>], vector<16xf32>,
        %broadcast_in_dim3A_495 = arith.constant 9 : i32
        %broadcast_in_dim3A_496 = vector.broadcast %broadcast_in_dim3A_495 : i32 to vector<16xi32>
        %gather3A_497 = tpu.vector_load_idx %arg9[%broadcast_in_dim3A_496, %min3A_445] : memref<32x1024xf32, #tpu.memory_space<vmem>>[vector<16xi32>, vector<16xi32>], vector<16xf32>,
        tpu.vector_store_idx %arg11[%select_n3A_468, %broadcast_in_dim3A_496], %gather3A_497 : memref<129x128xf32, #tpu.memory_space<vmem>>[vector<16xi32>, vector<16xi32>], vector<16xf32>,
        %broadcast_in_dim3A_498 = arith.constant 10 : i32
        %broadcast_in_dim3A_499 = vector.broadcast %broadcast_in_dim3A_498 : i32 to vector<16xi32>
        %gather3A_500 = tpu.vector_load_idx %arg9[%broadcast_in_dim3A_499, %min3A_445] : memref<32x1024xf32, #tpu.memory_space<vmem>>[vector<16xi32>, vector<16xi32>], vector<16xf32>,
        tpu.vector_store_idx %arg11[%select_n3A_468, %broadcast_in_dim3A_499], %gather3A_500 : memref<129x128xf32, #tpu.memory_space<vmem>>[vector<16xi32>, vector<16xi32>], vector<16xf32>,
        %broadcast_in_dim3A_501 = arith.constant 11 : i32
        %broadcast_in_dim3A_502 = vector.broadcast %broadcast_in_dim3A_501 : i32 to vector<16xi32>
        %gather3A_503 = tpu.vector_load_idx %arg9[%broadcast_in_dim3A_502, %min3A_445] : memref<32x1024xf32, #tpu.memory_space<vmem>>[vector<16xi32>, vector<16xi32>], vector<16xf32>,
        tpu.vector_store_idx %arg11[%select_n3A_468, %broadcast_in_dim3A_502], %gather3A_503 : memref<129x128xf32, #tpu.memory_space<vmem>>[vector<16xi32>, vector<16xi32>], vector<16xf32>,
        %broadcast_in_dim3A_504 = arith.constant 12 : i32
        %broadcast_in_dim3A_505 = vector.broadcast %broadcast_in_dim3A_504 : i32 to vector<16xi32>
        %gather3A_506 = tpu.vector_load_idx %arg9[%broadcast_in_dim3A_505, %min3A_445] : memref<32x1024xf32, #tpu.memory_space<vmem>>[vector<16xi32>, vector<16xi32>], vector<16xf32>,
        tpu.vector_store_idx %arg11[%select_n3A_468, %broadcast_in_dim3A_505], %gather3A_506 : memref<129x128xf32, #tpu.memory_space<vmem>>[vector<16xi32>, vector<16xi32>], vector<16xf32>,
        %broadcast_in_dim3A_507 = arith.constant 13 : i32
        %broadcast_in_dim3A_508 = vector.broadcast %broadcast_in_dim3A_507 : i32 to vector<16xi32>
        %gather3A_509 = tpu.vector_load_idx %arg9[%broadcast_in_dim3A_508, %min3A_445] : memref<32x1024xf32, #tpu.memory_space<vmem>>[vector<16xi32>, vector<16xi32>], vector<16xf32>,
        tpu.vector_store_idx %arg11[%select_n3A_468, %broadcast_in_dim3A_508], %gather3A_509 : memref<129x128xf32, #tpu.memory_space<vmem>>[vector<16xi32>, vector<16xi32>], vector<16xf32>,
        %broadcast_in_dim3A_510 = arith.constant 14 : i32
        %broadcast_in_dim3A_511 = vector.broadcast %broadcast_in_dim3A_510 : i32 to vector<16xi32>
        %gather3A_512 = tpu.vector_load_idx %arg9[%broadcast_in_dim3A_511, %min3A_445] : memref<32x1024xf32, #tpu.memory_space<vmem>>[vector<16xi32>, vector<16xi32>], vector<16xf32>,
        tpu.vector_store_idx %arg11[%select_n3A_468, %broadcast_in_dim3A_511], %gather3A_512 : memref<129x128xf32, #tpu.memory_space<vmem>>[vector<16xi32>, vector<16xi32>], vector<16xf32>,
        %broadcast_in_dim3A_513 = arith.constant 15 : i32
        %broadcast_in_dim3A_514 = vector.broadcast %broadcast_in_dim3A_513 : i32 to vector<16xi32>
        %gather3A_515 = tpu.vector_load_idx %arg9[%broadcast_in_dim3A_514, %min3A_445] : memref<32x1024xf32, #tpu.memory_space<vmem>>[vector<16xi32>, vector<16xi32>], vector<16xf32>,
        tpu.vector_store_idx %arg11[%select_n3A_468, %broadcast_in_dim3A_514], %gather3A_515 : memref<129x128xf32, #tpu.memory_space<vmem>>[vector<16xi32>, vector<16xi32>], vector<16xf32>,
        %broadcast_in_dim3A_516 = arith.constant 16 : i32
        %broadcast_in_dim3A_517 = vector.broadcast %broadcast_in_dim3A_516 : i32 to vector<16xi32>
        %gather3A_518 = tpu.vector_load_idx %arg9[%broadcast_in_dim3A_517, %min3A_445] : memref<32x1024xf32, #tpu.memory_space<vmem>>[vector<16xi32>, vector<16xi32>], vector<16xf32>,
        tpu.vector_store_idx %arg11[%select_n3A_468, %broadcast_in_dim3A_517], %gather3A_518 : memref<129x128xf32, #tpu.memory_space<vmem>>[vector<16xi32>, vector<16xi32>], vector<16xf32>,
        %broadcast_in_dim3A_519 = arith.constant 17 : i32
        %broadcast_in_dim3A_520 = vector.broadcast %broadcast_in_dim3A_519 : i32 to vector<16xi32>
        %gather3A_521 = tpu.vector_load_idx %arg9[%broadcast_in_dim3A_520, %min3A_445] : memref<32x1024xf32, #tpu.memory_space<vmem>>[vector<16xi32>, vector<16xi32>], vector<16xf32>,
        tpu.vector_store_idx %arg11[%select_n3A_468, %broadcast_in_dim3A_520], %gather3A_521 : memref<129x128xf32, #tpu.memory_space<vmem>>[vector<16xi32>, vector<16xi32>], vector<16xf32>,
        %broadcast_in_dim3A_522 = arith.constant 18 : i32
        %broadcast_in_dim3A_523 = vector.broadcast %broadcast_in_dim3A_522 : i32 to vector<16xi32>
        %gather3A_524 = tpu.vector_load_idx %arg9[%broadcast_in_dim3A_523, %min3A_445] : memref<32x1024xf32, #tpu.memory_space<vmem>>[vector<16xi32>, vector<16xi32>], vector<16xf32>,
        tpu.vector_store_idx %arg11[%select_n3A_468, %broadcast_in_dim3A_523], %gather3A_524 : memref<129x128xf32, #tpu.memory_space<vmem>>[vector<16xi32>, vector<16xi32>], vector<16xf32>,
        %broadcast_in_dim3A_525 = arith.constant 19 : i32
        %broadcast_in_dim3A_526 = vector.broadcast %broadcast_in_dim3A_525 : i32 to vector<16xi32>
        %gather3A_527 = tpu.vector_load_idx %arg9[%broadcast_in_dim3A_526, %min3A_445] : memref<32x1024xf32, #tpu.memory_space<vmem>>[vector<16xi32>, vector<16xi32>], vector<16xf32>,
        tpu.vector_store_idx %arg11[%select_n3A_468, %broadcast_in_dim3A_526], %gather3A_527 : memref<129x128xf32, #tpu.memory_space<vmem>>[vector<16xi32>, vector<16xi32>], vector<16xf32>,
        %broadcast_in_dim3A_528 = arith.constant 20 : i32
        %broadcast_in_dim3A_529 = vector.broadcast %broadcast_in_dim3A_528 : i32 to vector<16xi32>
        %gather3A_530 = tpu.vector_load_idx %arg9[%broadcast_in_dim3A_529, %min3A_445] : memref<32x1024xf32, #tpu.memory_space<vmem>>[vector<16xi32>, vector<16xi32>], vector<16xf32>,
        tpu.vector_store_idx %arg11[%select_n3A_468, %broadcast_in_dim3A_529], %gather3A_530 : memref<129x128xf32, #tpu.memory_space<vmem>>[vector<16xi32>, vector<16xi32>], vector<16xf32>,
        %broadcast_in_dim3A_531 = arith.constant 21 : i32
        %broadcast_in_dim3A_532 = vector.broadcast %broadcast_in_dim3A_531 : i32 to vector<16xi32>
        %gather3A_533 = tpu.vector_load_idx %arg9[%broadcast_in_dim3A_532, %min3A_445] : memref<32x1024xf32, #tpu.memory_space<vmem>>[vector<16xi32>, vector<16xi32>], vector<16xf32>,
        tpu.vector_store_idx %arg11[%select_n3A_468, %broadcast_in_dim3A_532], %gather3A_533 : memref<129x128xf32, #tpu.memory_space<vmem>>[vector<16xi32>, vector<16xi32>], vector<16xf32>,
        %broadcast_in_dim3A_534 = arith.constant 22 : i32
        %broadcast_in_dim3A_535 = vector.broadcast %broadcast_in_dim3A_534 : i32 to vector<16xi32>
        %gather3A_536 = tpu.vector_load_idx %arg9[%broadcast_in_dim3A_535, %min3A_445] : memref<32x1024xf32, #tpu.memory_space<vmem>>[vector<16xi32>, vector<16xi32>], vector<16xf32>,
        tpu.vector_store_idx %arg11[%select_n3A_468, %broadcast_in_dim3A_535], %gather3A_536 : memref<129x128xf32, #tpu.memory_space<vmem>>[vector<16xi32>, vector<16xi32>], vector<16xf32>,
        %broadcast_in_dim3A_537 = arith.constant 23 : i32
        %broadcast_in_dim3A_538 = vector.broadcast %broadcast_in_dim3A_537 : i32 to vector<16xi32>
        %gather3A_539 = tpu.vector_load_idx %arg9[%broadcast_in_dim3A_538, %min3A_445] : memref<32x1024xf32, #tpu.memory_space<vmem>>[vector<16xi32>, vector<16xi32>], vector<16xf32>,
        tpu.vector_store_idx %arg11[%select_n3A_468, %broadcast_in_dim3A_538], %gather3A_539 : memref<129x128xf32, #tpu.memory_space<vmem>>[vector<16xi32>, vector<16xi32>], vector<16xf32>,
        %broadcast_in_dim3A_540 = arith.constant 24 : i32
        %broadcast_in_dim3A_541 = vector.broadcast %broadcast_in_dim3A_540 : i32 to vector<16xi32>
        %gather3A_542 = tpu.vector_load_idx %arg9[%broadcast_in_dim3A_541, %min3A_445] : memref<32x1024xf32, #tpu.memory_space<vmem>>[vector<16xi32>, vector<16xi32>], vector<16xf32>,
        tpu.vector_store_idx %arg11[%select_n3A_468, %broadcast_in_dim3A_541], %gather3A_542 : memref<129x128xf32, #tpu.memory_space<vmem>>[vector<16xi32>, vector<16xi32>], vector<16xf32>,
        %broadcast_in_dim3A_543 = arith.constant 25 : i32
        %broadcast_in_dim3A_544 = vector.broadcast %broadcast_in_dim3A_543 : i32 to vector<16xi32>
        %gather3A_545 = tpu.vector_load_idx %arg9[%broadcast_in_dim3A_544, %min3A_445] : memref<32x1024xf32, #tpu.memory_space<vmem>>[vector<16xi32>, vector<16xi32>], vector<16xf32>,
        tpu.vector_store_idx %arg11[%select_n3A_468, %broadcast_in_dim3A_544], %gather3A_545 : memref<129x128xf32, #tpu.memory_space<vmem>>[vector<16xi32>, vector<16xi32>], vector<16xf32>,
        %broadcast_in_dim3A_546 = arith.constant 26 : i32
        %broadcast_in_dim3A_547 = vector.broadcast %broadcast_in_dim3A_546 : i32 to vector<16xi32>
        %gather3A_548 = tpu.vector_load_idx %arg9[%broadcast_in_dim3A_547, %min3A_445] : memref<32x1024xf32, #tpu.memory_space<vmem>>[vector<16xi32>, vector<16xi32>], vector<16xf32>,
        tpu.vector_store_idx %arg11[%select_n3A_468, %broadcast_in_dim3A_547], %gather3A_548 : memref<129x128xf32, #tpu.memory_space<vmem>>[vector<16xi32>, vector<16xi32>], vector<16xf32>,
        %broadcast_in_dim3A_549 = arith.constant 27 : i32
        %broadcast_in_dim3A_550 = vector.broadcast %broadcast_in_dim3A_549 : i32 to vector<16xi32>
        %gather3A_551 = tpu.vector_load_idx %arg9[%broadcast_in_dim3A_550, %min3A_445] : memref<32x1024xf32, #tpu.memory_space<vmem>>[vector<16xi32>, vector<16xi32>], vector<16xf32>,
        tpu.vector_store_idx %arg11[%select_n3A_468, %broadcast_in_dim3A_550], %gather3A_551 : memref<129x128xf32, #tpu.memory_space<vmem>>[vector<16xi32>, vector<16xi32>], vector<16xf32>,
        %broadcast_in_dim3A_552 = arith.constant 28 : i32
        %broadcast_in_dim3A_553 = vector.broadcast %broadcast_in_dim3A_552 : i32 to vector<16xi32>
        %gather3A_554 = tpu.vector_load_idx %arg9[%broadcast_in_dim3A_553, %min3A_445] : memref<32x1024xf32, #tpu.memory_space<vmem>>[vector<16xi32>, vector<16xi32>], vector<16xf32>,
        tpu.vector_store_idx %arg11[%select_n3A_468, %broadcast_in_dim3A_553], %gather3A_554 : memref<129x128xf32, #tpu.memory_space<vmem>>[vector<16xi32>, vector<16xi32>], vector<16xf32>,
        %broadcast_in_dim3A_555 = arith.constant 29 : i32
        %broadcast_in_dim3A_556 = vector.broadcast %broadcast_in_dim3A_555 : i32 to vector<16xi32>
        %gather3A_557 = tpu.vector_load_idx %arg9[%broadcast_in_dim3A_556, %min3A_445] : memref<32x1024xf32, #tpu.memory_space<vmem>>[vector<16xi32>, vector<16xi32>], vector<16xf32>,
        tpu.vector_store_idx %arg11[%select_n3A_468, %broadcast_in_dim3A_556], %gather3A_557 : memref<129x128xf32, #tpu.memory_space<vmem>>[vector<16xi32>, vector<16xi32>], vector<16xf32>,
        %broadcast_in_dim3A_558 = arith.constant 30 : i32
        %broadcast_in_dim3A_559 = vector.broadcast %broadcast_in_dim3A_558 : i32 to vector<16xi32>
        %gather3A_560 = tpu.vector_load_idx %arg9[%broadcast_in_dim3A_559, %min3A_445] : memref<32x1024xf32, #tpu.memory_space<vmem>>[vector<16xi32>, vector<16xi32>], vector<16xf32>,
        tpu.vector_store_idx %arg11[%select_n3A_468, %broadcast_in_dim3A_559], %gather3A_560 : memref<129x128xf32, #tpu.memory_space<vmem>>[vector<16xi32>, vector<16xi32>], vector<16xf32>,
        %broadcast_in_dim3A_561 = arith.constant 31 : i32
        %broadcast_in_dim3A_562 = vector.broadcast %broadcast_in_dim3A_561 : i32 to vector<16xi32>
        %gather3A_563 = tpu.vector_load_idx %arg9[%broadcast_in_dim3A_562, %min3A_445] : memref<32x1024xf32, #tpu.memory_space<vmem>>[vector<16xi32>, vector<16xi32>], vector<16xf32>,
        tpu.vector_store_idx %arg11[%select_n3A_468, %broadcast_in_dim3A_562], %gather3A_563 : memref<129x128xf32, #tpu.memory_space<vmem>>[vector<16xi32>, vector<16xi32>], vector<16xf32>,
        tpu.vector_store_idx %arg12[%select_n3A_468], %and3A_448 : memref<144xi32, #tpu.memory_space<vmem>>[vector<16xi32>], vector<16xi32>,
        %reduce_sum3A_564 = arith.constant true
        %reduce_sum3A_565 = vector.broadcast %reduce_sum3A_564 : i1 to vector<16xi1>
        %reduce_sum3A_566 = tpu.scan <sum>, %select_n3A_458 masked %reduce_sum3A_565 : vector<16xi32>, vector<16xi1> -> vector<16xi32>
        %reduce_sum3A_567 = vector.extract %reduce_sum3A_566[15] : i32 from vector<16xi32>
        %add3A_568 = arith.addi %while3A_433, %reduce_sum3A_567 : i32
        %ge3A = arith.constant 112 : i32
        %ge3A_569 = arith.cmpi sge, %add3A_568, %ge3A : i32
        %convert_element_type3A_570 = arith.extui %ge3A_569 : i1 to i32
        %cond3A_571 = arith.constant 0 : i32
        %cond3A_572 = arith.cmpi ne, %convert_element_type3A_570, %cond3A_571 : i32
        scf.if %cond3A_572 {
          %dma_start3A_577 = arith.constant 0 : i32
          %dma_start3A_578 = arith.constant 0 : i32
          %dma_start3A_579 = tpu.memref_slice %arg11[%dma_start3A_577, %dma_start3A_578] : memref<129x128xf32, #tpu.memory_space<vmem>> -> memref<128x128xf32, #tpu.memory_space<vmem>>
          %dma_start3A_580 = arith.constant 0 : i32
          %dma_start3A_581 = tpu.memref_slice %arg12[%dma_start3A_580] : memref<144xi32, #tpu.memory_space<vmem>> -> memref<128xi32, #tpu.memory_space<vmem>>
          %dma_start3A_582 = arith.constant 0 : i32
          %dma_start3A_583 = arith.constant 0 : i32
          %dma_start3A_584 = tpu.memref_slice %arg5[%dma_start3A_582, %dma_start3A_583] : memref<16416x128xf32, #tpu.memory_space<hbm>> -> memref<16416x128xf32, #tpu.memory_space<hbm>>
          tpu.enqueue_indirect_dma source(%dma_start3A_579 : memref<128x128xf32, #tpu.memory_space<vmem>>) target(%dma_start3A_584 : memref<16416x128xf32, #tpu.memory_space<hbm>>) offsets(%dma_start3A_581 : memref<128xi32, #tpu.memory_space<vmem>>) semaphore(%arg15 : memref<!tpu.dma_semaphore, #tpu.memory_space<semaphore_mem>>)
          %dma_wait3A_585 = arith.constant 0 : i32
          %dma_wait3A_586 = arith.constant 0 : i32
          %dma_wait3A_587 = tpu.memref_slice %arg11[%dma_wait3A_585, %dma_wait3A_586] : memref<129x128xf32, #tpu.memory_space<vmem>> -> memref<128x128xf32, #tpu.memory_space<vmem>>
          %dma_wait3A_588 = arith.constant 0 : i32
          %dma_wait3A_589 = tpu.memref_slice %arg12[%dma_wait3A_588] : memref<144xi32, #tpu.memory_space<vmem>> -> memref<128xi32, #tpu.memory_space<vmem>>
          %dma_wait3A_590 = arith.constant 0 : i32
          %dma_wait3A_591 = arith.constant 0 : i32
          %dma_wait3A_592 = tpu.memref_slice %arg5[%dma_wait3A_590, %dma_wait3A_591] : memref<16416x128xf32, #tpu.memory_space<hbm>> -> memref<16416x128xf32, #tpu.memory_space<hbm>>
          tpu.wait_indirect_dma semaphore(%arg15 : memref<!tpu.dma_semaphore, #tpu.memory_space<semaphore_mem>>) src(%dma_wait3A_587 : memref<128x128xf32, #tpu.memory_space<vmem>>) dst(%dma_wait3A_592 : memref<16416x128xf32, #tpu.memory_space<hbm>>)
          %broadcast_in_dim3A_593 = vector.broadcast %add3A_7 : i32 to vector<16xi32>
          %swap3A_594 = arith.constant 0 : index
          %swap3A_595 = tpu.vector_load %arg12[%swap3A_594] {strides = array<i32>} : memref<144xi32, #tpu.memory_space<vmem>>, vector<16xi32>,
          tpu.vector_store %arg12[%swap3A_594], %broadcast_in_dim3A_593 {strides = array<i32>} : memref<144xi32, #tpu.memory_space<vmem>>, vector<16xi32>,
          %broadcast_in_dim3A_596 = vector.broadcast %add3A_7 : i32 to vector<16xi32>
          %swap3A_597 = arith.constant 16 : index
          %swap3A_598 = tpu.vector_load %arg12[%swap3A_597] {strides = array<i32>} : memref<144xi32, #tpu.memory_space<vmem>>, vector<16xi32>,
          tpu.vector_store %arg12[%swap3A_597], %broadcast_in_dim3A_596 {strides = array<i32>} : memref<144xi32, #tpu.memory_space<vmem>>, vector<16xi32>,
          %broadcast_in_dim3A_599 = vector.broadcast %add3A_7 : i32 to vector<16xi32>
          %swap3A_600 = arith.constant 32 : index
          %swap3A_601 = tpu.vector_load %arg12[%swap3A_600] {strides = array<i32>} : memref<144xi32, #tpu.memory_space<vmem>>, vector<16xi32>,
          tpu.vector_store %arg12[%swap3A_600], %broadcast_in_dim3A_599 {strides = array<i32>} : memref<144xi32, #tpu.memory_space<vmem>>, vector<16xi32>,
          %broadcast_in_dim3A_602 = vector.broadcast %add3A_7 : i32 to vector<16xi32>
          %swap3A_603 = arith.constant 48 : index
          %swap3A_604 = tpu.vector_load %arg12[%swap3A_603] {strides = array<i32>} : memref<144xi32, #tpu.memory_space<vmem>>, vector<16xi32>,
          tpu.vector_store %arg12[%swap3A_603], %broadcast_in_dim3A_602 {strides = array<i32>} : memref<144xi32, #tpu.memory_space<vmem>>, vector<16xi32>,
          %broadcast_in_dim3A_605 = vector.broadcast %add3A_7 : i32 to vector<16xi32>
          %swap3A_606 = arith.constant 64 : index
          %swap3A_607 = tpu.vector_load %arg12[%swap3A_606] {strides = array<i32>} : memref<144xi32, #tpu.memory_space<vmem>>, vector<16xi32>,
          tpu.vector_store %arg12[%swap3A_606], %broadcast_in_dim3A_605 {strides = array<i32>} : memref<144xi32, #tpu.memory_space<vmem>>, vector<16xi32>,
          %broadcast_in_dim3A_608 = vector.broadcast %add3A_7 : i32 to vector<16xi32>
          %swap3A_609 = arith.constant 80 : index
          %swap3A_610 = tpu.vector_load %arg12[%swap3A_609] {strides = array<i32>} : memref<144xi32, #tpu.memory_space<vmem>>, vector<16xi32>,
          tpu.vector_store %arg12[%swap3A_609], %broadcast_in_dim3A_608 {strides = array<i32>} : memref<144xi32, #tpu.memory_space<vmem>>, vector<16xi32>,
          %broadcast_in_dim3A_611 = vector.broadcast %add3A_7 : i32 to vector<16xi32>
          %swap3A_612 = arith.constant 96 : index
          %swap3A_613 = tpu.vector_load %arg12[%swap3A_612] {strides = array<i32>} : memref<144xi32, #tpu.memory_space<vmem>>, vector<16xi32>,
          tpu.vector_store %arg12[%swap3A_612], %broadcast_in_dim3A_611 {strides = array<i32>} : memref<144xi32, #tpu.memory_space<vmem>>, vector<16xi32>,
          %broadcast_in_dim3A_614 = vector.broadcast %add3A_7 : i32 to vector<16xi32>
          %swap3A_615 = arith.constant 112 : index
          %swap3A_616 = tpu.vector_load %arg12[%swap3A_615] {strides = array<i32>} : memref<144xi32, #tpu.memory_space<vmem>>, vector<16xi32>,
          tpu.vector_store %arg12[%swap3A_615], %broadcast_in_dim3A_614 {strides = array<i32>} : memref<144xi32, #tpu.memory_space<vmem>>, vector<16xi32>,
        } else {
        }
        %ge3A_573 = arith.constant 112 : i32
        %ge3A_574 = arith.cmpi sge, %add3A_568, %ge3A_573 : i32
        %jit3A_575 = arith.constant 0 : i32
        %select_n3A_576 = arith.select %ge3A_574, %jit3A_575, %add3A_568 : i32
        scf.yield %select_n3A_576 : i32
      }
      "tpu.region"() ({
        %run_scoped3A = tpu.sem_alloc : memref<!tpu.dma_semaphore, #tpu.memory_space<semaphore_mem>>
        %dma_start3A_432 = arith.constant 0 : i32
        %dma_start3A_433 = arith.constant 0 : i32
        %dma_start3A_434 = tpu.memref_slice %arg9[%dma_start3A_432, %dma_start3A_433] : memref<32x1024xf32, #tpu.memory_space<vmem>> -> memref<32x128xf32, #tpu.memory_space<vmem>>
        %dma_start3A_435 = arith.constant 0 : i32
        %dma_start3A_436 = arith.constant 0 : i32
        %dma_start3A_437 = tpu.memref_slice %arg9[%dma_start3A_435, %dma_start3A_436] : memref<32x1024xf32, #tpu.memory_space<vmem>> -> memref<32x128xf32, #tpu.memory_space<vmem>>
        tpu.enqueue_dma source(%arg4 : memref<32x128xf32, #tpu.memory_space<hbm>>) target(%dma_start3A_437 : memref<32x128xf32, #tpu.memory_space<vmem>>) target_semaphore(%run_scoped3A : memref<!tpu.dma_semaphore, #tpu.memory_space<semaphore_mem>>)
        %dma_wait3A_438 = arith.constant 0 : i32
        %dma_wait3A_439 = arith.constant 0 : i32
        %dma_wait3A_440 = tpu.memref_slice %arg9[%dma_wait3A_438, %dma_wait3A_439] : memref<32x1024xf32, #tpu.memory_space<vmem>> -> memref<32x128xf32, #tpu.memory_space<vmem>>
        %dma_wait3A_441 = arith.constant 0 : i32
        %dma_wait3A_442 = arith.constant 0 : i32
        %dma_wait3A_443 = tpu.memref_slice %arg9[%dma_wait3A_441, %dma_wait3A_442] : memref<32x1024xf32, #tpu.memory_space<vmem>> -> memref<32x128xf32, #tpu.memory_space<vmem>>
        tpu.wait_dma2 semaphore(%run_scoped3A : memref<!tpu.dma_semaphore, #tpu.memory_space<semaphore_mem>>) src(%arg4 : memref<32x128xf32, #tpu.memory_space<hbm>>) dst(%dma_wait3A_443 : memref<32x128xf32, #tpu.memory_space<vmem>>)
        tpu.yield
      }) : () -> ()
      %add3A_310 = arith.constant 1 : i32
      %add3A_311 = arith.addi %select_n3A_58, %add3A_310 : i32
      %jit3A_312 = arith.constant 2 : i32
      %div3A_313 = arith.divsi %add3A_311, %jit3A_312 : i32
      %sign3A_314 = arith.constant 0 : i32
      %sign3A_315 = arith.cmpi sgt, %add3A_311, %sign3A_314 : i32
      %sign3A_316 = arith.extui %sign3A_315 : i1 to i32
      %sign3A_317 = arith.constant 0 : i32
      %sign3A_318 = arith.cmpi slt, %add3A_311, %sign3A_317 : i32
      %sign3A_319 = arith.extui %sign3A_318 : i1 to i32
      %sign3A_320 = arith.subi %sign3A_316, %sign3A_319 : i32
      %sign3A_321 = arith.constant 0 : i32
      %sign3A_322 = arith.cmpi sgt, %jit3A_312, %sign3A_321 : i32
      %sign3A_323 = arith.extui %sign3A_322 : i1 to i32
      %sign3A_324 = arith.constant 0 : i32
      %sign3A_325 = arith.cmpi slt, %jit3A_312, %sign3A_324 : i32
      %sign3A_326 = arith.extui %sign3A_325 : i1 to i32
      %sign3A_327 = arith.subi %sign3A_323, %sign3A_326 : i32
      %ne3A_328 = arith.cmpi ne, %sign3A_320, %sign3A_327 : i32
      %rem3A_329 = arith.remsi %add3A_311, %jit3A_312 : i32
      %ne3A_330 = arith.constant 0 : i32
      %ne3A_331 = arith.cmpi ne, %rem3A_329, %ne3A_330 : i32
      %and3A_332 = arith.andi %ne3A_328, %ne3A_331 : i1
      %sub3A_333 = arith.constant 1 : i32
      %sub3A_334 = arith.subi %div3A_313, %sub3A_333 : i32
      %select_n3A_335 = arith.select %and3A_332, %sub3A_334, %div3A_313 : i32
      %broadcast_in_dim3A_336 = arith.constant 0 : i32
      %broadcast_in_dim3A_337 = vector.broadcast %broadcast_in_dim3A_336 : i32 to vector<16xi32>
      %while3A_338 = arith.constant 0 : i32
      %while3A_339 = arith.subi %select_n3A_335, %while3A_338 : i32
      %while3A_340 = arith.addi %while3A_338, %while3A_339 : i32
      %while3A_341 = arith.constant 1 : i32
      %while3A_342 = arith.divsi %while3A_339, %while3A_341 : i32
      %while3A_343 = arith.muli %while3A_342, %while3A_341 : i32
      %while3A_344 = arith.addi %while3A_338, %while3A_343 : i32
      %while3A_345 = arith.constant 1 : i32
      %while3A_346 = scf.for %while3A_432 = %while3A_338 to %while3A_344 step %while3A_345 iter_args(%while3A_433 = %broadcast_in_dim3A_337) -> (vector<16xi32>)  : i32 {
        %mul3A_434 = arith.constant 2 : i32
        %mul3A_435 = arith.muli %mul3A_434, %while3A_432 : i32
        %mul3A_436 = arith.constant 16 : i32
        %mul3A_437 = arith.muli %mul3A_435, %mul3A_436 : i32
        %get3A = arith.index_cast %mul3A_437 : i32 to index
        %get3A_438 = tpu.vector_load %arg7[%get3A] {strides = array<i32>} : memref<16416xi32, #tpu.memory_space<vmem>>, vector<16xi32>,
        %ge3A = arith.constant 519045120 : i32
        %ge3A_439 = vector.broadcast %ge3A : i32 to vector<16xi32>
        %ge3A_440 = arith.cmpi sge, %get3A_438, %ge3A_439 : vector<16xi32>
        %lt3A = arith.constant 527433728 : i32
        %lt3A_441 = vector.broadcast %lt3A : i32 to vector<16xi32>
        %lt3A_442 = arith.cmpi slt, %get3A_438, %lt3A_441 : vector<16xi32>
        %and3A_443 = arith.andi %ge3A_440, %lt3A_442 : vector<16xi1>
        %jit3A_444 = arith.constant 1 : i32
        %jit3A_445 = arith.constant 0 : i32
        %broadcast_in_dim3A_446 = vector.broadcast %jit3A_444 : i32 to vector<16xi32>
        %broadcast_in_dim3A_447 = vector.broadcast %jit3A_445 : i32 to vector<16xi32>
        %select_n3A_448 = arith.select %and3A_443, %broadcast_in_dim3A_446, %broadcast_in_dim3A_447 : vector<16xi1>, vector<16xi32>
        %broadcast_in_dim3A_449 = arith.constant true
        %broadcast_in_dim3A_450 = vector.broadcast %broadcast_in_dim3A_449 : i1 to vector<16xi1>
        %masked_cumsum3A = tpu.scan <sum>, %select_n3A_448 masked %broadcast_in_dim3A_450 : vector<16xi32>, vector<16xi1> -> vector<16xi32>
        %add3A_451 = arith.addi %while3A_433, %masked_cumsum3A : vector<16xi32>
        %sub3A_452 = arith.constant 1 : i32
        %sub3A_453 = vector.broadcast %sub3A_452 : i32 to vector<16xi32>
        %sub3A_454 = arith.subi %add3A_451, %sub3A_453 : vector<16xi32>
        %jit3A_455 = arith.constant 16400 : i32
        %broadcast_in_dim3A_456 = vector.broadcast %jit3A_455 : i32 to vector<16xi32>
        %select_n3A_457 = arith.select %and3A_443, %sub3A_454, %broadcast_in_dim3A_456 : vector<16xi1>, vector<16xi32>
        tpu.vector_store_idx %arg8[%select_n3A_457], %get3A_438 : memref<16416xi32, #tpu.memory_space<vmem>>[vector<16xi32>], vector<16xi32>,
        %all_reduce_population_count3A = tpu.all_reduce %and3A_443 {dim = 0 : i64, kind = #tpu.reduction_kind<sum>} : vector<16xi1> -> vector<16xi32>
        %add3A_458 = arith.addi %while3A_433, %all_reduce_population_count3A : vector<16xi32>
        %mul3A_459 = arith.constant 2 : i32
        %mul3A_460 = arith.muli %mul3A_459, %while3A_432 : i32
        %add3A_461 = arith.constant 1 : i32
        %add3A_462 = arith.addi %mul3A_460, %add3A_461 : i32
        %mul3A_463 = arith.constant 16 : i32
        %mul3A_464 = arith.muli %add3A_462, %mul3A_463 : i32
        %get3A_465 = arith.index_cast %mul3A_464 : i32 to index
        %get3A_466 = tpu.vector_load %arg7[%get3A_465] {strides = array<i32>} : memref<16416xi32, #tpu.memory_space<vmem>>, vector<16xi32>,
        %ge3A_467 = arith.constant 519045120 : i32
        %ge3A_468 = vector.broadcast %ge3A_467 : i32 to vector<16xi32>
        %ge3A_469 = arith.cmpi sge, %get3A_466, %ge3A_468 : vector<16xi32>
        %lt3A_470 = arith.constant 527433728 : i32
        %lt3A_471 = vector.broadcast %lt3A_470 : i32 to vector<16xi32>
        %lt3A_472 = arith.cmpi slt, %get3A_466, %lt3A_471 : vector<16xi32>
        %and3A_473 = arith.andi %ge3A_469, %lt3A_472 : vector<16xi1>
        %jit3A_474 = arith.constant 1 : i32
        %jit3A_475 = arith.constant 0 : i32
        %broadcast_in_dim3A_476 = vector.broadcast %jit3A_474 : i32 to vector<16xi32>
        %broadcast_in_dim3A_477 = vector.broadcast %jit3A_475 : i32 to vector<16xi32>
        %select_n3A_478 = arith.select %and3A_473, %broadcast_in_dim3A_476, %broadcast_in_dim3A_477 : vector<16xi1>, vector<16xi32>
        %broadcast_in_dim3A_479 = arith.constant true
        %broadcast_in_dim3A_480 = vector.broadcast %broadcast_in_dim3A_479 : i1 to vector<16xi1>
        %masked_cumsum3A_481 = tpu.scan <sum>, %select_n3A_478 masked %broadcast_in_dim3A_480 : vector<16xi32>, vector<16xi1> -> vector<16xi32>
        %add3A_482 = arith.addi %add3A_458, %masked_cumsum3A_481 : vector<16xi32>
        %sub3A_483 = arith.constant 1 : i32
        %sub3A_484 = vector.broadcast %sub3A_483 : i32 to vector<16xi32>
        %sub3A_485 = arith.subi %add3A_482, %sub3A_484 : vector<16xi32>
        %jit3A_486 = arith.constant 16400 : i32
        %broadcast_in_dim3A_487 = vector.broadcast %jit3A_486 : i32 to vector<16xi32>
        %select_n3A_488 = arith.select %and3A_473, %sub3A_485, %broadcast_in_dim3A_487 : vector<16xi1>, vector<16xi32>
        tpu.vector_store_idx %arg8[%select_n3A_488], %get3A_466 : memref<16416xi32, #tpu.memory_space<vmem>>[vector<16xi32>], vector<16xi32>,
        %all_reduce_population_count3A_489 = tpu.all_reduce %and3A_473 {dim = 0 : i64, kind = #tpu.reduction_kind<sum>} : vector<16xi1> -> vector<16xi32>
        %add3A_490 = arith.addi %add3A_458, %all_reduce_population_count3A_489 : vector<16xi32>
        scf.yield %add3A_490 : vector<16xi32>
      }
      %while3A_347 = arith.constant 1 : i32
      %while3A_348 = scf.for %while3A_432 = %while3A_344 to %while3A_340 step %while3A_347 iter_args(%while3A_433 = %while3A_346) -> (vector<16xi32>)  : i32 {
        %mul3A_434 = arith.constant 2 : i32
        %mul3A_435 = arith.muli %mul3A_434, %while3A_432 : i32
        %mul3A_436 = arith.constant 16 : i32
        %mul3A_437 = arith.muli %mul3A_435, %mul3A_436 : i32
        %get3A = arith.index_cast %mul3A_437 : i32 to index
        %get3A_438 = tpu.vector_load %arg7[%get3A] {strides = array<i32>} : memref<16416xi32, #tpu.memory_space<vmem>>, vector<16xi32>,
        %ge3A = arith.constant 519045120 : i32
        %ge3A_439 = vector.broadcast %ge3A : i32 to vector<16xi32>
        %ge3A_440 = arith.cmpi sge, %get3A_438, %ge3A_439 : vector<16xi32>
        %lt3A = arith.constant 527433728 : i32
        %lt3A_441 = vector.broadcast %lt3A : i32 to vector<16xi32>
        %lt3A_442 = arith.cmpi slt, %get3A_438, %lt3A_441 : vector<16xi32>
        %and3A_443 = arith.andi %ge3A_440, %lt3A_442 : vector<16xi1>
        %jit3A_444 = arith.constant 1 : i32
        %jit3A_445 = arith.constant 0 : i32
        %broadcast_in_dim3A_446 = vector.broadcast %jit3A_444 : i32 to vector<16xi32>
        %broadcast_in_dim3A_447 = vector.broadcast %jit3A_445 : i32 to vector<16xi32>
        %select_n3A_448 = arith.select %and3A_443, %broadcast_in_dim3A_446, %broadcast_in_dim3A_447 : vector<16xi1>, vector<16xi32>
        %broadcast_in_dim3A_449 = arith.constant true
        %broadcast_in_dim3A_450 = vector.broadcast %broadcast_in_dim3A_449 : i1 to vector<16xi1>
        %masked_cumsum3A = tpu.scan <sum>, %select_n3A_448 masked %broadcast_in_dim3A_450 : vector<16xi32>, vector<16xi1> -> vector<16xi32>
        %add3A_451 = arith.addi %while3A_433, %masked_cumsum3A : vector<16xi32>
        %sub3A_452 = arith.constant 1 : i32
        %sub3A_453 = vector.broadcast %sub3A_452 : i32 to vector<16xi32>
        %sub3A_454 = arith.subi %add3A_451, %sub3A_453 : vector<16xi32>
        %jit3A_455 = arith.constant 16400 : i32
        %broadcast_in_dim3A_456 = vector.broadcast %jit3A_455 : i32 to vector<16xi32>
        %select_n3A_457 = arith.select %and3A_443, %sub3A_454, %broadcast_in_dim3A_456 : vector<16xi1>, vector<16xi32>
        tpu.vector_store_idx %arg8[%select_n3A_457], %get3A_438 : memref<16416xi32, #tpu.memory_space<vmem>>[vector<16xi32>], vector<16xi32>,
        %all_reduce_population_count3A = tpu.all_reduce %and3A_443 {dim = 0 : i64, kind = #tpu.reduction_kind<sum>} : vector<16xi1> -> vector<16xi32>
        %add3A_458 = arith.addi %while3A_433, %all_reduce_population_count3A : vector<16xi32>
        %mul3A_459 = arith.constant 2 : i32
        %mul3A_460 = arith.muli %mul3A_459, %while3A_432 : i32
        %add3A_461 = arith.constant 1 : i32
        %add3A_462 = arith.addi %mul3A_460, %add3A_461 : i32
        %mul3A_463 = arith.constant 16 : i32
        %mul3A_464 = arith.muli %add3A_462, %mul3A_463 : i32
        %get3A_465 = arith.index_cast %mul3A_464 : i32 to index
        %get3A_466 = tpu.vector_load %arg7[%get3A_465] {strides = array<i32>} : memref<16416xi32, #tpu.memory_space<vmem>>, vector<16xi32>,
        %ge3A_467 = arith.constant 519045120 : i32
        %ge3A_468 = vector.broadcast %ge3A_467 : i32 to vector<16xi32>
        %ge3A_469 = arith.cmpi sge, %get3A_466, %ge3A_468 : vector<16xi32>
        %lt3A_470 = arith.constant 527433728 : i32
        %lt3A_471 = vector.broadcast %lt3A_470 : i32 to vector<16xi32>
        %lt3A_472 = arith.cmpi slt, %get3A_466, %lt3A_471 : vector<16xi32>
        %and3A_473 = arith.andi %ge3A_469, %lt3A_472 : vector<16xi1>
        %jit3A_474 = arith.constant 1 : i32
        %jit3A_475 = arith.constant 0 : i32
        %broadcast_in_dim3A_476 = vector.broadcast %jit3A_474 : i32 to vector<16xi32>
        %broadcast_in_dim3A_477 = vector.broadcast %jit3A_475 : i32 to vector<16xi32>
        %select_n3A_478 = arith.select %and3A_473, %broadcast_in_dim3A_476, %broadcast_in_dim3A_477 : vector<16xi1>, vector<16xi32>
        %broadcast_in_dim3A_479 = arith.constant true
        %broadcast_in_dim3A_480 = vector.broadcast %broadcast_in_dim3A_479 : i1 to vector<16xi1>
        %masked_cumsum3A_481 = tpu.scan <sum>, %select_n3A_478 masked %broadcast_in_dim3A_480 : vector<16xi32>, vector<16xi1> -> vector<16xi32>
        %add3A_482 = arith.addi %add3A_458, %masked_cumsum3A_481 : vector<16xi32>
        %sub3A_483 = arith.constant 1 : i32
        %sub3A_484 = vector.broadcast %sub3A_483 : i32 to vector<16xi32>
        %sub3A_485 = arith.subi %add3A_482, %sub3A_484 : vector<16xi32>
        %jit3A_486 = arith.constant 16400 : i32
        %broadcast_in_dim3A_487 = vector.broadcast %jit3A_486 : i32 to vector<16xi32>
        %select_n3A_488 = arith.select %and3A_473, %sub3A_485, %broadcast_in_dim3A_487 : vector<16xi1>, vector<16xi32>
        tpu.vector_store_idx %arg8[%select_n3A_488], %get3A_466 : memref<16416xi32, #tpu.memory_space<vmem>>[vector<16xi32>], vector<16xi32>,
        %all_reduce_population_count3A_489 = tpu.all_reduce %and3A_473 {dim = 0 : i64, kind = #tpu.reduction_kind<sum>} : vector<16xi1> -> vector<16xi32>
        %add3A_490 = arith.addi %add3A_458, %all_reduce_population_count3A_489 : vector<16xi32>
        scf.yield %add3A_490 : vector<16xi32>
      }
      %reduce_sum3A_349 = arith.constant true
      %reduce_sum3A_350 = vector.broadcast %reduce_sum3A_349 : i1 to vector<16xi1>
      %reduce_sum3A_351 = tpu.scan <sum>, %while3A_348 masked %reduce_sum3A_350 : vector<16xi32>, vector<16xi1> -> vector<16xi32>
      %reduce_sum3A_352 = vector.extract %reduce_sum3A_351[15] : i32 from vector<16xi32>
      %shift_right_logical3A_353 = arith.constant 4 : i32
      %shift_right_logical3A_354 = arith.shrui %reduce_sum3A_352, %shift_right_logical3A_353 : i32
      %add3A_355 = arith.constant 15 : i32
      %add3A_356 = arith.addi %shift_right_logical3A_354, %add3A_355 : i32
      %jit3A_357 = arith.constant 16 : i32
      %div3A_358 = arith.divsi %add3A_356, %jit3A_357 : i32
      %sign3A_359 = arith.constant 0 : i32
      %sign3A_360 = arith.cmpi sgt, %add3A_356, %sign3A_359 : i32
      %sign3A_361 = arith.extui %sign3A_360 : i1 to i32
      %sign3A_362 = arith.constant 0 : i32
      %sign3A_363 = arith.cmpi slt, %add3A_356, %sign3A_362 : i32
      %sign3A_364 = arith.extui %sign3A_363 : i1 to i32
      %sign3A_365 = arith.subi %sign3A_361, %sign3A_364 : i32
      %sign3A_366 = arith.constant 0 : i32
      %sign3A_367 = arith.cmpi sgt, %jit3A_357, %sign3A_366 : i32
      %sign3A_368 = arith.extui %sign3A_367 : i1 to i32
      %sign3A_369 = arith.constant 0 : i32
      %sign3A_370 = arith.cmpi slt, %jit3A_357, %sign3A_369 : i32
      %sign3A_371 = arith.extui %sign3A_370 : i1 to i32
      %sign3A_372 = arith.subi %sign3A_368, %sign3A_371 : i32
      %ne3A_373 = arith.cmpi ne, %sign3A_365, %sign3A_372 : i32
      %rem3A_374 = arith.remsi %add3A_356, %jit3A_357 : i32
      %ne3A_375 = arith.constant 0 : i32
      %ne3A_376 = arith.cmpi ne, %rem3A_374, %ne3A_375 : i32
      %and3A_377 = arith.andi %ne3A_373, %ne3A_376 : i1
      %sub3A_378 = arith.constant 1 : i32
      %sub3A_379 = arith.subi %div3A_358, %sub3A_378 : i32
      %select_n3A_380 = arith.select %and3A_377, %sub3A_379, %div3A_358 : i32
      %while3A_381 = arith.constant 0 : i32
      %while3A_382 = arith.subi %select_n3A_380, %while3A_381 : i32
      %while3A_383 = arith.addi %while3A_381, %while3A_382 : i32
      %while3A_384 = arith.constant 1 : i32
      %while3A_385 = arith.divsi %while3A_382, %while3A_384 : i32
      %while3A_386 = arith.muli %while3A_385, %while3A_384 : i32
      %while3A_387 = arith.addi %while3A_381, %while3A_386 : i32
      %while3A_388 = arith.constant 1 : i32
      %while3A_389 = scf.for %while3A_432 = %while3A_381 to %while3A_387 step %while3A_388 iter_args(%while3A_433 = %while3A_309) -> (i32)  : i32 {
        %mul3A_434 = arith.constant 16 : i32
        %mul3A_435 = arith.muli %while3A_432, %mul3A_434 : i32
        %get3A = arith.index_cast %mul3A_435 : i32 to index
        %get3A_436 = tpu.vector_load %arg8[%get3A] {strides = array<i32>} : memref<16416xi32, #tpu.memory_space<vmem>>, vector<16xi32>,
        %shift_right_arithmetic3A = arith.constant 14 : i32
        %shift_right_arithmetic3A_437 = vector.broadcast %shift_right_arithmetic3A : i32 to vector<16xi32>
        %shift_right_arithmetic3A_438 = arith.shrsi %get3A_436, %shift_right_arithmetic3A_437 : vector<16xi32>
        %sub3A_439 = arith.constant 31680 : i32
        %sub3A_440 = vector.broadcast %sub3A_439 : i32 to vector<16xi32>
        %sub3A_441 = arith.subi %shift_right_arithmetic3A_438, %sub3A_440 : vector<16xi32>
        %jit3A_442 = arith.constant 0 : i32
        %jit3A_443 = arith.constant 511 : i32
        %max3A = vector.broadcast %jit3A_442 : i32 to vector<16xi32>
        %max3A_444 = arith.maxsi %max3A, %sub3A_441 : vector<16xi32>
        %min3A = vector.broadcast %jit3A_443 : i32 to vector<16xi32>
        %min3A_445 = arith.minsi %min3A, %max3A_444 : vector<16xi32>
        %and3A_446 = arith.constant 16383 : i32
        %and3A_447 = vector.broadcast %and3A_446 : i32 to vector<16xi32>
        %and3A_448 = arith.andi %get3A_436, %and3A_447 : vector<16xi32>
        %mul3A_449 = arith.constant 16 : i32
        %mul3A_450 = arith.muli %while3A_432, %mul3A_449 : i32
        %add3A_451 = vector.broadcast %mul3A_450 : i32 to vector<16xi32>
        %add3A_452 = arith.addi %iota3A, %add3A_451 : vector<16xi32>
        %lt3A = vector.broadcast %shift_right_logical3A_354 : i32 to vector<16xi32>
        %lt3A_453 = arith.cmpi slt, %add3A_452, %lt3A : vector<16xi32>
        %jit3A_454 = arith.constant 1 : i32
        %jit3A_455 = arith.constant 0 : i32
        %broadcast_in_dim3A_456 = vector.broadcast %jit3A_454 : i32 to vector<16xi32>
        %broadcast_in_dim3A_457 = vector.broadcast %jit3A_455 : i32 to vector<16xi32>
        %select_n3A_458 = arith.select %lt3A_453, %broadcast_in_dim3A_456, %broadcast_in_dim3A_457 : vector<16xi1>, vector<16xi32>
        %broadcast_in_dim3A_459 = arith.constant true
        %broadcast_in_dim3A_460 = vector.broadcast %broadcast_in_dim3A_459 : i1 to vector<16xi1>
        %masked_cumsum3A = tpu.scan <sum>, %select_n3A_458 masked %broadcast_in_dim3A_460 : vector<16xi32>, vector<16xi1> -> vector<16xi32>
        %add3A_461 = vector.broadcast %while3A_433 : i32 to vector<16xi32>
        %add3A_462 = arith.addi %add3A_461, %masked_cumsum3A : vector<16xi32>
        %sub3A_463 = arith.constant 1 : i32
        %sub3A_464 = vector.broadcast %sub3A_463 : i32 to vector<16xi32>
        %sub3A_465 = arith.subi %add3A_462, %sub3A_464 : vector<16xi32>
        %jit3A_466 = arith.constant 128 : i32
        %broadcast_in_dim3A_467 = vector.broadcast %jit3A_466 : i32 to vector<16xi32>
        %select_n3A_468 = arith.select %lt3A_453, %sub3A_465, %broadcast_in_dim3A_467 : vector<16xi1>, vector<16xi32>
        %broadcast_in_dim3A_469 = arith.constant 0 : i32
        %broadcast_in_dim3A_470 = vector.broadcast %broadcast_in_dim3A_469 : i32 to vector<16xi32>
        %gather3A = tpu.vector_load_idx %arg9[%broadcast_in_dim3A_470, %min3A_445] : memref<32x1024xf32, #tpu.memory_space<vmem>>[vector<16xi32>, vector<16xi32>], vector<16xf32>,
        tpu.vector_store_idx %arg11[%select_n3A_468, %broadcast_in_dim3A_470], %gather3A : memref<129x128xf32, #tpu.memory_space<vmem>>[vector<16xi32>, vector<16xi32>], vector<16xf32>,
        %broadcast_in_dim3A_471 = arith.constant 1 : i32
        %broadcast_in_dim3A_472 = vector.broadcast %broadcast_in_dim3A_471 : i32 to vector<16xi32>
        %gather3A_473 = tpu.vector_load_idx %arg9[%broadcast_in_dim3A_472, %min3A_445] : memref<32x1024xf32, #tpu.memory_space<vmem>>[vector<16xi32>, vector<16xi32>], vector<16xf32>,
        tpu.vector_store_idx %arg11[%select_n3A_468, %broadcast_in_dim3A_472], %gather3A_473 : memref<129x128xf32, #tpu.memory_space<vmem>>[vector<16xi32>, vector<16xi32>], vector<16xf32>,
        %broadcast_in_dim3A_474 = arith.constant 2 : i32
        %broadcast_in_dim3A_475 = vector.broadcast %broadcast_in_dim3A_474 : i32 to vector<16xi32>
        %gather3A_476 = tpu.vector_load_idx %arg9[%broadcast_in_dim3A_475, %min3A_445] : memref<32x1024xf32, #tpu.memory_space<vmem>>[vector<16xi32>, vector<16xi32>], vector<16xf32>,
        tpu.vector_store_idx %arg11[%select_n3A_468, %broadcast_in_dim3A_475], %gather3A_476 : memref<129x128xf32, #tpu.memory_space<vmem>>[vector<16xi32>, vector<16xi32>], vector<16xf32>,
        %broadcast_in_dim3A_477 = arith.constant 3 : i32
        %broadcast_in_dim3A_478 = vector.broadcast %broadcast_in_dim3A_477 : i32 to vector<16xi32>
        %gather3A_479 = tpu.vector_load_idx %arg9[%broadcast_in_dim3A_478, %min3A_445] : memref<32x1024xf32, #tpu.memory_space<vmem>>[vector<16xi32>, vector<16xi32>], vector<16xf32>,
        tpu.vector_store_idx %arg11[%select_n3A_468, %broadcast_in_dim3A_478], %gather3A_479 : memref<129x128xf32, #tpu.memory_space<vmem>>[vector<16xi32>, vector<16xi32>], vector<16xf32>,
        %broadcast_in_dim3A_480 = arith.constant 4 : i32
        %broadcast_in_dim3A_481 = vector.broadcast %broadcast_in_dim3A_480 : i32 to vector<16xi32>
        %gather3A_482 = tpu.vector_load_idx %arg9[%broadcast_in_dim3A_481, %min3A_445] : memref<32x1024xf32, #tpu.memory_space<vmem>>[vector<16xi32>, vector<16xi32>], vector<16xf32>,
        tpu.vector_store_idx %arg11[%select_n3A_468, %broadcast_in_dim3A_481], %gather3A_482 : memref<129x128xf32, #tpu.memory_space<vmem>>[vector<16xi32>, vector<16xi32>], vector<16xf32>,
        %broadcast_in_dim3A_483 = arith.constant 5 : i32
        %broadcast_in_dim3A_484 = vector.broadcast %broadcast_in_dim3A_483 : i32 to vector<16xi32>
        %gather3A_485 = tpu.vector_load_idx %arg9[%broadcast_in_dim3A_484, %min3A_445] : memref<32x1024xf32, #tpu.memory_space<vmem>>[vector<16xi32>, vector<16xi32>], vector<16xf32>,
        tpu.vector_store_idx %arg11[%select_n3A_468, %broadcast_in_dim3A_484], %gather3A_485 : memref<129x128xf32, #tpu.memory_space<vmem>>[vector<16xi32>, vector<16xi32>], vector<16xf32>,
        %broadcast_in_dim3A_486 = arith.constant 6 : i32
        %broadcast_in_dim3A_487 = vector.broadcast %broadcast_in_dim3A_486 : i32 to vector<16xi32>
        %gather3A_488 = tpu.vector_load_idx %arg9[%broadcast_in_dim3A_487, %min3A_445] : memref<32x1024xf32, #tpu.memory_space<vmem>>[vector<16xi32>, vector<16xi32>], vector<16xf32>,
        tpu.vector_store_idx %arg11[%select_n3A_468, %broadcast_in_dim3A_487], %gather3A_488 : memref<129x128xf32, #tpu.memory_space<vmem>>[vector<16xi32>, vector<16xi32>], vector<16xf32>,
        %broadcast_in_dim3A_489 = arith.constant 7 : i32
        %broadcast_in_dim3A_490 = vector.broadcast %broadcast_in_dim3A_489 : i32 to vector<16xi32>
        %gather3A_491 = tpu.vector_load_idx %arg9[%broadcast_in_dim3A_490, %min3A_445] : memref<32x1024xf32, #tpu.memory_space<vmem>>[vector<16xi32>, vector<16xi32>], vector<16xf32>,
        tpu.vector_store_idx %arg11[%select_n3A_468, %broadcast_in_dim3A_490], %gather3A_491 : memref<129x128xf32, #tpu.memory_space<vmem>>[vector<16xi32>, vector<16xi32>], vector<16xf32>,
        %broadcast_in_dim3A_492 = arith.constant 8 : i32
        %broadcast_in_dim3A_493 = vector.broadcast %broadcast_in_dim3A_492 : i32 to vector<16xi32>
        %gather3A_494 = tpu.vector_load_idx %arg9[%broadcast_in_dim3A_493, %min3A_445] : memref<32x1024xf32, #tpu.memory_space<vmem>>[vector<16xi32>, vector<16xi32>], vector<16xf32>,
        tpu.vector_store_idx %arg11[%select_n3A_468, %broadcast_in_dim3A_493], %gather3A_494 : memref<129x128xf32, #tpu.memory_space<vmem>>[vector<16xi32>, vector<16xi32>], vector<16xf32>,
        %broadcast_in_dim3A_495 = arith.constant 9 : i32
        %broadcast_in_dim3A_496 = vector.broadcast %broadcast_in_dim3A_495 : i32 to vector<16xi32>
        %gather3A_497 = tpu.vector_load_idx %arg9[%broadcast_in_dim3A_496, %min3A_445] : memref<32x1024xf32, #tpu.memory_space<vmem>>[vector<16xi32>, vector<16xi32>], vector<16xf32>,
        tpu.vector_store_idx %arg11[%select_n3A_468, %broadcast_in_dim3A_496], %gather3A_497 : memref<129x128xf32, #tpu.memory_space<vmem>>[vector<16xi32>, vector<16xi32>], vector<16xf32>,
        %broadcast_in_dim3A_498 = arith.constant 10 : i32
        %broadcast_in_dim3A_499 = vector.broadcast %broadcast_in_dim3A_498 : i32 to vector<16xi32>
        %gather3A_500 = tpu.vector_load_idx %arg9[%broadcast_in_dim3A_499, %min3A_445] : memref<32x1024xf32, #tpu.memory_space<vmem>>[vector<16xi32>, vector<16xi32>], vector<16xf32>,
        tpu.vector_store_idx %arg11[%select_n3A_468, %broadcast_in_dim3A_499], %gather3A_500 : memref<129x128xf32, #tpu.memory_space<vmem>>[vector<16xi32>, vector<16xi32>], vector<16xf32>,
        %broadcast_in_dim3A_501 = arith.constant 11 : i32
        %broadcast_in_dim3A_502 = vector.broadcast %broadcast_in_dim3A_501 : i32 to vector<16xi32>
        %gather3A_503 = tpu.vector_load_idx %arg9[%broadcast_in_dim3A_502, %min3A_445] : memref<32x1024xf32, #tpu.memory_space<vmem>>[vector<16xi32>, vector<16xi32>], vector<16xf32>,
        tpu.vector_store_idx %arg11[%select_n3A_468, %broadcast_in_dim3A_502], %gather3A_503 : memref<129x128xf32, #tpu.memory_space<vmem>>[vector<16xi32>, vector<16xi32>], vector<16xf32>,
        %broadcast_in_dim3A_504 = arith.constant 12 : i32
        %broadcast_in_dim3A_505 = vector.broadcast %broadcast_in_dim3A_504 : i32 to vector<16xi32>
        %gather3A_506 = tpu.vector_load_idx %arg9[%broadcast_in_dim3A_505, %min3A_445] : memref<32x1024xf32, #tpu.memory_space<vmem>>[vector<16xi32>, vector<16xi32>], vector<16xf32>,
        tpu.vector_store_idx %arg11[%select_n3A_468, %broadcast_in_dim3A_505], %gather3A_506 : memref<129x128xf32, #tpu.memory_space<vmem>>[vector<16xi32>, vector<16xi32>], vector<16xf32>,
        %broadcast_in_dim3A_507 = arith.constant 13 : i32
        %broadcast_in_dim3A_508 = vector.broadcast %broadcast_in_dim3A_507 : i32 to vector<16xi32>
        %gather3A_509 = tpu.vector_load_idx %arg9[%broadcast_in_dim3A_508, %min3A_445] : memref<32x1024xf32, #tpu.memory_space<vmem>>[vector<16xi32>, vector<16xi32>], vector<16xf32>,
        tpu.vector_store_idx %arg11[%select_n3A_468, %broadcast_in_dim3A_508], %gather3A_509 : memref<129x128xf32, #tpu.memory_space<vmem>>[vector<16xi32>, vector<16xi32>], vector<16xf32>,
        %broadcast_in_dim3A_510 = arith.constant 14 : i32
        %broadcast_in_dim3A_511 = vector.broadcast %broadcast_in_dim3A_510 : i32 to vector<16xi32>
        %gather3A_512 = tpu.vector_load_idx %arg9[%broadcast_in_dim3A_511, %min3A_445] : memref<32x1024xf32, #tpu.memory_space<vmem>>[vector<16xi32>, vector<16xi32>], vector<16xf32>,
        tpu.vector_store_idx %arg11[%select_n3A_468, %broadcast_in_dim3A_511], %gather3A_512 : memref<129x128xf32, #tpu.memory_space<vmem>>[vector<16xi32>, vector<16xi32>], vector<16xf32>,
        %broadcast_in_dim3A_513 = arith.constant 15 : i32
        %broadcast_in_dim3A_514 = vector.broadcast %broadcast_in_dim3A_513 : i32 to vector<16xi32>
        %gather3A_515 = tpu.vector_load_idx %arg9[%broadcast_in_dim3A_514, %min3A_445] : memref<32x1024xf32, #tpu.memory_space<vmem>>[vector<16xi32>, vector<16xi32>], vector<16xf32>,
        tpu.vector_store_idx %arg11[%select_n3A_468, %broadcast_in_dim3A_514], %gather3A_515 : memref<129x128xf32, #tpu.memory_space<vmem>>[vector<16xi32>, vector<16xi32>], vector<16xf32>,
        %broadcast_in_dim3A_516 = arith.constant 16 : i32
        %broadcast_in_dim3A_517 = vector.broadcast %broadcast_in_dim3A_516 : i32 to vector<16xi32>
        %gather3A_518 = tpu.vector_load_idx %arg9[%broadcast_in_dim3A_517, %min3A_445] : memref<32x1024xf32, #tpu.memory_space<vmem>>[vector<16xi32>, vector<16xi32>], vector<16xf32>,
        tpu.vector_store_idx %arg11[%select_n3A_468, %broadcast_in_dim3A_517], %gather3A_518 : memref<129x128xf32, #tpu.memory_space<vmem>>[vector<16xi32>, vector<16xi32>], vector<16xf32>,
        %broadcast_in_dim3A_519 = arith.constant 17 : i32
        %broadcast_in_dim3A_520 = vector.broadcast %broadcast_in_dim3A_519 : i32 to vector<16xi32>
        %gather3A_521 = tpu.vector_load_idx %arg9[%broadcast_in_dim3A_520, %min3A_445] : memref<32x1024xf32, #tpu.memory_space<vmem>>[vector<16xi32>, vector<16xi32>], vector<16xf32>,
        tpu.vector_store_idx %arg11[%select_n3A_468, %broadcast_in_dim3A_520], %gather3A_521 : memref<129x128xf32, #tpu.memory_space<vmem>>[vector<16xi32>, vector<16xi32>], vector<16xf32>,
        %broadcast_in_dim3A_522 = arith.constant 18 : i32
        %broadcast_in_dim3A_523 = vector.broadcast %broadcast_in_dim3A_522 : i32 to vector<16xi32>
        %gather3A_524 = tpu.vector_load_idx %arg9[%broadcast_in_dim3A_523, %min3A_445] : memref<32x1024xf32, #tpu.memory_space<vmem>>[vector<16xi32>, vector<16xi32>], vector<16xf32>,
        tpu.vector_store_idx %arg11[%select_n3A_468, %broadcast_in_dim3A_523], %gather3A_524 : memref<129x128xf32, #tpu.memory_space<vmem>>[vector<16xi32>, vector<16xi32>], vector<16xf32>,
        %broadcast_in_dim3A_525 = arith.constant 19 : i32
        %broadcast_in_dim3A_526 = vector.broadcast %broadcast_in_dim3A_525 : i32 to vector<16xi32>
        %gather3A_527 = tpu.vector_load_idx %arg9[%broadcast_in_dim3A_526, %min3A_445] : memref<32x1024xf32, #tpu.memory_space<vmem>>[vector<16xi32>, vector<16xi32>], vector<16xf32>,
        tpu.vector_store_idx %arg11[%select_n3A_468, %broadcast_in_dim3A_526], %gather3A_527 : memref<129x128xf32, #tpu.memory_space<vmem>>[vector<16xi32>, vector<16xi32>], vector<16xf32>,
        %broadcast_in_dim3A_528 = arith.constant 20 : i32
        %broadcast_in_dim3A_529 = vector.broadcast %broadcast_in_dim3A_528 : i32 to vector<16xi32>
        %gather3A_530 = tpu.vector_load_idx %arg9[%broadcast_in_dim3A_529, %min3A_445] : memref<32x1024xf32, #tpu.memory_space<vmem>>[vector<16xi32>, vector<16xi32>], vector<16xf32>,
        tpu.vector_store_idx %arg11[%select_n3A_468, %broadcast_in_dim3A_529], %gather3A_530 : memref<129x128xf32, #tpu.memory_space<vmem>>[vector<16xi32>, vector<16xi32>], vector<16xf32>,
        %broadcast_in_dim3A_531 = arith.constant 21 : i32
        %broadcast_in_dim3A_532 = vector.broadcast %broadcast_in_dim3A_531 : i32 to vector<16xi32>
        %gather3A_533 = tpu.vector_load_idx %arg9[%broadcast_in_dim3A_532, %min3A_445] : memref<32x1024xf32, #tpu.memory_space<vmem>>[vector<16xi32>, vector<16xi32>], vector<16xf32>,
        tpu.vector_store_idx %arg11[%select_n3A_468, %broadcast_in_dim3A_532], %gather3A_533 : memref<129x128xf32, #tpu.memory_space<vmem>>[vector<16xi32>, vector<16xi32>], vector<16xf32>,
        %broadcast_in_dim3A_534 = arith.constant 22 : i32
        %broadcast_in_dim3A_535 = vector.broadcast %broadcast_in_dim3A_534 : i32 to vector<16xi32>
        %gather3A_536 = tpu.vector_load_idx %arg9[%broadcast_in_dim3A_535, %min3A_445] : memref<32x1024xf32, #tpu.memory_space<vmem>>[vector<16xi32>, vector<16xi32>], vector<16xf32>,
        tpu.vector_store_idx %arg11[%select_n3A_468, %broadcast_in_dim3A_535], %gather3A_536 : memref<129x128xf32, #tpu.memory_space<vmem>>[vector<16xi32>, vector<16xi32>], vector<16xf32>,
        %broadcast_in_dim3A_537 = arith.constant 23 : i32
        %broadcast_in_dim3A_538 = vector.broadcast %broadcast_in_dim3A_537 : i32 to vector<16xi32>
        %gather3A_539 = tpu.vector_load_idx %arg9[%broadcast_in_dim3A_538, %min3A_445] : memref<32x1024xf32, #tpu.memory_space<vmem>>[vector<16xi32>, vector<16xi32>], vector<16xf32>,
        tpu.vector_store_idx %arg11[%select_n3A_468, %broadcast_in_dim3A_538], %gather3A_539 : memref<129x128xf32, #tpu.memory_space<vmem>>[vector<16xi32>, vector<16xi32>], vector<16xf32>,
        %broadcast_in_dim3A_540 = arith.constant 24 : i32
        %broadcast_in_dim3A_541 = vector.broadcast %broadcast_in_dim3A_540 : i32 to vector<16xi32>
        %gather3A_542 = tpu.vector_load_idx %arg9[%broadcast_in_dim3A_541, %min3A_445] : memref<32x1024xf32, #tpu.memory_space<vmem>>[vector<16xi32>, vector<16xi32>], vector<16xf32>,
        tpu.vector_store_idx %arg11[%select_n3A_468, %broadcast_in_dim3A_541], %gather3A_542 : memref<129x128xf32, #tpu.memory_space<vmem>>[vector<16xi32>, vector<16xi32>], vector<16xf32>,
        %broadcast_in_dim3A_543 = arith.constant 25 : i32
        %broadcast_in_dim3A_544 = vector.broadcast %broadcast_in_dim3A_543 : i32 to vector<16xi32>
        %gather3A_545 = tpu.vector_load_idx %arg9[%broadcast_in_dim3A_544, %min3A_445] : memref<32x1024xf32, #tpu.memory_space<vmem>>[vector<16xi32>, vector<16xi32>], vector<16xf32>,
        tpu.vector_store_idx %arg11[%select_n3A_468, %broadcast_in_dim3A_544], %gather3A_545 : memref<129x128xf32, #tpu.memory_space<vmem>>[vector<16xi32>, vector<16xi32>], vector<16xf32>,
        %broadcast_in_dim3A_546 = arith.constant 26 : i32
        %broadcast_in_dim3A_547 = vector.broadcast %broadcast_in_dim3A_546 : i32 to vector<16xi32>
        %gather3A_548 = tpu.vector_load_idx %arg9[%broadcast_in_dim3A_547, %min3A_445] : memref<32x1024xf32, #tpu.memory_space<vmem>>[vector<16xi32>, vector<16xi32>], vector<16xf32>,
        tpu.vector_store_idx %arg11[%select_n3A_468, %broadcast_in_dim3A_547], %gather3A_548 : memref<129x128xf32, #tpu.memory_space<vmem>>[vector<16xi32>, vector<16xi32>], vector<16xf32>,
        %broadcast_in_dim3A_549 = arith.constant 27 : i32
        %broadcast_in_dim3A_550 = vector.broadcast %broadcast_in_dim3A_549 : i32 to vector<16xi32>
        %gather3A_551 = tpu.vector_load_idx %arg9[%broadcast_in_dim3A_550, %min3A_445] : memref<32x1024xf32, #tpu.memory_space<vmem>>[vector<16xi32>, vector<16xi32>], vector<16xf32>,
        tpu.vector_store_idx %arg11[%select_n3A_468, %broadcast_in_dim3A_550], %gather3A_551 : memref<129x128xf32, #tpu.memory_space<vmem>>[vector<16xi32>, vector<16xi32>], vector<16xf32>,
        %broadcast_in_dim3A_552 = arith.constant 28 : i32
        %broadcast_in_dim3A_553 = vector.broadcast %broadcast_in_dim3A_552 : i32 to vector<16xi32>
        %gather3A_554 = tpu.vector_load_idx %arg9[%broadcast_in_dim3A_553, %min3A_445] : memref<32x1024xf32, #tpu.memory_space<vmem>>[vector<16xi32>, vector<16xi32>], vector<16xf32>,
        tpu.vector_store_idx %arg11[%select_n3A_468, %broadcast_in_dim3A_553], %gather3A_554 : memref<129x128xf32, #tpu.memory_space<vmem>>[vector<16xi32>, vector<16xi32>], vector<16xf32>,
        %broadcast_in_dim3A_555 = arith.constant 29 : i32
        %broadcast_in_dim3A_556 = vector.broadcast %broadcast_in_dim3A_555 : i32 to vector<16xi32>
        %gather3A_557 = tpu.vector_load_idx %arg9[%broadcast_in_dim3A_556, %min3A_445] : memref<32x1024xf32, #tpu.memory_space<vmem>>[vector<16xi32>, vector<16xi32>], vector<16xf32>,
        tpu.vector_store_idx %arg11[%select_n3A_468, %broadcast_in_dim3A_556], %gather3A_557 : memref<129x128xf32, #tpu.memory_space<vmem>>[vector<16xi32>, vector<16xi32>], vector<16xf32>,
        %broadcast_in_dim3A_558 = arith.constant 30 : i32
        %broadcast_in_dim3A_559 = vector.broadcast %broadcast_in_dim3A_558 : i32 to vector<16xi32>
        %gather3A_560 = tpu.vector_load_idx %arg9[%broadcast_in_dim3A_559, %min3A_445] : memref<32x1024xf32, #tpu.memory_space<vmem>>[vector<16xi32>, vector<16xi32>], vector<16xf32>,
        tpu.vector_store_idx %arg11[%select_n3A_468, %broadcast_in_dim3A_559], %gather3A_560 : memref<129x128xf32, #tpu.memory_space<vmem>>[vector<16xi32>, vector<16xi32>], vector<16xf32>,
        %broadcast_in_dim3A_561 = arith.constant 31 : i32
        %broadcast_in_dim3A_562 = vector.broadcast %broadcast_in_dim3A_561 : i32 to vector<16xi32>
        %gather3A_563 = tpu.vector_load_idx %arg9[%broadcast_in_dim3A_562, %min3A_445] : memref<32x1024xf32, #tpu.memory_space<vmem>>[vector<16xi32>, vector<16xi32>], vector<16xf32>,
        tpu.vector_store_idx %arg11[%select_n3A_468, %broadcast_in_dim3A_562], %gather3A_563 : memref<129x128xf32, #tpu.memory_space<vmem>>[vector<16xi32>, vector<16xi32>], vector<16xf32>,
        tpu.vector_store_idx %arg12[%select_n3A_468], %and3A_448 : memref<144xi32, #tpu.memory_space<vmem>>[vector<16xi32>], vector<16xi32>,
        %reduce_sum3A_564 = arith.constant true
        %reduce_sum3A_565 = vector.broadcast %reduce_sum3A_564 : i1 to vector<16xi1>
        %reduce_sum3A_566 = tpu.scan <sum>, %select_n3A_458 masked %reduce_sum3A_565 : vector<16xi32>, vector<16xi1> -> vector<16xi32>
        %reduce_sum3A_567 = vector.extract %reduce_sum3A_566[15] : i32 from vector<16xi32>
        %add3A_568 = arith.addi %while3A_433, %reduce_sum3A_567 : i32
        %ge3A = arith.constant 112 : i32
        %ge3A_569 = arith.cmpi sge, %add3A_568, %ge3A : i32
        %convert_element_type3A_570 = arith.extui %ge3A_569 : i1 to i32
        %cond3A_571 = arith.constant 0 : i32
        %cond3A_572 = arith.cmpi ne, %convert_element_type3A_570, %cond3A_571 : i32
        scf.if %cond3A_572 {
          %dma_start3A_577 = arith.constant 0 : i32
          %dma_start3A_578 = arith.constant 0 : i32
          %dma_start3A_579 = tpu.memref_slice %arg11[%dma_start3A_577, %dma_start3A_578] : memref<129x128xf32, #tpu.memory_space<vmem>> -> memref<128x128xf32, #tpu.memory_space<vmem>>
          %dma_start3A_580 = arith.constant 0 : i32
          %dma_start3A_581 = tpu.memref_slice %arg12[%dma_start3A_580] : memref<144xi32, #tpu.memory_space<vmem>> -> memref<128xi32, #tpu.memory_space<vmem>>
          %dma_start3A_582 = arith.constant 0 : i32
          %dma_start3A_583 = arith.constant 0 : i32
          %dma_start3A_584 = tpu.memref_slice %arg5[%dma_start3A_582, %dma_start3A_583] : memref<16416x128xf32, #tpu.memory_space<hbm>> -> memref<16416x128xf32, #tpu.memory_space<hbm>>
          tpu.enqueue_indirect_dma source(%dma_start3A_579 : memref<128x128xf32, #tpu.memory_space<vmem>>) target(%dma_start3A_584 : memref<16416x128xf32, #tpu.memory_space<hbm>>) offsets(%dma_start3A_581 : memref<128xi32, #tpu.memory_space<vmem>>) semaphore(%arg15 : memref<!tpu.dma_semaphore, #tpu.memory_space<semaphore_mem>>)
          %dma_wait3A_585 = arith.constant 0 : i32
          %dma_wait3A_586 = arith.constant 0 : i32
          %dma_wait3A_587 = tpu.memref_slice %arg11[%dma_wait3A_585, %dma_wait3A_586] : memref<129x128xf32, #tpu.memory_space<vmem>> -> memref<128x128xf32, #tpu.memory_space<vmem>>
          %dma_wait3A_588 = arith.constant 0 : i32
          %dma_wait3A_589 = tpu.memref_slice %arg12[%dma_wait3A_588] : memref<144xi32, #tpu.memory_space<vmem>> -> memref<128xi32, #tpu.memory_space<vmem>>
          %dma_wait3A_590 = arith.constant 0 : i32
          %dma_wait3A_591 = arith.constant 0 : i32
          %dma_wait3A_592 = tpu.memref_slice %arg5[%dma_wait3A_590, %dma_wait3A_591] : memref<16416x128xf32, #tpu.memory_space<hbm>> -> memref<16416x128xf32, #tpu.memory_space<hbm>>
          tpu.wait_indirect_dma semaphore(%arg15 : memref<!tpu.dma_semaphore, #tpu.memory_space<semaphore_mem>>) src(%dma_wait3A_587 : memref<128x128xf32, #tpu.memory_space<vmem>>) dst(%dma_wait3A_592 : memref<16416x128xf32, #tpu.memory_space<hbm>>)
          %broadcast_in_dim3A_593 = vector.broadcast %add3A_7 : i32 to vector<16xi32>
          %swap3A_594 = arith.constant 0 : index
          %swap3A_595 = tpu.vector_load %arg12[%swap3A_594] {strides = array<i32>} : memref<144xi32, #tpu.memory_space<vmem>>, vector<16xi32>,
          tpu.vector_store %arg12[%swap3A_594], %broadcast_in_dim3A_593 {strides = array<i32>} : memref<144xi32, #tpu.memory_space<vmem>>, vector<16xi32>,
          %broadcast_in_dim3A_596 = vector.broadcast %add3A_7 : i32 to vector<16xi32>
          %swap3A_597 = arith.constant 16 : index
          %swap3A_598 = tpu.vector_load %arg12[%swap3A_597] {strides = array<i32>} : memref<144xi32, #tpu.memory_space<vmem>>, vector<16xi32>,
          tpu.vector_store %arg12[%swap3A_597], %broadcast_in_dim3A_596 {strides = array<i32>} : memref<144xi32, #tpu.memory_space<vmem>>, vector<16xi32>,
          %broadcast_in_dim3A_599 = vector.broadcast %add3A_7 : i32 to vector<16xi32>
          %swap3A_600 = arith.constant 32 : index
          %swap3A_601 = tpu.vector_load %arg12[%swap3A_600] {strides = array<i32>} : memref<144xi32, #tpu.memory_space<vmem>>, vector<16xi32>,
          tpu.vector_store %arg12[%swap3A_600], %broadcast_in_dim3A_599 {strides = array<i32>} : memref<144xi32, #tpu.memory_space<vmem>>, vector<16xi32>,
          %broadcast_in_dim3A_602 = vector.broadcast %add3A_7 : i32 to vector<16xi32>
          %swap3A_603 = arith.constant 48 : index
          %swap3A_604 = tpu.vector_load %arg12[%swap3A_603] {strides = array<i32>} : memref<144xi32, #tpu.memory_space<vmem>>, vector<16xi32>,
          tpu.vector_store %arg12[%swap3A_603], %broadcast_in_dim3A_602 {strides = array<i32>} : memref<144xi32, #tpu.memory_space<vmem>>, vector<16xi32>,
          %broadcast_in_dim3A_605 = vector.broadcast %add3A_7 : i32 to vector<16xi32>
          %swap3A_606 = arith.constant 64 : index
          %swap3A_607 = tpu.vector_load %arg12[%swap3A_606] {strides = array<i32>} : memref<144xi32, #tpu.memory_space<vmem>>, vector<16xi32>,
          tpu.vector_store %arg12[%swap3A_606], %broadcast_in_dim3A_605 {strides = array<i32>} : memref<144xi32, #tpu.memory_space<vmem>>, vector<16xi32>,
          %broadcast_in_dim3A_608 = vector.broadcast %add3A_7 : i32 to vector<16xi32>
          %swap3A_609 = arith.constant 80 : index
          %swap3A_610 = tpu.vector_load %arg12[%swap3A_609] {strides = array<i32>} : memref<144xi32, #tpu.memory_space<vmem>>, vector<16xi32>,
          tpu.vector_store %arg12[%swap3A_609], %broadcast_in_dim3A_608 {strides = array<i32>} : memref<144xi32, #tpu.memory_space<vmem>>, vector<16xi32>,
          %broadcast_in_dim3A_611 = vector.broadcast %add3A_7 : i32 to vector<16xi32>
          %swap3A_612 = arith.constant 96 : index
          %swap3A_613 = tpu.vector_load %arg12[%swap3A_612] {strides = array<i32>} : memref<144xi32, #tpu.memory_space<vmem>>, vector<16xi32>,
          tpu.vector_store %arg12[%swap3A_612], %broadcast_in_dim3A_611 {strides = array<i32>} : memref<144xi32, #tpu.memory_space<vmem>>, vector<16xi32>,
          %broadcast_in_dim3A_614 = vector.broadcast %add3A_7 : i32 to vector<16xi32>
          %swap3A_615 = arith.constant 112 : index
          %swap3A_616 = tpu.vector_load %arg12[%swap3A_615] {strides = array<i32>} : memref<144xi32, #tpu.memory_space<vmem>>, vector<16xi32>,
          tpu.vector_store %arg12[%swap3A_615], %broadcast_in_dim3A_614 {strides = array<i32>} : memref<144xi32, #tpu.memory_space<vmem>>, vector<16xi32>,
        } else {
        }
        %ge3A_573 = arith.constant 112 : i32
        %ge3A_574 = arith.cmpi sge, %add3A_568, %ge3A_573 : i32
        %jit3A_575 = arith.constant 0 : i32
        %select_n3A_576 = arith.select %ge3A_574, %jit3A_575, %add3A_568 : i32
        scf.yield %select_n3A_576 : i32
      }
      %while3A_390 = arith.constant 1 : i32
      %while3A_391 = scf.for %while3A_432 = %while3A_387 to %while3A_383 step %while3A_390 iter_args(%while3A_433 = %while3A_389) -> (i32)  : i32 {
        %mul3A_434 = arith.constant 16 : i32
        %mul3A_435 = arith.muli %while3A_432, %mul3A_434 : i32
        %get3A = arith.index_cast %mul3A_435 : i32 to index
        %get3A_436 = tpu.vector_load %arg8[%get3A] {strides = array<i32>} : memref<16416xi32, #tpu.memory_space<vmem>>, vector<16xi32>,
        %shift_right_arithmetic3A = arith.constant 14 : i32
        %shift_right_arithmetic3A_437 = vector.broadcast %shift_right_arithmetic3A : i32 to vector<16xi32>
        %shift_right_arithmetic3A_438 = arith.shrsi %get3A_436, %shift_right_arithmetic3A_437 : vector<16xi32>
        %sub3A_439 = arith.constant 31680 : i32
        %sub3A_440 = vector.broadcast %sub3A_439 : i32 to vector<16xi32>
        %sub3A_441 = arith.subi %shift_right_arithmetic3A_438, %sub3A_440 : vector<16xi32>
        %jit3A_442 = arith.constant 0 : i32
        %jit3A_443 = arith.constant 511 : i32
        %max3A = vector.broadcast %jit3A_442 : i32 to vector<16xi32>
        %max3A_444 = arith.maxsi %max3A, %sub3A_441 : vector<16xi32>
        %min3A = vector.broadcast %jit3A_443 : i32 to vector<16xi32>
        %min3A_445 = arith.minsi %min3A, %max3A_444 : vector<16xi32>
        %and3A_446 = arith.constant 16383 : i32
        %and3A_447 = vector.broadcast %and3A_446 : i32 to vector<16xi32>
        %and3A_448 = arith.andi %get3A_436, %and3A_447 : vector<16xi32>
        %mul3A_449 = arith.constant 16 : i32
        %mul3A_450 = arith.muli %while3A_432, %mul3A_449 : i32
        %add3A_451 = vector.broadcast %mul3A_450 : i32 to vector<16xi32>
        %add3A_452 = arith.addi %iota3A, %add3A_451 : vector<16xi32>
        %lt3A = vector.broadcast %shift_right_logical3A_354 : i32 to vector<16xi32>
        %lt3A_453 = arith.cmpi slt, %add3A_452, %lt3A : vector<16xi32>
        %jit3A_454 = arith.constant 1 : i32
        %jit3A_455 = arith.constant 0 : i32
        %broadcast_in_dim3A_456 = vector.broadcast %jit3A_454 : i32 to vector<16xi32>
        %broadcast_in_dim3A_457 = vector.broadcast %jit3A_455 : i32 to vector<16xi32>
        %select_n3A_458 = arith.select %lt3A_453, %broadcast_in_dim3A_456, %broadcast_in_dim3A_457 : vector<16xi1>, vector<16xi32>
        %broadcast_in_dim3A_459 = arith.constant true
        %broadcast_in_dim3A_460 = vector.broadcast %broadcast_in_dim3A_459 : i1 to vector<16xi1>
        %masked_cumsum3A = tpu.scan <sum>, %select_n3A_458 masked %broadcast_in_dim3A_460 : vector<16xi32>, vector<16xi1> -> vector<16xi32>
        %add3A_461 = vector.broadcast %while3A_433 : i32 to vector<16xi32>
        %add3A_462 = arith.addi %add3A_461, %masked_cumsum3A : vector<16xi32>
        %sub3A_463 = arith.constant 1 : i32
        %sub3A_464 = vector.broadcast %sub3A_463 : i32 to vector<16xi32>
        %sub3A_465 = arith.subi %add3A_462, %sub3A_464 : vector<16xi32>
        %jit3A_466 = arith.constant 128 : i32
        %broadcast_in_dim3A_467 = vector.broadcast %jit3A_466 : i32 to vector<16xi32>
        %select_n3A_468 = arith.select %lt3A_453, %sub3A_465, %broadcast_in_dim3A_467 : vector<16xi1>, vector<16xi32>
        %broadcast_in_dim3A_469 = arith.constant 0 : i32
        %broadcast_in_dim3A_470 = vector.broadcast %broadcast_in_dim3A_469 : i32 to vector<16xi32>
        %gather3A = tpu.vector_load_idx %arg9[%broadcast_in_dim3A_470, %min3A_445] : memref<32x1024xf32, #tpu.memory_space<vmem>>[vector<16xi32>, vector<16xi32>], vector<16xf32>,
        tpu.vector_store_idx %arg11[%select_n3A_468, %broadcast_in_dim3A_470], %gather3A : memref<129x128xf32, #tpu.memory_space<vmem>>[vector<16xi32>, vector<16xi32>], vector<16xf32>,
        %broadcast_in_dim3A_471 = arith.constant 1 : i32
        %broadcast_in_dim3A_472 = vector.broadcast %broadcast_in_dim3A_471 : i32 to vector<16xi32>
        %gather3A_473 = tpu.vector_load_idx %arg9[%broadcast_in_dim3A_472, %min3A_445] : memref<32x1024xf32, #tpu.memory_space<vmem>>[vector<16xi32>, vector<16xi32>], vector<16xf32>,
        tpu.vector_store_idx %arg11[%select_n3A_468, %broadcast_in_dim3A_472], %gather3A_473 : memref<129x128xf32, #tpu.memory_space<vmem>>[vector<16xi32>, vector<16xi32>], vector<16xf32>,
        %broadcast_in_dim3A_474 = arith.constant 2 : i32
        %broadcast_in_dim3A_475 = vector.broadcast %broadcast_in_dim3A_474 : i32 to vector<16xi32>
        %gather3A_476 = tpu.vector_load_idx %arg9[%broadcast_in_dim3A_475, %min3A_445] : memref<32x1024xf32, #tpu.memory_space<vmem>>[vector<16xi32>, vector<16xi32>], vector<16xf32>,
        tpu.vector_store_idx %arg11[%select_n3A_468, %broadcast_in_dim3A_475], %gather3A_476 : memref<129x128xf32, #tpu.memory_space<vmem>>[vector<16xi32>, vector<16xi32>], vector<16xf32>,
        %broadcast_in_dim3A_477 = arith.constant 3 : i32
        %broadcast_in_dim3A_478 = vector.broadcast %broadcast_in_dim3A_477 : i32 to vector<16xi32>
        %gather3A_479 = tpu.vector_load_idx %arg9[%broadcast_in_dim3A_478, %min3A_445] : memref<32x1024xf32, #tpu.memory_space<vmem>>[vector<16xi32>, vector<16xi32>], vector<16xf32>,
        tpu.vector_store_idx %arg11[%select_n3A_468, %broadcast_in_dim3A_478], %gather3A_479 : memref<129x128xf32, #tpu.memory_space<vmem>>[vector<16xi32>, vector<16xi32>], vector<16xf32>,
        %broadcast_in_dim3A_480 = arith.constant 4 : i32
        %broadcast_in_dim3A_481 = vector.broadcast %broadcast_in_dim3A_480 : i32 to vector<16xi32>
        %gather3A_482 = tpu.vector_load_idx %arg9[%broadcast_in_dim3A_481, %min3A_445] : memref<32x1024xf32, #tpu.memory_space<vmem>>[vector<16xi32>, vector<16xi32>], vector<16xf32>,
        tpu.vector_store_idx %arg11[%select_n3A_468, %broadcast_in_dim3A_481], %gather3A_482 : memref<129x128xf32, #tpu.memory_space<vmem>>[vector<16xi32>, vector<16xi32>], vector<16xf32>,
        %broadcast_in_dim3A_483 = arith.constant 5 : i32
        %broadcast_in_dim3A_484 = vector.broadcast %broadcast_in_dim3A_483 : i32 to vector<16xi32>
        %gather3A_485 = tpu.vector_load_idx %arg9[%broadcast_in_dim3A_484, %min3A_445] : memref<32x1024xf32, #tpu.memory_space<vmem>>[vector<16xi32>, vector<16xi32>], vector<16xf32>,
        tpu.vector_store_idx %arg11[%select_n3A_468, %broadcast_in_dim3A_484], %gather3A_485 : memref<129x128xf32, #tpu.memory_space<vmem>>[vector<16xi32>, vector<16xi32>], vector<16xf32>,
        %broadcast_in_dim3A_486 = arith.constant 6 : i32
        %broadcast_in_dim3A_487 = vector.broadcast %broadcast_in_dim3A_486 : i32 to vector<16xi32>
        %gather3A_488 = tpu.vector_load_idx %arg9[%broadcast_in_dim3A_487, %min3A_445] : memref<32x1024xf32, #tpu.memory_space<vmem>>[vector<16xi32>, vector<16xi32>], vector<16xf32>,
        tpu.vector_store_idx %arg11[%select_n3A_468, %broadcast_in_dim3A_487], %gather3A_488 : memref<129x128xf32, #tpu.memory_space<vmem>>[vector<16xi32>, vector<16xi32>], vector<16xf32>,
        %broadcast_in_dim3A_489 = arith.constant 7 : i32
        %broadcast_in_dim3A_490 = vector.broadcast %broadcast_in_dim3A_489 : i32 to vector<16xi32>
        %gather3A_491 = tpu.vector_load_idx %arg9[%broadcast_in_dim3A_490, %min3A_445] : memref<32x1024xf32, #tpu.memory_space<vmem>>[vector<16xi32>, vector<16xi32>], vector<16xf32>,
        tpu.vector_store_idx %arg11[%select_n3A_468, %broadcast_in_dim3A_490], %gather3A_491 : memref<129x128xf32, #tpu.memory_space<vmem>>[vector<16xi32>, vector<16xi32>], vector<16xf32>,
        %broadcast_in_dim3A_492 = arith.constant 8 : i32
        %broadcast_in_dim3A_493 = vector.broadcast %broadcast_in_dim3A_492 : i32 to vector<16xi32>
        %gather3A_494 = tpu.vector_load_idx %arg9[%broadcast_in_dim3A_493, %min3A_445] : memref<32x1024xf32, #tpu.memory_space<vmem>>[vector<16xi32>, vector<16xi32>], vector<16xf32>,
        tpu.vector_store_idx %arg11[%select_n3A_468, %broadcast_in_dim3A_493], %gather3A_494 : memref<129x128xf32, #tpu.memory_space<vmem>>[vector<16xi32>, vector<16xi32>], vector<16xf32>,
        %broadcast_in_dim3A_495 = arith.constant 9 : i32
        %broadcast_in_dim3A_496 = vector.broadcast %broadcast_in_dim3A_495 : i32 to vector<16xi32>
        %gather3A_497 = tpu.vector_load_idx %arg9[%broadcast_in_dim3A_496, %min3A_445] : memref<32x1024xf32, #tpu.memory_space<vmem>>[vector<16xi32>, vector<16xi32>], vector<16xf32>,
        tpu.vector_store_idx %arg11[%select_n3A_468, %broadcast_in_dim3A_496], %gather3A_497 : memref<129x128xf32, #tpu.memory_space<vmem>>[vector<16xi32>, vector<16xi32>], vector<16xf32>,
        %broadcast_in_dim3A_498 = arith.constant 10 : i32
        %broadcast_in_dim3A_499 = vector.broadcast %broadcast_in_dim3A_498 : i32 to vector<16xi32>
        %gather3A_500 = tpu.vector_load_idx %arg9[%broadcast_in_dim3A_499, %min3A_445] : memref<32x1024xf32, #tpu.memory_space<vmem>>[vector<16xi32>, vector<16xi32>], vector<16xf32>,
        tpu.vector_store_idx %arg11[%select_n3A_468, %broadcast_in_dim3A_499], %gather3A_500 : memref<129x128xf32, #tpu.memory_space<vmem>>[vector<16xi32>, vector<16xi32>], vector<16xf32>,
        %broadcast_in_dim3A_501 = arith.constant 11 : i32
        %broadcast_in_dim3A_502 = vector.broadcast %broadcast_in_dim3A_501 : i32 to vector<16xi32>
        %gather3A_503 = tpu.vector_load_idx %arg9[%broadcast_in_dim3A_502, %min3A_445] : memref<32x1024xf32, #tpu.memory_space<vmem>>[vector<16xi32>, vector<16xi32>], vector<16xf32>,
        tpu.vector_store_idx %arg11[%select_n3A_468, %broadcast_in_dim3A_502], %gather3A_503 : memref<129x128xf32, #tpu.memory_space<vmem>>[vector<16xi32>, vector<16xi32>], vector<16xf32>,
        %broadcast_in_dim3A_504 = arith.constant 12 : i32
        %broadcast_in_dim3A_505 = vector.broadcast %broadcast_in_dim3A_504 : i32 to vector<16xi32>
        %gather3A_506 = tpu.vector_load_idx %arg9[%broadcast_in_dim3A_505, %min3A_445] : memref<32x1024xf32, #tpu.memory_space<vmem>>[vector<16xi32>, vector<16xi32>], vector<16xf32>,
        tpu.vector_store_idx %arg11[%select_n3A_468, %broadcast_in_dim3A_505], %gather3A_506 : memref<129x128xf32, #tpu.memory_space<vmem>>[vector<16xi32>, vector<16xi32>], vector<16xf32>,
        %broadcast_in_dim3A_507 = arith.constant 13 : i32
        %broadcast_in_dim3A_508 = vector.broadcast %broadcast_in_dim3A_507 : i32 to vector<16xi32>
        %gather3A_509 = tpu.vector_load_idx %arg9[%broadcast_in_dim3A_508, %min3A_445] : memref<32x1024xf32, #tpu.memory_space<vmem>>[vector<16xi32>, vector<16xi32>], vector<16xf32>,
        tpu.vector_store_idx %arg11[%select_n3A_468, %broadcast_in_dim3A_508], %gather3A_509 : memref<129x128xf32, #tpu.memory_space<vmem>>[vector<16xi32>, vector<16xi32>], vector<16xf32>,
        %broadcast_in_dim3A_510 = arith.constant 14 : i32
        %broadcast_in_dim3A_511 = vector.broadcast %broadcast_in_dim3A_510 : i32 to vector<16xi32>
        %gather3A_512 = tpu.vector_load_idx %arg9[%broadcast_in_dim3A_511, %min3A_445] : memref<32x1024xf32, #tpu.memory_space<vmem>>[vector<16xi32>, vector<16xi32>], vector<16xf32>,
        tpu.vector_store_idx %arg11[%select_n3A_468, %broadcast_in_dim3A_511], %gather3A_512 : memref<129x128xf32, #tpu.memory_space<vmem>>[vector<16xi32>, vector<16xi32>], vector<16xf32>,
        %broadcast_in_dim3A_513 = arith.constant 15 : i32
        %broadcast_in_dim3A_514 = vector.broadcast %broadcast_in_dim3A_513 : i32 to vector<16xi32>
        %gather3A_515 = tpu.vector_load_idx %arg9[%broadcast_in_dim3A_514, %min3A_445] : memref<32x1024xf32, #tpu.memory_space<vmem>>[vector<16xi32>, vector<16xi32>], vector<16xf32>,
        tpu.vector_store_idx %arg11[%select_n3A_468, %broadcast_in_dim3A_514], %gather3A_515 : memref<129x128xf32, #tpu.memory_space<vmem>>[vector<16xi32>, vector<16xi32>], vector<16xf32>,
        %broadcast_in_dim3A_516 = arith.constant 16 : i32
        %broadcast_in_dim3A_517 = vector.broadcast %broadcast_in_dim3A_516 : i32 to vector<16xi32>
        %gather3A_518 = tpu.vector_load_idx %arg9[%broadcast_in_dim3A_517, %min3A_445] : memref<32x1024xf32, #tpu.memory_space<vmem>>[vector<16xi32>, vector<16xi32>], vector<16xf32>,
        tpu.vector_store_idx %arg11[%select_n3A_468, %broadcast_in_dim3A_517], %gather3A_518 : memref<129x128xf32, #tpu.memory_space<vmem>>[vector<16xi32>, vector<16xi32>], vector<16xf32>,
        %broadcast_in_dim3A_519 = arith.constant 17 : i32
        %broadcast_in_dim3A_520 = vector.broadcast %broadcast_in_dim3A_519 : i32 to vector<16xi32>
        %gather3A_521 = tpu.vector_load_idx %arg9[%broadcast_in_dim3A_520, %min3A_445] : memref<32x1024xf32, #tpu.memory_space<vmem>>[vector<16xi32>, vector<16xi32>], vector<16xf32>,
        tpu.vector_store_idx %arg11[%select_n3A_468, %broadcast_in_dim3A_520], %gather3A_521 : memref<129x128xf32, #tpu.memory_space<vmem>>[vector<16xi32>, vector<16xi32>], vector<16xf32>,
        %broadcast_in_dim3A_522 = arith.constant 18 : i32
        %broadcast_in_dim3A_523 = vector.broadcast %broadcast_in_dim3A_522 : i32 to vector<16xi32>
        %gather3A_524 = tpu.vector_load_idx %arg9[%broadcast_in_dim3A_523, %min3A_445] : memref<32x1024xf32, #tpu.memory_space<vmem>>[vector<16xi32>, vector<16xi32>], vector<16xf32>,
        tpu.vector_store_idx %arg11[%select_n3A_468, %broadcast_in_dim3A_523], %gather3A_524 : memref<129x128xf32, #tpu.memory_space<vmem>>[vector<16xi32>, vector<16xi32>], vector<16xf32>,
        %broadcast_in_dim3A_525 = arith.constant 19 : i32
        %broadcast_in_dim3A_526 = vector.broadcast %broadcast_in_dim3A_525 : i32 to vector<16xi32>
        %gather3A_527 = tpu.vector_load_idx %arg9[%broadcast_in_dim3A_526, %min3A_445] : memref<32x1024xf32, #tpu.memory_space<vmem>>[vector<16xi32>, vector<16xi32>], vector<16xf32>,
        tpu.vector_store_idx %arg11[%select_n3A_468, %broadcast_in_dim3A_526], %gather3A_527 : memref<129x128xf32, #tpu.memory_space<vmem>>[vector<16xi32>, vector<16xi32>], vector<16xf32>,
        %broadcast_in_dim3A_528 = arith.constant 20 : i32
        %broadcast_in_dim3A_529 = vector.broadcast %broadcast_in_dim3A_528 : i32 to vector<16xi32>
        %gather3A_530 = tpu.vector_load_idx %arg9[%broadcast_in_dim3A_529, %min3A_445] : memref<32x1024xf32, #tpu.memory_space<vmem>>[vector<16xi32>, vector<16xi32>], vector<16xf32>,
        tpu.vector_store_idx %arg11[%select_n3A_468, %broadcast_in_dim3A_529], %gather3A_530 : memref<129x128xf32, #tpu.memory_space<vmem>>[vector<16xi32>, vector<16xi32>], vector<16xf32>,
        %broadcast_in_dim3A_531 = arith.constant 21 : i32
        %broadcast_in_dim3A_532 = vector.broadcast %broadcast_in_dim3A_531 : i32 to vector<16xi32>
        %gather3A_533 = tpu.vector_load_idx %arg9[%broadcast_in_dim3A_532, %min3A_445] : memref<32x1024xf32, #tpu.memory_space<vmem>>[vector<16xi32>, vector<16xi32>], vector<16xf32>,
        tpu.vector_store_idx %arg11[%select_n3A_468, %broadcast_in_dim3A_532], %gather3A_533 : memref<129x128xf32, #tpu.memory_space<vmem>>[vector<16xi32>, vector<16xi32>], vector<16xf32>,
        %broadcast_in_dim3A_534 = arith.constant 22 : i32
        %broadcast_in_dim3A_535 = vector.broadcast %broadcast_in_dim3A_534 : i32 to vector<16xi32>
        %gather3A_536 = tpu.vector_load_idx %arg9[%broadcast_in_dim3A_535, %min3A_445] : memref<32x1024xf32, #tpu.memory_space<vmem>>[vector<16xi32>, vector<16xi32>], vector<16xf32>,
        tpu.vector_store_idx %arg11[%select_n3A_468, %broadcast_in_dim3A_535], %gather3A_536 : memref<129x128xf32, #tpu.memory_space<vmem>>[vector<16xi32>, vector<16xi32>], vector<16xf32>,
        %broadcast_in_dim3A_537 = arith.constant 23 : i32
        %broadcast_in_dim3A_538 = vector.broadcast %broadcast_in_dim3A_537 : i32 to vector<16xi32>
        %gather3A_539 = tpu.vector_load_idx %arg9[%broadcast_in_dim3A_538, %min3A_445] : memref<32x1024xf32, #tpu.memory_space<vmem>>[vector<16xi32>, vector<16xi32>], vector<16xf32>,
        tpu.vector_store_idx %arg11[%select_n3A_468, %broadcast_in_dim3A_538], %gather3A_539 : memref<129x128xf32, #tpu.memory_space<vmem>>[vector<16xi32>, vector<16xi32>], vector<16xf32>,
        %broadcast_in_dim3A_540 = arith.constant 24 : i32
        %broadcast_in_dim3A_541 = vector.broadcast %broadcast_in_dim3A_540 : i32 to vector<16xi32>
        %gather3A_542 = tpu.vector_load_idx %arg9[%broadcast_in_dim3A_541, %min3A_445] : memref<32x1024xf32, #tpu.memory_space<vmem>>[vector<16xi32>, vector<16xi32>], vector<16xf32>,
        tpu.vector_store_idx %arg11[%select_n3A_468, %broadcast_in_dim3A_541], %gather3A_542 : memref<129x128xf32, #tpu.memory_space<vmem>>[vector<16xi32>, vector<16xi32>], vector<16xf32>,
        %broadcast_in_dim3A_543 = arith.constant 25 : i32
        %broadcast_in_dim3A_544 = vector.broadcast %broadcast_in_dim3A_543 : i32 to vector<16xi32>
        %gather3A_545 = tpu.vector_load_idx %arg9[%broadcast_in_dim3A_544, %min3A_445] : memref<32x1024xf32, #tpu.memory_space<vmem>>[vector<16xi32>, vector<16xi32>], vector<16xf32>,
        tpu.vector_store_idx %arg11[%select_n3A_468, %broadcast_in_dim3A_544], %gather3A_545 : memref<129x128xf32, #tpu.memory_space<vmem>>[vector<16xi32>, vector<16xi32>], vector<16xf32>,
        %broadcast_in_dim3A_546 = arith.constant 26 : i32
        %broadcast_in_dim3A_547 = vector.broadcast %broadcast_in_dim3A_546 : i32 to vector<16xi32>
        %gather3A_548 = tpu.vector_load_idx %arg9[%broadcast_in_dim3A_547, %min3A_445] : memref<32x1024xf32, #tpu.memory_space<vmem>>[vector<16xi32>, vector<16xi32>], vector<16xf32>,
        tpu.vector_store_idx %arg11[%select_n3A_468, %broadcast_in_dim3A_547], %gather3A_548 : memref<129x128xf32, #tpu.memory_space<vmem>>[vector<16xi32>, vector<16xi32>], vector<16xf32>,
        %broadcast_in_dim3A_549 = arith.constant 27 : i32
        %broadcast_in_dim3A_550 = vector.broadcast %broadcast_in_dim3A_549 : i32 to vector<16xi32>
        %gather3A_551 = tpu.vector_load_idx %arg9[%broadcast_in_dim3A_550, %min3A_445] : memref<32x1024xf32, #tpu.memory_space<vmem>>[vector<16xi32>, vector<16xi32>], vector<16xf32>,
        tpu.vector_store_idx %arg11[%select_n3A_468, %broadcast_in_dim3A_550], %gather3A_551 : memref<129x128xf32, #tpu.memory_space<vmem>>[vector<16xi32>, vector<16xi32>], vector<16xf32>,
        %broadcast_in_dim3A_552 = arith.constant 28 : i32
        %broadcast_in_dim3A_553 = vector.broadcast %broadcast_in_dim3A_552 : i32 to vector<16xi32>
        %gather3A_554 = tpu.vector_load_idx %arg9[%broadcast_in_dim3A_553, %min3A_445] : memref<32x1024xf32, #tpu.memory_space<vmem>>[vector<16xi32>, vector<16xi32>], vector<16xf32>,
        tpu.vector_store_idx %arg11[%select_n3A_468, %broadcast_in_dim3A_553], %gather3A_554 : memref<129x128xf32, #tpu.memory_space<vmem>>[vector<16xi32>, vector<16xi32>], vector<16xf32>,
        %broadcast_in_dim3A_555 = arith.constant 29 : i32
        %broadcast_in_dim3A_556 = vector.broadcast %broadcast_in_dim3A_555 : i32 to vector<16xi32>
        %gather3A_557 = tpu.vector_load_idx %arg9[%broadcast_in_dim3A_556, %min3A_445] : memref<32x1024xf32, #tpu.memory_space<vmem>>[vector<16xi32>, vector<16xi32>], vector<16xf32>,
        tpu.vector_store_idx %arg11[%select_n3A_468, %broadcast_in_dim3A_556], %gather3A_557 : memref<129x128xf32, #tpu.memory_space<vmem>>[vector<16xi32>, vector<16xi32>], vector<16xf32>,
        %broadcast_in_dim3A_558 = arith.constant 30 : i32
        %broadcast_in_dim3A_559 = vector.broadcast %broadcast_in_dim3A_558 : i32 to vector<16xi32>
        %gather3A_560 = tpu.vector_load_idx %arg9[%broadcast_in_dim3A_559, %min3A_445] : memref<32x1024xf32, #tpu.memory_space<vmem>>[vector<16xi32>, vector<16xi32>], vector<16xf32>,
        tpu.vector_store_idx %arg11[%select_n3A_468, %broadcast_in_dim3A_559], %gather3A_560 : memref<129x128xf32, #tpu.memory_space<vmem>>[vector<16xi32>, vector<16xi32>], vector<16xf32>,
        %broadcast_in_dim3A_561 = arith.constant 31 : i32
        %broadcast_in_dim3A_562 = vector.broadcast %broadcast_in_dim3A_561 : i32 to vector<16xi32>
        %gather3A_563 = tpu.vector_load_idx %arg9[%broadcast_in_dim3A_562, %min3A_445] : memref<32x1024xf32, #tpu.memory_space<vmem>>[vector<16xi32>, vector<16xi32>], vector<16xf32>,
        tpu.vector_store_idx %arg11[%select_n3A_468, %broadcast_in_dim3A_562], %gather3A_563 : memref<129x128xf32, #tpu.memory_space<vmem>>[vector<16xi32>, vector<16xi32>], vector<16xf32>,
        tpu.vector_store_idx %arg12[%select_n3A_468], %and3A_448 : memref<144xi32, #tpu.memory_space<vmem>>[vector<16xi32>], vector<16xi32>,
        %reduce_sum3A_564 = arith.constant true
        %reduce_sum3A_565 = vector.broadcast %reduce_sum3A_564 : i1 to vector<16xi1>
        %reduce_sum3A_566 = tpu.scan <sum>, %select_n3A_458 masked %reduce_sum3A_565 : vector<16xi32>, vector<16xi1> -> vector<16xi32>
        %reduce_sum3A_567 = vector.extract %reduce_sum3A_566[15] : i32 from vector<16xi32>
        %add3A_568 = arith.addi %while3A_433, %reduce_sum3A_567 : i32
        %ge3A = arith.constant 112 : i32
        %ge3A_569 = arith.cmpi sge, %add3A_568, %ge3A : i32
        %convert_element_type3A_570 = arith.extui %ge3A_569 : i1 to i32
        %cond3A_571 = arith.constant 0 : i32
        %cond3A_572 = arith.cmpi ne, %convert_element_type3A_570, %cond3A_571 : i32
        scf.if %cond3A_572 {
          %dma_start3A_577 = arith.constant 0 : i32
          %dma_start3A_578 = arith.constant 0 : i32
          %dma_start3A_579 = tpu.memref_slice %arg11[%dma_start3A_577, %dma_start3A_578] : memref<129x128xf32, #tpu.memory_space<vmem>> -> memref<128x128xf32, #tpu.memory_space<vmem>>
          %dma_start3A_580 = arith.constant 0 : i32
          %dma_start3A_581 = tpu.memref_slice %arg12[%dma_start3A_580] : memref<144xi32, #tpu.memory_space<vmem>> -> memref<128xi32, #tpu.memory_space<vmem>>
          %dma_start3A_582 = arith.constant 0 : i32
          %dma_start3A_583 = arith.constant 0 : i32
          %dma_start3A_584 = tpu.memref_slice %arg5[%dma_start3A_582, %dma_start3A_583] : memref<16416x128xf32, #tpu.memory_space<hbm>> -> memref<16416x128xf32, #tpu.memory_space<hbm>>
          tpu.enqueue_indirect_dma source(%dma_start3A_579 : memref<128x128xf32, #tpu.memory_space<vmem>>) target(%dma_start3A_584 : memref<16416x128xf32, #tpu.memory_space<hbm>>) offsets(%dma_start3A_581 : memref<128xi32, #tpu.memory_space<vmem>>) semaphore(%arg15 : memref<!tpu.dma_semaphore, #tpu.memory_space<semaphore_mem>>)
          %dma_wait3A_585 = arith.constant 0 : i32
          %dma_wait3A_586 = arith.constant 0 : i32
          %dma_wait3A_587 = tpu.memref_slice %arg11[%dma_wait3A_585, %dma_wait3A_586] : memref<129x128xf32, #tpu.memory_space<vmem>> -> memref<128x128xf32, #tpu.memory_space<vmem>>
          %dma_wait3A_588 = arith.constant 0 : i32
          %dma_wait3A_589 = tpu.memref_slice %arg12[%dma_wait3A_588] : memref<144xi32, #tpu.memory_space<vmem>> -> memref<128xi32, #tpu.memory_space<vmem>>
          %dma_wait3A_590 = arith.constant 0 : i32
          %dma_wait3A_591 = arith.constant 0 : i32
          %dma_wait3A_592 = tpu.memref_slice %arg5[%dma_wait3A_590, %dma_wait3A_591] : memref<16416x128xf32, #tpu.memory_space<hbm>> -> memref<16416x128xf32, #tpu.memory_space<hbm>>
          tpu.wait_indirect_dma semaphore(%arg15 : memref<!tpu.dma_semaphore, #tpu.memory_space<semaphore_mem>>) src(%dma_wait3A_587 : memref<128x128xf32, #tpu.memory_space<vmem>>) dst(%dma_wait3A_592 : memref<16416x128xf32, #tpu.memory_space<hbm>>)
          %broadcast_in_dim3A_593 = vector.broadcast %add3A_7 : i32 to vector<16xi32>
          %swap3A_594 = arith.constant 0 : index
          %swap3A_595 = tpu.vector_load %arg12[%swap3A_594] {strides = array<i32>} : memref<144xi32, #tpu.memory_space<vmem>>, vector<16xi32>,
          tpu.vector_store %arg12[%swap3A_594], %broadcast_in_dim3A_593 {strides = array<i32>} : memref<144xi32, #tpu.memory_space<vmem>>, vector<16xi32>,
          %broadcast_in_dim3A_596 = vector.broadcast %add3A_7 : i32 to vector<16xi32>
          %swap3A_597 = arith.constant 16 : index
          %swap3A_598 = tpu.vector_load %arg12[%swap3A_597] {strides = array<i32>} : memref<144xi32, #tpu.memory_space<vmem>>, vector<16xi32>,
          tpu.vector_store %arg12[%swap3A_597], %broadcast_in_dim3A_596 {strides = array<i32>} : memref<144xi32, #tpu.memory_space<vmem>>, vector<16xi32>,
          %broadcast_in_dim3A_599 = vector.broadcast %add3A_7 : i32 to vector<16xi32>
          %swap3A_600 = arith.constant 32 : index
          %swap3A_601 = tpu.vector_load %arg12[%swap3A_600] {strides = array<i32>} : memref<144xi32, #tpu.memory_space<vmem>>, vector<16xi32>,
          tpu.vector_store %arg12[%swap3A_600], %broadcast_in_dim3A_599 {strides = array<i32>} : memref<144xi32, #tpu.memory_space<vmem>>, vector<16xi32>,
          %broadcast_in_dim3A_602 = vector.broadcast %add3A_7 : i32 to vector<16xi32>
          %swap3A_603 = arith.constant 48 : index
          %swap3A_604 = tpu.vector_load %arg12[%swap3A_603] {strides = array<i32>} : memref<144xi32, #tpu.memory_space<vmem>>, vector<16xi32>,
          tpu.vector_store %arg12[%swap3A_603], %broadcast_in_dim3A_602 {strides = array<i32>} : memref<144xi32, #tpu.memory_space<vmem>>, vector<16xi32>,
          %broadcast_in_dim3A_605 = vector.broadcast %add3A_7 : i32 to vector<16xi32>
          %swap3A_606 = arith.constant 64 : index
          %swap3A_607 = tpu.vector_load %arg12[%swap3A_606] {strides = array<i32>} : memref<144xi32, #tpu.memory_space<vmem>>, vector<16xi32>,
          tpu.vector_store %arg12[%swap3A_606], %broadcast_in_dim3A_605 {strides = array<i32>} : memref<144xi32, #tpu.memory_space<vmem>>, vector<16xi32>,
          %broadcast_in_dim3A_608 = vector.broadcast %add3A_7 : i32 to vector<16xi32>
          %swap3A_609 = arith.constant 80 : index
          %swap3A_610 = tpu.vector_load %arg12[%swap3A_609] {strides = array<i32>} : memref<144xi32, #tpu.memory_space<vmem>>, vector<16xi32>,
          tpu.vector_store %arg12[%swap3A_609], %broadcast_in_dim3A_608 {strides = array<i32>} : memref<144xi32, #tpu.memory_space<vmem>>, vector<16xi32>,
          %broadcast_in_dim3A_611 = vector.broadcast %add3A_7 : i32 to vector<16xi32>
          %swap3A_612 = arith.constant 96 : index
          %swap3A_613 = tpu.vector_load %arg12[%swap3A_612] {strides = array<i32>} : memref<144xi32, #tpu.memory_space<vmem>>, vector<16xi32>,
          tpu.vector_store %arg12[%swap3A_612], %broadcast_in_dim3A_611 {strides = array<i32>} : memref<144xi32, #tpu.memory_space<vmem>>, vector<16xi32>,
          %broadcast_in_dim3A_614 = vector.broadcast %add3A_7 : i32 to vector<16xi32>
          %swap3A_615 = arith.constant 112 : index
          %swap3A_616 = tpu.vector_load %arg12[%swap3A_615] {strides = array<i32>} : memref<144xi32, #tpu.memory_space<vmem>>, vector<16xi32>,
          tpu.vector_store %arg12[%swap3A_615], %broadcast_in_dim3A_614 {strides = array<i32>} : memref<144xi32, #tpu.memory_space<vmem>>, vector<16xi32>,
        } else {
        }
        %ge3A_573 = arith.constant 112 : i32
        %ge3A_574 = arith.cmpi sge, %add3A_568, %ge3A_573 : i32
        %jit3A_575 = arith.constant 0 : i32
        %select_n3A_576 = arith.select %ge3A_574, %jit3A_575, %add3A_568 : i32
        scf.yield %select_n3A_576 : i32
      }
      %dma_start3A_392 = arith.constant 0 : i32
      %dma_start3A_393 = arith.constant 0 : i32
      %dma_start3A_394 = tpu.memref_slice %arg11[%dma_start3A_392, %dma_start3A_393] : memref<129x128xf32, #tpu.memory_space<vmem>> -> memref<128x128xf32, #tpu.memory_space<vmem>>
      %dma_start3A_395 = arith.constant 0 : i32
      %dma_start3A_396 = tpu.memref_slice %arg12[%dma_start3A_395] : memref<144xi32, #tpu.memory_space<vmem>> -> memref<128xi32, #tpu.memory_space<vmem>>
      %dma_start3A_397 = arith.constant 0 : i32
      %dma_start3A_398 = arith.constant 0 : i32
      %dma_start3A_399 = tpu.memref_slice %arg5[%dma_start3A_397, %dma_start3A_398] : memref<16416x128xf32, #tpu.memory_space<hbm>> -> memref<16416x128xf32, #tpu.memory_space<hbm>>
      tpu.enqueue_indirect_dma source(%dma_start3A_394 : memref<128x128xf32, #tpu.memory_space<vmem>>) target(%dma_start3A_399 : memref<16416x128xf32, #tpu.memory_space<hbm>>) offsets(%dma_start3A_396 : memref<128xi32, #tpu.memory_space<vmem>>) semaphore(%arg15 : memref<!tpu.dma_semaphore, #tpu.memory_space<semaphore_mem>>)
      %dma_wait3A_400 = arith.constant 0 : i32
      %dma_wait3A_401 = arith.constant 0 : i32
      %dma_wait3A_402 = tpu.memref_slice %arg11[%dma_wait3A_400, %dma_wait3A_401] : memref<129x128xf32, #tpu.memory_space<vmem>> -> memref<128x128xf32, #tpu.memory_space<vmem>>
      %dma_wait3A_403 = arith.constant 0 : i32
      %dma_wait3A_404 = tpu.memref_slice %arg12[%dma_wait3A_403] : memref<144xi32, #tpu.memory_space<vmem>> -> memref<128xi32, #tpu.memory_space<vmem>>
      %dma_wait3A_405 = arith.constant 0 : i32
      %dma_wait3A_406 = arith.constant 0 : i32
      %dma_wait3A_407 = tpu.memref_slice %arg5[%dma_wait3A_405, %dma_wait3A_406] : memref<16416x128xf32, #tpu.memory_space<hbm>> -> memref<16416x128xf32, #tpu.memory_space<hbm>>
      tpu.wait_indirect_dma semaphore(%arg15 : memref<!tpu.dma_semaphore, #tpu.memory_space<semaphore_mem>>) src(%dma_wait3A_402 : memref<128x128xf32, #tpu.memory_space<vmem>>) dst(%dma_wait3A_407 : memref<16416x128xf32, #tpu.memory_space<hbm>>)
      %broadcast_in_dim3A_408 = vector.broadcast %add3A_7 : i32 to vector<16xi32>
      %swap3A_409 = arith.constant 0 : index
      %swap3A_410 = tpu.vector_load %arg12[%swap3A_409] {strides = array<i32>} : memref<144xi32, #tpu.memory_space<vmem>>, vector<16xi32>,
      tpu.vector_store %arg12[%swap3A_409], %broadcast_in_dim3A_408 {strides = array<i32>} : memref<144xi32, #tpu.memory_space<vmem>>, vector<16xi32>,
      %broadcast_in_dim3A_411 = vector.broadcast %add3A_7 : i32 to vector<16xi32>
      %swap3A_412 = arith.constant 16 : index
      %swap3A_413 = tpu.vector_load %arg12[%swap3A_412] {strides = array<i32>} : memref<144xi32, #tpu.memory_space<vmem>>, vector<16xi32>,
      tpu.vector_store %arg12[%swap3A_412], %broadcast_in_dim3A_411 {strides = array<i32>} : memref<144xi32, #tpu.memory_space<vmem>>, vector<16xi32>,
      %broadcast_in_dim3A_414 = vector.broadcast %add3A_7 : i32 to vector<16xi32>
      %swap3A_415 = arith.constant 32 : index
      %swap3A_416 = tpu.vector_load %arg12[%swap3A_415] {strides = array<i32>} : memref<144xi32, #tpu.memory_space<vmem>>, vector<16xi32>,
      tpu.vector_store %arg12[%swap3A_415], %broadcast_in_dim3A_414 {strides = array<i32>} : memref<144xi32, #tpu.memory_space<vmem>>, vector<16xi32>,
      %broadcast_in_dim3A_417 = vector.broadcast %add3A_7 : i32 to vector<16xi32>
      %swap3A_418 = arith.constant 48 : index
      %swap3A_419 = tpu.vector_load %arg12[%swap3A_418] {strides = array<i32>} : memref<144xi32, #tpu.memory_space<vmem>>, vector<16xi32>,
      tpu.vector_store %arg12[%swap3A_418], %broadcast_in_dim3A_417 {strides = array<i32>} : memref<144xi32, #tpu.memory_space<vmem>>, vector<16xi32>,
      %broadcast_in_dim3A_420 = vector.broadcast %add3A_7 : i32 to vector<16xi32>
      %swap3A_421 = arith.constant 64 : index
      %swap3A_422 = tpu.vector_load %arg12[%swap3A_421] {strides = array<i32>} : memref<144xi32, #tpu.memory_space<vmem>>, vector<16xi32>,
      tpu.vector_store %arg12[%swap3A_421], %broadcast_in_dim3A_420 {strides = array<i32>} : memref<144xi32, #tpu.memory_space<vmem>>, vector<16xi32>,
      %broadcast_in_dim3A_423 = vector.broadcast %add3A_7 : i32 to vector<16xi32>
      %swap3A_424 = arith.constant 80 : index
      %swap3A_425 = tpu.vector_load %arg12[%swap3A_424] {strides = array<i32>} : memref<144xi32, #tpu.memory_space<vmem>>, vector<16xi32>,
      tpu.vector_store %arg12[%swap3A_424], %broadcast_in_dim3A_423 {strides = array<i32>} : memref<144xi32, #tpu.memory_space<vmem>>, vector<16xi32>,
      %broadcast_in_dim3A_426 = vector.broadcast %add3A_7 : i32 to vector<16xi32>
      %swap3A_427 = arith.constant 96 : index
      %swap3A_428 = tpu.vector_load %arg12[%swap3A_427] {strides = array<i32>} : memref<144xi32, #tpu.memory_space<vmem>>, vector<16xi32>,
      tpu.vector_store %arg12[%swap3A_427], %broadcast_in_dim3A_426 {strides = array<i32>} : memref<144xi32, #tpu.memory_space<vmem>>, vector<16xi32>,
      %broadcast_in_dim3A_429 = vector.broadcast %add3A_7 : i32 to vector<16xi32>
      %swap3A_430 = arith.constant 112 : index
      %swap3A_431 = tpu.vector_load %arg12[%swap3A_430] {strides = array<i32>} : memref<144xi32, #tpu.memory_space<vmem>>, vector<16xi32>,
      tpu.vector_store %arg12[%swap3A_430], %broadcast_in_dim3A_429 {strides = array<i32>} : memref<144xi32, #tpu.memory_space<vmem>>, vector<16xi32>,
    } else {
    }
    %ne3A_199 = arith.constant 31 : i32
    %ne3A_200 = arith.cmpi ne, %add3A, %ne3A_199 : i32
    %convert_element_type3A_201 = arith.extui %ne3A_200 : i1 to i32
    %cond3A_202 = arith.constant 0 : i32
    %cond3A_203 = arith.cmpi ne, %convert_element_type3A_201, %cond3A_202 : i32
    scf.if %cond3A_203 {
      %dma_start3A_204 = arith.constant 0 : i32
      %dma_start3A_205 = arith.constant 0 : i32
      %dma_start3A_206 = tpu.memref_slice %arg11[%dma_start3A_204, %dma_start3A_205] : memref<129x128xf32, #tpu.memory_space<vmem>> -> memref<128x128xf32, #tpu.memory_space<vmem>>
      %dma_start3A_207 = arith.constant 0 : i32
      %dma_start3A_208 = tpu.memref_slice %arg12[%dma_start3A_207] : memref<144xi32, #tpu.memory_space<vmem>> -> memref<128xi32, #tpu.memory_space<vmem>>
      %dma_start3A_209 = arith.constant 0 : i32
      %dma_start3A_210 = arith.constant 0 : i32
      %dma_start3A_211 = tpu.memref_slice %arg5[%dma_start3A_209, %dma_start3A_210] : memref<16416x128xf32, #tpu.memory_space<hbm>> -> memref<16416x128xf32, #tpu.memory_space<hbm>>
      tpu.enqueue_indirect_dma source(%dma_start3A_206 : memref<128x128xf32, #tpu.memory_space<vmem>>) target(%dma_start3A_211 : memref<16416x128xf32, #tpu.memory_space<hbm>>) offsets(%dma_start3A_208 : memref<128xi32, #tpu.memory_space<vmem>>) semaphore(%arg15 : memref<!tpu.dma_semaphore, #tpu.memory_space<semaphore_mem>>)
      %dma_wait3A_212 = arith.constant 0 : i32
      %dma_wait3A_213 = arith.constant 0 : i32
      %dma_wait3A_214 = tpu.memref_slice %arg11[%dma_wait3A_212, %dma_wait3A_213] : memref<129x128xf32, #tpu.memory_space<vmem>> -> memref<128x128xf32, #tpu.memory_space<vmem>>
      %dma_wait3A_215 = arith.constant 0 : i32
      %dma_wait3A_216 = tpu.memref_slice %arg12[%dma_wait3A_215] : memref<144xi32, #tpu.memory_space<vmem>> -> memref<128xi32, #tpu.memory_space<vmem>>
      %dma_wait3A_217 = arith.constant 0 : i32
      %dma_wait3A_218 = arith.constant 0 : i32
      %dma_wait3A_219 = tpu.memref_slice %arg5[%dma_wait3A_217, %dma_wait3A_218] : memref<16416x128xf32, #tpu.memory_space<hbm>> -> memref<16416x128xf32, #tpu.memory_space<hbm>>
      tpu.wait_indirect_dma semaphore(%arg15 : memref<!tpu.dma_semaphore, #tpu.memory_space<semaphore_mem>>) src(%dma_wait3A_214 : memref<128x128xf32, #tpu.memory_space<vmem>>) dst(%dma_wait3A_219 : memref<16416x128xf32, #tpu.memory_space<hbm>>)
      %broadcast_in_dim3A_220 = vector.broadcast %add3A_7 : i32 to vector<16xi32>
      %swap3A_221 = arith.constant 0 : index
      %swap3A_222 = tpu.vector_load %arg12[%swap3A_221] {strides = array<i32>} : memref<144xi32, #tpu.memory_space<vmem>>, vector<16xi32>,
      tpu.vector_store %arg12[%swap3A_221], %broadcast_in_dim3A_220 {strides = array<i32>} : memref<144xi32, #tpu.memory_space<vmem>>, vector<16xi32>,
      %broadcast_in_dim3A_223 = vector.broadcast %add3A_7 : i32 to vector<16xi32>
      %swap3A_224 = arith.constant 16 : index
      %swap3A_225 = tpu.vector_load %arg12[%swap3A_224] {strides = array<i32>} : memref<144xi32, #tpu.memory_space<vmem>>, vector<16xi32>,
      tpu.vector_store %arg12[%swap3A_224], %broadcast_in_dim3A_223 {strides = array<i32>} : memref<144xi32, #tpu.memory_space<vmem>>, vector<16xi32>,
      %broadcast_in_dim3A_226 = vector.broadcast %add3A_7 : i32 to vector<16xi32>
      %swap3A_227 = arith.constant 32 : index
      %swap3A_228 = tpu.vector_load %arg12[%swap3A_227] {strides = array<i32>} : memref<144xi32, #tpu.memory_space<vmem>>, vector<16xi32>,
      tpu.vector_store %arg12[%swap3A_227], %broadcast_in_dim3A_226 {strides = array<i32>} : memref<144xi32, #tpu.memory_space<vmem>>, vector<16xi32>,
      %broadcast_in_dim3A_229 = vector.broadcast %add3A_7 : i32 to vector<16xi32>
      %swap3A_230 = arith.constant 48 : index
      %swap3A_231 = tpu.vector_load %arg12[%swap3A_230] {strides = array<i32>} : memref<144xi32, #tpu.memory_space<vmem>>, vector<16xi32>,
      tpu.vector_store %arg12[%swap3A_230], %broadcast_in_dim3A_229 {strides = array<i32>} : memref<144xi32, #tpu.memory_space<vmem>>, vector<16xi32>,
      %broadcast_in_dim3A_232 = vector.broadcast %add3A_7 : i32 to vector<16xi32>
      %swap3A_233 = arith.constant 64 : index
      %swap3A_234 = tpu.vector_load %arg12[%swap3A_233] {strides = array<i32>} : memref<144xi32, #tpu.memory_space<vmem>>, vector<16xi32>,
      tpu.vector_store %arg12[%swap3A_233], %broadcast_in_dim3A_232 {strides = array<i32>} : memref<144xi32, #tpu.memory_space<vmem>>, vector<16xi32>,
      %broadcast_in_dim3A_235 = vector.broadcast %add3A_7 : i32 to vector<16xi32>
      %swap3A_236 = arith.constant 80 : index
      %swap3A_237 = tpu.vector_load %arg12[%swap3A_236] {strides = array<i32>} : memref<144xi32, #tpu.memory_space<vmem>>, vector<16xi32>,
      tpu.vector_store %arg12[%swap3A_236], %broadcast_in_dim3A_235 {strides = array<i32>} : memref<144xi32, #tpu.memory_space<vmem>>, vector<16xi32>,
      %broadcast_in_dim3A_238 = vector.broadcast %add3A_7 : i32 to vector<16xi32>
      %swap3A_239 = arith.constant 96 : index
      %swap3A_240 = tpu.vector_load %arg12[%swap3A_239] {strides = array<i32>} : memref<144xi32, #tpu.memory_space<vmem>>, vector<16xi32>,
      tpu.vector_store %arg12[%swap3A_239], %broadcast_in_dim3A_238 {strides = array<i32>} : memref<144xi32, #tpu.memory_space<vmem>>, vector<16xi32>,
      %broadcast_in_dim3A_241 = vector.broadcast %add3A_7 : i32 to vector<16xi32>
      %swap3A_242 = arith.constant 112 : index
      %swap3A_243 = tpu.vector_load %arg12[%swap3A_242] {strides = array<i32>} : memref<144xi32, #tpu.memory_space<vmem>>, vector<16xi32>,
      tpu.vector_store %arg12[%swap3A_242], %broadcast_in_dim3A_241 {strides = array<i32>} : memref<144xi32, #tpu.memory_space<vmem>>, vector<16xi32>,
    } else {
    }
    return
  }
}

</mosaic_0001>

<sc_bundles>
// kernel: kernel.3.cloned.1.call-start
scs
__scs_entry_jumppad:
0x0: {  	(pc) =	sbr.rel $0x88, $3  }
0x1: {  	(tag) =	ssettag $0x0;
	lr =	simm.s32 $0x1  }
0x2: {  	[smem:$0x3F9F] =	sst lr;
	_ =	strace $0xD0000000  }
0x3: {  	_ = 	snop  }
0x4: {  	_ = 	snop  }
0x5: {  	_ = 	snop  }
0x6: {  	_ = 	snop  }
0x7: {  	_ = 	snop  }
__scs_overlays_trampoline_lowered:
0x8: {  	[smem:$0x3FAE] =	sst s0  }
0x9: {  	[smem:$0x3FAF] =	sst s1  }
0xa: {  	[smem:$0x3FB0] =	sst s2  }
0xb: {  	[smem:$0x3FB1] =	sst s3  }
0xc: {  	[smem:$0x3FB2] =	sst s4  }
0xd: {  	[smem:$0x3FB3] =	sst s5  }
0xe: {  	[smem:$0x3FB4] =	sst s6  }
0xf: {  	[smem:$0x3FB5] =	sst s7  }
0x10: {  	[smem:$0x3FB6] =	sst s8  }
0x11: {  	[smem:$0x3FB7] =	sst s9;
	s0 =	simm.s32 @!p0 $0x0  }
0x12: {  	s1 =	sld [smem:$0x3F9D];
	s0 =	simm.s32 @p0 $0x1  }
0x13: {  	[smem:$0x3FB8] =	sst s0;
	s0 =	simm.s32 @!p1 $0x0  }
0x14: {  	s2 =	sld [smem:$0x3F9C];
	s0 =	simm.s32 @p1 $0x1  }
0x15: {  	[smem:$0x3FB9] =	sst s0;
	s0 =	simm.s32 @!p2 $0x0  }
0x16: {  	s3 =	sld [smem:$0x3FDB];
	s0 =	simm.s32 @p2 $0x1  }
0x17: {  	s4 =	simm.s32 $0x1BF5;
	[smem:$0x3FBB] =	sst s0  }
0x18: {  	s0 =	sld [smem:$0x3F9E];
	_ =	swait.ge [sflag:s4], $0x0  }
0x19: {  	s7 =	sld [smem:$0x3F9F]  }
0x1a: {  	s8 =	sadd.s32 $0xFFFFE003, lr  }
0x1b: {  	s9 =	sadd.s32 $0xFFFFFEF7, lr;
	s5 =	simm.s32 $0xFFFFFFFF;
	p2 =	slt.u32 s8, $0xFFFFF086  }
0x1c: {  	p1 =	slt.u32 s9, $0xF7A;
	s5 =	simm.s32 @!p2 $0x0  }
0x1d: {  	s5 =	simm.s32 @p1 $0x1;
	p0 =	seq.s32 s7, s2  }
0x1e: {  	s7 =	smul.u32 @!p0 $0xF7A, s2;
	p2 =	seq.s32 @!p0 s5, $0x0  }
0x1f: {  	s9 =	smul.u32 $0xF7A, s1;
	s8 =	simm.s32 @!p0 $0x1BF5;
	p2 =	por !p2, p0  }
0x20: {  	[sflag:s8] =	ssyncset.s32 @!p0 $0xFFFFF086;
	s6 =	sadd.s32 @!p0 s3, s7;
	s7 =	simm.s32 @!p0 $0x108  }
0x21: {  	s3 =	sadd.s32 s3, s9;
	s6 =	sadd.s32 @!p0 $0x88, s6;
	s7 =	simm.s32 @p2 $0x1082  }
0x22: {  	[simem:s7], [sflag:s8] =	dma.local @!p0 [hbm:s6], $0xF7A  }
0x23: {  	s9 =	sor.u32 $0xD0000000, s2;
	s6 =	simm.s32 $0x108;
	_ =	swait.ge @!p0 [sflag:s8], $0x0  }
0x24: {  	s3 =	sadd.s32 $0x88, s3;
	s6 =	simm.s32 @!p1 $0x1082;
	[sflag:s4] =	ssyncset.s32 $0xFFFFF086  }
0x25: {  	[simem:s6], [sflag:s4] =	dma.local [hbm:s3], $0xF7A  }
0x26: {  	[smem:$0x3F9F] =	sst s1;
	(tag) =	ssettag s2;
	_ =	strace s9  }
0x27: {  	s1 =	sld [smem:$0x3FAF]  }
0x28: {  	s2 =	sld [smem:$0x3FB0]  }
0x29: {  	s4 =	sld [smem:$0x3FB2]  }
0x2a: {  	p0 =	seq.s32 s5, $0x0;
	s5 =	sld [smem:$0x3FB3]  }
0x2b: {  	s6 =	sld [smem:$0x3FB4]  }
0x2c: {  	s7 =	sld [smem:$0x3FB5]  }
0x2d: {  	s3 =	simm.s32 $0x108;
	s8 =	sld [smem:$0x3FB6]  }
0x2e: {  	s3 =	simm.s32 @!p0 $0x1082;
	s9 =	sld [smem:$0x3FB7]  }
0x2f: {  	lr =	sadd.s32 s0, s3;
	s0 =	sld [smem:$0x3FAE]  }
0x30: {  	s3 =	sld [smem:$0x3FB1]  }
0x31: {  	[smem:$0x3FBA] =	sst s10  }
0x32: {  	s10 =	sld [smem:$0x3FB8];
	_ =	sdelay $0x3  }
0x33: {  	p0 =	seq.s32 s10, $0x1;
	s10 =	sld [smem:$0x3FBA];
	_ =	sdelay $0x3  }
0x34: {  	[smem:$0x3FBA] =	sst s10  }
0x35: {  	s10 =	sld [smem:$0x3FB9];
	_ =	sdelay $0x3  }
0x36: {  	p1 =	seq.s32 s10, $0x1;
	s10 =	sld [smem:$0x3FBA];
	_ =	sdelay $0x3  }
0x37: {  	[smem:$0x3FBA] =	sst s10  }
0x38: {  	s10 =	sld [smem:$0x3FBB]  }
0x39: {  	_ = 	snop;
	(pc) =	sbr.ind lr, $3  }
0x3a: {  	_ = 	snop  }
0x3b: {  	_ = 	snop  }
0x3c: {  	p2 =	seq.s32 s10, $0x1;
	s10 =	sld [smem:$0x3FBA]  }
0x3d: {  	_ =	shalt  }
0x3e: {  	_ =	shalt  }
0x3f: {  	_ =	shalt  }
0x40: {  	_ =	shalt  }
0x41: {  	_ =	shalt  }
0x42: {  	_ =	shalt  }
0x43: {  	_ =	shalt  }
0x44: {  	_ =	shalt  }
0x45: {  	_ =	shalt  }
0x46: {  	_ =	shalt  }
0x47: {  	_ =	shalt  }
0x48: {  	_ =	shalt  }
0x49: {  	_ =	shalt  }
0x4a: {  	_ =	shalt  }
0x4b: {  	_ =	shalt  }
0x4c: {  	_ =	shalt  }
0x4d: {  	_ =	shalt  }
0x4e: {  	_ =	shalt  }
0x4f: {  	_ =	shalt  }
0x50: {  	_ =	shalt  }
0x51: {  	_ =	shalt  }
0x52: {  	_ =	shalt  }
0x53: {  	_ =	shalt  }
0x54: {  	_ =	shalt  }
0x55: {  	_ =	shalt  }
0x56: {  	_ =	shalt  }
0x57: {  	_ =	shalt  }
0x58: {  	_ =	shalt  }
0x59: {  	_ =	shalt  }
0x5a: {  	_ =	shalt  }
0x5b: {  	_ =	shalt  }
0x5c: {  	_ =	shalt  }
0x5d: {  	_ =	shalt  }
0x5e: {  	_ =	shalt  }
0x5f: {  	_ =	shalt  }
0x60: {  	_ =	shalt  }
0x61: {  	_ =	shalt  }
0x62: {  	_ =	shalt  }
0x63: {  	_ =	shalt  }
0x64: {  	_ =	shalt  }
0x65: {  	_ =	shalt  }
0x66: {  	_ =	shalt  }
0x67: {  	_ =	shalt  }
0x68: {  	_ =	shalt  }
0x69: {  	_ =	shalt  }
0x6a: {  	_ =	shalt  }
0x6b: {  	_ =	shalt  }
0x6c: {  	_ =	shalt  }
0x6d: {  	_ =	shalt  }
0x6e: {  	_ =	shalt  }
0x6f: {  	_ =	shalt  }
0x70: {  	_ =	shalt  }
0x71: {  	_ =	shalt  }
0x72: {  	_ =	shalt  }
0x73: {  	_ =	shalt  }
0x74: {  	_ =	shalt  }
0x75: {  	_ =	shalt  }
0x76: {  	_ =	shalt  }
0x77: {  	_ =	shalt  }
0x78: {  	_ =	shalt  }
0x79: {  	_ =	shalt  }
0x7a: {  	_ =	shalt  }
0x7b: {  	_ =	shalt  }
0x7c: {  	_ =	shalt  }
0x7d: {  	_ =	shalt  }
0x7e: {  	_ =	shalt  }
0x7f: {  	_ =	shalt  }
0x80: {  	_ =	shalt  }
0x81: {  	_ =	shalt  }
0x82: {  	_ =	shalt  }
0x83: {  	_ =	shalt  }
0x84: {  	_ =	shalt  }
0x85: {  	_ =	shalt  }
0x86: {  	_ =	shalt  }
0x87: {  	_ =	shalt  }
.Lfunc_end0:
.L_simem_size_0:
called_computation_lowered:
.L_overlay_start_0:
0x88: {  	s2 =	sld [smem:$0x3FD9]  }
0x89: {  	s3 =	sld [smem:$0x3FFE];
	_ =	sdelay $0x1  }
0x8a: {  	s1 =	srdreg.scid  }
0x8b: {  	s0 =	sand.u32 $0x1, s1  }
0x8c: {  	s17 =	sshll.u32 s0, $0xA;
	s2 =	sadd.s32 s3, s2  }
0x8d: {  	s2 =	sadd.s32 s2, s17  }
0x8e: {  	[smem:$0x3FC6] =	sst s2  }
0x8f: {  	_ = 	snop  }
0x90: {  	s2 =	sld [smem:$0x3FC9]  }
0x91: {  	s18 =	sld [smem:$0x3FC8]  }
0x92: {  	s4 =	sld [smem:$0x3FD0];
	(tm) =	ssettm $0x1  }
0x93: {  	s5 =	sld [smem:$0x3FFB];
	_ =	sdelay $0x3  }
0x94: {  	_ =	strace s5  }
0x95: {  	s5 =	sld [smem:$0x3FFC];
	_ =	sdelay $0x3  }
0x96: {  	_ =	strace s5  }
0x97: {  	s5 =	sld [smem:$0x3FFD];
	_ =	sdelay $0x3  }
0x98: {  	_ =	strace s5  }
0x99: {  	_ =	strace $0x8FFFFFFF  }
0x9a: {  	s19 =	sld [smem:$0x3FDB];
	_ =	sdelay $0x1  }
0x9b: {  	s6 =	simm.s32 $_scs_section_size  }
0x9c: {  	s7 =	simm.s32 $_size__tile_overlayer_lowered;
	s8 =	simm.s32 $_tile_overlayer_lowered  }
0x9d: {  	s22 =	simm.s32 $0x1BFF;
	s21 =	sshll.u32 s8, $0x1;
	s5 =	sadd.s32 s6, s19  }
0x9e: {  	s9 =	simm.s32 $0x0;
	s20 =	sshll.u32 s7, $0x1;
	s7 =	sadd.s32 s21, s5  }
0x9f: {  	[timem:s9], [sflag:s22] =	dma.local [hbm:s7], s20  }
0xa0: {  	_ =	swait.ge [sflag:s22], s20  }
0xa1: {  	s6 =	ssub.s32 $0x0, s20;
	[sflag:s22] =	ssyncset.done $0x0  }
0xa2: {  	[sflag:s22] =	ssyncadd.s32 s6;
	_ =	sdelay $0x1  }
0xa3: {  	s23 =	simm.s32 $0x1B8B  }
0xa4: {  	_ =	swait.ge [sflag:s23], $0x1  }
0xa5: {  	[sflag:s23] =	ssyncset.done $0x0  }
0xa6: {  	s25 =	simm.s32 $0x1B8E;
	s24 =	sld [smem:$0x3FFE];
	[sflag:s23] =	ssyncadd.s32 $0xFFFFFFFF  }
0xa7: {  	s26 =	simm.s32 $execute0_lowered;
	[smem:$0x3FD2] =	sst s25  }
0xa8: {  	s7 =	sshll.u32 s26, $0x1;
	_ =	strace $0x80000046;
	[dreg:$0x1] =	wrdreg $0xFFFFFFFF  }
0xa9: {  	s28 =	simm.s32 $_size_execute0_lowered;
	s5 =	sadd.s32 s5, s7;
	[dreg:$0x0] =	wrdreg $0x0  }
0xaa: {  	s7 =	sshll.u32 s28, $0x1;
	[dreg:$0x2] =	wrdreg s5  }
0xab: {  	[dreg:$0x3] =	wrdreg s7  }
0xac: {  	[dreg:$0x4] =	wrdreg $0xC0  }
0xad: {  	_ =	task [dreg:s9], $0x5FFFF  }
0xae: {  	[dreg:$0x1] =	wrdreg $0xFFFFFFFF  }
0xaf: {  	[dreg:$0x0] =	wrdreg $0x60  }
0xb0: {  	[dreg:$0x2] =	wrdreg s2  }
0xb1: {  	[dreg:$0x3] =	wrdreg s18  }
0xb2: {  	[dreg:$0x4] =	wrdreg s4  }
0xb3: {  	[dreg:$0x5] =	wrdreg s24  }
0xb4: {  	[dreg:$0x6] =	wrdreg $0x9  }
0xb5: {  	_ =	task.clear_ibuf [dreg:s9], $0x7FFFF;
	_ =	strace $0x90000046  }
0xb6: {  	s29 =	simm.s32 $0x9;
	_ =	strace $0x80000048  }
0xb7: {  	_ =	swait.ge [sflag:s29], $0x1  }
0xb8: {  	[sflag:s29] =	ssyncadd.s32 $0xFFFFFFFF  }
0xb9: {  	_ =	strace $0x90000048  }
0xba: {  	_ =	sfence  }
0xbb: {  	s30 =	sld [smem:$0x0];
	_ =	sdelay $0x2  }
0xbc: {  	s31 =	sshll.u32 s1, $0xD;
	s1 =	sshrl.u32 s1, $0x2  }
0xbd: {  	s3 =	sand.u32 $0x4000, s31;
	s1 =	sadd.s32 s1, s30  }
0xbe: {  	s0 =	sor.u32 s3, s0;
	s1 =	sshll.u32 s1, $0x11  }
0xbf: {  	s0 =	sor.u32 s1, s0  }
0xc0: {  	s0 =	sadd.s32 $0x8F2B, s0  }
0xc1: {  	[sflag:s0] =	ssyncadd.remote.s32 $0x1  }
0xc2: {  	_ =	sfence.sel $0xFFFF  }
0xc3: {  	[dreg:$0x0] =	wrdreg $0xFFFFFFFF;
	(pc) =	sbr.abs _section_cstart, $3  }
0xc4: {  	[dreg:$0x1] =	wrdreg $0xFFFFFFFF  }
0xc5: {  	_ =	task.clear_ibuf [dreg:s9], $0x2FFFF;
	_ =	strace $0x9FFFFFFF  }
0xc6: {  	(tm) =	ssettm $0x7FFFFFFF  }
0xc7: {  	_ =	shalt  }
tec
execute0_lowered:
.L_overlay_start_1:
0x0: {  	(tag) =	ssettag $0x1  }
0x1: {  	s1 =	rddreg [dreg:$0x0]  }
0x2: {  	s2 =	rddreg [dreg:$0x1]  }
0x3: {  	s5 =	rddreg [dreg:$0x2]  }
0x4: {  	s0 =	rddreg [dreg:$0x3]  }
0x5: {  	s3 =	srdreg.scid;
	s4 =	stileid.u32;
	s6 =	simm.s32 $0x0  }
0x6: {  	s17 =	simm.s32 $0x2000;
	s18 =	simm.s32 $0x7A1400;
	s19 =	simm.s32 $0x8900  }
0x7: {  	s29 =	simm.s32 $0x18900;
	s30 =	simm.s32 $0x1CD00;
	s31 =	simm.s32 $0x4880  }
0x8: {  	s3 =	sand.u32 $0x1, s3;
	s4 =	sshll.u32 s4, $0x1;
	[smem:$0x7FF] =	sst s6  }
0x9: {  	s6 =	sadd.s32 $0x400, s0;
	s24 =	sadd.s32 $0xF4000, s2;
	s25 =	sadd.s32 $0x80, s5  }
0xa: {  	s26 =	sadd.s32 $0x100, s5;
	_ =	strace $0x80000047;
	[dreg:$0x7] =	wrdreg s24  }
0xb: {  	s28 =	sadd.s32 $0x180, s5;
	s4 =	sor.u32 s3, s4;
	[dreg:$0x9] =	wrdreg s25  }
0xc: {  	s20 =	ssub.s32 $0x2, s3;
	[dreg:$0xa] =	wrdreg s26;
	s7 =	smul.u32 $0x7A00, s4  }
0xd: {  	[dreg:$0xb] =	wrdreg s28;
	s24 =	simm.s32 $0x2;
	s21 =	smul.u32 $0x3D000, s4  }
0xe: {  	s8 =	sshrl.u32 s20, $0x1;
	p0 =	seq.s32 s4, $0x1F;
	s14 =	sor.u32 $0x4000, s4  }
0xf: {  	s0 =	ssub.s32 s20, s8;
	s20 =	simm.s32 $0x10900;
	s13 =	sadd.s32 $0x7A00, s7  }
0x10: {  	s22 =	sshrl.u32 s21, $0x3;
	s9 =	sadd.s32 s2, s7;
	s10 =	sadd.s32 $0x6000, s21  }
.Ltmp0:
0x11: {  	s0 =	smax.u32 s0, $0x1;
	s13 =	simm.s32 @p0 $0xF4240;
	(pc) =	sbr.rel .LBB2_1-.Ltmp0, $4  }
0x12: {  	[dreg:$0x5] =	wrdreg s9;
	s8 =	sadd.s32 s2, s22;
	s9 =	sadd.s32 $0x4000, s21  }
0x13: {  	v3 =	vlaneseq.u32;
	[dreg:$0x8] =	wrdreg s0;
	s21 =	simm.s32 $0x4;
	p0 =	sne.s32 s4, $0x1F  }
0x14: {  	v4 =	vimm.s32 $0x0;
	v5 =	vimm.s32 $0xFFFFFFFF;
	v6 =	vmul.u32 $0xFFFFFFFF, v3;
	s22 =	simm.s32 $0x800;
	s4 =	simm.s32 $0x0;
	s23 =	sadd.s32 $0x400, s8  }
0x15: {  	v2 =	vmov s14;
	v0 =	vmov s7;
	s11 =	sadd.s32 $0x7800, s8;
	v1 =	vmov s13;
	[dreg:$0x6] =	wrdreg s23;
	s23 =	simm.s32 $0x1  }
.LBB2_42:
0x16: {  	_ =	sdelay $0x3  }
0x17: {  	v7 =	vand.u32 $0x3FFF, v8;
	[tilespmem:v10+s29+$0x0] =	vst.idx.msk $0xffff, v11  }
0x18: {  	s0 =	simm.s32 @!p2 $0x3;
	[tilespmem:v9+s30+$0x0] =	vst.idx.msk $0xffff, v7  }
0x19: {  	[hbm4b:s6+s8] =	stream.indirect.scatter @!p2 [tilespmem:s3], [sflag:$0x3], $0x80, s13, s8, $0xb8;
	[tilespmem:$0x1CE00] =	vst v63  }
0x1a: {  	_ =	swait.ge @!p2 [sflag:s0], $0x4000  }
0x1b: {  	[sflag:s0] =	ssyncset.done @!p2 $0x0  }
0x1c: {  	[sflag:s0] =	ssyncadd.s32 @!p2 $0xFFFFC000  }
0x1d: {  	[tilespmem:$0x1CD00] =	vst @!p2 v2  }
0x1e: {  	[tilespmem:$0x1CD70] =	vst @!p2 v2  }
0x1f: {  	[tilespmem:$0x1CD60] =	vst @!p2 v2  }
0x20: {  	[tilespmem:$0x1CD50] =	vst @!p2 v2  }
0x21: {  	[tilespmem:$0x1CD40] =	vst @!p2 v2  }
0x22: {  	[tilespmem:$0x1CD30] =	vst @!p2 v2  }
0x23: {  	[tilespmem:$0x1CD20] =	vst @!p2 v2  }
0x24: {  	[tilespmem:$0x1CD10] =	vst @!p2 v2  }
.LBB2_43:
0x25: {  	s0 =	simm.s32 $0x80;
	s26 =	simm.s32 $0x3  }
0x26: {  	[hbm4b:s6+s0] =	stream.indirect.scatter [tilespmem:s29], [sflag:$0x3], $0x80, s30, s0, $0xb8;
	[tilespmem:$0x1CE00] =	vst v63  }
0x27: {  	_ =	swait.ge [sflag:s26], $0x4000  }
0x28: {  	[sflag:s26] =	ssyncset.done $0x0  }
0x29: {  	[sflag:s26] =	ssyncadd.s32 $0xFFFFC000  }
0x2a: {  	[tilespmem:$0x1CD00] =	vst v2  }
0x2b: {  	s4 =	sadd.s32 $0x1, s4;
	s28 =	rddreg [dreg:$0x8];
	[tilespmem:$0x1CD10] =	vst v2  }
0x2c: {  	p1 =	sne.s32 s4, s28;
	[tilespmem:$0x1CD20] =	vst v2  }
.Ltmp1:
0x2d: {  	[tilespmem:$0x1CD30] =	vst v2;
	(pc) =	sbr.rel @!p1 .LBB2_44-.Ltmp1, $4  }
0x2e: {  	[tilespmem:$0x1CD40] =	vst v2  }
0x2f: {  	[tilespmem:$0x1CD50] =	vst v2  }
0x30: {  	[tilespmem:$0x1CD60] =	vst v2  }
0x31: {  	[tilespmem:$0x1CD70] =	vst v2  }
.LBB2_1:
0x32: {  	s0 =	rddreg [dreg:$0x5]  }
0x33: {  	[tilespmem:s19], [sflag:$0x1] =	stream.strided.gather [hbm4b:s0+s17], $0x8000, s18, s17, $0x38;
	[tilespmem:$0x1CE00] =	vst v63  }
0x34: {  	s28 =	rddreg [dreg:$0x6];
	s7 =	simm.s32 $0x0;
	s0 =	simm.s32 $0x10  }
0x35: {  	v7 =	vimm.s32 $0x0;
	[tilespmem:s20], [sflag:$0x2] =	stream.strided.gather [hbm4b:s28+s17], $0x8000, s18, s17, $0x38;
	[tilespmem:$0x1CE00] =	vst v63  }
.LBB2_2:
0x36: {  	s3 =	sshll.u32 s7, $0x8  }
0x37: {  	s14 =	simm.s32 $0x0;
	s3 =	sadd.s32 s1, s3  }
0x38: {  	[tilespmem:s14], [sflag:$0x4] =	stream.linear.gather [hbm4b:s3+s14], $0x800, $0x38;
	[tilespmem:$0x1CE00] =	vst v63  }
0x39: {  	_ =	swait.ge [sflag:s21], $0x800  }
0x3a: {  	[sflag:s21] =	ssyncset.done $0x0  }
0x3b: {  	s15 =	smov.u32 s0;
	[sflag:s21] =	ssyncadd.s32 $0xFFFFF800  }
.LBB2_3:
0x3c: {  	s3 =	sshra.s32 s14, $0x2  }
0x3d: {  	v8 =	vld [tilespmem:s3+$0x0];
	_ =	sdelay $0x4  }
0x3e: {  	vm0 =	vge.s32 v8, v0;
	vm1 =	vlt.s32 v8, v1  }
0x3f: {  	vm0 =	vmand vm0, vm1  }
0x40: {  	v9 =	vsel vm0, $0x1, v4  }
0x41: {  	(xrf0) =	vadd.scan.msk.s32 $0xffff, v9;
	_ =	sdelay $0x5  }
0x42: {  	v9, _, _ =	vpop (xrf0)  }
0x43: {  	v9 =	vadd.s32 v9, v7  }
0x44: {  	v9 =	vadd.s32 $0xFFFFFFFF, v9  }
0x45: {  	v9 =	vnsel vm0, $0x4010, v9  }
0x46: {  	v8 =	vsub.s32 v8, v0  }
0x47: {  	s8 =	sadd.s32 $0xFFFFFFF0, s15;
	v8 =	vshll.u32 v8, $0xE  }
0x48: {  	v8 =	vadd.s32 s8, v8  }
0x49: {  	v8 =	vadd.s32 v3, v8  }
0x4a: {  	[tilespmem:v9+s22+$0x0] =	vst.idx.msk $0xffff, v8  }
0x4b: {  	v8 =	vld [tilespmem:s3+$0x10];
	_ =	sdelay $0x4  }
0x4c: {  	vm15 =	vge.s32 v8, v0;
	vm2 =	vlt.s32 v8, v1  }
0x4d: {  	vm1 =	vmand vm15, vm2  }
0x4e: {  	v61 =	vsel vm1, $0x1, v4  }
0x4f: {  	(xrf0) =	vadd.scan.msk.s32 $0xffff, v61;
	_ =	sdelay $0x3  }
0x50: {  	v62 =	vmpcnt.ones.xlane vm0;
	_ =	sdelay $0x1  }
0x51: {  	v7 =	vadd.s32 v7, v62;
	v63, _, _ =	vpop (xrf0)  }
0x52: {  	v9 =	vadd.s32 v63, v7  }
0x53: {  	v9 =	vadd.s32 $0xFFFFFFFF, v9  }
0x54: {  	p1 =	sne.s32 s14, $0x1F80;
	v9 =	vnsel vm1, $0x4010, v9  }
.Ltmp2:
0x55: {  	v8 =	vsub.s32 v8, v0;
	(pc) =	sbr.rel @p1 .LBB2_3-.Ltmp2, $4  }
0x56: {  	v8 =	vshll.u32 v8, $0xE  }
0x57: {  	v8 =	vor.u32 s15, v8;
	v10 =	vmpcnt.ones.xlane vm1  }
0x58: {  	v8 =	vor.u32 v3, v8  }
0x59: {  	s14 =	sadd.s32 $0x80, s14;
	s15 =	sadd.s32 $0x20, s15;
	v7 =	vadd.s32 v7, v10;
	[tilespmem:v9+s22+$0x0] =	vst.idx.msk $0xffff, v8  }
0x5a: {  	s7 =	sadd.s32 $0x1, s7  }
0x5b: {  	p1 =	sne.s32 s7, $0x8  }
.Ltmp3:
0x5c: {  	_ = 	snop;
	(pc) =	sbr.rel @p1 .LBB2_2-.Ltmp3, $2  }
0x5d: {  	_ =	sdelay $0x2  }
0x5e: {  	s0 =	sadd.s32 $0x800, s0  }
0x5f: {  	(xrf0) =	vadd.scan.msk.s32 $0xffff, v7;
	_ =	sdelay $0x5  }
0x60: {  	v7, _, _ =	vpop (xrf0)  }
0x61: {  	(v2sf) =	vpush v7, $0xF;
	_ =	sdelay $0xe  }
0x62: {  	s0 =	spop (v2sf)  }
0x63: {  	s0 =	sshrl.u32 s0, $0x4  }
0x64: {  	[tilespmem:s0+$0x800] =	vst v5  }
0x65: {  	[tilespmem:s0+$0x810] =	vst v5  }
0x66: {  	[tilespmem:$0x1CD00] =	vst v2  }
0x67: {  	[tilespmem:$0x1CD10] =	vst v2  }
0x68: {  	[tilespmem:$0x1CD20] =	vst v2  }
0x69: {  	s0 =	sadd.s32 $0xF, s0;
	[tilespmem:$0x1CD30] =	vst v2  }
0x6a: {  	s0 =	sshrl.u32 s0, $0x4;
	[tilespmem:$0x1CD40] =	vst v2  }
0x6b: {  	[tilespmem:$0x1CD50] =	vst v2;
	s0 =	sadd.s32 $0x1, s0  }
0x6c: {  	[tilespmem:$0x1CD60] =	vst v2;
	s14 =	sshrl.u32 s0, $0x1  }
0x6d: {  	s15 =	simm.s32 $0x0;
	[tilespmem:$0x1CD70] =	vst v2;
	s0 =	simm.s32 $0x0;
	p1 =	seq.s32 s14, $0x0  }
.LBB2_6:
.Ltmp4:
0x6e: {  	(pc) =	sbr.rel @p1 .LBB2_7-.Ltmp4, $4  }
0x6f: {  	_ = 	snop  }
0x70: {  	_ =	swait.ge [sflag:s23], $0x8000  }
0x71: {  	[sflag:s23] =	ssyncset.done $0x0  }
0x72: {  	s25 =	sshll.u32 s15, $0x19;
	[sflag:s23] =	ssyncadd.s32 $0xFFFF8000  }
0x73: {  	s3 =	sor.u32 $0x1000000, s25  }
0x74: {  	v7 =	vmov s25;
	v9 =	vimm.s32 $0x0;
	s7 =	simm.s32 $0x810;
	s8 =	smov.u32 s14;
	v8 =	vmov s3  }
.LBB2_9:
0x75: {  	v10 =	vld [tilespmem:s7+$0xFFFFFFF0];
	_ =	sdelay $0x4  }
0x76: {  	vm0 =	vge.s32 v10, v7;
	vm1 =	vlt.s32 v10, v8  }
0x77: {  	vm0 =	vmand vm0, vm1  }
0x78: {  	v11 =	vsel vm0, $0x1, v4  }
0x79: {  	(xrf0) =	vadd.scan.msk.s32 $0xffff, v11;
	_ =	sdelay $0x5  }
0x7a: {  	v11, _, _ =	vpop (xrf0)  }
0x7b: {  	v11 =	vadd.s32 v11, v9  }
0x7c: {  	v11 =	vadd.s32 $0xFFFFFFFF, v11  }
0x7d: {  	v11 =	vnsel vm0, $0x4010, v11;
	_ =	sdelay $0x4  }
0x7e: {  	[tilespmem:v11+s31+$0x0] =	vst.idx.msk $0xffff, v10  }
0x7f: {  	v10 =	vld [tilespmem:s7+$0x0];
	_ =	sdelay $0x4  }
0x80: {  	vm15 =	vge.s32 v10, v7;
	vm2 =	vlt.s32 v10, v8  }
0x81: {  	vm1 =	vmand vm15, vm2  }
0x82: {  	v11 =	vsel vm1, $0x1, v4  }
0x83: {  	(xrf0) =	vadd.scan.msk.s32 $0xffff, v11;
	_ =	sdelay $0x1  }
0x84: {  	v11 =	vmpcnt.ones.xlane vm0;
	_ =	sdelay $0x3  }
0x85: {  	v9 =	vadd.s32 v9, v11;
	v11, _, _ =	vpop (xrf0)  }
0x86: {  	v11 =	vadd.s32 v11, v9  }
0x87: {  	v11 =	vadd.s32 $0xFFFFFFFF, v11  }
0x88: {  	p2 =	sne.s32 s8, $0x1;
	v11 =	vnsel vm1, $0x4010, v11  }
.Ltmp5:
0x89: {  	_ = 	snop;
	(pc) =	sbr.rel @p2 .LBB2_9-.Ltmp5, $3  }
0x8a: {  	_ = 	snop  }
0x8b: {  	v12 =	vmpcnt.ones.xlane vm1;
	_ =	sdelay $0x1  }
0x8c: {  	s8 =	sadd.s32 $0xFFFFFFFF, s8;
	s7 =	sadd.s32 $0x20, s7;
	v9 =	vadd.s32 v9, v12;
	[tilespmem:v11+s31+$0x0] =	vst.idx.msk $0xffff, v10  }
.Ltmp6:
0x8d: {  	_ = 	snop;
	(pc) =	sbr.rel .LBB2_10-.Ltmp6, $1  }
0x8e: {  	_ =	sdelay $0x3  }
.LBB2_7:
0x8f: {  	v9 =	vimm.s32 $0x0  }
.LBB2_10:
0x90: {  	(xrf0) =	vadd.scan.msk.s32 $0xffff, v9;
	_ =	sdelay $0x5  }
0x91: {  	v7, _, _ =	vpop (xrf0)  }
0x92: {  	(v2sf) =	vpush v7, $0xF;
	_ =	sdelay $0xe  }
0x93: {  	s3 =	spop (v2sf)  }
0x94: {  	s3 =	sshrl.u32 s3, $0x4  }
0x95: {  	s7 =	sadd.s32 $0xF, s3  }
0x96: {  	s7 =	sshrl.u32 s7, $0x4  }
0x97: {  	p2 =	seq.s32 s7, $0x0  }
.Ltmp7:
0x98: {  	_ = 	snop;
	(pc) =	sbr.rel @p2 .LBB2_14-.Ltmp7, $2  }
0x99: {  	_ =	sdelay $0x2  }
0x9a: {  	s26 =	sshll.u32 s15, $0xB  }
0x9b: {  	s16 =	simm.s32 $0x4880  }
0x9c: {  	v9 =	vld [tilespmem:s16+$0x0];
	_ =	sdelay $0x3  }
0x9d: {  	v7 =	vmov s26;
	s8 =	simm.s32 $0x0  }
0x9e: {  	v8 =	vadd.s32 s3, v6;
	v10 =	vmov s8;
	v11 =	vshra.s32 v9, $0xE  }
0x9f: {  	vm0 =	vlt.s32 v10, v8;
	v10 =	vsub.s32 v11, v7  }
0xa0: {  	v11 =	vsel vm0, $0x1, v4;
	vm1 =	vgt.s32 v10, $0x0  }
0xa1: {  	(xrf0) =	vadd.scan.msk.s32 $0xffff, v11;
	v10 =	vnsel vm1, $0x0, v10  }
0xa2: {  	v12 =	vmin.u32 v10, $0x3FF  }
0xa3: {  	v10 =	vshll.u32 v12, $0x3  }
0xa4: {  	v11 =	vmov s0;
	v13 =	vand.u32 $0x7F, v12;
	v14 =	vand.u32 $0x1C00, v10  }
0xa5: {  	v10 =	vadd.s32 $0xFFFFFFFF, v11;
	v13 =	vor.u32 v13, v14  }
0xa6: {  	v10 =	vbroadcast v10, $0x0  }
0xa7: {  	v15, _, _ =	vpop (xrf0)  }
0xa8: {  	v10 =	vadd.s32 v15, v10  }
0xa9: {  	v10 =	vnsel vm0, $0x80, v10  }
0xaa: {  	v11 =	vshll.u32 v10, $0x7;
	v16 =	vld.idx.msk [tilespmem:v13+s19+$0x0], $0xffff  }
0xab: {  	v17 =	vor.u32 $0x80, v13;
	_ =	sdelay $0x3  }
0xac: {  	[tilespmem:v11+s29+$0x0] =	vst.idx.msk $0xffff, v16  }
0xad: {  	v31 =	vor.u32 $0x1, v11;
	v17 =	vld.idx.msk [tilespmem:v17+s19+$0x0], $0xffff  }
0xae: {  	v18 =	vor.u32 $0x100, v13;
	_ =	sdelay $0x3  }
0xaf: {  	[tilespmem:v31+s29+$0x0] =	vst.idx.msk $0xffff, v17  }
0xb0: {  	v32 =	vor.u32 $0x2, v11;
	v17 =	vld.idx.msk [tilespmem:v18+s19+$0x0], $0xffff  }
0xb1: {  	v33 =	vor.u32 $0x180, v13;
	_ =	sdelay $0x3  }
0xb2: {  	[tilespmem:v32+s29+$0x0] =	vst.idx.msk $0xffff, v17  }
0xb3: {  	v34 =	vor.u32 $0x3, v11;
	v17 =	vld.idx.msk [tilespmem:v33+s19+$0x0], $0xffff  }
0xb4: {  	v35 =	vor.u32 $0x200, v13;
	_ =	sdelay $0x3  }
0xb5: {  	[tilespmem:v34+s29+$0x0] =	vst.idx.msk $0xffff, v17  }
0xb6: {  	v36 =	vor.u32 $0x4, v11;
	v17 =	vld.idx.msk [tilespmem:v35+s19+$0x0], $0xffff  }
0xb7: {  	v37 =	vor.u32 $0x280, v13;
	_ =	sdelay $0x3  }
0xb8: {  	[tilespmem:v36+s29+$0x0] =	vst.idx.msk $0xffff, v17  }
0xb9: {  	v38 =	vor.u32 $0x5, v11;
	v17 =	vld.idx.msk [tilespmem:v37+s19+$0x0], $0xffff  }
0xba: {  	v39 =	vor.u32 $0x300, v13;
	_ =	sdelay $0x3  }
0xbb: {  	[tilespmem:v38+s29+$0x0] =	vst.idx.msk $0xffff, v17  }
0xbc: {  	v12 =	vor.u32 v12, v14;
	v40 =	vor.u32 $0x6, v11;
	v14 =	vld.idx.msk [tilespmem:v39+s19+$0x0], $0xffff  }
0xbd: {  	v41 =	vor.u32 $0x380, v12;
	_ =	sdelay $0x3  }
0xbe: {  	[tilespmem:v40+s29+$0x0] =	vst.idx.msk $0xffff, v14  }
0xbf: {  	v14 =	vor.u32 $0x7, v11;
	v16 =	vld.idx.msk [tilespmem:v41+s19+$0x0], $0xffff  }
0xc0: {  	v42 =	vor.u32 $0x2000, v13;
	_ =	sdelay $0x3  }
0xc1: {  	[tilespmem:v14+s29+$0x0] =	vst.idx.msk $0xffff, v16  }
0xc2: {  	v14 =	vor.u32 $0x8, v11;
	v16 =	vld.idx.msk [tilespmem:v42+s19+$0x0], $0xffff  }
0xc3: {  	v43 =	vor.u32 $0x2080, v13;
	_ =	sdelay $0x3  }
0xc4: {  	[tilespmem:v14+s29+$0x0] =	vst.idx.msk $0xffff, v16  }
0xc5: {  	v14 =	vor.u32 $0x9, v11;
	v16 =	vld.idx.msk [tilespmem:v43+s19+$0x0], $0xffff  }
0xc6: {  	v44 =	vor.u32 $0x2100, v13;
	_ =	sdelay $0x3  }
0xc7: {  	[tilespmem:v14+s29+$0x0] =	vst.idx.msk $0xffff, v16  }
0xc8: {  	v14 =	vor.u32 $0xA, v11;
	v16 =	vld.idx.msk [tilespmem:v44+s19+$0x0], $0xffff  }
0xc9: {  	v45 =	vor.u32 $0x2180, v13;
	_ =	sdelay $0x3  }
0xca: {  	[tilespmem:v14+s29+$0x0] =	vst.idx.msk $0xffff, v16  }
0xcb: {  	v14 =	vor.u32 $0xB, v11;
	v16 =	vld.idx.msk [tilespmem:v45+s19+$0x0], $0xffff  }
0xcc: {  	v46 =	vor.u32 $0x2200, v13;
	_ =	sdelay $0x3  }
0xcd: {  	[tilespmem:v14+s29+$0x0] =	vst.idx.msk $0xffff, v16  }
0xce: {  	v14 =	vor.u32 $0xC, v11;
	v16 =	vld.idx.msk [tilespmem:v46+s19+$0x0], $0xffff  }
0xcf: {  	v47 =	vor.u32 $0x2280, v13;
	_ =	sdelay $0x3  }
0xd0: {  	[tilespmem:v14+s29+$0x0] =	vst.idx.msk $0xffff, v16  }
0xd1: {  	v14 =	vor.u32 $0xD, v11;
	v16 =	vld.idx.msk [tilespmem:v47+s19+$0x0], $0xffff  }
0xd2: {  	v48 =	vor.u32 $0x2300, v13;
	_ =	sdelay $0x3  }
0xd3: {  	[tilespmem:v14+s29+$0x0] =	vst.idx.msk $0xffff, v16  }
0xd4: {  	v14 =	vor.u32 $0xE, v11;
	v16 =	vld.idx.msk [tilespmem:v48+s19+$0x0], $0xffff  }
0xd5: {  	v49 =	vor.u32 $0x2380, v12;
	_ =	sdelay $0x3  }
0xd6: {  	[tilespmem:v14+s29+$0x0] =	vst.idx.msk $0xffff, v16  }
0xd7: {  	v14 =	vor.u32 $0xF, v11;
	v16 =	vld.idx.msk [tilespmem:v49+s19+$0x0], $0xffff  }
0xd8: {  	v50 =	vor.u32 $0x4000, v13;
	_ =	sdelay $0x3  }
0xd9: {  	[tilespmem:v14+s29+$0x0] =	vst.idx.msk $0xffff, v16  }
0xda: {  	v14 =	vor.u32 $0x10, v11;
	v16 =	vld.idx.msk [tilespmem:v50+s19+$0x0], $0xffff  }
0xdb: {  	v51 =	vor.u32 $0x4080, v13;
	_ =	sdelay $0x3  }
0xdc: {  	[tilespmem:v14+s29+$0x0] =	vst.idx.msk $0xffff, v16  }
0xdd: {  	v14 =	vor.u32 $0x11, v11;
	v16 =	vld.idx.msk [tilespmem:v51+s19+$0x0], $0xffff  }
0xde: {  	v52 =	vor.u32 $0x4100, v13;
	_ =	sdelay $0x3  }
0xdf: {  	[tilespmem:v14+s29+$0x0] =	vst.idx.msk $0xffff, v16  }
0xe0: {  	v14 =	vor.u32 $0x12, v11;
	v16 =	vld.idx.msk [tilespmem:v52+s19+$0x0], $0xffff  }
0xe1: {  	v53 =	vor.u32 $0x4180, v13;
	_ =	sdelay $0x3  }
0xe2: {  	[tilespmem:v14+s29+$0x0] =	vst.idx.msk $0xffff, v16  }
0xe3: {  	v14 =	vor.u32 $0x13, v11;
	v16 =	vld.idx.msk [tilespmem:v53+s19+$0x0], $0xffff  }
0xe4: {  	v54 =	vor.u32 $0x4200, v13;
	_ =	sdelay $0x3  }
0xe5: {  	[tilespmem:v14+s29+$0x0] =	vst.idx.msk $0xffff, v16  }
0xe6: {  	v14 =	vor.u32 $0x14, v11;
	v16 =	vld.idx.msk [tilespmem:v54+s19+$0x0], $0xffff  }
0xe7: {  	v55 =	vor.u32 $0x4280, v13;
	_ =	sdelay $0x3  }
0xe8: {  	[tilespmem:v14+s29+$0x0] =	vst.idx.msk $0xffff, v16  }
0xe9: {  	v14 =	vor.u32 $0x15, v11;
	v16 =	vld.idx.msk [tilespmem:v55+s19+$0x0], $0xffff  }
0xea: {  	v56 =	vor.u32 $0x4300, v13;
	_ =	sdelay $0x3  }
0xeb: {  	[tilespmem:v14+s29+$0x0] =	vst.idx.msk $0xffff, v16  }
0xec: {  	v14 =	vor.u32 $0x16, v11;
	v16 =	vld.idx.msk [tilespmem:v56+s19+$0x0], $0xffff  }
0xed: {  	v57 =	vor.u32 $0x4380, v12;
	_ =	sdelay $0x3  }
0xee: {  	[tilespmem:v14+s29+$0x0] =	vst.idx.msk $0xffff, v16  }
0xef: {  	v14 =	vor.u32 $0x17, v11;
	v16 =	vld.idx.msk [tilespmem:v57+s19+$0x0], $0xffff  }
0xf0: {  	v58 =	vor.u32 $0x6000, v13;
	_ =	sdelay $0x3  }
0xf1: {  	[tilespmem:v14+s29+$0x0] =	vst.idx.msk $0xffff, v16  }
0xf2: {  	v14 =	vor.u32 $0x18, v11;
	v16 =	vld.idx.msk [tilespmem:v58+s19+$0x0], $0xffff  }
0xf3: {  	v59 =	vor.u32 $0x6080, v13;
	_ =	sdelay $0x3  }
0xf4: {  	[tilespmem:v14+s29+$0x0] =	vst.idx.msk $0xffff, v16  }
0xf5: {  	v14 =	vor.u32 $0x19, v11;
	v16 =	vld.idx.msk [tilespmem:v59+s19+$0x0], $0xffff  }
0xf6: {  	v60 =	vor.u32 $0x6100, v13;
	_ =	sdelay $0x3  }
0xf7: {  	[tilespmem:v14+s29+$0x0] =	vst.idx.msk $0xffff, v16  }
0xf8: {  	v14 =	vor.u32 $0x1A, v11;
	v16 =	vld.idx.msk [tilespmem:v60+s19+$0x0], $0xffff  }
0xf9: {  	v61 =	vor.u32 $0x6180, v13;
	_ =	sdelay $0x3  }
0xfa: {  	[tilespmem:v14+s29+$0x0] =	vst.idx.msk $0xffff, v16  }
0xfb: {  	v14 =	vor.u32 $0x1B, v11;
	v16 =	vld.idx.msk [tilespmem:v61+s19+$0x0], $0xffff  }
0xfc: {  	v62 =	vor.u32 $0x6200, v13;
	_ =	sdelay $0x3  }
0xfd: {  	(v2sf) =	vpush v15, $0xF;
	[tilespmem:v14+s29+$0x0] =	vst.idx.msk $0xffff, v16  }
0xfe: {  	v14 =	vor.u32 $0x1C, v11;
	v15 =	vld.idx.msk [tilespmem:v62+s19+$0x0], $0xffff  }
0xff: {  	v63 =	vor.u32 $0x6280, v13;
	_ =	sdelay $0x3  }
0x100: {  	[tilespmem:v14+s29+$0x0] =	vst.idx.msk $0xffff, v15  }
0x101: {  	v14 =	vor.u32 $0x1D, v11;
	v15 =	vld.idx.msk [tilespmem:v63+s19+$0x0], $0xffff  }
0x102: {  	v13 =	vor.u32 $0x6300, v13;
	_ =	sdelay $0x3  }
0x103: {  	[tilespmem:v14+s29+$0x0] =	vst.idx.msk $0xffff, v15  }
0x104: {  	s28 =	sshll.u32 s7, $0x4;
	v14 =	vor.u32 $0x1E, v11;
	v13 =	vld.idx.msk [tilespmem:v13+s19+$0x0], $0xffff  }
0x105: {  	p2 =	sne.s32 s28, $0x10;
	v12 =	vor.u32 $0x6380, v12  }
.Ltmp8:
0x106: {  	s13 =	spop (v2sf);
	(pc) =	sbr.rel @!p2 .LBB2_13-.Ltmp8, $4  }
0x107: {  	s0 =	sadd.s32 s0, s13  }
0x108: {  	p3 =	slt.s32 s0, $0x70  }
0x109: {  	s7 =	simm.s32 $0x10;
	s8 =	simm.s32 @!p3 $0x80;
	[tilespmem:v14+s29+$0x0] =	vst.idx.msk $0xffff, v13  }
0x10a: {  	s13 =	simm.s32 @!p3 $0x1CD00;
	s3 =	simm.s32 @!p3 $0x18900;
	s0 =	simm.s32 @!p3 $0x0;
	v11 =	vor.u32 $0x1F, v11;
	v12 =	vld.idx.msk [tilespmem:v12+s19+$0x0], $0xffff  }
.LBB2_12:
0x10b: {  	_ =	sdelay $0x2  }
0x10c: {  	s16 =	sadd.s32 $0x10, s16;
	s12 =	smov.u32 s7;
	s7 =	sadd.s32 $0x10, s7  }
0x10d: {  	v9 =	vand.u32 $0x3FFF, v9;
	p2 =	sne.s32 s28, s7;
	[tilespmem:v11+s29+$0x0] =	vst.idx.msk $0xffff, v12  }
0x10e: {  	s5 =	simm.s32 @!p3 $0x3;
	[tilespmem:v10+s30+$0x0] =	vst.idx.msk $0xffff, v9  }
0x10f: {  	[hbm4b:s6+s8] =	stream.indirect.scatter @!p3 [tilespmem:s3], [sflag:$0x3], $0x80, s13, s8, $0xb8;
	[tilespmem:$0x1CE00] =	vst v63  }
0x110: {  	_ =	swait.ge @!p3 [sflag:s5], $0x4000  }
0x111: {  	[sflag:s5] =	ssyncset.done @!p3 $0x0  }
0x112: {  	[sflag:s5] =	ssyncadd.s32 @!p3 $0xFFFFC000  }
0x113: {  	[tilespmem:$0x1CD00] =	vst @!p3 v2  }
0x114: {  	[tilespmem:$0x1CD70] =	vst @!p3 v2  }
0x115: {  	[tilespmem:$0x1CD60] =	vst @!p3 v2  }
0x116: {  	[tilespmem:$0x1CD50] =	vst @!p3 v2  }
0x117: {  	[tilespmem:$0x1CD40] =	vst @!p3 v2  }
0x118: {  	[tilespmem:$0x1CD30] =	vst @!p3 v2  }
0x119: {  	[tilespmem:$0x1CD20] =	vst @!p3 v2  }
0x11a: {  	v10 =	vmov s12;
	[tilespmem:$0x1CD10] =	vst @!p3 v2  }
0x11b: {  	vm0 =	vlt.s32 v10, v8;
	v9 =	vld [tilespmem:s16+$0x0]  }
0x11c: {  	v10 =	vsel vm0, $0x1, v4  }
0x11d: {  	(xrf0) =	vadd.scan.msk.s32 $0xffff, v10;
	_ =	sdelay $0x2  }
0x11e: {  	v11 =	vmov s0;
	v10 =	vshra.s32 v9, $0xE  }
0x11f: {  	v11 =	vadd.s32 $0xFFFFFFFF, v11;
	v10 =	vsub.s32 v10, v7  }
0x120: {  	v11 =	vbroadcast v11, $0x0;
	vm1 =	vgt.s32 v10, $0x0  }
0x121: {  	v10 =	vnsel vm1, $0x0, v10;
	v12, _, _ =	vpop (xrf0)  }
0x122: {  	v13 =	vmin.u32 v10, $0x3FF;
	v10 =	vadd.s32 v12, v11;
	(v2sf) =	vpush v12, $0xF  }
0x123: {  	v10 =	vnsel vm0, $0x80, v10;
	v12 =	vand.u32 $0x7F, v13;
	v11 =	vshll.u32 v13, $0x3  }
0x124: {  	v14 =	vand.u32 $0x1C00, v11;
	v11 =	vshll.u32 v10, $0x7  }
0x125: {  	v12 =	vor.u32 v12, v14;
	_ =	sdelay $0x4  }
0x126: {  	v15 =	vld.idx.msk [tilespmem:v12+s19+$0x0], $0xffff  }
0x127: {  	v16 =	vor.u32 $0x1, v11  }
0x128: {  	v17 =	vor.u32 $0x80, v12;
	v18 =	vor.u32 $0x100, v12;
	_ =	sdelay $0x3  }
0x129: {  	[tilespmem:v11+s29+$0x0] =	vst.idx.msk $0xffff, v15  }
0x12a: {  	v15 =	vld.idx.msk [tilespmem:v17+s19+$0x0], $0xffff;
	s3 =	spop (v2sf)  }
0x12b: {  	v17 =	vor.u32 $0x2, v11;
	s0 =	sadd.s32 s0, s3  }
0x12c: {  	v19 =	vor.u32 $0x180, v12;
	_ =	sdelay $0x3  }
0x12d: {  	[tilespmem:v16+s29+$0x0] =	vst.idx.msk $0xffff, v15  }
0x12e: {  	v15 =	vld.idx.msk [tilespmem:v18+s19+$0x0], $0xffff  }
0x12f: {  	v16 =	vor.u32 $0x3, v11  }
0x130: {  	v18 =	vor.u32 $0x200, v12;
	_ =	sdelay $0x3  }
0x131: {  	[tilespmem:v17+s29+$0x0] =	vst.idx.msk $0xffff, v15  }
0x132: {  	v15 =	vld.idx.msk [tilespmem:v19+s19+$0x0], $0xffff  }
0x133: {  	v17 =	vor.u32 $0x4, v11  }
0x134: {  	v19 =	vor.u32 $0x280, v12;
	_ =	sdelay $0x3  }
0x135: {  	[tilespmem:v16+s29+$0x0] =	vst.idx.msk $0xffff, v15  }
0x136: {  	v15 =	vld.idx.msk [tilespmem:v18+s19+$0x0], $0xffff  }
0x137: {  	v16 =	vor.u32 $0x5, v11  }
0x138: {  	v18 =	vor.u32 $0x300, v12;
	_ =	sdelay $0x3  }
0x139: {  	[tilespmem:v17+s29+$0x0] =	vst.idx.msk $0xffff, v15  }
0x13a: {  	v15 =	vld.idx.msk [tilespmem:v19+s19+$0x0], $0xffff  }
0x13b: {  	v13 =	vor.u32 v13, v14;
	v17 =	vor.u32 $0x6, v11  }
0x13c: {  	v14 =	vor.u32 $0x380, v13;
	_ =	sdelay $0x3  }
0x13d: {  	[tilespmem:v16+s29+$0x0] =	vst.idx.msk $0xffff, v15  }
0x13e: {  	v15 =	vld.idx.msk [tilespmem:v18+s19+$0x0], $0xffff  }
0x13f: {  	v16 =	vor.u32 $0x7, v11  }
0x140: {  	v18 =	vor.u32 $0x2000, v12;
	_ =	sdelay $0x3  }
0x141: {  	[tilespmem:v17+s29+$0x0] =	vst.idx.msk $0xffff, v15  }
0x142: {  	v14 =	vld.idx.msk [tilespmem:v14+s19+$0x0], $0xffff  }
0x143: {  	v15 =	vor.u32 $0x8, v11  }
0x144: {  	v17 =	vor.u32 $0x2080, v12;
	_ =	sdelay $0x3  }
0x145: {  	[tilespmem:v16+s29+$0x0] =	vst.idx.msk $0xffff, v14  }
0x146: {  	v14 =	vld.idx.msk [tilespmem:v18+s19+$0x0], $0xffff  }
0x147: {  	v16 =	vor.u32 $0x9, v11  }
0x148: {  	v18 =	vor.u32 $0x2100, v12;
	_ =	sdelay $0x3  }
0x149: {  	[tilespmem:v15+s29+$0x0] =	vst.idx.msk $0xffff, v14  }
0x14a: {  	v14 =	vld.idx.msk [tilespmem:v17+s19+$0x0], $0xffff  }
0x14b: {  	v15 =	vor.u32 $0xA, v11  }
0x14c: {  	v17 =	vor.u32 $0x2180, v12;
	_ =	sdelay $0x3  }
0x14d: {  	[tilespmem:v16+s29+$0x0] =	vst.idx.msk $0xffff, v14  }
0x14e: {  	v14 =	vld.idx.msk [tilespmem:v18+s19+$0x0], $0xffff  }
0x14f: {  	v16 =	vor.u32 $0xB, v11  }
0x150: {  	v18 =	vor.u32 $0x2200, v12;
	_ =	sdelay $0x3  }
0x151: {  	[tilespmem:v15+s29+$0x0] =	vst.idx.msk $0xffff, v14  }
0x152: {  	v14 =	vld.idx.msk [tilespmem:v17+s19+$0x0], $0xffff  }
0x153: {  	v15 =	vor.u32 $0xC, v11  }
0x154: {  	v17 =	vor.u32 $0x2280, v12;
	_ =	sdelay $0x3  }
0x155: {  	[tilespmem:v16+s29+$0x0] =	vst.idx.msk $0xffff, v14  }
0x156: {  	v14 =	vld.idx.msk [tilespmem:v18+s19+$0x0], $0xffff  }
0x157: {  	v16 =	vor.u32 $0xD, v11  }
0x158: {  	v18 =	vor.u32 $0x2300, v12;
	_ =	sdelay $0x3  }
0x159: {  	[tilespmem:v15+s29+$0x0] =	vst.idx.msk $0xffff, v14  }
0x15a: {  	v14 =	vld.idx.msk [tilespmem:v17+s19+$0x0], $0xffff  }
0x15b: {  	v15 =	vor.u32 $0xE, v11  }
0x15c: {  	v17 =	vor.u32 $0x2380, v13;
	_ =	sdelay $0x3  }
0x15d: {  	[tilespmem:v16+s29+$0x0] =	vst.idx.msk $0xffff, v14  }
0x15e: {  	v14 =	vld.idx.msk [tilespmem:v18+s19+$0x0], $0xffff  }
0x15f: {  	v16 =	vor.u32 $0xF, v11  }
0x160: {  	v18 =	vor.u32 $0x4000, v12;
	_ =	sdelay $0x3  }
0x161: {  	[tilespmem:v15+s29+$0x0] =	vst.idx.msk $0xffff, v14  }
0x162: {  	v14 =	vld.idx.msk [tilespmem:v17+s19+$0x0], $0xffff  }
0x163: {  	v15 =	vor.u32 $0x10, v11  }
0x164: {  	v17 =	vor.u32 $0x4080, v12;
	_ =	sdelay $0x3  }
0x165: {  	[tilespmem:v16+s29+$0x0] =	vst.idx.msk $0xffff, v14  }
0x166: {  	v14 =	vld.idx.msk [tilespmem:v18+s19+$0x0], $0xffff  }
0x167: {  	v16 =	vor.u32 $0x11, v11  }
0x168: {  	v18 =	vor.u32 $0x4100, v12;
	_ =	sdelay $0x3  }
0x169: {  	[tilespmem:v15+s29+$0x0] =	vst.idx.msk $0xffff, v14  }
0x16a: {  	v14 =	vld.idx.msk [tilespmem:v17+s19+$0x0], $0xffff  }
0x16b: {  	v15 =	vor.u32 $0x12, v11  }
0x16c: {  	v17 =	vor.u32 $0x4180, v12;
	_ =	sdelay $0x3  }
0x16d: {  	[tilespmem:v16+s29+$0x0] =	vst.idx.msk $0xffff, v14  }
0x16e: {  	v14 =	vld.idx.msk [tilespmem:v18+s19+$0x0], $0xffff  }
0x16f: {  	v16 =	vor.u32 $0x13, v11  }
0x170: {  	v18 =	vor.u32 $0x4200, v12;
	_ =	sdelay $0x3  }
0x171: {  	[tilespmem:v15+s29+$0x0] =	vst.idx.msk $0xffff, v14  }
0x172: {  	v14 =	vld.idx.msk [tilespmem:v17+s19+$0x0], $0xffff  }
0x173: {  	v15 =	vor.u32 $0x14, v11  }
0x174: {  	v17 =	vor.u32 $0x4280, v12;
	_ =	sdelay $0x3  }
0x175: {  	[tilespmem:v16+s29+$0x0] =	vst.idx.msk $0xffff, v14  }
0x176: {  	v14 =	vld.idx.msk [tilespmem:v18+s19+$0x0], $0xffff  }
0x177: {  	v16 =	vor.u32 $0x15, v11  }
0x178: {  	v18 =	vor.u32 $0x4300, v12;
	_ =	sdelay $0x3  }
0x179: {  	[tilespmem:v15+s29+$0x0] =	vst.idx.msk $0xffff, v14  }
0x17a: {  	v14 =	vld.idx.msk [tilespmem:v17+s19+$0x0], $0xffff  }
0x17b: {  	v15 =	vor.u32 $0x16, v11  }
0x17c: {  	v17 =	vor.u32 $0x4380, v13;
	_ =	sdelay $0x3  }
0x17d: {  	[tilespmem:v16+s29+$0x0] =	vst.idx.msk $0xffff, v14  }
0x17e: {  	v14 =	vld.idx.msk [tilespmem:v18+s19+$0x0], $0xffff  }
0x17f: {  	v16 =	vor.u32 $0x17, v11  }
0x180: {  	v18 =	vor.u32 $0x6000, v12;
	_ =	sdelay $0x3  }
0x181: {  	[tilespmem:v15+s29+$0x0] =	vst.idx.msk $0xffff, v14  }
0x182: {  	v14 =	vld.idx.msk [tilespmem:v17+s19+$0x0], $0xffff  }
0x183: {  	v15 =	vor.u32 $0x18, v11  }
0x184: {  	v17 =	vor.u32 $0x6080, v12;
	_ =	sdelay $0x3  }
0x185: {  	[tilespmem:v16+s29+$0x0] =	vst.idx.msk $0xffff, v14  }
0x186: {  	v14 =	vld.idx.msk [tilespmem:v18+s19+$0x0], $0xffff  }
0x187: {  	v16 =	vor.u32 $0x19, v11  }
0x188: {  	v18 =	vor.u32 $0x6100, v12;
	_ =	sdelay $0x3  }
0x189: {  	[tilespmem:v15+s29+$0x0] =	vst.idx.msk $0xffff, v14  }
0x18a: {  	v14 =	vld.idx.msk [tilespmem:v17+s19+$0x0], $0xffff  }
0x18b: {  	v15 =	vor.u32 $0x1A, v11  }
0x18c: {  	v17 =	vor.u32 $0x6180, v12;
	_ =	sdelay $0x3  }
0x18d: {  	[tilespmem:v16+s29+$0x0] =	vst.idx.msk $0xffff, v14  }
0x18e: {  	v14 =	vld.idx.msk [tilespmem:v18+s19+$0x0], $0xffff  }
0x18f: {  	v16 =	vor.u32 $0x1B, v11  }
0x190: {  	v18 =	vor.u32 $0x6200, v12;
	_ =	sdelay $0x3  }
0x191: {  	[tilespmem:v15+s29+$0x0] =	vst.idx.msk $0xffff, v14  }
0x192: {  	v14 =	vld.idx.msk [tilespmem:v17+s19+$0x0], $0xffff  }
0x193: {  	v15 =	vor.u32 $0x1C, v11  }
0x194: {  	v17 =	vor.u32 $0x6280, v12;
	_ =	sdelay $0x3  }
0x195: {  	[tilespmem:v16+s29+$0x0] =	vst.idx.msk $0xffff, v14  }
0x196: {  	v14 =	vld.idx.msk [tilespmem:v18+s19+$0x0], $0xffff  }
0x197: {  	v16 =	vor.u32 $0x1D, v11;
	_ =	sdelay $0x4  }
0x198: {  	[tilespmem:v15+s29+$0x0] =	vst.idx.msk $0xffff, v14  }
0x199: {  	v14 =	vld.idx.msk [tilespmem:v17+s19+$0x0], $0xffff;
	_ =	sdelay $0x1  }
0x19a: {  	v12 =	vor.u32 $0x6300, v12;
	_ =	sdelay $0x3  }
0x19b: {  	[tilespmem:v16+s29+$0x0] =	vst.idx.msk $0xffff, v14  }
0x19c: {  	v12 =	vld.idx.msk [tilespmem:v12+s19+$0x0], $0xffff  }
0x19d: {  	v14 =	vor.u32 $0x1E, v11  }
0x19e: {  	v13 =	vor.u32 $0x6380, v13;
	_ =	sdelay $0x1  }
.Ltmp9:
0x19f: {  	(pc) =	sbr.rel @p2 .LBB2_12-.Ltmp9, $4  }
0x1a0: {  	_ = 	snop  }
0x1a1: {  	p3 =	slt.s32 s0, $0x70;
	[tilespmem:v14+s29+$0x0] =	vst.idx.msk $0xffff, v12  }
0x1a2: {  	s8 =	simm.s32 @!p3 $0x80;
	s13 =	simm.s32 @!p3 $0x1CD00;
	s3 =	simm.s32 @!p3 $0x18900;
	v12 =	vld.idx.msk [tilespmem:v13+s19+$0x0], $0xffff  }
0x1a3: {  	s0 =	simm.s32 @!p3 $0x0;
	v11 =	vor.u32 $0x1F, v11  }
.LBB2_13:
0x1a4: {  	_ =	sdelay $0x3  }
0x1a5: {  	v7 =	vand.u32 $0x3FFF, v9;
	[tilespmem:v11+s29+$0x0] =	vst.idx.msk $0xffff, v12  }
0x1a6: {  	s5 =	simm.s32 @!p3 $0x3;
	[tilespmem:v10+s30+$0x0] =	vst.idx.msk $0xffff, v7  }
0x1a7: {  	[hbm4b:s6+s8] =	stream.indirect.scatter @!p3 [tilespmem:s3], [sflag:$0x3], $0x80, s13, s8, $0xb8;
	[tilespmem:$0x1CE00] =	vst v63  }
0x1a8: {  	_ =	swait.ge @!p3 [sflag:s5], $0x4000  }
0x1a9: {  	[sflag:s5] =	ssyncset.done @!p3 $0x0  }
0x1aa: {  	[sflag:s5] =	ssyncadd.s32 @!p3 $0xFFFFC000  }
0x1ab: {  	[tilespmem:$0x1CD00] =	vst @!p3 v2  }
0x1ac: {  	[tilespmem:$0x1CD70] =	vst @!p3 v2  }
0x1ad: {  	[tilespmem:$0x1CD60] =	vst @!p3 v2  }
0x1ae: {  	[tilespmem:$0x1CD50] =	vst @!p3 v2  }
0x1af: {  	[tilespmem:$0x1CD40] =	vst @!p3 v2  }
0x1b0: {  	[tilespmem:$0x1CD30] =	vst @!p3 v2  }
0x1b1: {  	[tilespmem:$0x1CD20] =	vst @!p3 v2  }
0x1b2: {  	[tilespmem:$0x1CD10] =	vst @!p3 v2  }
.LBB2_14:
0x1b3: {  	s16 =	sshll.u32 s15, $0xE;
	p2 =	seq.s32 s15, $0xE  }
0x1b4: {  	s3 =	sadd.s32 @!p2 s16, s9  }
0x1b5: {  	s5 =	simm.s32 @!p2 $0x2000;
	s7 =	simm.s32 @!p2 $0x7A1400;
	s3 =	sshrl.u32 @!p2 s3, $0x3  }
.Ltmp10:
0x1b6: {  	s8 =	simm.s32 @!p2 $0x8900;
	s3 =	sadd.s32 @!p2 s2, s3;
	(pc) =	sbr.rel @p1 .LBB2_15-.Ltmp10, $4  }
0x1b7: {  	[tilespmem:s8], [sflag:$0x1] =	stream.strided.gather @!p2 [hbm4b:s3+s5], $0x8000, s7, s5, $0x38;
	[tilespmem:$0x1CE00] =	vst v63  }
0x1b8: {  	_ =	swait.ge [sflag:s24], $0x8000  }
0x1b9: {  	[sflag:s24] =	ssyncset.done $0x0  }
0x1ba: {  	s26 =	sor.u32 $0x400, s26;
	[sflag:s24] =	ssyncadd.s32 $0xFFFF8000  }
0x1bb: {  	s3 =	sadd.s32 $0x2000000, s25;
	s5 =	sshll.u32 s26, $0xE  }
0x1bc: {  	v9 =	vimm.s32 $0x0;
	s7 =	simm.s32 $0x810;
	s8 =	smov.u32 s14;
	v7 =	vmov s5;
	v8 =	vmov s3  }
.LBB2_17:
0x1bd: {  	v10 =	vld [tilespmem:s7+$0xFFFFFFF0];
	_ =	sdelay $0x4  }
0x1be: {  	vm0 =	vge.s32 v10, v7;
	vm1 =	vlt.s32 v10, v8  }
0x1bf: {  	vm0 =	vmand vm0, vm1  }
0x1c0: {  	v11 =	vsel vm0, $0x1, v4  }
0x1c1: {  	(xrf0) =	vadd.scan.msk.s32 $0xffff, v11;
	_ =	sdelay $0x5  }
0x1c2: {  	v11, _, _ =	vpop (xrf0)  }
0x1c3: {  	v11 =	vadd.s32 v11, v9  }
0x1c4: {  	v11 =	vadd.s32 $0xFFFFFFFF, v11  }
0x1c5: {  	v11 =	vnsel vm0, $0x4010, v11;
	_ =	sdelay $0x4  }
0x1c6: {  	[tilespmem:v11+s31+$0x0] =	vst.idx.msk $0xffff, v10  }
0x1c7: {  	v10 =	vld [tilespmem:s7+$0x0];
	_ =	sdelay $0x4  }
0x1c8: {  	vm15 =	vge.s32 v10, v7;
	vm2 =	vlt.s32 v10, v8  }
0x1c9: {  	vm1 =	vmand vm15, vm2  }
0x1ca: {  	v11 =	vsel vm1, $0x1, v4  }
0x1cb: {  	(xrf0) =	vadd.scan.msk.s32 $0xffff, v11;
	_ =	sdelay $0x1  }
0x1cc: {  	v11 =	vmpcnt.ones.xlane vm0;
	_ =	sdelay $0x3  }
0x1cd: {  	v9 =	vadd.s32 v9, v11;
	v11, _, _ =	vpop (xrf0)  }
0x1ce: {  	v11 =	vadd.s32 v11, v9  }
0x1cf: {  	v11 =	vadd.s32 $0xFFFFFFFF, v11  }
0x1d0: {  	p3 =	sne.s32 s8, $0x1;
	v11 =	vnsel vm1, $0x4010, v11  }
.Ltmp11:
0x1d1: {  	_ = 	snop;
	(pc) =	sbr.rel @p3 .LBB2_17-.Ltmp11, $3  }
0x1d2: {  	_ = 	snop  }
0x1d3: {  	v12 =	vmpcnt.ones.xlane vm1;
	_ =	sdelay $0x1  }
0x1d4: {  	s8 =	sadd.s32 $0xFFFFFFFF, s8;
	s7 =	sadd.s32 $0x20, s7;
	v9 =	vadd.s32 v9, v12;
	[tilespmem:v11+s31+$0x0] =	vst.idx.msk $0xffff, v10  }
.Ltmp12:
0x1d5: {  	_ = 	snop;
	(pc) =	sbr.rel .LBB2_18-.Ltmp12, $1  }
0x1d6: {  	_ =	sdelay $0x3  }
.LBB2_15:
0x1d7: {  	v9 =	vimm.s32 $0x0  }
.LBB2_18:
0x1d8: {  	(xrf0) =	vadd.scan.msk.s32 $0xffff, v9;
	_ =	sdelay $0x5  }
0x1d9: {  	v7, _, _ =	vpop (xrf0)  }
0x1da: {  	(v2sf) =	vpush v7, $0xF;
	_ =	sdelay $0xe  }
0x1db: {  	s3 =	spop (v2sf)  }
0x1dc: {  	s3 =	sshrl.u32 s3, $0x4  }
0x1dd: {  	s5 =	sadd.s32 $0xF, s3  }
0x1de: {  	s7 =	sshrl.u32 s5, $0x4  }
0x1df: {  	p3 =	seq.s32 s7, $0x0  }
.Ltmp13:
0x1e0: {  	_ = 	snop;
	(pc) =	sbr.rel @p3 .LBB2_22-.Ltmp13, $1  }
0x1e1: {  	_ =	sdelay $0x3  }
0x1e2: {  	s25 =	simm.s32 $0x4880  }
0x1e3: {  	v9 =	vld [tilespmem:s25+$0x0];
	_ =	sdelay $0x3  }
0x1e4: {  	v7 =	vmov s26;
	s5 =	simm.s32 $0x0  }
0x1e5: {  	v8 =	vadd.s32 s3, v6;
	v10 =	vmov s5;
	v11 =	vshra.s32 v9, $0xE  }
0x1e6: {  	vm0 =	vlt.s32 v10, v8;
	v10 =	vsub.s32 v11, v7  }
0x1e7: {  	v11 =	vsel vm0, $0x1, v4;
	vm1 =	vgt.s32 v10, $0x0  }
0x1e8: {  	(xrf0) =	vadd.scan.msk.s32 $0xffff, v11;
	v10 =	vnsel vm1, $0x0, v10  }
0x1e9: {  	v12 =	vmin.u32 v10, $0x3FF  }
0x1ea: {  	v10 =	vshll.u32 v12, $0x3  }
0x1eb: {  	v11 =	vmov s0;
	v13 =	vand.u32 $0x7F, v12;
	v14 =	vand.u32 $0x1C00, v10  }
0x1ec: {  	v10 =	vadd.s32 $0xFFFFFFFF, v11;
	v13 =	vor.u32 v13, v14  }
0x1ed: {  	v10 =	vbroadcast v10, $0x0  }
0x1ee: {  	v15, _, _ =	vpop (xrf0)  }
0x1ef: {  	v10 =	vadd.s32 v15, v10  }
0x1f0: {  	v10 =	vnsel vm0, $0x80, v10  }
0x1f1: {  	v11 =	vshll.u32 v10, $0x7;
	v16 =	vld.idx.msk [tilespmem:v13+s20+$0x0], $0xffff  }
0x1f2: {  	v17 =	vor.u32 $0x80, v13;
	_ =	sdelay $0x3  }
0x1f3: {  	[tilespmem:v11+s29+$0x0] =	vst.idx.msk $0xffff, v16  }
0x1f4: {  	v31 =	vor.u32 $0x1, v11;
	v17 =	vld.idx.msk [tilespmem:v17+s20+$0x0], $0xffff  }
0x1f5: {  	v18 =	vor.u32 $0x100, v13;
	_ =	sdelay $0x3  }
0x1f6: {  	[tilespmem:v31+s29+$0x0] =	vst.idx.msk $0xffff, v17  }
0x1f7: {  	v32 =	vor.u32 $0x2, v11;
	v17 =	vld.idx.msk [tilespmem:v18+s20+$0x0], $0xffff  }
0x1f8: {  	v33 =	vor.u32 $0x180, v13;
	_ =	sdelay $0x3  }
0x1f9: {  	[tilespmem:v32+s29+$0x0] =	vst.idx.msk $0xffff, v17  }
0x1fa: {  	v34 =	vor.u32 $0x3, v11;
	v17 =	vld.idx.msk [tilespmem:v33+s20+$0x0], $0xffff  }
0x1fb: {  	v35 =	vor.u32 $0x200, v13;
	_ =	sdelay $0x3  }
0x1fc: {  	[tilespmem:v34+s29+$0x0] =	vst.idx.msk $0xffff, v17  }
0x1fd: {  	v36 =	vor.u32 $0x4, v11;
	v17 =	vld.idx.msk [tilespmem:v35+s20+$0x0], $0xffff  }
0x1fe: {  	v37 =	vor.u32 $0x280, v13;
	_ =	sdelay $0x3  }
0x1ff: {  	[tilespmem:v36+s29+$0x0] =	vst.idx.msk $0xffff, v17  }
0x200: {  	v38 =	vor.u32 $0x5, v11;
	v17 =	vld.idx.msk [tilespmem:v37+s20+$0x0], $0xffff  }
0x201: {  	v39 =	vor.u32 $0x300, v13;
	_ =	sdelay $0x3  }
0x202: {  	[tilespmem:v38+s29+$0x0] =	vst.idx.msk $0xffff, v17  }
0x203: {  	v12 =	vor.u32 v12, v14;
	v40 =	vor.u32 $0x6, v11;
	v14 =	vld.idx.msk [tilespmem:v39+s20+$0x0], $0xffff  }
0x204: {  	v41 =	vor.u32 $0x380, v12;
	_ =	sdelay $0x3  }
0x205: {  	[tilespmem:v40+s29+$0x0] =	vst.idx.msk $0xffff, v14  }
0x206: {  	v14 =	vor.u32 $0x7, v11;
	v16 =	vld.idx.msk [tilespmem:v41+s20+$0x0], $0xffff  }
0x207: {  	v42 =	vor.u32 $0x2000, v13;
	_ =	sdelay $0x3  }
0x208: {  	[tilespmem:v14+s29+$0x0] =	vst.idx.msk $0xffff, v16  }
0x209: {  	v14 =	vor.u32 $0x8, v11;
	v16 =	vld.idx.msk [tilespmem:v42+s20+$0x0], $0xffff  }
0x20a: {  	v43 =	vor.u32 $0x2080, v13;
	_ =	sdelay $0x3  }
0x20b: {  	[tilespmem:v14+s29+$0x0] =	vst.idx.msk $0xffff, v16  }
0x20c: {  	v14 =	vor.u32 $0x9, v11;
	v16 =	vld.idx.msk [tilespmem:v43+s20+$0x0], $0xffff  }
0x20d: {  	v44 =	vor.u32 $0x2100, v13;
	_ =	sdelay $0x3  }
0x20e: {  	[tilespmem:v14+s29+$0x0] =	vst.idx.msk $0xffff, v16  }
0x20f: {  	v14 =	vor.u32 $0xA, v11;
	v16 =	vld.idx.msk [tilespmem:v44+s20+$0x0], $0xffff  }
0x210: {  	v45 =	vor.u32 $0x2180, v13;
	_ =	sdelay $0x3  }
0x211: {  	[tilespmem:v14+s29+$0x0] =	vst.idx.msk $0xffff, v16  }
0x212: {  	v14 =	vor.u32 $0xB, v11;
	v16 =	vld.idx.msk [tilespmem:v45+s20+$0x0], $0xffff  }
0x213: {  	v46 =	vor.u32 $0x2200, v13;
	_ =	sdelay $0x3  }
0x214: {  	[tilespmem:v14+s29+$0x0] =	vst.idx.msk $0xffff, v16  }
0x215: {  	v14 =	vor.u32 $0xC, v11;
	v16 =	vld.idx.msk [tilespmem:v46+s20+$0x0], $0xffff  }
0x216: {  	v47 =	vor.u32 $0x2280, v13;
	_ =	sdelay $0x3  }
0x217: {  	[tilespmem:v14+s29+$0x0] =	vst.idx.msk $0xffff, v16  }
0x218: {  	v14 =	vor.u32 $0xD, v11;
	v16 =	vld.idx.msk [tilespmem:v47+s20+$0x0], $0xffff  }
0x219: {  	v48 =	vor.u32 $0x2300, v13;
	_ =	sdelay $0x3  }
0x21a: {  	[tilespmem:v14+s29+$0x0] =	vst.idx.msk $0xffff, v16  }
0x21b: {  	v14 =	vor.u32 $0xE, v11;
	v16 =	vld.idx.msk [tilespmem:v48+s20+$0x0], $0xffff  }
0x21c: {  	v49 =	vor.u32 $0x2380, v12;
	_ =	sdelay $0x3  }
0x21d: {  	[tilespmem:v14+s29+$0x0] =	vst.idx.msk $0xffff, v16  }
0x21e: {  	v14 =	vor.u32 $0xF, v11;
	v16 =	vld.idx.msk [tilespmem:v49+s20+$0x0], $0xffff  }
0x21f: {  	v50 =	vor.u32 $0x4000, v13;
	_ =	sdelay $0x3  }
0x220: {  	[tilespmem:v14+s29+$0x0] =	vst.idx.msk $0xffff, v16  }
0x221: {  	v14 =	vor.u32 $0x10, v11;
	v16 =	vld.idx.msk [tilespmem:v50+s20+$0x0], $0xffff  }
0x222: {  	v51 =	vor.u32 $0x4080, v13;
	_ =	sdelay $0x3  }
0x223: {  	[tilespmem:v14+s29+$0x0] =	vst.idx.msk $0xffff, v16  }
0x224: {  	v14 =	vor.u32 $0x11, v11;
	v16 =	vld.idx.msk [tilespmem:v51+s20+$0x0], $0xffff  }
0x225: {  	v52 =	vor.u32 $0x4100, v13;
	_ =	sdelay $0x3  }
0x226: {  	[tilespmem:v14+s29+$0x0] =	vst.idx.msk $0xffff, v16  }
0x227: {  	v14 =	vor.u32 $0x12, v11;
	v16 =	vld.idx.msk [tilespmem:v52+s20+$0x0], $0xffff  }
0x228: {  	v53 =	vor.u32 $0x4180, v13;
	_ =	sdelay $0x3  }
0x229: {  	[tilespmem:v14+s29+$0x0] =	vst.idx.msk $0xffff, v16  }
0x22a: {  	v14 =	vor.u32 $0x13, v11;
	v16 =	vld.idx.msk [tilespmem:v53+s20+$0x0], $0xffff  }
0x22b: {  	v54 =	vor.u32 $0x4200, v13;
	_ =	sdelay $0x3  }
0x22c: {  	[tilespmem:v14+s29+$0x0] =	vst.idx.msk $0xffff, v16  }
0x22d: {  	v14 =	vor.u32 $0x14, v11;
	v16 =	vld.idx.msk [tilespmem:v54+s20+$0x0], $0xffff  }
0x22e: {  	v55 =	vor.u32 $0x4280, v13;
	_ =	sdelay $0x3  }
0x22f: {  	[tilespmem:v14+s29+$0x0] =	vst.idx.msk $0xffff, v16  }
0x230: {  	v14 =	vor.u32 $0x15, v11;
	v16 =	vld.idx.msk [tilespmem:v55+s20+$0x0], $0xffff  }
0x231: {  	v56 =	vor.u32 $0x4300, v13;
	_ =	sdelay $0x3  }
0x232: {  	[tilespmem:v14+s29+$0x0] =	vst.idx.msk $0xffff, v16  }
0x233: {  	v14 =	vor.u32 $0x16, v11;
	v16 =	vld.idx.msk [tilespmem:v56+s20+$0x0], $0xffff  }
0x234: {  	v57 =	vor.u32 $0x4380, v12;
	_ =	sdelay $0x3  }
0x235: {  	[tilespmem:v14+s29+$0x0] =	vst.idx.msk $0xffff, v16  }
0x236: {  	v14 =	vor.u32 $0x17, v11;
	v16 =	vld.idx.msk [tilespmem:v57+s20+$0x0], $0xffff  }
0x237: {  	v58 =	vor.u32 $0x6000, v13;
	_ =	sdelay $0x3  }
0x238: {  	[tilespmem:v14+s29+$0x0] =	vst.idx.msk $0xffff, v16  }
0x239: {  	v14 =	vor.u32 $0x18, v11;
	v16 =	vld.idx.msk [tilespmem:v58+s20+$0x0], $0xffff  }
0x23a: {  	v59 =	vor.u32 $0x6080, v13;
	_ =	sdelay $0x3  }
0x23b: {  	[tilespmem:v14+s29+$0x0] =	vst.idx.msk $0xffff, v16  }
0x23c: {  	v14 =	vor.u32 $0x19, v11;
	v16 =	vld.idx.msk [tilespmem:v59+s20+$0x0], $0xffff  }
0x23d: {  	v60 =	vor.u32 $0x6100, v13;
	_ =	sdelay $0x3  }
0x23e: {  	[tilespmem:v14+s29+$0x0] =	vst.idx.msk $0xffff, v16  }
0x23f: {  	v14 =	vor.u32 $0x1A, v11;
	v16 =	vld.idx.msk [tilespmem:v60+s20+$0x0], $0xffff  }
0x240: {  	v61 =	vor.u32 $0x6180, v13;
	_ =	sdelay $0x3  }
0x241: {  	[tilespmem:v14+s29+$0x0] =	vst.idx.msk $0xffff, v16  }
0x242: {  	v14 =	vor.u32 $0x1B, v11;
	v16 =	vld.idx.msk [tilespmem:v61+s20+$0x0], $0xffff  }
0x243: {  	v62 =	vor.u32 $0x6200, v13;
	_ =	sdelay $0x3  }
0x244: {  	(v2sf) =	vpush v15, $0xF;
	[tilespmem:v14+s29+$0x0] =	vst.idx.msk $0xffff, v16  }
0x245: {  	v14 =	vor.u32 $0x1C, v11;
	v15 =	vld.idx.msk [tilespmem:v62+s20+$0x0], $0xffff  }
0x246: {  	v63 =	vor.u32 $0x6280, v13;
	_ =	sdelay $0x3  }
0x247: {  	[tilespmem:v14+s29+$0x0] =	vst.idx.msk $0xffff, v15  }
0x248: {  	v14 =	vor.u32 $0x1D, v11;
	v15 =	vld.idx.msk [tilespmem:v63+s20+$0x0], $0xffff  }
0x249: {  	v13 =	vor.u32 $0x6300, v13;
	_ =	sdelay $0x3  }
0x24a: {  	[tilespmem:v14+s29+$0x0] =	vst.idx.msk $0xffff, v15  }
0x24b: {  	s26 =	sshll.u32 s7, $0x4;
	v14 =	vor.u32 $0x1E, v11;
	v13 =	vld.idx.msk [tilespmem:v13+s20+$0x0], $0xffff  }
0x24c: {  	p3 =	sne.s32 s26, $0x10;
	v12 =	vor.u32 $0x6380, v12  }
.Ltmp14:
0x24d: {  	s28 =	spop (v2sf);
	(pc) =	sbr.rel @!p3 .LBB2_21-.Ltmp14, $4  }
0x24e: {  	s0 =	sadd.s32 s0, s28  }
0x24f: {  	p4 =	slt.s32 s0, $0x70  }
0x250: {  	s7 =	simm.s32 $0x10;
	s8 =	simm.s32 @!p4 $0x80;
	[tilespmem:v14+s29+$0x0] =	vst.idx.msk $0xffff, v13  }
0x251: {  	s13 =	simm.s32 @!p4 $0x1CD00;
	s3 =	simm.s32 @!p4 $0x18900;
	s0 =	simm.s32 @!p4 $0x0;
	v11 =	vor.u32 $0x1F, v11;
	v12 =	vld.idx.msk [tilespmem:v12+s20+$0x0], $0xffff  }
.LBB2_20:
0x252: {  	_ =	sdelay $0x2  }
0x253: {  	s25 =	sadd.s32 $0x10, s25;
	s5 =	smov.u32 s7;
	s7 =	sadd.s32 $0x10, s7  }
0x254: {  	v9 =	vand.u32 $0x3FFF, v9;
	p3 =	sne.s32 s26, s7;
	[tilespmem:v11+s29+$0x0] =	vst.idx.msk $0xffff, v12  }
0x255: {  	s12 =	simm.s32 @!p4 $0x3;
	[tilespmem:v10+s30+$0x0] =	vst.idx.msk $0xffff, v9  }
0x256: {  	[hbm4b:s6+s8] =	stream.indirect.scatter @!p4 [tilespmem:s3], [sflag:$0x3], $0x80, s13, s8, $0xb8;
	[tilespmem:$0x1CE00] =	vst v63  }
0x257: {  	_ =	swait.ge @!p4 [sflag:s12], $0x4000  }
0x258: {  	[sflag:s12] =	ssyncset.done @!p4 $0x0  }
0x259: {  	[sflag:s12] =	ssyncadd.s32 @!p4 $0xFFFFC000  }
0x25a: {  	[tilespmem:$0x1CD00] =	vst @!p4 v2  }
0x25b: {  	[tilespmem:$0x1CD70] =	vst @!p4 v2  }
0x25c: {  	[tilespmem:$0x1CD60] =	vst @!p4 v2  }
0x25d: {  	[tilespmem:$0x1CD50] =	vst @!p4 v2  }
0x25e: {  	[tilespmem:$0x1CD40] =	vst @!p4 v2  }
0x25f: {  	[tilespmem:$0x1CD30] =	vst @!p4 v2  }
0x260: {  	[tilespmem:$0x1CD20] =	vst @!p4 v2  }
0x261: {  	v10 =	vmov s5;
	[tilespmem:$0x1CD10] =	vst @!p4 v2  }
0x262: {  	vm0 =	vlt.s32 v10, v8;
	v9 =	vld [tilespmem:s25+$0x0]  }
0x263: {  	v10 =	vsel vm0, $0x1, v4  }
0x264: {  	(xrf0) =	vadd.scan.msk.s32 $0xffff, v10;
	_ =	sdelay $0x2  }
0x265: {  	v11 =	vmov s0;
	v10 =	vshra.s32 v9, $0xE  }
0x266: {  	v11 =	vadd.s32 $0xFFFFFFFF, v11;
	v10 =	vsub.s32 v10, v7  }
0x267: {  	v11 =	vbroadcast v11, $0x0;
	vm1 =	vgt.s32 v10, $0x0  }
0x268: {  	v10 =	vnsel vm1, $0x0, v10;
	v12, _, _ =	vpop (xrf0)  }
0x269: {  	v13 =	vmin.u32 v10, $0x3FF;
	v10 =	vadd.s32 v12, v11;
	(v2sf) =	vpush v12, $0xF  }
0x26a: {  	v10 =	vnsel vm0, $0x80, v10;
	v12 =	vand.u32 $0x7F, v13;
	v11 =	vshll.u32 v13, $0x3  }
0x26b: {  	v14 =	vand.u32 $0x1C00, v11;
	v11 =	vshll.u32 v10, $0x7  }
0x26c: {  	v12 =	vor.u32 v12, v14;
	_ =	sdelay $0x4  }
0x26d: {  	v15 =	vld.idx.msk [tilespmem:v12+s20+$0x0], $0xffff  }
0x26e: {  	v16 =	vor.u32 $0x1, v11  }
0x26f: {  	v17 =	vor.u32 $0x80, v12;
	v18 =	vor.u32 $0x100, v12;
	_ =	sdelay $0x3  }
0x270: {  	[tilespmem:v11+s29+$0x0] =	vst.idx.msk $0xffff, v15  }
0x271: {  	v15 =	vld.idx.msk [tilespmem:v17+s20+$0x0], $0xffff;
	s3 =	spop (v2sf)  }
0x272: {  	v17 =	vor.u32 $0x2, v11;
	s0 =	sadd.s32 s0, s3  }
0x273: {  	v19 =	vor.u32 $0x180, v12;
	_ =	sdelay $0x3  }
0x274: {  	[tilespmem:v16+s29+$0x0] =	vst.idx.msk $0xffff, v15  }
0x275: {  	v15 =	vld.idx.msk [tilespmem:v18+s20+$0x0], $0xffff  }
0x276: {  	v16 =	vor.u32 $0x3, v11  }
0x277: {  	v18 =	vor.u32 $0x200, v12;
	_ =	sdelay $0x3  }
0x278: {  	[tilespmem:v17+s29+$0x0] =	vst.idx.msk $0xffff, v15  }
0x279: {  	v15 =	vld.idx.msk [tilespmem:v19+s20+$0x0], $0xffff  }
0x27a: {  	v17 =	vor.u32 $0x4, v11  }
0x27b: {  	v19 =	vor.u32 $0x280, v12;
	_ =	sdelay $0x3  }
0x27c: {  	[tilespmem:v16+s29+$0x0] =	vst.idx.msk $0xffff, v15  }
0x27d: {  	v15 =	vld.idx.msk [tilespmem:v18+s20+$0x0], $0xffff  }
0x27e: {  	v16 =	vor.u32 $0x5, v11  }
0x27f: {  	v18 =	vor.u32 $0x300, v12;
	_ =	sdelay $0x3  }
0x280: {  	[tilespmem:v17+s29+$0x0] =	vst.idx.msk $0xffff, v15  }
0x281: {  	v15 =	vld.idx.msk [tilespmem:v19+s20+$0x0], $0xffff  }
0x282: {  	v13 =	vor.u32 v13, v14;
	v17 =	vor.u32 $0x6, v11  }
0x283: {  	v14 =	vor.u32 $0x380, v13;
	_ =	sdelay $0x3  }
0x284: {  	[tilespmem:v16+s29+$0x0] =	vst.idx.msk $0xffff, v15  }
0x285: {  	v15 =	vld.idx.msk [tilespmem:v18+s20+$0x0], $0xffff  }
0x286: {  	v16 =	vor.u32 $0x7, v11  }
0x287: {  	v18 =	vor.u32 $0x2000, v12;
	_ =	sdelay $0x3  }
0x288: {  	[tilespmem:v17+s29+$0x0] =	vst.idx.msk $0xffff, v15  }
0x289: {  	v14 =	vld.idx.msk [tilespmem:v14+s20+$0x0], $0xffff  }
0x28a: {  	v15 =	vor.u32 $0x8, v11  }
0x28b: {  	v17 =	vor.u32 $0x2080, v12;
	_ =	sdelay $0x3  }
0x28c: {  	[tilespmem:v16+s29+$0x0] =	vst.idx.msk $0xffff, v14  }
0x28d: {  	v14 =	vld.idx.msk [tilespmem:v18+s20+$0x0], $0xffff  }
0x28e: {  	v16 =	vor.u32 $0x9, v11  }
0x28f: {  	v18 =	vor.u32 $0x2100, v12;
	_ =	sdelay $0x3  }
0x290: {  	[tilespmem:v15+s29+$0x0] =	vst.idx.msk $0xffff, v14  }
0x291: {  	v14 =	vld.idx.msk [tilespmem:v17+s20+$0x0], $0xffff  }
0x292: {  	v15 =	vor.u32 $0xA, v11  }
0x293: {  	v17 =	vor.u32 $0x2180, v12;
	_ =	sdelay $0x3  }
0x294: {  	[tilespmem:v16+s29+$0x0] =	vst.idx.msk $0xffff, v14  }
0x295: {  	v14 =	vld.idx.msk [tilespmem:v18+s20+$0x0], $0xffff  }
0x296: {  	v16 =	vor.u32 $0xB, v11  }
0x297: {  	v18 =	vor.u32 $0x2200, v12;
	_ =	sdelay $0x3  }
0x298: {  	[tilespmem:v15+s29+$0x0] =	vst.idx.msk $0xffff, v14  }
0x299: {  	v14 =	vld.idx.msk [tilespmem:v17+s20+$0x0], $0xffff  }
0x29a: {  	v15 =	vor.u32 $0xC, v11  }
0x29b: {  	v17 =	vor.u32 $0x2280, v12;
	_ =	sdelay $0x3  }
0x29c: {  	[tilespmem:v16+s29+$0x0] =	vst.idx.msk $0xffff, v14  }
0x29d: {  	v14 =	vld.idx.msk [tilespmem:v18+s20+$0x0], $0xffff  }
0x29e: {  	v16 =	vor.u32 $0xD, v11  }
0x29f: {  	v18 =	vor.u32 $0x2300, v12;
	_ =	sdelay $0x3  }
0x2a0: {  	[tilespmem:v15+s29+$0x0] =	vst.idx.msk $0xffff, v14  }
0x2a1: {  	v14 =	vld.idx.msk [tilespmem:v17+s20+$0x0], $0xffff  }
0x2a2: {  	v15 =	vor.u32 $0xE, v11  }
0x2a3: {  	v17 =	vor.u32 $0x2380, v13;
	_ =	sdelay $0x3  }
0x2a4: {  	[tilespmem:v16+s29+$0x0] =	vst.idx.msk $0xffff, v14  }
0x2a5: {  	v14 =	vld.idx.msk [tilespmem:v18+s20+$0x0], $0xffff  }
0x2a6: {  	v16 =	vor.u32 $0xF, v11  }
0x2a7: {  	v18 =	vor.u32 $0x4000, v12;
	_ =	sdelay $0x3  }
0x2a8: {  	[tilespmem:v15+s29+$0x0] =	vst.idx.msk $0xffff, v14  }
0x2a9: {  	v14 =	vld.idx.msk [tilespmem:v17+s20+$0x0], $0xffff  }
0x2aa: {  	v15 =	vor.u32 $0x10, v11  }
0x2ab: {  	v17 =	vor.u32 $0x4080, v12;
	_ =	sdelay $0x3  }
0x2ac: {  	[tilespmem:v16+s29+$0x0] =	vst.idx.msk $0xffff, v14  }
0x2ad: {  	v14 =	vld.idx.msk [tilespmem:v18+s20+$0x0], $0xffff  }
0x2ae: {  	v16 =	vor.u32 $0x11, v11  }
0x2af: {  	v18 =	vor.u32 $0x4100, v12;
	_ =	sdelay $0x3  }
0x2b0: {  	[tilespmem:v15+s29+$0x0] =	vst.idx.msk $0xffff, v14  }
0x2b1: {  	v14 =	vld.idx.msk [tilespmem:v17+s20+$0x0], $0xffff  }
0x2b2: {  	v15 =	vor.u32 $0x12, v11  }
0x2b3: {  	v17 =	vor.u32 $0x4180, v12;
	_ =	sdelay $0x3  }
0x2b4: {  	[tilespmem:v16+s29+$0x0] =	vst.idx.msk $0xffff, v14  }
0x2b5: {  	v14 =	vld.idx.msk [tilespmem:v18+s20+$0x0], $0xffff  }
0x2b6: {  	v16 =	vor.u32 $0x13, v11  }
0x2b7: {  	v18 =	vor.u32 $0x4200, v12;
	_ =	sdelay $0x3  }
0x2b8: {  	[tilespmem:v15+s29+$0x0] =	vst.idx.msk $0xffff, v14  }
0x2b9: {  	v14 =	vld.idx.msk [tilespmem:v17+s20+$0x0], $0xffff  }
0x2ba: {  	v15 =	vor.u32 $0x14, v11  }
0x2bb: {  	v17 =	vor.u32 $0x4280, v12;
	_ =	sdelay $0x3  }
0x2bc: {  	[tilespmem:v16+s29+$0x0] =	vst.idx.msk $0xffff, v14  }
0x2bd: {  	v14 =	vld.idx.msk [tilespmem:v18+s20+$0x0], $0xffff  }
0x2be: {  	v16 =	vor.u32 $0x15, v11  }
0x2bf: {  	v18 =	vor.u32 $0x4300, v12;
	_ =	sdelay $0x3  }
0x2c0: {  	[tilespmem:v15+s29+$0x0] =	vst.idx.msk $0xffff, v14  }
0x2c1: {  	v14 =	vld.idx.msk [tilespmem:v17+s20+$0x0], $0xffff  }
0x2c2: {  	v15 =	vor.u32 $0x16, v11  }
0x2c3: {  	v17 =	vor.u32 $0x4380, v13;
	_ =	sdelay $0x3  }
0x2c4: {  	[tilespmem:v16+s29+$0x0] =	vst.idx.msk $0xffff, v14  }
0x2c5: {  	v14 =	vld.idx.msk [tilespmem:v18+s20+$0x0], $0xffff  }
0x2c6: {  	v16 =	vor.u32 $0x17, v11  }
0x2c7: {  	v18 =	vor.u32 $0x6000, v12;
	_ =	sdelay $0x3  }
0x2c8: {  	[tilespmem:v15+s29+$0x0] =	vst.idx.msk $0xffff, v14  }
0x2c9: {  	v14 =	vld.idx.msk [tilespmem:v17+s20+$0x0], $0xffff  }
0x2ca: {  	v15 =	vor.u32 $0x18, v11  }
0x2cb: {  	v17 =	vor.u32 $0x6080, v12;
	_ =	sdelay $0x3  }
0x2cc: {  	[tilespmem:v16+s29+$0x0] =	vst.idx.msk $0xffff, v14  }
0x2cd: {  	v14 =	vld.idx.msk [tilespmem:v18+s20+$0x0], $0xffff  }
0x2ce: {  	v16 =	vor.u32 $0x19, v11  }
0x2cf: {  	v18 =	vor.u32 $0x6100, v12;
	_ =	sdelay $0x3  }
0x2d0: {  	[tilespmem:v15+s29+$0x0] =	vst.idx.msk $0xffff, v14  }
0x2d1: {  	v14 =	vld.idx.msk [tilespmem:v17+s20+$0x0], $0xffff  }
0x2d2: {  	v15 =	vor.u32 $0x1A, v11  }
0x2d3: {  	v17 =	vor.u32 $0x6180, v12;
	_ =	sdelay $0x3  }
0x2d4: {  	[tilespmem:v16+s29+$0x0] =	vst.idx.msk $0xffff, v14  }
0x2d5: {  	v14 =	vld.idx.msk [tilespmem:v18+s20+$0x0], $0xffff  }
0x2d6: {  	v16 =	vor.u32 $0x1B, v11  }
0x2d7: {  	v18 =	vor.u32 $0x6200, v12;
	_ =	sdelay $0x3  }
0x2d8: {  	[tilespmem:v15+s29+$0x0] =	vst.idx.msk $0xffff, v14  }
0x2d9: {  	v14 =	vld.idx.msk [tilespmem:v17+s20+$0x0], $0xffff  }
0x2da: {  	v15 =	vor.u32 $0x1C, v11  }
0x2db: {  	v17 =	vor.u32 $0x6280, v12;
	_ =	sdelay $0x3  }
0x2dc: {  	[tilespmem:v16+s29+$0x0] =	vst.idx.msk $0xffff, v14  }
0x2dd: {  	v14 =	vld.idx.msk [tilespmem:v18+s20+$0x0], $0xffff  }
0x2de: {  	v16 =	vor.u32 $0x1D, v11;
	_ =	sdelay $0x4  }
0x2df: {  	[tilespmem:v15+s29+$0x0] =	vst.idx.msk $0xffff, v14  }
0x2e0: {  	v14 =	vld.idx.msk [tilespmem:v17+s20+$0x0], $0xffff;
	_ =	sdelay $0x1  }
0x2e1: {  	v12 =	vor.u32 $0x6300, v12;
	_ =	sdelay $0x3  }
0x2e2: {  	[tilespmem:v16+s29+$0x0] =	vst.idx.msk $0xffff, v14  }
0x2e3: {  	v12 =	vld.idx.msk [tilespmem:v12+s20+$0x0], $0xffff  }
0x2e4: {  	v14 =	vor.u32 $0x1E, v11  }
0x2e5: {  	v13 =	vor.u32 $0x6380, v13;
	_ =	sdelay $0x1  }
.Ltmp15:
0x2e6: {  	(pc) =	sbr.rel @p3 .LBB2_20-.Ltmp15, $4  }
0x2e7: {  	_ = 	snop  }
0x2e8: {  	p4 =	slt.s32 s0, $0x70;
	[tilespmem:v14+s29+$0x0] =	vst.idx.msk $0xffff, v12  }
0x2e9: {  	s8 =	simm.s32 @!p4 $0x80;
	s13 =	simm.s32 @!p4 $0x1CD00;
	s3 =	simm.s32 @!p4 $0x18900;
	v12 =	vld.idx.msk [tilespmem:v13+s20+$0x0], $0xffff  }
0x2ea: {  	s0 =	simm.s32 @!p4 $0x0;
	v11 =	vor.u32 $0x1F, v11  }
.LBB2_21:
0x2eb: {  	_ =	sdelay $0x3  }
0x2ec: {  	v7 =	vand.u32 $0x3FFF, v9;
	[tilespmem:v11+s29+$0x0] =	vst.idx.msk $0xffff, v12  }
0x2ed: {  	s5 =	simm.s32 @!p4 $0x3;
	[tilespmem:v10+s30+$0x0] =	vst.idx.msk $0xffff, v7  }
0x2ee: {  	[hbm4b:s6+s8] =	stream.indirect.scatter @!p4 [tilespmem:s3], [sflag:$0x3], $0x80, s13, s8, $0xb8;
	[tilespmem:$0x1CE00] =	vst v63  }
0x2ef: {  	_ =	swait.ge @!p4 [sflag:s5], $0x4000  }
0x2f0: {  	[sflag:s5] =	ssyncset.done @!p4 $0x0  }
0x2f1: {  	[sflag:s5] =	ssyncadd.s32 @!p4 $0xFFFFC000  }
0x2f2: {  	[tilespmem:$0x1CD00] =	vst @!p4 v2  }
0x2f3: {  	[tilespmem:$0x1CD70] =	vst @!p4 v2  }
0x2f4: {  	[tilespmem:$0x1CD60] =	vst @!p4 v2  }
0x2f5: {  	[tilespmem:$0x1CD50] =	vst @!p4 v2  }
0x2f6: {  	[tilespmem:$0x1CD40] =	vst @!p4 v2  }
0x2f7: {  	[tilespmem:$0x1CD30] =	vst @!p4 v2  }
0x2f8: {  	[tilespmem:$0x1CD20] =	vst @!p4 v2  }
0x2f9: {  	[tilespmem:$0x1CD10] =	vst @!p4 v2  }
.LBB2_22:
.Ltmp16:
0x2fa: {  	(pc) =	sbr.rel @p2 .LBB2_24-.Ltmp16, $1  }
0x2fb: {  	_ =	sdelay $0x3  }
.Ltmp17:
0x2fc: {  	(pc) =	sbr.rel .LBB2_6-.Ltmp17, $4  }
0x2fd: {  	s3 =	sadd.s32 s16, s10  }
0x2fe: {  	s3 =	sshrl.u32 s3, $0x3  }
0x2ff: {  	s15 =	sadd.s32 $0x1, s15;
	s3 =	sadd.s32 s2, s3  }
0x300: {  	[tilespmem:s20], [sflag:$0x2] =	stream.strided.gather [hbm4b:s3+s17], $0x8000, s18, s17, $0x38;
	[tilespmem:$0x1CE00] =	vst v63  }
.LBB2_24:
0x301: {  	s5 =	simm.s32 $0x0  }
0x302: {  	[tilespmem:s19], [sflag:$0x1] =	stream.linear.gather [hbm4b:s11+s5], $0x1000, $0x38;
	[tilespmem:$0x1CE00] =	vst v63  }
0x303: {  	s3 =	sadd.s32 $0xF4280, s11;
	s7 =	simm.s32 $0xA900  }
0x304: {  	[tilespmem:s7], [sflag:$0x1] =	stream.linear.gather [hbm4b:s3+s5], $0x1000, $0x38;
	[tilespmem:$0x1CE00] =	vst v63  }
0x305: {  	s16 =	sadd.s32 $0x1E8500, s11;
	s25 =	simm.s32 $0xC900  }
0x306: {  	[tilespmem:s25], [sflag:$0x1] =	stream.linear.gather [hbm4b:s16+s5], $0x1000, $0x38;
	[tilespmem:$0x1CE00] =	vst v63  }
.Ltmp18:
0x307: {  	s26 =	sadd.s32 $0x2DC780, s11;
	s28 =	simm.s32 $0xE900;
	(pc) =	sbr.rel @p1 .LBB2_26-.Ltmp18, $4  }
0x308: {  	[tilespmem:s28], [sflag:$0x1] =	stream.linear.gather [hbm4b:s26+s5], $0x1000, $0x38;
	[tilespmem:$0x1CE00] =	vst v63  }
0x309: {  	_ =	swait.ge [sflag:s23], $0x4000  }
0x30a: {  	[sflag:s23] =	ssyncset.done $0x0  }
0x30b: {  	v7 =	vimm.s32 $0x0;
	s8 =	smov.u32 s14;
	s7 =	simm.s32 $0x810;
	[sflag:s23] =	ssyncadd.s32 $0xFFFFC000  }
.LBB2_25:
0x30c: {  	v8 =	vld [tilespmem:s7+$0xFFFFFFF0];
	_ =	sdelay $0x4  }
0x30d: {  	v9 =	vand.u32 $0xFF800000, v8  }
0x30e: {  	vm0 =	veq.s32 v9, $0x1E000000  }
0x30f: {  	v9 =	vsel vm0, $0x1, v4  }
0x310: {  	(xrf0) =	vadd.scan.msk.s32 $0xffff, v9;
	_ =	sdelay $0x5  }
0x311: {  	v9, _, _ =	vpop (xrf0)  }
0x312: {  	v9 =	vadd.s32 v9, v7  }
0x313: {  	v9 =	vadd.s32 $0xFFFFFFFF, v9  }
0x314: {  	v9 =	vnsel vm0, $0x4010, v9;
	_ =	sdelay $0x4  }
0x315: {  	[tilespmem:v9+s31+$0x0] =	vst.idx.msk $0xffff, v8  }
0x316: {  	v8 =	vld [tilespmem:s7+$0x0];
	_ =	sdelay $0x4  }
0x317: {  	v61 =	vand.u32 $0xFF800000, v8  }
0x318: {  	vm1 =	veq.s32 v61, $0x1E000000  }
0x319: {  	v9 =	vsel vm1, $0x1, v4  }
0x31a: {  	(xrf0) =	vadd.scan.msk.s32 $0xffff, v9;
	_ =	sdelay $0x3  }
0x31b: {  	v62 =	vmpcnt.ones.xlane vm0;
	_ =	sdelay $0x1  }
0x31c: {  	v7 =	vadd.s32 v7, v62;
	v63, _, _ =	vpop (xrf0)  }
0x31d: {  	v9 =	vadd.s32 v63, v7  }
0x31e: {  	v9 =	vadd.s32 $0xFFFFFFFF, v9  }
0x31f: {  	p2 =	sne.s32 s8, $0x1;
	v9 =	vnsel vm1, $0x4010, v9  }
.Ltmp19:
0x320: {  	_ = 	snop;
	(pc) =	sbr.rel @p2 .LBB2_25-.Ltmp19, $3  }
0x321: {  	_ = 	snop  }
0x322: {  	v10 =	vmpcnt.ones.xlane vm1;
	_ =	sdelay $0x1  }
0x323: {  	s8 =	sadd.s32 $0xFFFFFFFF, s8;
	s7 =	sadd.s32 $0x20, s7;
	v7 =	vadd.s32 v7, v10;
	[tilespmem:v9+s31+$0x0] =	vst.idx.msk $0xffff, v8  }
.LBB2_26:
0x324: {  	(xrf0) =	vadd.scan.msk.s32 $0xffff, v7;
	_ =	sdelay $0x5  }
0x325: {  	v7, _, _ =	vpop (xrf0)  }
0x326: {  	(v2sf) =	vpush v7, $0xF;
	_ =	sdelay $0xe  }
0x327: {  	s3 =	spop (v2sf)  }
0x328: {  	s3 =	sshrl.u32 s3, $0x4  }
0x329: {  	s5 =	sadd.s32 $0xF, s3  }
0x32a: {  	s7 =	sshrl.u32 s5, $0x4  }
0x32b: {  	p2 =	seq.s32 s7, $0x0  }
.Ltmp20:
0x32c: {  	_ = 	snop;
	(pc) =	sbr.rel @p2 .LBB2_30-.Ltmp20, $1  }
0x32d: {  	_ =	sdelay $0x3  }
0x32e: {  	s15 =	simm.s32 $0x4880  }
0x32f: {  	v8 =	vld [tilespmem:s15+$0x0];
	_ =	sdelay $0x2  }
0x330: {  	s5 =	simm.s32 $0x0  }
0x331: {  	v7 =	vadd.s32 s3, v6;
	v9 =	vmov s5  }
0x332: {  	vm0 =	vlt.s32 v9, v7;
	v9 =	vshra.s32 v8, $0xE  }
0x333: {  	v10 =	vsel vm0, $0x1, v4;
	vm1 =	vgt.s32 v9, $0x7800  }
0x334: {  	(xrf0) =	vadd.scan.msk.s32 $0xffff, v10;
	v9 =	vnsel vm1, $0x7800, v9  }
0x335: {  	v9 =	vmin.u32 v9, $0x79FF  }
0x336: {  	v11 =	vmov s0;
	v10 =	vshll.u32 v9, $0x3  }
0x337: {  	v11 =	vadd.s32 $0xFFFFFFFF, v11;
	v9 =	vand.u32 $0x7F, v9;
	v10 =	vand.u32 $0xC00, v10  }
0x338: {  	v12 =	vor.u32 v9, v10  }
0x339: {  	v9 =	vbroadcast v11, $0x0  }
0x33a: {  	v11, _, _ =	vpop (xrf0)  }
0x33b: {  	v9 =	vadd.s32 v11, v9  }
0x33c: {  	v9 =	vnsel vm0, $0x80, v9  }
0x33d: {  	v10 =	vshll.u32 v9, $0x7;
	v13 =	vld.idx.msk [tilespmem:v12+s19+$0x0], $0xffff  }
0x33e: {  	v14 =	vor.u32 $0x80, v12;
	_ =	sdelay $0x3  }
0x33f: {  	[tilespmem:v10+s29+$0x0] =	vst.idx.msk $0xffff, v13  }
0x340: {  	v54 =	vor.u32 $0x1, v10;
	v14 =	vld.idx.msk [tilespmem:v14+s19+$0x0], $0xffff  }
0x341: {  	v15 =	vor.u32 $0x100, v12;
	_ =	sdelay $0x3  }
0x342: {  	[tilespmem:v54+s29+$0x0] =	vst.idx.msk $0xffff, v14  }
0x343: {  	v55 =	vor.u32 $0x2, v10;
	v14 =	vld.idx.msk [tilespmem:v15+s19+$0x0], $0xffff  }
0x344: {  	v56 =	vor.u32 $0x180, v12;
	_ =	sdelay $0x3  }
0x345: {  	[tilespmem:v55+s29+$0x0] =	vst.idx.msk $0xffff, v14  }
0x346: {  	v57 =	vor.u32 $0x3, v10;
	v14 =	vld.idx.msk [tilespmem:v56+s19+$0x0], $0xffff  }
0x347: {  	v58 =	vor.u32 $0x200, v12;
	_ =	sdelay $0x3  }
0x348: {  	[tilespmem:v57+s29+$0x0] =	vst.idx.msk $0xffff, v14  }
0x349: {  	v59 =	vor.u32 $0x4, v10;
	v14 =	vld.idx.msk [tilespmem:v58+s19+$0x0], $0xffff  }
0x34a: {  	v60 =	vor.u32 $0x280, v12;
	_ =	sdelay $0x3  }
0x34b: {  	[tilespmem:v59+s29+$0x0] =	vst.idx.msk $0xffff, v14  }
0x34c: {  	v61 =	vor.u32 $0x5, v10;
	v14 =	vld.idx.msk [tilespmem:v60+s19+$0x0], $0xffff  }
0x34d: {  	v62 =	vor.u32 $0x300, v12;
	_ =	sdelay $0x3  }
0x34e: {  	[tilespmem:v61+s29+$0x0] =	vst.idx.msk $0xffff, v14  }
0x34f: {  	v63 =	vor.u32 $0x6, v10;
	v14 =	vld.idx.msk [tilespmem:v62+s19+$0x0], $0xffff  }
0x350: {  	v18 =	vor.u32 $0x380, v12;
	_ =	sdelay $0x3  }
0x351: {  	[tilespmem:v63+s29+$0x0] =	vst.idx.msk $0xffff, v14  }
0x352: {  	v19 =	vor.u32 $0x7, v10;
	v14 =	vld.idx.msk [tilespmem:v18+s19+$0x0], $0xffff  }
0x353: {  	v20 =	vor.u32 $0x2000, v12;
	_ =	sdelay $0x3  }
0x354: {  	[tilespmem:v19+s29+$0x0] =	vst.idx.msk $0xffff, v14  }
0x355: {  	v21 =	vor.u32 $0x8, v10;
	v14 =	vld.idx.msk [tilespmem:v20+s19+$0x0], $0xffff  }
0x356: {  	v22 =	vor.u32 $0x2080, v12;
	_ =	sdelay $0x3  }
0x357: {  	[tilespmem:v21+s29+$0x0] =	vst.idx.msk $0xffff, v14  }
0x358: {  	v23 =	vor.u32 $0x9, v10;
	v14 =	vld.idx.msk [tilespmem:v22+s19+$0x0], $0xffff  }
0x359: {  	v24 =	vor.u32 $0x2100, v12;
	_ =	sdelay $0x3  }
0x35a: {  	[tilespmem:v23+s29+$0x0] =	vst.idx.msk $0xffff, v14  }
0x35b: {  	v25 =	vor.u32 $0xA, v10;
	v14 =	vld.idx.msk [tilespmem:v24+s19+$0x0], $0xffff  }
0x35c: {  	v26 =	vor.u32 $0x2180, v12;
	_ =	sdelay $0x3  }
0x35d: {  	[tilespmem:v25+s29+$0x0] =	vst.idx.msk $0xffff, v14  }
0x35e: {  	v27 =	vor.u32 $0xB, v10;
	v14 =	vld.idx.msk [tilespmem:v26+s19+$0x0], $0xffff  }
0x35f: {  	v28 =	vor.u32 $0x2200, v12;
	_ =	sdelay $0x3  }
0x360: {  	[tilespmem:v27+s29+$0x0] =	vst.idx.msk $0xffff, v14  }
0x361: {  	v29 =	vor.u32 $0xC, v10;
	v14 =	vld.idx.msk [tilespmem:v28+s19+$0x0], $0xffff  }
0x362: {  	v30 =	vor.u32 $0x2280, v12;
	_ =	sdelay $0x3  }
0x363: {  	[tilespmem:v29+s29+$0x0] =	vst.idx.msk $0xffff, v14  }
0x364: {  	v31 =	vor.u32 $0xD, v10;
	v14 =	vld.idx.msk [tilespmem:v30+s19+$0x0], $0xffff  }
0x365: {  	v32 =	vor.u32 $0x2300, v12;
	_ =	sdelay $0x3  }
0x366: {  	[tilespmem:v31+s29+$0x0] =	vst.idx.msk $0xffff, v14  }
0x367: {  	v33 =	vor.u32 $0xE, v10;
	v14 =	vld.idx.msk [tilespmem:v32+s19+$0x0], $0xffff  }
0x368: {  	v34 =	vor.u32 $0x2380, v12;
	_ =	sdelay $0x3  }
0x369: {  	[tilespmem:v33+s29+$0x0] =	vst.idx.msk $0xffff, v14  }
0x36a: {  	v35 =	vor.u32 $0xF, v10;
	v14 =	vld.idx.msk [tilespmem:v34+s19+$0x0], $0xffff  }
0x36b: {  	v36 =	vor.u32 $0x4000, v12;
	_ =	sdelay $0x3  }
0x36c: {  	[tilespmem:v35+s29+$0x0] =	vst.idx.msk $0xffff, v14  }
0x36d: {  	v37 =	vor.u32 $0x10, v10;
	v14 =	vld.idx.msk [tilespmem:v36+s19+$0x0], $0xffff  }
0x36e: {  	v38 =	vor.u32 $0x4080, v12;
	_ =	sdelay $0x3  }
0x36f: {  	[tilespmem:v37+s29+$0x0] =	vst.idx.msk $0xffff, v14  }
0x370: {  	v39 =	vor.u32 $0x11, v10;
	v14 =	vld.idx.msk [tilespmem:v38+s19+$0x0], $0xffff  }
0x371: {  	v40 =	vor.u32 $0x4100, v12;
	_ =	sdelay $0x3  }
0x372: {  	[tilespmem:v39+s29+$0x0] =	vst.idx.msk $0xffff, v14  }
0x373: {  	v41 =	vor.u32 $0x12, v10;
	v14 =	vld.idx.msk [tilespmem:v40+s19+$0x0], $0xffff  }
0x374: {  	v42 =	vor.u32 $0x4180, v12;
	_ =	sdelay $0x3  }
0x375: {  	[tilespmem:v41+s29+$0x0] =	vst.idx.msk $0xffff, v14  }
0x376: {  	v43 =	vor.u32 $0x13, v10;
	v14 =	vld.idx.msk [tilespmem:v42+s19+$0x0], $0xffff  }
0x377: {  	v44 =	vor.u32 $0x4200, v12;
	_ =	sdelay $0x3  }
0x378: {  	[tilespmem:v43+s29+$0x0] =	vst.idx.msk $0xffff, v14  }
0x379: {  	v45 =	vor.u32 $0x14, v10;
	v14 =	vld.idx.msk [tilespmem:v44+s19+$0x0], $0xffff  }
0x37a: {  	v46 =	vor.u32 $0x4280, v12;
	_ =	sdelay $0x3  }
0x37b: {  	[tilespmem:v45+s29+$0x0] =	vst.idx.msk $0xffff, v14  }
0x37c: {  	v47 =	vor.u32 $0x15, v10;
	v14 =	vld.idx.msk [tilespmem:v46+s19+$0x0], $0xffff  }
0x37d: {  	v48 =	vor.u32 $0x4300, v12;
	_ =	sdelay $0x3  }
0x37e: {  	[tilespmem:v47+s29+$0x0] =	vst.idx.msk $0xffff, v14  }
0x37f: {  	v49 =	vor.u32 $0x16, v10;
	v14 =	vld.idx.msk [tilespmem:v48+s19+$0x0], $0xffff  }
0x380: {  	v50 =	vor.u32 $0x4380, v12;
	_ =	sdelay $0x3  }
0x381: {  	[tilespmem:v49+s29+$0x0] =	vst.idx.msk $0xffff, v14  }
0x382: {  	v51 =	vor.u32 $0x17, v10;
	v14 =	vld.idx.msk [tilespmem:v50+s19+$0x0], $0xffff  }
0x383: {  	v52 =	vor.u32 $0x6000, v12;
	_ =	sdelay $0x3  }
0x384: {  	[tilespmem:v51+s29+$0x0] =	vst.idx.msk $0xffff, v14  }
0x385: {  	v53 =	vor.u32 $0x18, v10;
	v14 =	vld.idx.msk [tilespmem:v52+s19+$0x0], $0xffff  }
0x386: {  	v54 =	vor.u32 $0x6080, v12;
	_ =	sdelay $0x3  }
0x387: {  	[tilespmem:v53+s29+$0x0] =	vst.idx.msk $0xffff, v14  }
0x388: {  	v55 =	vor.u32 $0x19, v10;
	v14 =	vld.idx.msk [tilespmem:v54+s19+$0x0], $0xffff  }
0x389: {  	v56 =	vor.u32 $0x6100, v12;
	_ =	sdelay $0x3  }
0x38a: {  	[tilespmem:v55+s29+$0x0] =	vst.idx.msk $0xffff, v14  }
0x38b: {  	v57 =	vor.u32 $0x1A, v10;
	v14 =	vld.idx.msk [tilespmem:v56+s19+$0x0], $0xffff  }
0x38c: {  	v58 =	vor.u32 $0x6180, v12;
	_ =	sdelay $0x3  }
0x38d: {  	[tilespmem:v57+s29+$0x0] =	vst.idx.msk $0xffff, v14  }
0x38e: {  	v59 =	vor.u32 $0x1B, v10;
	v14 =	vld.idx.msk [tilespmem:v58+s19+$0x0], $0xffff  }
0x38f: {  	v60 =	vor.u32 $0x6200, v12;
	_ =	sdelay $0x3  }
0x390: {  	(v2sf) =	vpush v11, $0xF;
	[tilespmem:v59+s29+$0x0] =	vst.idx.msk $0xffff, v14  }
0x391: {  	v11 =	vor.u32 $0x1C, v10;
	v13 =	vld.idx.msk [tilespmem:v60+s19+$0x0], $0xffff  }
0x392: {  	v61 =	vor.u32 $0x6280, v12;
	_ =	sdelay $0x3  }
0x393: {  	[tilespmem:v11+s29+$0x0] =	vst.idx.msk $0xffff, v13  }
0x394: {  	v11 =	vor.u32 $0x1D, v10;
	v13 =	vld.idx.msk [tilespmem:v61+s19+$0x0], $0xffff  }
0x395: {  	v62 =	vor.u32 $0x6300, v12;
	_ =	sdelay $0x3  }
0x396: {  	[tilespmem:v11+s29+$0x0] =	vst.idx.msk $0xffff, v13  }
0x397: {  	s7 =	sshll.u32 s7, $0x4;
	v63 =	vor.u32 $0x1E, v10;
	v11 =	vld.idx.msk [tilespmem:v62+s19+$0x0], $0xffff  }
0x398: {  	p2 =	sne.s32 s7, $0x10;
	v12 =	vor.u32 $0x6380, v12  }
.Ltmp21:
0x399: {  	s28 =	spop (v2sf);
	(pc) =	sbr.rel @!p2 .LBB2_29-.Ltmp21, $4  }
0x39a: {  	s0 =	sadd.s32 s0, s28  }
0x39b: {  	p3 =	slt.s32 s0, $0x70  }
0x39c: {  	s16 =	simm.s32 $0x10;
	s8 =	simm.s32 @!p3 $0x80;
	[tilespmem:v63+s29+$0x0] =	vst.idx.msk $0xffff, v11  }
0x39d: {  	s13 =	simm.s32 @!p3 $0x1CD00;
	s3 =	simm.s32 @!p3 $0x18900;
	s0 =	simm.s32 @!p3 $0x0;
	v10 =	vor.u32 $0x1F, v10;
	v11 =	vld.idx.msk [tilespmem:v12+s19+$0x0], $0xffff  }
.LBB2_28:
0x39e: {  	_ =	sdelay $0x2  }
0x39f: {  	s15 =	sadd.s32 $0x10, s15;
	s5 =	smov.u32 s16;
	s16 =	sadd.s32 $0x10, s16  }
0x3a0: {  	v8 =	vand.u32 $0x3FFF, v8;
	p2 =	sne.s32 s7, s16;
	[tilespmem:v10+s29+$0x0] =	vst.idx.msk $0xffff, v11  }
0x3a1: {  	s12 =	simm.s32 @!p3 $0x3;
	[tilespmem:v9+s30+$0x0] =	vst.idx.msk $0xffff, v8  }
0x3a2: {  	[hbm4b:s6+s8] =	stream.indirect.scatter @!p3 [tilespmem:s3], [sflag:$0x3], $0x80, s13, s8, $0xb8;
	[tilespmem:$0x1CE00] =	vst v63  }
0x3a3: {  	_ =	swait.ge @!p3 [sflag:s12], $0x4000  }
0x3a4: {  	[sflag:s12] =	ssyncset.done @!p3 $0x0  }
0x3a5: {  	[sflag:s12] =	ssyncadd.s32 @!p3 $0xFFFFC000  }
0x3a6: {  	[tilespmem:$0x1CD00] =	vst @!p3 v2  }
0x3a7: {  	[tilespmem:$0x1CD70] =	vst @!p3 v2  }
0x3a8: {  	[tilespmem:$0x1CD60] =	vst @!p3 v2  }
0x3a9: {  	[tilespmem:$0x1CD50] =	vst @!p3 v2  }
0x3aa: {  	[tilespmem:$0x1CD40] =	vst @!p3 v2  }
0x3ab: {  	[tilespmem:$0x1CD30] =	vst @!p3 v2  }
0x3ac: {  	v8 =	vmov s5;
	[tilespmem:$0x1CD20] =	vst @!p3 v2  }
0x3ad: {  	vm0 =	vlt.s32 v8, v7;
	[tilespmem:$0x1CD10] =	vst @!p3 v2  }
0x3ae: {  	v9 =	vsel vm0, $0x1, v4;
	v8 =	vld [tilespmem:s15+$0x0]  }
0x3af: {  	(xrf0) =	vadd.scan.msk.s32 $0xffff, v9;
	_ =	sdelay $0x2  }
0x3b0: {  	v9 =	vmov s0  }
0x3b1: {  	v9 =	vadd.s32 $0xFFFFFFFF, v9;
	v10 =	vshra.s32 v8, $0xE  }
0x3b2: {  	v9 =	vbroadcast v9, $0x0;
	vm1 =	vgt.s32 v10, $0x7800  }
0x3b3: {  	v10 =	vnsel vm1, $0x7800, v10;
	v11, _, _ =	vpop (xrf0)  }
0x3b4: {  	v10 =	vmin.u32 v10, $0x79FF;
	v9 =	vadd.s32 v11, v9;
	(v2sf) =	vpush v11, $0xF  }
0x3b5: {  	v9 =	vnsel vm0, $0x80, v9;
	v11 =	vand.u32 $0x7F, v10;
	v10 =	vshll.u32 v10, $0x3  }
0x3b6: {  	v12 =	vand.u32 $0xC00, v10;
	v10 =	vshll.u32 v9, $0x7  }
0x3b7: {  	v11 =	vor.u32 v11, v12;
	_ =	sdelay $0x4  }
0x3b8: {  	v12 =	vld.idx.msk [tilespmem:v11+s19+$0x0], $0xffff  }
0x3b9: {  	v13 =	vor.u32 $0x1, v10  }
0x3ba: {  	v14 =	vor.u32 $0x80, v11;
	v15 =	vor.u32 $0x100, v11;
	_ =	sdelay $0x3  }
0x3bb: {  	[tilespmem:v10+s29+$0x0] =	vst.idx.msk $0xffff, v12  }
0x3bc: {  	v12 =	vld.idx.msk [tilespmem:v14+s19+$0x0], $0xffff;
	s3 =	spop (v2sf)  }
0x3bd: {  	v14 =	vor.u32 $0x2, v10;
	s0 =	sadd.s32 s0, s3  }
0x3be: {  	v16 =	vor.u32 $0x180, v11;
	_ =	sdelay $0x3  }
0x3bf: {  	[tilespmem:v13+s29+$0x0] =	vst.idx.msk $0xffff, v12  }
0x3c0: {  	v12 =	vld.idx.msk [tilespmem:v15+s19+$0x0], $0xffff  }
0x3c1: {  	v13 =	vor.u32 $0x3, v10  }
0x3c2: {  	v15 =	vor.u32 $0x200, v11;
	_ =	sdelay $0x3  }
0x3c3: {  	[tilespmem:v14+s29+$0x0] =	vst.idx.msk $0xffff, v12  }
0x3c4: {  	v12 =	vld.idx.msk [tilespmem:v16+s19+$0x0], $0xffff  }
0x3c5: {  	v14 =	vor.u32 $0x4, v10  }
0x3c6: {  	v16 =	vor.u32 $0x280, v11;
	_ =	sdelay $0x3  }
0x3c7: {  	[tilespmem:v13+s29+$0x0] =	vst.idx.msk $0xffff, v12  }
0x3c8: {  	v12 =	vld.idx.msk [tilespmem:v15+s19+$0x0], $0xffff  }
0x3c9: {  	v13 =	vor.u32 $0x5, v10  }
0x3ca: {  	v15 =	vor.u32 $0x300, v11;
	_ =	sdelay $0x3  }
0x3cb: {  	[tilespmem:v14+s29+$0x0] =	vst.idx.msk $0xffff, v12  }
0x3cc: {  	v12 =	vld.idx.msk [tilespmem:v16+s19+$0x0], $0xffff  }
0x3cd: {  	v14 =	vor.u32 $0x6, v10  }
0x3ce: {  	v16 =	vor.u32 $0x380, v11;
	_ =	sdelay $0x3  }
0x3cf: {  	[tilespmem:v13+s29+$0x0] =	vst.idx.msk $0xffff, v12  }
0x3d0: {  	v12 =	vld.idx.msk [tilespmem:v15+s19+$0x0], $0xffff  }
0x3d1: {  	v13 =	vor.u32 $0x7, v10  }
0x3d2: {  	v15 =	vor.u32 $0x2000, v11;
	_ =	sdelay $0x3  }
0x3d3: {  	[tilespmem:v14+s29+$0x0] =	vst.idx.msk $0xffff, v12  }
0x3d4: {  	v12 =	vld.idx.msk [tilespmem:v16+s19+$0x0], $0xffff  }
0x3d5: {  	v14 =	vor.u32 $0x8, v10  }
0x3d6: {  	v16 =	vor.u32 $0x2080, v11;
	_ =	sdelay $0x3  }
0x3d7: {  	[tilespmem:v13+s29+$0x0] =	vst.idx.msk $0xffff, v12  }
0x3d8: {  	v12 =	vld.idx.msk [tilespmem:v15+s19+$0x0], $0xffff  }
0x3d9: {  	v13 =	vor.u32 $0x9, v10  }
0x3da: {  	v15 =	vor.u32 $0x2100, v11;
	_ =	sdelay $0x3  }
0x3db: {  	[tilespmem:v14+s29+$0x0] =	vst.idx.msk $0xffff, v12  }
0x3dc: {  	v12 =	vld.idx.msk [tilespmem:v16+s19+$0x0], $0xffff  }
0x3dd: {  	v14 =	vor.u32 $0xA, v10  }
0x3de: {  	v16 =	vor.u32 $0x2180, v11;
	_ =	sdelay $0x3  }
0x3df: {  	[tilespmem:v13+s29+$0x0] =	vst.idx.msk $0xffff, v12  }
0x3e0: {  	v12 =	vld.idx.msk [tilespmem:v15+s19+$0x0], $0xffff  }
0x3e1: {  	v13 =	vor.u32 $0xB, v10  }
0x3e2: {  	v15 =	vor.u32 $0x2200, v11;
	_ =	sdelay $0x3  }
0x3e3: {  	[tilespmem:v14+s29+$0x0] =	vst.idx.msk $0xffff, v12  }
0x3e4: {  	v12 =	vld.idx.msk [tilespmem:v16+s19+$0x0], $0xffff  }
0x3e5: {  	v14 =	vor.u32 $0xC, v10  }
0x3e6: {  	v16 =	vor.u32 $0x2280, v11;
	_ =	sdelay $0x3  }
0x3e7: {  	[tilespmem:v13+s29+$0x0] =	vst.idx.msk $0xffff, v12  }
0x3e8: {  	v12 =	vld.idx.msk [tilespmem:v15+s19+$0x0], $0xffff  }
0x3e9: {  	v13 =	vor.u32 $0xD, v10  }
0x3ea: {  	v15 =	vor.u32 $0x2300, v11;
	_ =	sdelay $0x3  }
0x3eb: {  	[tilespmem:v14+s29+$0x0] =	vst.idx.msk $0xffff, v12  }
0x3ec: {  	v12 =	vld.idx.msk [tilespmem:v16+s19+$0x0], $0xffff  }
0x3ed: {  	v14 =	vor.u32 $0xE, v10  }
0x3ee: {  	v16 =	vor.u32 $0x2380, v11;
	_ =	sdelay $0x3  }
0x3ef: {  	[tilespmem:v13+s29+$0x0] =	vst.idx.msk $0xffff, v12  }
0x3f0: {  	v12 =	vld.idx.msk [tilespmem:v15+s19+$0x0], $0xffff  }
0x3f1: {  	v13 =	vor.u32 $0xF, v10  }
0x3f2: {  	v15 =	vor.u32 $0x4000, v11;
	_ =	sdelay $0x3  }
0x3f3: {  	[tilespmem:v14+s29+$0x0] =	vst.idx.msk $0xffff, v12  }
0x3f4: {  	v12 =	vld.idx.msk [tilespmem:v16+s19+$0x0], $0xffff  }
0x3f5: {  	v14 =	vor.u32 $0x10, v10  }
0x3f6: {  	v16 =	vor.u32 $0x4080, v11;
	_ =	sdelay $0x3  }
0x3f7: {  	[tilespmem:v13+s29+$0x0] =	vst.idx.msk $0xffff, v12  }
0x3f8: {  	v12 =	vld.idx.msk [tilespmem:v15+s19+$0x0], $0xffff  }
0x3f9: {  	v13 =	vor.u32 $0x11, v10  }
0x3fa: {  	v15 =	vor.u32 $0x4100, v11;
	_ =	sdelay $0x3  }
0x3fb: {  	[tilespmem:v14+s29+$0x0] =	vst.idx.msk $0xffff, v12  }
0x3fc: {  	v12 =	vld.idx.msk [tilespmem:v16+s19+$0x0], $0xffff  }
0x3fd: {  	v14 =	vor.u32 $0x12, v10  }
0x3fe: {  	v16 =	vor.u32 $0x4180, v11;
	_ =	sdelay $0x3  }
0x3ff: {  	[tilespmem:v13+s29+$0x0] =	vst.idx.msk $0xffff, v12  }
0x400: {  	v12 =	vld.idx.msk [tilespmem:v15+s19+$0x0], $0xffff  }
0x401: {  	v13 =	vor.u32 $0x13, v10  }
0x402: {  	v15 =	vor.u32 $0x4200, v11;
	_ =	sdelay $0x3  }
0x403: {  	[tilespmem:v14+s29+$0x0] =	vst.idx.msk $0xffff, v12  }
0x404: {  	v12 =	vld.idx.msk [tilespmem:v16+s19+$0x0], $0xffff  }
0x405: {  	v14 =	vor.u32 $0x14, v10  }
0x406: {  	v16 =	vor.u32 $0x4280, v11;
	_ =	sdelay $0x3  }
0x407: {  	[tilespmem:v13+s29+$0x0] =	vst.idx.msk $0xffff, v12  }
0x408: {  	v12 =	vld.idx.msk [tilespmem:v15+s19+$0x0], $0xffff  }
0x409: {  	v13 =	vor.u32 $0x15, v10  }
0x40a: {  	v15 =	vor.u32 $0x4300, v11;
	_ =	sdelay $0x3  }
0x40b: {  	[tilespmem:v14+s29+$0x0] =	vst.idx.msk $0xffff, v12  }
0x40c: {  	v12 =	vld.idx.msk [tilespmem:v16+s19+$0x0], $0xffff  }
0x40d: {  	v14 =	vor.u32 $0x16, v10  }
0x40e: {  	v16 =	vor.u32 $0x4380, v11;
	_ =	sdelay $0x3  }
0x40f: {  	[tilespmem:v13+s29+$0x0] =	vst.idx.msk $0xffff, v12  }
0x410: {  	v12 =	vld.idx.msk [tilespmem:v15+s19+$0x0], $0xffff  }
0x411: {  	v13 =	vor.u32 $0x17, v10  }
0x412: {  	v15 =	vor.u32 $0x6000, v11;
	_ =	sdelay $0x3  }
0x413: {  	[tilespmem:v14+s29+$0x0] =	vst.idx.msk $0xffff, v12  }
0x414: {  	v12 =	vld.idx.msk [tilespmem:v16+s19+$0x0], $0xffff  }
0x415: {  	v14 =	vor.u32 $0x18, v10  }
0x416: {  	v16 =	vor.u32 $0x6080, v11;
	_ =	sdelay $0x3  }
0x417: {  	[tilespmem:v13+s29+$0x0] =	vst.idx.msk $0xffff, v12  }
0x418: {  	v12 =	vld.idx.msk [tilespmem:v15+s19+$0x0], $0xffff  }
0x419: {  	v13 =	vor.u32 $0x19, v10  }
0x41a: {  	v15 =	vor.u32 $0x6100, v11;
	_ =	sdelay $0x3  }
0x41b: {  	[tilespmem:v14+s29+$0x0] =	vst.idx.msk $0xffff, v12  }
0x41c: {  	v12 =	vld.idx.msk [tilespmem:v16+s19+$0x0], $0xffff  }
0x41d: {  	v14 =	vor.u32 $0x1A, v10  }
0x41e: {  	v16 =	vor.u32 $0x6180, v11;
	_ =	sdelay $0x3  }
0x41f: {  	[tilespmem:v13+s29+$0x0] =	vst.idx.msk $0xffff, v12  }
0x420: {  	v12 =	vld.idx.msk [tilespmem:v15+s19+$0x0], $0xffff  }
0x421: {  	v13 =	vor.u32 $0x1B, v10  }
0x422: {  	v15 =	vor.u32 $0x6200, v11;
	_ =	sdelay $0x3  }
0x423: {  	[tilespmem:v14+s29+$0x0] =	vst.idx.msk $0xffff, v12  }
0x424: {  	v12 =	vld.idx.msk [tilespmem:v16+s19+$0x0], $0xffff  }
0x425: {  	v14 =	vor.u32 $0x1C, v10  }
0x426: {  	v16 =	vor.u32 $0x6280, v11;
	_ =	sdelay $0x3  }
0x427: {  	[tilespmem:v13+s29+$0x0] =	vst.idx.msk $0xffff, v12  }
0x428: {  	v12 =	vld.idx.msk [tilespmem:v15+s19+$0x0], $0xffff  }
0x429: {  	v13 =	vor.u32 $0x1D, v10;
	_ =	sdelay $0x4  }
0x42a: {  	[tilespmem:v14+s29+$0x0] =	vst.idx.msk $0xffff, v12  }
0x42b: {  	v12 =	vld.idx.msk [tilespmem:v16+s19+$0x0], $0xffff;
	_ =	sdelay $0x1  }
0x42c: {  	v14 =	vor.u32 $0x6300, v11;
	_ =	sdelay $0x3  }
0x42d: {  	[tilespmem:v13+s29+$0x0] =	vst.idx.msk $0xffff, v12  }
0x42e: {  	v12 =	vld.idx.msk [tilespmem:v14+s19+$0x0], $0xffff  }
0x42f: {  	v13 =	vor.u32 $0x1E, v10  }
0x430: {  	v11 =	vor.u32 $0x6380, v11;
	_ =	sdelay $0x1  }
.Ltmp22:
0x431: {  	(pc) =	sbr.rel @p2 .LBB2_28-.Ltmp22, $4  }
0x432: {  	_ = 	snop  }
0x433: {  	p3 =	slt.s32 s0, $0x70;
	[tilespmem:v13+s29+$0x0] =	vst.idx.msk $0xffff, v12  }
0x434: {  	s8 =	simm.s32 @!p3 $0x80;
	s13 =	simm.s32 @!p3 $0x1CD00;
	s3 =	simm.s32 @!p3 $0x18900;
	v11 =	vld.idx.msk [tilespmem:v11+s19+$0x0], $0xffff  }
0x435: {  	s0 =	simm.s32 @!p3 $0x0;
	v10 =	vor.u32 $0x1F, v10  }
.LBB2_29:
0x436: {  	_ =	sdelay $0x3  }
0x437: {  	v7 =	vand.u32 $0x3FFF, v8;
	[tilespmem:v10+s29+$0x0] =	vst.idx.msk $0xffff, v11  }
0x438: {  	s5 =	simm.s32 @!p3 $0x3;
	[tilespmem:v9+s30+$0x0] =	vst.idx.msk $0xffff, v7  }
0x439: {  	[hbm4b:s6+s8] =	stream.indirect.scatter @!p3 [tilespmem:s3], [sflag:$0x3], $0x80, s13, s8, $0xb8;
	[tilespmem:$0x1CE00] =	vst v63  }
0x43a: {  	_ =	swait.ge @!p3 [sflag:s5], $0x4000  }
0x43b: {  	[sflag:s5] =	ssyncset.done @!p3 $0x0  }
0x43c: {  	[sflag:s5] =	ssyncadd.s32 @!p3 $0xFFFFC000  }
0x43d: {  	[tilespmem:$0x1CD00] =	vst @!p3 v2  }
0x43e: {  	[tilespmem:$0x1CD70] =	vst @!p3 v2  }
0x43f: {  	[tilespmem:$0x1CD60] =	vst @!p3 v2  }
0x440: {  	[tilespmem:$0x1CD50] =	vst @!p3 v2  }
0x441: {  	[tilespmem:$0x1CD40] =	vst @!p3 v2  }
0x442: {  	[tilespmem:$0x1CD30] =	vst @!p3 v2  }
0x443: {  	[tilespmem:$0x1CD20] =	vst @!p3 v2  }
0x444: {  	[tilespmem:$0x1CD10] =	vst @!p3 v2  }
.LBB2_30:
.Ltmp23:
0x445: {  	(pc) =	sbr.rel @p0 .LBB2_43-.Ltmp23, $1  }
0x446: {  	_ =	sdelay $0x3  }
0x447: {  	s5 =	simm.s32 $0x0;
	s7 =	rddreg [dreg:$0x7]  }
0x448: {  	[tilespmem:s19], [sflag:$0x1] =	stream.linear.gather [hbm4b:s7+s5], $0x1000, $0x38;
	[tilespmem:$0x1CE00] =	vst v63  }
0x449: {  	s8 =	simm.s32 $0xA900;
	s3 =	sadd.s32 $0xF4280, s7  }
0x44a: {  	[tilespmem:s8], [sflag:$0x1] =	stream.linear.gather [hbm4b:s3+s5], $0x1000, $0x38;
	[tilespmem:$0x1CE00] =	vst v63  }
0x44b: {  	s25 =	simm.s32 $0xC900;
	s16 =	sadd.s32 $0x1E8500, s7  }
0x44c: {  	[tilespmem:s25], [sflag:$0x1] =	stream.linear.gather [hbm4b:s16+s5], $0x1000, $0x38;
	[tilespmem:$0x1CE00] =	vst v63  }
.Ltmp24:
0x44d: {  	s28 =	simm.s32 $0xE900;
	s26 =	sadd.s32 $0x2DC780, s7;
	(pc) =	sbr.rel @p1 .LBB2_33-.Ltmp24, $4  }
0x44e: {  	[tilespmem:s28], [sflag:$0x1] =	stream.linear.gather [hbm4b:s26+s5], $0x1000, $0x38;
	[tilespmem:$0x1CE00] =	vst v63  }
0x44f: {  	_ =	swait.ge [sflag:s23], $0x4000  }
0x450: {  	[sflag:s23] =	ssyncset.done $0x0  }
0x451: {  	v7 =	vimm.s32 $0x0;
	s7 =	simm.s32 $0x810;
	s8 =	smov.u32 s14;
	[sflag:s23] =	ssyncadd.s32 $0xFFFFC000  }
.LBB2_32:
0x452: {  	v8 =	vld [tilespmem:s7+$0xFFFFFFF0];
	_ =	sdelay $0x4  }
0x453: {  	v9 =	vand.u32 $0xFF800000, v8  }
0x454: {  	vm0 =	veq.s32 v9, $0x1E800000  }
0x455: {  	v9 =	vsel vm0, $0x1, v4  }
0x456: {  	(xrf0) =	vadd.scan.msk.s32 $0xffff, v9;
	_ =	sdelay $0x5  }
0x457: {  	v9, _, _ =	vpop (xrf0)  }
0x458: {  	v9 =	vadd.s32 v9, v7  }
0x459: {  	v9 =	vadd.s32 $0xFFFFFFFF, v9  }
0x45a: {  	v9 =	vnsel vm0, $0x4010, v9;
	_ =	sdelay $0x4  }
0x45b: {  	[tilespmem:v9+s31+$0x0] =	vst.idx.msk $0xffff, v8  }
0x45c: {  	v8 =	vld [tilespmem:s7+$0x0];
	_ =	sdelay $0x4  }
0x45d: {  	v61 =	vand.u32 $0xFF800000, v8  }
0x45e: {  	vm1 =	veq.s32 v61, $0x1E800000  }
0x45f: {  	v9 =	vsel vm1, $0x1, v4  }
0x460: {  	(xrf0) =	vadd.scan.msk.s32 $0xffff, v9;
	_ =	sdelay $0x3  }
0x461: {  	v62 =	vmpcnt.ones.xlane vm0;
	_ =	sdelay $0x1  }
0x462: {  	v7 =	vadd.s32 v7, v62;
	v63, _, _ =	vpop (xrf0)  }
0x463: {  	v9 =	vadd.s32 v63, v7  }
0x464: {  	v9 =	vadd.s32 $0xFFFFFFFF, v9  }
0x465: {  	p2 =	sne.s32 s8, $0x1;
	v9 =	vnsel vm1, $0x4010, v9  }
.Ltmp25:
0x466: {  	_ = 	snop;
	(pc) =	sbr.rel @p2 .LBB2_32-.Ltmp25, $3  }
0x467: {  	_ = 	snop  }
0x468: {  	v10 =	vmpcnt.ones.xlane vm1;
	_ =	sdelay $0x1  }
0x469: {  	s8 =	sadd.s32 $0xFFFFFFFF, s8;
	s7 =	sadd.s32 $0x20, s7;
	v7 =	vadd.s32 v7, v10;
	[tilespmem:v9+s31+$0x0] =	vst.idx.msk $0xffff, v8  }
.LBB2_33:
0x46a: {  	(xrf0) =	vadd.scan.msk.s32 $0xffff, v7;
	_ =	sdelay $0x5  }
0x46b: {  	v7, _, _ =	vpop (xrf0)  }
0x46c: {  	(v2sf) =	vpush v7, $0xF;
	_ =	sdelay $0xe  }
0x46d: {  	s3 =	spop (v2sf)  }
0x46e: {  	s3 =	sshrl.u32 s3, $0x4  }
0x46f: {  	s5 =	sadd.s32 $0xF, s3  }
0x470: {  	s7 =	sshrl.u32 s5, $0x4  }
0x471: {  	p2 =	seq.s32 s7, $0x0  }
.Ltmp26:
0x472: {  	_ = 	snop;
	(pc) =	sbr.rel @p2 .LBB2_37-.Ltmp26, $1  }
0x473: {  	_ =	sdelay $0x3  }
0x474: {  	s15 =	simm.s32 $0x4880  }
0x475: {  	v8 =	vld [tilespmem:s15+$0x0];
	_ =	sdelay $0x2  }
0x476: {  	s5 =	simm.s32 $0x0  }
0x477: {  	v7 =	vadd.s32 s3, v6;
	v9 =	vmov s5  }
0x478: {  	vm0 =	vlt.s32 v9, v7;
	v9 =	vshra.s32 v8, $0xE  }
0x479: {  	v10 =	vsel vm0, $0x1, v4;
	vm1 =	vgt.s32 v9, $0x7A00  }
0x47a: {  	(xrf0) =	vadd.scan.msk.s32 $0xffff, v10;
	v9 =	vnsel vm1, $0x7A00, v9  }
0x47b: {  	v9 =	vmin.u32 v9, $0x7BFF  }
0x47c: {  	v11 =	vmov s0;
	v10 =	vshll.u32 v9, $0x3  }
0x47d: {  	v11 =	vadd.s32 $0xFFFFFFFF, v11;
	v9 =	vand.u32 $0x7F, v9;
	v10 =	vand.u32 $0xC00, v10  }
0x47e: {  	v12 =	vor.u32 v9, v10  }
0x47f: {  	v9 =	vbroadcast v11, $0x0  }
0x480: {  	v11, _, _ =	vpop (xrf0)  }
0x481: {  	v9 =	vadd.s32 v11, v9  }
0x482: {  	v9 =	vnsel vm0, $0x80, v9  }
0x483: {  	v10 =	vshll.u32 v9, $0x7;
	v13 =	vld.idx.msk [tilespmem:v12+s19+$0x0], $0xffff  }
0x484: {  	v14 =	vor.u32 $0x80, v12;
	_ =	sdelay $0x3  }
0x485: {  	[tilespmem:v10+s29+$0x0] =	vst.idx.msk $0xffff, v13  }
0x486: {  	v54 =	vor.u32 $0x1, v10;
	v14 =	vld.idx.msk [tilespmem:v14+s19+$0x0], $0xffff  }
0x487: {  	v15 =	vor.u32 $0x100, v12;
	_ =	sdelay $0x3  }
0x488: {  	[tilespmem:v54+s29+$0x0] =	vst.idx.msk $0xffff, v14  }
0x489: {  	v55 =	vor.u32 $0x2, v10;
	v14 =	vld.idx.msk [tilespmem:v15+s19+$0x0], $0xffff  }
0x48a: {  	v56 =	vor.u32 $0x180, v12;
	_ =	sdelay $0x3  }
0x48b: {  	[tilespmem:v55+s29+$0x0] =	vst.idx.msk $0xffff, v14  }
0x48c: {  	v57 =	vor.u32 $0x3, v10;
	v14 =	vld.idx.msk [tilespmem:v56+s19+$0x0], $0xffff  }
0x48d: {  	v58 =	vor.u32 $0x200, v12;
	_ =	sdelay $0x3  }
0x48e: {  	[tilespmem:v57+s29+$0x0] =	vst.idx.msk $0xffff, v14  }
0x48f: {  	v59 =	vor.u32 $0x4, v10;
	v14 =	vld.idx.msk [tilespmem:v58+s19+$0x0], $0xffff  }
0x490: {  	v60 =	vor.u32 $0x280, v12;
	_ =	sdelay $0x3  }
0x491: {  	[tilespmem:v59+s29+$0x0] =	vst.idx.msk $0xffff, v14  }
0x492: {  	v61 =	vor.u32 $0x5, v10;
	v14 =	vld.idx.msk [tilespmem:v60+s19+$0x0], $0xffff  }
0x493: {  	v62 =	vor.u32 $0x300, v12;
	_ =	sdelay $0x3  }
0x494: {  	[tilespmem:v61+s29+$0x0] =	vst.idx.msk $0xffff, v14  }
0x495: {  	v63 =	vor.u32 $0x6, v10;
	v14 =	vld.idx.msk [tilespmem:v62+s19+$0x0], $0xffff  }
0x496: {  	v18 =	vor.u32 $0x380, v12;
	_ =	sdelay $0x3  }
0x497: {  	[tilespmem:v63+s29+$0x0] =	vst.idx.msk $0xffff, v14  }
0x498: {  	v19 =	vor.u32 $0x7, v10;
	v14 =	vld.idx.msk [tilespmem:v18+s19+$0x0], $0xffff  }
0x499: {  	v20 =	vor.u32 $0x2000, v12;
	_ =	sdelay $0x3  }
0x49a: {  	[tilespmem:v19+s29+$0x0] =	vst.idx.msk $0xffff, v14  }
0x49b: {  	v21 =	vor.u32 $0x8, v10;
	v14 =	vld.idx.msk [tilespmem:v20+s19+$0x0], $0xffff  }
0x49c: {  	v22 =	vor.u32 $0x2080, v12;
	_ =	sdelay $0x3  }
0x49d: {  	[tilespmem:v21+s29+$0x0] =	vst.idx.msk $0xffff, v14  }
0x49e: {  	v23 =	vor.u32 $0x9, v10;
	v14 =	vld.idx.msk [tilespmem:v22+s19+$0x0], $0xffff  }
0x49f: {  	v24 =	vor.u32 $0x2100, v12;
	_ =	sdelay $0x3  }
0x4a0: {  	[tilespmem:v23+s29+$0x0] =	vst.idx.msk $0xffff, v14  }
0x4a1: {  	v25 =	vor.u32 $0xA, v10;
	v14 =	vld.idx.msk [tilespmem:v24+s19+$0x0], $0xffff  }
0x4a2: {  	v26 =	vor.u32 $0x2180, v12;
	_ =	sdelay $0x3  }
0x4a3: {  	[tilespmem:v25+s29+$0x0] =	vst.idx.msk $0xffff, v14  }
0x4a4: {  	v27 =	vor.u32 $0xB, v10;
	v14 =	vld.idx.msk [tilespmem:v26+s19+$0x0], $0xffff  }
0x4a5: {  	v28 =	vor.u32 $0x2200, v12;
	_ =	sdelay $0x3  }
0x4a6: {  	[tilespmem:v27+s29+$0x0] =	vst.idx.msk $0xffff, v14  }
0x4a7: {  	v29 =	vor.u32 $0xC, v10;
	v14 =	vld.idx.msk [tilespmem:v28+s19+$0x0], $0xffff  }
0x4a8: {  	v30 =	vor.u32 $0x2280, v12;
	_ =	sdelay $0x3  }
0x4a9: {  	[tilespmem:v29+s29+$0x0] =	vst.idx.msk $0xffff, v14  }
0x4aa: {  	v31 =	vor.u32 $0xD, v10;
	v14 =	vld.idx.msk [tilespmem:v30+s19+$0x0], $0xffff  }
0x4ab: {  	v32 =	vor.u32 $0x2300, v12;
	_ =	sdelay $0x3  }
0x4ac: {  	[tilespmem:v31+s29+$0x0] =	vst.idx.msk $0xffff, v14  }
0x4ad: {  	v33 =	vor.u32 $0xE, v10;
	v14 =	vld.idx.msk [tilespmem:v32+s19+$0x0], $0xffff  }
0x4ae: {  	v34 =	vor.u32 $0x2380, v12;
	_ =	sdelay $0x3  }
0x4af: {  	[tilespmem:v33+s29+$0x0] =	vst.idx.msk $0xffff, v14  }
0x4b0: {  	v35 =	vor.u32 $0xF, v10;
	v14 =	vld.idx.msk [tilespmem:v34+s19+$0x0], $0xffff  }
0x4b1: {  	v36 =	vor.u32 $0x4000, v12;
	_ =	sdelay $0x3  }
0x4b2: {  	[tilespmem:v35+s29+$0x0] =	vst.idx.msk $0xffff, v14  }
0x4b3: {  	v37 =	vor.u32 $0x10, v10;
	v14 =	vld.idx.msk [tilespmem:v36+s19+$0x0], $0xffff  }
0x4b4: {  	v38 =	vor.u32 $0x4080, v12;
	_ =	sdelay $0x3  }
0x4b5: {  	[tilespmem:v37+s29+$0x0] =	vst.idx.msk $0xffff, v14  }
0x4b6: {  	v39 =	vor.u32 $0x11, v10;
	v14 =	vld.idx.msk [tilespmem:v38+s19+$0x0], $0xffff  }
0x4b7: {  	v40 =	vor.u32 $0x4100, v12;
	_ =	sdelay $0x3  }
0x4b8: {  	[tilespmem:v39+s29+$0x0] =	vst.idx.msk $0xffff, v14  }
0x4b9: {  	v41 =	vor.u32 $0x12, v10;
	v14 =	vld.idx.msk [tilespmem:v40+s19+$0x0], $0xffff  }
0x4ba: {  	v42 =	vor.u32 $0x4180, v12;
	_ =	sdelay $0x3  }
0x4bb: {  	[tilespmem:v41+s29+$0x0] =	vst.idx.msk $0xffff, v14  }
0x4bc: {  	v43 =	vor.u32 $0x13, v10;
	v14 =	vld.idx.msk [tilespmem:v42+s19+$0x0], $0xffff  }
0x4bd: {  	v44 =	vor.u32 $0x4200, v12;
	_ =	sdelay $0x3  }
0x4be: {  	[tilespmem:v43+s29+$0x0] =	vst.idx.msk $0xffff, v14  }
0x4bf: {  	v45 =	vor.u32 $0x14, v10;
	v14 =	vld.idx.msk [tilespmem:v44+s19+$0x0], $0xffff  }
0x4c0: {  	v46 =	vor.u32 $0x4280, v12;
	_ =	sdelay $0x3  }
0x4c1: {  	[tilespmem:v45+s29+$0x0] =	vst.idx.msk $0xffff, v14  }
0x4c2: {  	v47 =	vor.u32 $0x15, v10;
	v14 =	vld.idx.msk [tilespmem:v46+s19+$0x0], $0xffff  }
0x4c3: {  	v48 =	vor.u32 $0x4300, v12;
	_ =	sdelay $0x3  }
0x4c4: {  	[tilespmem:v47+s29+$0x0] =	vst.idx.msk $0xffff, v14  }
0x4c5: {  	v49 =	vor.u32 $0x16, v10;
	v14 =	vld.idx.msk [tilespmem:v48+s19+$0x0], $0xffff  }
0x4c6: {  	v50 =	vor.u32 $0x4380, v12;
	_ =	sdelay $0x3  }
0x4c7: {  	[tilespmem:v49+s29+$0x0] =	vst.idx.msk $0xffff, v14  }
0x4c8: {  	v51 =	vor.u32 $0x17, v10;
	v14 =	vld.idx.msk [tilespmem:v50+s19+$0x0], $0xffff  }
0x4c9: {  	v52 =	vor.u32 $0x6000, v12;
	_ =	sdelay $0x3  }
0x4ca: {  	[tilespmem:v51+s29+$0x0] =	vst.idx.msk $0xffff, v14  }
0x4cb: {  	v53 =	vor.u32 $0x18, v10;
	v14 =	vld.idx.msk [tilespmem:v52+s19+$0x0], $0xffff  }
0x4cc: {  	v54 =	vor.u32 $0x6080, v12;
	_ =	sdelay $0x3  }
0x4cd: {  	[tilespmem:v53+s29+$0x0] =	vst.idx.msk $0xffff, v14  }
0x4ce: {  	v55 =	vor.u32 $0x19, v10;
	v14 =	vld.idx.msk [tilespmem:v54+s19+$0x0], $0xffff  }
0x4cf: {  	v56 =	vor.u32 $0x6100, v12;
	_ =	sdelay $0x3  }
0x4d0: {  	[tilespmem:v55+s29+$0x0] =	vst.idx.msk $0xffff, v14  }
0x4d1: {  	v57 =	vor.u32 $0x1A, v10;
	v14 =	vld.idx.msk [tilespmem:v56+s19+$0x0], $0xffff  }
0x4d2: {  	v58 =	vor.u32 $0x6180, v12;
	_ =	sdelay $0x3  }
0x4d3: {  	[tilespmem:v57+s29+$0x0] =	vst.idx.msk $0xffff, v14  }
0x4d4: {  	v59 =	vor.u32 $0x1B, v10;
	v14 =	vld.idx.msk [tilespmem:v58+s19+$0x0], $0xffff  }
0x4d5: {  	v60 =	vor.u32 $0x6200, v12;
	_ =	sdelay $0x3  }
0x4d6: {  	(v2sf) =	vpush v11, $0xF;
	[tilespmem:v59+s29+$0x0] =	vst.idx.msk $0xffff, v14  }
0x4d7: {  	v11 =	vor.u32 $0x1C, v10;
	v13 =	vld.idx.msk [tilespmem:v60+s19+$0x0], $0xffff  }
0x4d8: {  	v61 =	vor.u32 $0x6280, v12;
	_ =	sdelay $0x3  }
0x4d9: {  	[tilespmem:v11+s29+$0x0] =	vst.idx.msk $0xffff, v13  }
0x4da: {  	v11 =	vor.u32 $0x1D, v10;
	v13 =	vld.idx.msk [tilespmem:v61+s19+$0x0], $0xffff  }
0x4db: {  	v62 =	vor.u32 $0x6300, v12;
	_ =	sdelay $0x3  }
0x4dc: {  	[tilespmem:v11+s29+$0x0] =	vst.idx.msk $0xffff, v13  }
0x4dd: {  	s7 =	sshll.u32 s7, $0x4;
	v63 =	vor.u32 $0x1E, v10;
	v11 =	vld.idx.msk [tilespmem:v62+s19+$0x0], $0xffff  }
0x4de: {  	p2 =	sne.s32 s7, $0x10;
	v12 =	vor.u32 $0x6380, v12  }
.Ltmp27:
0x4df: {  	s28 =	spop (v2sf);
	(pc) =	sbr.rel @!p2 .LBB2_36-.Ltmp27, $4  }
0x4e0: {  	s0 =	sadd.s32 s0, s28  }
0x4e1: {  	p3 =	slt.s32 s0, $0x70  }
0x4e2: {  	s16 =	simm.s32 $0x10;
	s8 =	simm.s32 @!p3 $0x80;
	[tilespmem:v63+s29+$0x0] =	vst.idx.msk $0xffff, v11  }
0x4e3: {  	s13 =	simm.s32 @!p3 $0x1CD00;
	s3 =	simm.s32 @!p3 $0x18900;
	s0 =	simm.s32 @!p3 $0x0;
	v10 =	vor.u32 $0x1F, v10;
	v11 =	vld.idx.msk [tilespmem:v12+s19+$0x0], $0xffff  }
.LBB2_35:
0x4e4: {  	_ =	sdelay $0x2  }
0x4e5: {  	s15 =	sadd.s32 $0x10, s15;
	s5 =	smov.u32 s16;
	s16 =	sadd.s32 $0x10, s16  }
0x4e6: {  	v8 =	vand.u32 $0x3FFF, v8;
	p2 =	sne.s32 s7, s16;
	[tilespmem:v10+s29+$0x0] =	vst.idx.msk $0xffff, v11  }
0x4e7: {  	s12 =	simm.s32 @!p3 $0x3;
	[tilespmem:v9+s30+$0x0] =	vst.idx.msk $0xffff, v8  }
0x4e8: {  	[hbm4b:s6+s8] =	stream.indirect.scatter @!p3 [tilespmem:s3], [sflag:$0x3], $0x80, s13, s8, $0xb8;
	[tilespmem:$0x1CE00] =	vst v63  }
0x4e9: {  	_ =	swait.ge @!p3 [sflag:s12], $0x4000  }
0x4ea: {  	[sflag:s12] =	ssyncset.done @!p3 $0x0  }
0x4eb: {  	[sflag:s12] =	ssyncadd.s32 @!p3 $0xFFFFC000  }
0x4ec: {  	[tilespmem:$0x1CD00] =	vst @!p3 v2  }
0x4ed: {  	[tilespmem:$0x1CD70] =	vst @!p3 v2  }
0x4ee: {  	[tilespmem:$0x1CD60] =	vst @!p3 v2  }
0x4ef: {  	[tilespmem:$0x1CD50] =	vst @!p3 v2  }
0x4f0: {  	[tilespmem:$0x1CD40] =	vst @!p3 v2  }
0x4f1: {  	[tilespmem:$0x1CD30] =	vst @!p3 v2  }
0x4f2: {  	v8 =	vmov s5;
	[tilespmem:$0x1CD20] =	vst @!p3 v2  }
0x4f3: {  	vm0 =	vlt.s32 v8, v7;
	[tilespmem:$0x1CD10] =	vst @!p3 v2  }
0x4f4: {  	v9 =	vsel vm0, $0x1, v4;
	v8 =	vld [tilespmem:s15+$0x0]  }
0x4f5: {  	(xrf0) =	vadd.scan.msk.s32 $0xffff, v9;
	_ =	sdelay $0x2  }
0x4f6: {  	v9 =	vmov s0  }
0x4f7: {  	v9 =	vadd.s32 $0xFFFFFFFF, v9;
	v10 =	vshra.s32 v8, $0xE  }
0x4f8: {  	v9 =	vbroadcast v9, $0x0;
	vm1 =	vgt.s32 v10, $0x7A00  }
0x4f9: {  	v10 =	vnsel vm1, $0x7A00, v10;
	v11, _, _ =	vpop (xrf0)  }
0x4fa: {  	v10 =	vmin.u32 v10, $0x7BFF;
	v9 =	vadd.s32 v11, v9;
	(v2sf) =	vpush v11, $0xF  }
0x4fb: {  	v9 =	vnsel vm0, $0x80, v9;
	v11 =	vand.u32 $0x7F, v10;
	v10 =	vshll.u32 v10, $0x3  }
0x4fc: {  	v12 =	vand.u32 $0xC00, v10;
	v10 =	vshll.u32 v9, $0x7  }
0x4fd: {  	v11 =	vor.u32 v11, v12;
	_ =	sdelay $0x4  }
0x4fe: {  	v12 =	vld.idx.msk [tilespmem:v11+s19+$0x0], $0xffff  }
0x4ff: {  	v13 =	vor.u32 $0x1, v10  }
0x500: {  	v14 =	vor.u32 $0x80, v11;
	v15 =	vor.u32 $0x100, v11;
	_ =	sdelay $0x3  }
0x501: {  	[tilespmem:v10+s29+$0x0] =	vst.idx.msk $0xffff, v12  }
0x502: {  	v12 =	vld.idx.msk [tilespmem:v14+s19+$0x0], $0xffff;
	s3 =	spop (v2sf)  }
0x503: {  	v14 =	vor.u32 $0x2, v10;
	s0 =	sadd.s32 s0, s3  }
0x504: {  	v16 =	vor.u32 $0x180, v11;
	_ =	sdelay $0x3  }
0x505: {  	[tilespmem:v13+s29+$0x0] =	vst.idx.msk $0xffff, v12  }
0x506: {  	v12 =	vld.idx.msk [tilespmem:v15+s19+$0x0], $0xffff  }
0x507: {  	v13 =	vor.u32 $0x3, v10  }
0x508: {  	v15 =	vor.u32 $0x200, v11;
	_ =	sdelay $0x3  }
0x509: {  	[tilespmem:v14+s29+$0x0] =	vst.idx.msk $0xffff, v12  }
0x50a: {  	v12 =	vld.idx.msk [tilespmem:v16+s19+$0x0], $0xffff  }
0x50b: {  	v14 =	vor.u32 $0x4, v10  }
0x50c: {  	v16 =	vor.u32 $0x280, v11;
	_ =	sdelay $0x3  }
0x50d: {  	[tilespmem:v13+s29+$0x0] =	vst.idx.msk $0xffff, v12  }
0x50e: {  	v12 =	vld.idx.msk [tilespmem:v15+s19+$0x0], $0xffff  }
0x50f: {  	v13 =	vor.u32 $0x5, v10  }
0x510: {  	v15 =	vor.u32 $0x300, v11;
	_ =	sdelay $0x3  }
0x511: {  	[tilespmem:v14+s29+$0x0] =	vst.idx.msk $0xffff, v12  }
0x512: {  	v12 =	vld.idx.msk [tilespmem:v16+s19+$0x0], $0xffff  }
0x513: {  	v14 =	vor.u32 $0x6, v10  }
0x514: {  	v16 =	vor.u32 $0x380, v11;
	_ =	sdelay $0x3  }
0x515: {  	[tilespmem:v13+s29+$0x0] =	vst.idx.msk $0xffff, v12  }
0x516: {  	v12 =	vld.idx.msk [tilespmem:v15+s19+$0x0], $0xffff  }
0x517: {  	v13 =	vor.u32 $0x7, v10  }
0x518: {  	v15 =	vor.u32 $0x2000, v11;
	_ =	sdelay $0x3  }
0x519: {  	[tilespmem:v14+s29+$0x0] =	vst.idx.msk $0xffff, v12  }
0x51a: {  	v12 =	vld.idx.msk [tilespmem:v16+s19+$0x0], $0xffff  }
0x51b: {  	v14 =	vor.u32 $0x8, v10  }
0x51c: {  	v16 =	vor.u32 $0x2080, v11;
	_ =	sdelay $0x3  }
0x51d: {  	[tilespmem:v13+s29+$0x0] =	vst.idx.msk $0xffff, v12  }
0x51e: {  	v12 =	vld.idx.msk [tilespmem:v15+s19+$0x0], $0xffff  }
0x51f: {  	v13 =	vor.u32 $0x9, v10  }
0x520: {  	v15 =	vor.u32 $0x2100, v11;
	_ =	sdelay $0x3  }
0x521: {  	[tilespmem:v14+s29+$0x0] =	vst.idx.msk $0xffff, v12  }
0x522: {  	v12 =	vld.idx.msk [tilespmem:v16+s19+$0x0], $0xffff  }
0x523: {  	v14 =	vor.u32 $0xA, v10  }
0x524: {  	v16 =	vor.u32 $0x2180, v11;
	_ =	sdelay $0x3  }
0x525: {  	[tilespmem:v13+s29+$0x0] =	vst.idx.msk $0xffff, v12  }
0x526: {  	v12 =	vld.idx.msk [tilespmem:v15+s19+$0x0], $0xffff  }
0x527: {  	v13 =	vor.u32 $0xB, v10  }
0x528: {  	v15 =	vor.u32 $0x2200, v11;
	_ =	sdelay $0x3  }
0x529: {  	[tilespmem:v14+s29+$0x0] =	vst.idx.msk $0xffff, v12  }
0x52a: {  	v12 =	vld.idx.msk [tilespmem:v16+s19+$0x0], $0xffff  }
0x52b: {  	v14 =	vor.u32 $0xC, v10  }
0x52c: {  	v16 =	vor.u32 $0x2280, v11;
	_ =	sdelay $0x3  }
0x52d: {  	[tilespmem:v13+s29+$0x0] =	vst.idx.msk $0xffff, v12  }
0x52e: {  	v12 =	vld.idx.msk [tilespmem:v15+s19+$0x0], $0xffff  }
0x52f: {  	v13 =	vor.u32 $0xD, v10  }
0x530: {  	v15 =	vor.u32 $0x2300, v11;
	_ =	sdelay $0x3  }
0x531: {  	[tilespmem:v14+s29+$0x0] =	vst.idx.msk $0xffff, v12  }
0x532: {  	v12 =	vld.idx.msk [tilespmem:v16+s19+$0x0], $0xffff  }
0x533: {  	v14 =	vor.u32 $0xE, v10  }
0x534: {  	v16 =	vor.u32 $0x2380, v11;
	_ =	sdelay $0x3  }
0x535: {  	[tilespmem:v13+s29+$0x0] =	vst.idx.msk $0xffff, v12  }
0x536: {  	v12 =	vld.idx.msk [tilespmem:v15+s19+$0x0], $0xffff  }
0x537: {  	v13 =	vor.u32 $0xF, v10  }
0x538: {  	v15 =	vor.u32 $0x4000, v11;
	_ =	sdelay $0x3  }
0x539: {  	[tilespmem:v14+s29+$0x0] =	vst.idx.msk $0xffff, v12  }
0x53a: {  	v12 =	vld.idx.msk [tilespmem:v16+s19+$0x0], $0xffff  }
0x53b: {  	v14 =	vor.u32 $0x10, v10  }
0x53c: {  	v16 =	vor.u32 $0x4080, v11;
	_ =	sdelay $0x3  }
0x53d: {  	[tilespmem:v13+s29+$0x0] =	vst.idx.msk $0xffff, v12  }
0x53e: {  	v12 =	vld.idx.msk [tilespmem:v15+s19+$0x0], $0xffff  }
0x53f: {  	v13 =	vor.u32 $0x11, v10  }
0x540: {  	v15 =	vor.u32 $0x4100, v11;
	_ =	sdelay $0x3  }
0x541: {  	[tilespmem:v14+s29+$0x0] =	vst.idx.msk $0xffff, v12  }
0x542: {  	v12 =	vld.idx.msk [tilespmem:v16+s19+$0x0], $0xffff  }
0x543: {  	v14 =	vor.u32 $0x12, v10  }
0x544: {  	v16 =	vor.u32 $0x4180, v11;
	_ =	sdelay $0x3  }
0x545: {  	[tilespmem:v13+s29+$0x0] =	vst.idx.msk $0xffff, v12  }
0x546: {  	v12 =	vld.idx.msk [tilespmem:v15+s19+$0x0], $0xffff  }
0x547: {  	v13 =	vor.u32 $0x13, v10  }
0x548: {  	v15 =	vor.u32 $0x4200, v11;
	_ =	sdelay $0x3  }
0x549: {  	[tilespmem:v14+s29+$0x0] =	vst.idx.msk $0xffff, v12  }
0x54a: {  	v12 =	vld.idx.msk [tilespmem:v16+s19+$0x0], $0xffff  }
0x54b: {  	v14 =	vor.u32 $0x14, v10  }
0x54c: {  	v16 =	vor.u32 $0x4280, v11;
	_ =	sdelay $0x3  }
0x54d: {  	[tilespmem:v13+s29+$0x0] =	vst.idx.msk $0xffff, v12  }
0x54e: {  	v12 =	vld.idx.msk [tilespmem:v15+s19+$0x0], $0xffff  }
0x54f: {  	v13 =	vor.u32 $0x15, v10  }
0x550: {  	v15 =	vor.u32 $0x4300, v11;
	_ =	sdelay $0x3  }
0x551: {  	[tilespmem:v14+s29+$0x0] =	vst.idx.msk $0xffff, v12  }
0x552: {  	v12 =	vld.idx.msk [tilespmem:v16+s19+$0x0], $0xffff  }
0x553: {  	v14 =	vor.u32 $0x16, v10  }
0x554: {  	v16 =	vor.u32 $0x4380, v11;
	_ =	sdelay $0x3  }
0x555: {  	[tilespmem:v13+s29+$0x0] =	vst.idx.msk $0xffff, v12  }
0x556: {  	v12 =	vld.idx.msk [tilespmem:v15+s19+$0x0], $0xffff  }
0x557: {  	v13 =	vor.u32 $0x17, v10  }
0x558: {  	v15 =	vor.u32 $0x6000, v11;
	_ =	sdelay $0x3  }
0x559: {  	[tilespmem:v14+s29+$0x0] =	vst.idx.msk $0xffff, v12  }
0x55a: {  	v12 =	vld.idx.msk [tilespmem:v16+s19+$0x0], $0xffff  }
0x55b: {  	v14 =	vor.u32 $0x18, v10  }
0x55c: {  	v16 =	vor.u32 $0x6080, v11;
	_ =	sdelay $0x3  }
0x55d: {  	[tilespmem:v13+s29+$0x0] =	vst.idx.msk $0xffff, v12  }
0x55e: {  	v12 =	vld.idx.msk [tilespmem:v15+s19+$0x0], $0xffff  }
0x55f: {  	v13 =	vor.u32 $0x19, v10  }
0x560: {  	v15 =	vor.u32 $0x6100, v11;
	_ =	sdelay $0x3  }
0x561: {  	[tilespmem:v14+s29+$0x0] =	vst.idx.msk $0xffff, v12  }
0x562: {  	v12 =	vld.idx.msk [tilespmem:v16+s19+$0x0], $0xffff  }
0x563: {  	v14 =	vor.u32 $0x1A, v10  }
0x564: {  	v16 =	vor.u32 $0x6180, v11;
	_ =	sdelay $0x3  }
0x565: {  	[tilespmem:v13+s29+$0x0] =	vst.idx.msk $0xffff, v12  }
0x566: {  	v12 =	vld.idx.msk [tilespmem:v15+s19+$0x0], $0xffff  }
0x567: {  	v13 =	vor.u32 $0x1B, v10  }
0x568: {  	v15 =	vor.u32 $0x6200, v11;
	_ =	sdelay $0x3  }
0x569: {  	[tilespmem:v14+s29+$0x0] =	vst.idx.msk $0xffff, v12  }
0x56a: {  	v12 =	vld.idx.msk [tilespmem:v16+s19+$0x0], $0xffff  }
0x56b: {  	v14 =	vor.u32 $0x1C, v10  }
0x56c: {  	v16 =	vor.u32 $0x6280, v11;
	_ =	sdelay $0x3  }
0x56d: {  	[tilespmem:v13+s29+$0x0] =	vst.idx.msk $0xffff, v12  }
0x56e: {  	v12 =	vld.idx.msk [tilespmem:v15+s19+$0x0], $0xffff  }
0x56f: {  	v13 =	vor.u32 $0x1D, v10;
	_ =	sdelay $0x4  }
0x570: {  	[tilespmem:v14+s29+$0x0] =	vst.idx.msk $0xffff, v12  }
0x571: {  	v12 =	vld.idx.msk [tilespmem:v16+s19+$0x0], $0xffff;
	_ =	sdelay $0x1  }
0x572: {  	v14 =	vor.u32 $0x6300, v11;
	_ =	sdelay $0x3  }
0x573: {  	[tilespmem:v13+s29+$0x0] =	vst.idx.msk $0xffff, v12  }
0x574: {  	v12 =	vld.idx.msk [tilespmem:v14+s19+$0x0], $0xffff  }
0x575: {  	v13 =	vor.u32 $0x1E, v10  }
0x576: {  	v11 =	vor.u32 $0x6380, v11;
	_ =	sdelay $0x1  }
.Ltmp28:
0x577: {  	(pc) =	sbr.rel @p2 .LBB2_35-.Ltmp28, $4  }
0x578: {  	_ = 	snop  }
0x579: {  	p3 =	slt.s32 s0, $0x70;
	[tilespmem:v13+s29+$0x0] =	vst.idx.msk $0xffff, v12  }
0x57a: {  	s8 =	simm.s32 @!p3 $0x80;
	s13 =	simm.s32 @!p3 $0x1CD00;
	s3 =	simm.s32 @!p3 $0x18900;
	v11 =	vld.idx.msk [tilespmem:v11+s19+$0x0], $0xffff  }
0x57b: {  	s0 =	simm.s32 @!p3 $0x0;
	v10 =	vor.u32 $0x1F, v10  }
.LBB2_36:
0x57c: {  	_ =	sdelay $0x3  }
0x57d: {  	v7 =	vand.u32 $0x3FFF, v8;
	[tilespmem:v10+s29+$0x0] =	vst.idx.msk $0xffff, v11  }
0x57e: {  	s5 =	simm.s32 @!p3 $0x3;
	[tilespmem:v9+s30+$0x0] =	vst.idx.msk $0xffff, v7  }
0x57f: {  	[hbm4b:s6+s8] =	stream.indirect.scatter @!p3 [tilespmem:s3], [sflag:$0x3], $0x80, s13, s8, $0xb8;
	[tilespmem:$0x1CE00] =	vst v63  }
0x580: {  	_ =	swait.ge @!p3 [sflag:s5], $0x4000  }
0x581: {  	[sflag:s5] =	ssyncset.done @!p3 $0x0  }
0x582: {  	[sflag:s5] =	ssyncadd.s32 @!p3 $0xFFFFC000  }
0x583: {  	[tilespmem:$0x1CD00] =	vst @!p3 v2  }
0x584: {  	[tilespmem:$0x1CD70] =	vst @!p3 v2  }
0x585: {  	[tilespmem:$0x1CD60] =	vst @!p3 v2  }
0x586: {  	[tilespmem:$0x1CD50] =	vst @!p3 v2  }
0x587: {  	[tilespmem:$0x1CD40] =	vst @!p3 v2  }
0x588: {  	[tilespmem:$0x1CD30] =	vst @!p3 v2  }
0x589: {  	[tilespmem:$0x1CD20] =	vst @!p3 v2  }
0x58a: {  	[tilespmem:$0x1CD10] =	vst @!p3 v2  }
.LBB2_37:
0x58b: {  	s3 =	rddreg [dreg:$0x2];
	s5 =	simm.s32 $0x0  }
0x58c: {  	[tilespmem:s19], [sflag:$0x4] =	stream.linear.gather [hbm4b:s3+s5], $0x400, $0x38;
	[tilespmem:$0x1CE00] =	vst v63  }
0x58d: {  	s15 =	rddreg [dreg:$0x9];
	s7 =	simm.s32 $0xA900  }
0x58e: {  	[tilespmem:s7], [sflag:$0x4] =	stream.linear.gather [hbm4b:s15+s5], $0x400, $0x38;
	[tilespmem:$0x1CE00] =	vst v63  }
0x58f: {  	s16 =	rddreg [dreg:$0xa];
	s25 =	simm.s32 $0xC900  }
0x590: {  	[tilespmem:s25], [sflag:$0x4] =	stream.linear.gather [hbm4b:s16+s5], $0x400, $0x38;
	[tilespmem:$0x1CE00] =	vst v63  }
.Ltmp29:
0x591: {  	s26 =	rddreg [dreg:$0xb];
	s28 =	simm.s32 $0xE900;
	(pc) =	sbr.rel @p1 .LBB2_39-.Ltmp29, $4  }
0x592: {  	[tilespmem:s28], [sflag:$0x4] =	stream.linear.gather [hbm4b:s26+s5], $0x400, $0x38;
	[tilespmem:$0x1CE00] =	vst v63  }
0x593: {  	_ =	swait.ge [sflag:s21], $0x1000  }
0x594: {  	[sflag:s21] =	ssyncset.done $0x0  }
0x595: {  	v7 =	vimm.s32 $0x0;
	s7 =	simm.s32 $0x810;
	[sflag:s21] =	ssyncadd.s32 $0xFFFFF000  }
.LBB2_38:
0x596: {  	v8 =	vld [tilespmem:s7+$0xFFFFFFF0];
	_ =	sdelay $0x4  }
0x597: {  	v9 =	vadd.s32 $0xE1100000, v8  }
0x598: {  	vm0 =	vlt.u32 v9, $0x800000  }
0x599: {  	v9 =	vsel vm0, $0x1, v4  }
0x59a: {  	(xrf0) =	vadd.scan.msk.s32 $0xffff, v9;
	_ =	sdelay $0x5  }
0x59b: {  	v9, _, _ =	vpop (xrf0)  }
0x59c: {  	v9 =	vadd.s32 v9, v7  }
0x59d: {  	v9 =	vadd.s32 $0xFFFFFFFF, v9  }
0x59e: {  	v9 =	vnsel vm0, $0x4010, v9;
	_ =	sdelay $0x4  }
0x59f: {  	[tilespmem:v9+s31+$0x0] =	vst.idx.msk $0xffff, v8  }
0x5a0: {  	v8 =	vld [tilespmem:s7+$0x0];
	_ =	sdelay $0x4  }
0x5a1: {  	v61 =	vadd.s32 $0xE1100000, v8  }
0x5a2: {  	vm1 =	vlt.u32 v61, $0x800000  }
0x5a3: {  	v9 =	vsel vm1, $0x1, v4  }
0x5a4: {  	(xrf0) =	vadd.scan.msk.s32 $0xffff, v9;
	_ =	sdelay $0x3  }
0x5a5: {  	v62 =	vmpcnt.ones.xlane vm0;
	_ =	sdelay $0x1  }
0x5a6: {  	v7 =	vadd.s32 v7, v62;
	v63, _, _ =	vpop (xrf0)  }
0x5a7: {  	v9 =	vadd.s32 v63, v7  }
0x5a8: {  	v9 =	vadd.s32 $0xFFFFFFFF, v9  }
0x5a9: {  	p1 =	sne.s32 s14, $0x1;
	v9 =	vnsel vm1, $0x4010, v9  }
.Ltmp30:
0x5aa: {  	_ = 	snop;
	(pc) =	sbr.rel @p1 .LBB2_38-.Ltmp30, $3  }
0x5ab: {  	_ = 	snop  }
0x5ac: {  	v10 =	vmpcnt.ones.xlane vm1;
	_ =	sdelay $0x1  }
0x5ad: {  	s14 =	sadd.s32 $0xFFFFFFFF, s14;
	s7 =	sadd.s32 $0x20, s7;
	v7 =	vadd.s32 v7, v10;
	[tilespmem:v9+s31+$0x0] =	vst.idx.msk $0xffff, v8  }
.LBB2_39:
0x5ae: {  	(xrf0) =	vadd.scan.msk.s32 $0xffff, v7;
	_ =	sdelay $0x5  }
0x5af: {  	v7, _, _ =	vpop (xrf0)  }
0x5b0: {  	(v2sf) =	vpush v7, $0xF;
	_ =	sdelay $0xe  }
0x5b1: {  	s3 =	spop (v2sf)  }
0x5b2: {  	s3 =	sshrl.u32 s3, $0x4  }
0x5b3: {  	s5 =	sadd.s32 $0xF, s3  }
0x5b4: {  	s7 =	sshrl.u32 s5, $0x4  }
0x5b5: {  	p1 =	seq.s32 s7, $0x0  }
.Ltmp31:
0x5b6: {  	_ = 	snop;
	(pc) =	sbr.rel @p1 .LBB2_43-.Ltmp31, $1  }
0x5b7: {  	_ =	sdelay $0x3  }
0x5b8: {  	s14 =	simm.s32 $0x4880  }
0x5b9: {  	v8 =	vld [tilespmem:s14+$0x0];
	_ =	sdelay $0x3  }
0x5ba: {  	s5 =	simm.s32 $0x0  }
0x5bb: {  	v7 =	vadd.s32 s3, v6;
	v9 =	vmov s5;
	v10 =	vshra.s32 v8, $0xE  }
0x5bc: {  	vm0 =	vlt.s32 v9, v7;
	vm1 =	vgt.s32 v10, $0x7BC0  }
0x5bd: {  	v9 =	vsel vm0, $0x1, v4;
	v10 =	vnsel vm1, $0x7BC0, v10  }
0x5be: {  	(xrf0) =	vadd.scan.msk.s32 $0xffff, v9;
	v9 =	vmin.u32 v10, $0x7DBF  }
0x5bf: {  	v9 =	vadd.s32 $0xFFFF8440, v9  }
0x5c0: {  	v11 =	vmov s0;
	v10 =	vshll.u32 v9, $0x3  }
0x5c1: {  	v11 =	vadd.s32 $0xFFFFFFFF, v11;
	v9 =	vand.u32 $0x7F, v9;
	v10 =	vand.u32 $0x7FFFFC00, v10  }
0x5c2: {  	v12 =	vor.u32 v9, v10  }
0x5c3: {  	v9 =	vbroadcast v11, $0x0  }
0x5c4: {  	v11, _, _ =	vpop (xrf0)  }
0x5c5: {  	v9 =	vadd.s32 v11, v9  }
0x5c6: {  	v9 =	vnsel vm0, $0x80, v9  }
0x5c7: {  	v10 =	vshll.u32 v9, $0x7;
	v13 =	vld.idx.msk [tilespmem:v12+s19+$0x0], $0xffff  }
0x5c8: {  	v14 =	vor.u32 $0x80, v12;
	_ =	sdelay $0x3  }
0x5c9: {  	[tilespmem:v10+s29+$0x0] =	vst.idx.msk $0xffff, v13  }
0x5ca: {  	v54 =	vor.u32 $0x1, v10;
	v14 =	vld.idx.msk [tilespmem:v14+s19+$0x0], $0xffff  }
0x5cb: {  	v15 =	vor.u32 $0x100, v12;
	_ =	sdelay $0x3  }
0x5cc: {  	[tilespmem:v54+s29+$0x0] =	vst.idx.msk $0xffff, v14  }
0x5cd: {  	v55 =	vor.u32 $0x2, v10;
	v14 =	vld.idx.msk [tilespmem:v15+s19+$0x0], $0xffff  }
0x5ce: {  	v56 =	vor.u32 $0x180, v12;
	_ =	sdelay $0x3  }
0x5cf: {  	[tilespmem:v55+s29+$0x0] =	vst.idx.msk $0xffff, v14  }
0x5d0: {  	v57 =	vor.u32 $0x3, v10;
	v14 =	vld.idx.msk [tilespmem:v56+s19+$0x0], $0xffff  }
0x5d1: {  	v58 =	vor.u32 $0x200, v12;
	_ =	sdelay $0x3  }
0x5d2: {  	[tilespmem:v57+s29+$0x0] =	vst.idx.msk $0xffff, v14  }
0x5d3: {  	v59 =	vor.u32 $0x4, v10;
	v14 =	vld.idx.msk [tilespmem:v58+s19+$0x0], $0xffff  }
0x5d4: {  	v60 =	vor.u32 $0x280, v12;
	_ =	sdelay $0x3  }
0x5d5: {  	[tilespmem:v59+s29+$0x0] =	vst.idx.msk $0xffff, v14  }
0x5d6: {  	v61 =	vor.u32 $0x5, v10;
	v14 =	vld.idx.msk [tilespmem:v60+s19+$0x0], $0xffff  }
0x5d7: {  	v62 =	vor.u32 $0x300, v12;
	_ =	sdelay $0x3  }
0x5d8: {  	[tilespmem:v61+s29+$0x0] =	vst.idx.msk $0xffff, v14  }
0x5d9: {  	v63 =	vor.u32 $0x6, v10;
	v14 =	vld.idx.msk [tilespmem:v62+s19+$0x0], $0xffff  }
0x5da: {  	v18 =	vor.u32 $0x380, v12;
	_ =	sdelay $0x3  }
0x5db: {  	[tilespmem:v63+s29+$0x0] =	vst.idx.msk $0xffff, v14  }
0x5dc: {  	v19 =	vor.u32 $0x7, v10;
	v14 =	vld.idx.msk [tilespmem:v18+s19+$0x0], $0xffff  }
0x5dd: {  	v20 =	vadd.s32 $0x2000, v12;
	_ =	sdelay $0x3  }
0x5de: {  	[tilespmem:v19+s29+$0x0] =	vst.idx.msk $0xffff, v14  }
0x5df: {  	v21 =	vor.u32 $0x8, v10;
	v14 =	vld.idx.msk [tilespmem:v20+s19+$0x0], $0xffff  }
0x5e0: {  	v22 =	vadd.s32 $0x2080, v12;
	_ =	sdelay $0x3  }
0x5e1: {  	[tilespmem:v21+s29+$0x0] =	vst.idx.msk $0xffff, v14  }
0x5e2: {  	v23 =	vor.u32 $0x9, v10;
	v14 =	vld.idx.msk [tilespmem:v22+s19+$0x0], $0xffff  }
0x5e3: {  	v24 =	vadd.s32 $0x2100, v12;
	_ =	sdelay $0x3  }
0x5e4: {  	[tilespmem:v23+s29+$0x0] =	vst.idx.msk $0xffff, v14  }
0x5e5: {  	v25 =	vor.u32 $0xA, v10;
	v14 =	vld.idx.msk [tilespmem:v24+s19+$0x0], $0xffff  }
0x5e6: {  	v26 =	vadd.s32 $0x2180, v12;
	_ =	sdelay $0x3  }
0x5e7: {  	[tilespmem:v25+s29+$0x0] =	vst.idx.msk $0xffff, v14  }
0x5e8: {  	v27 =	vor.u32 $0xB, v10;
	v14 =	vld.idx.msk [tilespmem:v26+s19+$0x0], $0xffff  }
0x5e9: {  	v28 =	vadd.s32 $0x2200, v12;
	_ =	sdelay $0x3  }
0x5ea: {  	[tilespmem:v27+s29+$0x0] =	vst.idx.msk $0xffff, v14  }
0x5eb: {  	v29 =	vor.u32 $0xC, v10;
	v14 =	vld.idx.msk [tilespmem:v28+s19+$0x0], $0xffff  }
0x5ec: {  	v30 =	vadd.s32 $0x2280, v12;
	_ =	sdelay $0x3  }
0x5ed: {  	[tilespmem:v29+s29+$0x0] =	vst.idx.msk $0xffff, v14  }
0x5ee: {  	v31 =	vor.u32 $0xD, v10;
	v14 =	vld.idx.msk [tilespmem:v30+s19+$0x0], $0xffff  }
0x5ef: {  	v32 =	vadd.s32 $0x2300, v12;
	_ =	sdelay $0x3  }
0x5f0: {  	[tilespmem:v31+s29+$0x0] =	vst.idx.msk $0xffff, v14  }
0x5f1: {  	v33 =	vor.u32 $0xE, v10;
	v14 =	vld.idx.msk [tilespmem:v32+s19+$0x0], $0xffff  }
0x5f2: {  	v34 =	vadd.s32 $0x2380, v12;
	_ =	sdelay $0x3  }
0x5f3: {  	[tilespmem:v33+s29+$0x0] =	vst.idx.msk $0xffff, v14  }
0x5f4: {  	v35 =	vor.u32 $0xF, v10;
	v14 =	vld.idx.msk [tilespmem:v34+s19+$0x0], $0xffff  }
0x5f5: {  	v36 =	vadd.s32 $0x4000, v12;
	_ =	sdelay $0x3  }
0x5f6: {  	[tilespmem:v35+s29+$0x0] =	vst.idx.msk $0xffff, v14  }
0x5f7: {  	v37 =	vor.u32 $0x10, v10;
	v14 =	vld.idx.msk [tilespmem:v36+s19+$0x0], $0xffff  }
0x5f8: {  	v38 =	vadd.s32 $0x4080, v12;
	_ =	sdelay $0x3  }
0x5f9: {  	[tilespmem:v37+s29+$0x0] =	vst.idx.msk $0xffff, v14  }
0x5fa: {  	v39 =	vor.u32 $0x11, v10;
	v14 =	vld.idx.msk [tilespmem:v38+s19+$0x0], $0xffff  }
0x5fb: {  	v40 =	vadd.s32 $0x4100, v12;
	_ =	sdelay $0x3  }
0x5fc: {  	[tilespmem:v39+s29+$0x0] =	vst.idx.msk $0xffff, v14  }
0x5fd: {  	v41 =	vor.u32 $0x12, v10;
	v14 =	vld.idx.msk [tilespmem:v40+s19+$0x0], $0xffff  }
0x5fe: {  	v42 =	vadd.s32 $0x4180, v12;
	_ =	sdelay $0x3  }
0x5ff: {  	[tilespmem:v41+s29+$0x0] =	vst.idx.msk $0xffff, v14  }
0x600: {  	v43 =	vor.u32 $0x13, v10;
	v14 =	vld.idx.msk [tilespmem:v42+s19+$0x0], $0xffff  }
0x601: {  	v44 =	vadd.s32 $0x4200, v12;
	_ =	sdelay $0x3  }
0x602: {  	[tilespmem:v43+s29+$0x0] =	vst.idx.msk $0xffff, v14  }
0x603: {  	v45 =	vor.u32 $0x14, v10;
	v14 =	vld.idx.msk [tilespmem:v44+s19+$0x0], $0xffff  }
0x604: {  	v46 =	vadd.s32 $0x4280, v12;
	_ =	sdelay $0x3  }
0x605: {  	[tilespmem:v45+s29+$0x0] =	vst.idx.msk $0xffff, v14  }
0x606: {  	v47 =	vor.u32 $0x15, v10;
	v14 =	vld.idx.msk [tilespmem:v46+s19+$0x0], $0xffff  }
0x607: {  	v48 =	vadd.s32 $0x4300, v12;
	_ =	sdelay $0x3  }
0x608: {  	[tilespmem:v47+s29+$0x0] =	vst.idx.msk $0xffff, v14  }
0x609: {  	v49 =	vor.u32 $0x16, v10;
	v14 =	vld.idx.msk [tilespmem:v48+s19+$0x0], $0xffff  }
0x60a: {  	v50 =	vadd.s32 $0x4380, v12;
	_ =	sdelay $0x3  }
0x60b: {  	[tilespmem:v49+s29+$0x0] =	vst.idx.msk $0xffff, v14  }
0x60c: {  	v51 =	vor.u32 $0x17, v10;
	v14 =	vld.idx.msk [tilespmem:v50+s19+$0x0], $0xffff  }
0x60d: {  	v52 =	vadd.s32 $0x6000, v12;
	_ =	sdelay $0x3  }
0x60e: {  	[tilespmem:v51+s29+$0x0] =	vst.idx.msk $0xffff, v14  }
0x60f: {  	v53 =	vor.u32 $0x18, v10;
	v14 =	vld.idx.msk [tilespmem:v52+s19+$0x0], $0xffff  }
0x610: {  	v54 =	vadd.s32 $0x6080, v12;
	_ =	sdelay $0x3  }
0x611: {  	[tilespmem:v53+s29+$0x0] =	vst.idx.msk $0xffff, v14  }
0x612: {  	v55 =	vor.u32 $0x19, v10;
	v14 =	vld.idx.msk [tilespmem:v54+s19+$0x0], $0xffff  }
0x613: {  	v56 =	vadd.s32 $0x6100, v12;
	_ =	sdelay $0x3  }
0x614: {  	[tilespmem:v55+s29+$0x0] =	vst.idx.msk $0xffff, v14  }
0x615: {  	v57 =	vor.u32 $0x1A, v10;
	v14 =	vld.idx.msk [tilespmem:v56+s19+$0x0], $0xffff  }
0x616: {  	v58 =	vadd.s32 $0x6180, v12;
	_ =	sdelay $0x3  }
0x617: {  	[tilespmem:v57+s29+$0x0] =	vst.idx.msk $0xffff, v14  }
0x618: {  	v59 =	vor.u32 $0x1B, v10;
	v14 =	vld.idx.msk [tilespmem:v58+s19+$0x0], $0xffff  }
0x619: {  	v60 =	vadd.s32 $0x6200, v12;
	_ =	sdelay $0x3  }
0x61a: {  	[tilespmem:v59+s29+$0x0] =	vst.idx.msk $0xffff, v14  }
0x61b: {  	(v2sf) =	vpush v11, $0xF;
	v11 =	vor.u32 $0x1C, v10;
	v13 =	vld.idx.msk [tilespmem:v60+s19+$0x0], $0xffff  }
0x61c: {  	v61 =	vadd.s32 $0x6280, v12;
	_ =	sdelay $0x3  }
0x61d: {  	[tilespmem:v11+s29+$0x0] =	vst.idx.msk $0xffff, v13  }
0x61e: {  	v11 =	vor.u32 $0x1D, v10;
	v13 =	vld.idx.msk [tilespmem:v61+s19+$0x0], $0xffff  }
0x61f: {  	v62 =	vadd.s32 $0x6300, v12;
	_ =	sdelay $0x3  }
0x620: {  	[tilespmem:v11+s29+$0x0] =	vst.idx.msk $0xffff, v13  }
0x621: {  	v63 =	vor.u32 $0x1E, v10;
	v11 =	vld.idx.msk [tilespmem:v62+s19+$0x0], $0xffff  }
0x622: {  	v12 =	vadd.s32 $0x6380, v12;
	_ =	sdelay $0x1  }
0x623: {  	s15 =	sshll.u32 s7, $0x4  }
0x624: {  	p1 =	sne.s32 s15, $0x10  }
.Ltmp32:
0x625: {  	s28 =	spop (v2sf);
	[tilespmem:v63+s29+$0x0] =	vst.idx.msk $0xffff, v11;
	(pc) =	sbr.rel @!p1 .LBB2_42-.Ltmp32, $4  }
0x626: {  	s0 =	sadd.s32 s0, s28;
	v10 =	vor.u32 $0x1F, v10;
	v11 =	vld.idx.msk [tilespmem:v12+s19+$0x0], $0xffff  }
0x627: {  	p2 =	slt.s32 s0, $0x70  }
0x628: {  	s7 =	simm.s32 $0x10;
	s8 =	simm.s32 @!p2 $0x80  }
0x629: {  	s13 =	simm.s32 @!p2 $0x1CD00;
	s3 =	simm.s32 @!p2 $0x18900;
	s0 =	simm.s32 @!p2 $0x0  }
.LBB2_41:
0x62a: {  	s14 =	sadd.s32 $0x10, s14;
	s5 =	smov.u32 s7;
	s7 =	sadd.s32 $0x10, s7  }
0x62b: {  	v8 =	vand.u32 $0x3FFF, v8;
	p1 =	sne.s32 s15, s7;
	[tilespmem:v10+s29+$0x0] =	vst.idx.msk $0xffff, v11  }
0x62c: {  	s12 =	simm.s32 @!p2 $0x3;
	[tilespmem:v9+s30+$0x0] =	vst.idx.msk $0xffff, v8  }
0x62d: {  	[hbm4b:s6+s8] =	stream.indirect.scatter @!p2 [tilespmem:s3], [sflag:$0x3], $0x80, s13, s8, $0xb8;
	[tilespmem:$0x1CE00] =	vst v63  }
0x62e: {  	_ =	swait.ge @!p2 [sflag:s12], $0x4000  }
0x62f: {  	[sflag:s12] =	ssyncset.done @!p2 $0x0  }
0x630: {  	[sflag:s12] =	ssyncadd.s32 @!p2 $0xFFFFC000  }
0x631: {  	[tilespmem:$0x1CD00] =	vst @!p2 v2  }
0x632: {  	[tilespmem:$0x1CD70] =	vst @!p2 v2  }
0x633: {  	[tilespmem:$0x1CD60] =	vst @!p2 v2  }
0x634: {  	[tilespmem:$0x1CD50] =	vst @!p2 v2  }
0x635: {  	[tilespmem:$0x1CD40] =	vst @!p2 v2  }
0x636: {  	[tilespmem:$0x1CD30] =	vst @!p2 v2  }
0x637: {  	[tilespmem:$0x1CD20] =	vst @!p2 v2  }
0x638: {  	v9 =	vmov s5;
	[tilespmem:$0x1CD10] =	vst @!p2 v2  }
0x639: {  	vm0 =	vlt.s32 v9, v7;
	v8 =	vld [tilespmem:s14+$0x0]  }
0x63a: {  	v9 =	vsel vm0, $0x1, v4  }
0x63b: {  	(xrf0) =	vadd.scan.msk.s32 $0xffff, v9;
	_ =	sdelay $0x2  }
0x63c: {  	v10 =	vmov s0;
	v9 =	vshra.s32 v8, $0xE  }
0x63d: {  	v10 =	vadd.s32 $0xFFFFFFFF, v10;
	vm1 =	vgt.s32 v9, $0x7BC0  }
0x63e: {  	v10 =	vbroadcast v10, $0x0;
	v9 =	vnsel vm1, $0x7BC0, v9  }
0x63f: {  	v9 =	vmin.u32 v9, $0x7DBF;
	v11, _, _ =	vpop (xrf0)  }
0x640: {  	v12 =	vadd.s32 $0xFFFF8440, v9;
	v9 =	vadd.s32 v11, v10;
	(v2sf) =	vpush v11, $0xF  }
0x641: {  	v9 =	vnsel vm0, $0x80, v9;
	v11 =	vand.u32 $0x7F, v12;
	v10 =	vshll.u32 v12, $0x3  }
0x642: {  	v12 =	vand.u32 $0x7FFFFC00, v10;
	v10 =	vshll.u32 v9, $0x7  }
0x643: {  	v11 =	vor.u32 v11, v12;
	_ =	sdelay $0x4  }
0x644: {  	v12 =	vld.idx.msk [tilespmem:v11+s19+$0x0], $0xffff  }
0x645: {  	v13 =	vor.u32 $0x1, v10  }
0x646: {  	v14 =	vor.u32 $0x80, v11;
	v15 =	vor.u32 $0x100, v11;
	_ =	sdelay $0x3  }
0x647: {  	[tilespmem:v10+s29+$0x0] =	vst.idx.msk $0xffff, v12  }
0x648: {  	v12 =	vld.idx.msk [tilespmem:v14+s19+$0x0], $0xffff;
	s3 =	spop (v2sf)  }
0x649: {  	v14 =	vor.u32 $0x2, v10;
	s0 =	sadd.s32 s0, s3  }
0x64a: {  	v16 =	vor.u32 $0x180, v11;
	_ =	sdelay $0x3  }
0x64b: {  	[tilespmem:v13+s29+$0x0] =	vst.idx.msk $0xffff, v12  }
0x64c: {  	v12 =	vld.idx.msk [tilespmem:v15+s19+$0x0], $0xffff  }
0x64d: {  	v13 =	vor.u32 $0x3, v10  }
0x64e: {  	v15 =	vor.u32 $0x200, v11;
	_ =	sdelay $0x3  }
0x64f: {  	[tilespmem:v14+s29+$0x0] =	vst.idx.msk $0xffff, v12  }
0x650: {  	v12 =	vld.idx.msk [tilespmem:v16+s19+$0x0], $0xffff  }
0x651: {  	v14 =	vor.u32 $0x4, v10  }
0x652: {  	v16 =	vor.u32 $0x280, v11;
	_ =	sdelay $0x3  }
0x653: {  	[tilespmem:v13+s29+$0x0] =	vst.idx.msk $0xffff, v12  }
0x654: {  	v12 =	vld.idx.msk [tilespmem:v15+s19+$0x0], $0xffff  }
0x655: {  	v13 =	vor.u32 $0x5, v10  }
0x656: {  	v15 =	vor.u32 $0x300, v11;
	_ =	sdelay $0x3  }
0x657: {  	[tilespmem:v14+s29+$0x0] =	vst.idx.msk $0xffff, v12  }
0x658: {  	v12 =	vld.idx.msk [tilespmem:v16+s19+$0x0], $0xffff  }
0x659: {  	v14 =	vor.u32 $0x6, v10  }
0x65a: {  	v16 =	vor.u32 $0x380, v11;
	_ =	sdelay $0x3  }
0x65b: {  	[tilespmem:v13+s29+$0x0] =	vst.idx.msk $0xffff, v12  }
0x65c: {  	v12 =	vld.idx.msk [tilespmem:v15+s19+$0x0], $0xffff  }
0x65d: {  	v13 =	vor.u32 $0x7, v10  }
0x65e: {  	v15 =	vadd.s32 $0x2000, v11;
	_ =	sdelay $0x3  }
0x65f: {  	[tilespmem:v14+s29+$0x0] =	vst.idx.msk $0xffff, v12  }
0x660: {  	v12 =	vld.idx.msk [tilespmem:v16+s19+$0x0], $0xffff  }
0x661: {  	v14 =	vor.u32 $0x8, v10  }
0x662: {  	v16 =	vadd.s32 $0x2080, v11;
	_ =	sdelay $0x3  }
0x663: {  	[tilespmem:v13+s29+$0x0] =	vst.idx.msk $0xffff, v12  }
0x664: {  	v12 =	vld.idx.msk [tilespmem:v15+s19+$0x0], $0xffff  }
0x665: {  	v13 =	vor.u32 $0x9, v10  }
0x666: {  	v15 =	vadd.s32 $0x2100, v11;
	_ =	sdelay $0x3  }
0x667: {  	[tilespmem:v14+s29+$0x0] =	vst.idx.msk $0xffff, v12  }
0x668: {  	v12 =	vld.idx.msk [tilespmem:v16+s19+$0x0], $0xffff  }
0x669: {  	v14 =	vor.u32 $0xA, v10  }
0x66a: {  	v16 =	vadd.s32 $0x2180, v11;
	_ =	sdelay $0x3  }
0x66b: {  	[tilespmem:v13+s29+$0x0] =	vst.idx.msk $0xffff, v12  }
0x66c: {  	v12 =	vld.idx.msk [tilespmem:v15+s19+$0x0], $0xffff  }
0x66d: {  	v13 =	vor.u32 $0xB, v10  }
0x66e: {  	v15 =	vadd.s32 $0x2200, v11;
	_ =	sdelay $0x3  }
0x66f: {  	[tilespmem:v14+s29+$0x0] =	vst.idx.msk $0xffff, v12  }
0x670: {  	v12 =	vld.idx.msk [tilespmem:v16+s19+$0x0], $0xffff  }
0x671: {  	v14 =	vor.u32 $0xC, v10  }
0x672: {  	v16 =	vadd.s32 $0x2280, v11;
	_ =	sdelay $0x3  }
0x673: {  	[tilespmem:v13+s29+$0x0] =	vst.idx.msk $0xffff, v12  }
0x674: {  	v12 =	vld.idx.msk [tilespmem:v15+s19+$0x0], $0xffff  }
0x675: {  	v13 =	vor.u32 $0xD, v10  }
0x676: {  	v15 =	vadd.s32 $0x2300, v11;
	_ =	sdelay $0x3  }
0x677: {  	[tilespmem:v14+s29+$0x0] =	vst.idx.msk $0xffff, v12  }
0x678: {  	v12 =	vld.idx.msk [tilespmem:v16+s19+$0x0], $0xffff  }
0x679: {  	v14 =	vor.u32 $0xE, v10  }
0x67a: {  	v16 =	vadd.s32 $0x2380, v11;
	_ =	sdelay $0x3  }
0x67b: {  	[tilespmem:v13+s29+$0x0] =	vst.idx.msk $0xffff, v12  }
0x67c: {  	v12 =	vld.idx.msk [tilespmem:v15+s19+$0x0], $0xffff  }
0x67d: {  	v13 =	vor.u32 $0xF, v10  }
0x67e: {  	v15 =	vadd.s32 $0x4000, v11;
	_ =	sdelay $0x3  }
0x67f: {  	[tilespmem:v14+s29+$0x0] =	vst.idx.msk $0xffff, v12  }
0x680: {  	v12 =	vld.idx.msk [tilespmem:v16+s19+$0x0], $0xffff  }
0x681: {  	v14 =	vor.u32 $0x10, v10  }
0x682: {  	v16 =	vadd.s32 $0x4080, v11;
	_ =	sdelay $0x3  }
0x683: {  	[tilespmem:v13+s29+$0x0] =	vst.idx.msk $0xffff, v12  }
0x684: {  	v12 =	vld.idx.msk [tilespmem:v15+s19+$0x0], $0xffff  }
0x685: {  	v13 =	vor.u32 $0x11, v10  }
0x686: {  	v15 =	vadd.s32 $0x4100, v11;
	_ =	sdelay $0x3  }
0x687: {  	[tilespmem:v14+s29+$0x0] =	vst.idx.msk $0xffff, v12  }
0x688: {  	v12 =	vld.idx.msk [tilespmem:v16+s19+$0x0], $0xffff  }
0x689: {  	v14 =	vor.u32 $0x12, v10  }
0x68a: {  	v16 =	vadd.s32 $0x4180, v11;
	_ =	sdelay $0x3  }
0x68b: {  	[tilespmem:v13+s29+$0x0] =	vst.idx.msk $0xffff, v12  }
0x68c: {  	v12 =	vld.idx.msk [tilespmem:v15+s19+$0x0], $0xffff  }
0x68d: {  	v13 =	vor.u32 $0x13, v10  }
0x68e: {  	v15 =	vadd.s32 $0x4200, v11;
	_ =	sdelay $0x3  }
0x68f: {  	[tilespmem:v14+s29+$0x0] =	vst.idx.msk $0xffff, v12  }
0x690: {  	v12 =	vld.idx.msk [tilespmem:v16+s19+$0x0], $0xffff  }
0x691: {  	v14 =	vor.u32 $0x14, v10  }
0x692: {  	v16 =	vadd.s32 $0x4280, v11;
	_ =	sdelay $0x3  }
0x693: {  	[tilespmem:v13+s29+$0x0] =	vst.idx.msk $0xffff, v12  }
0x694: {  	v12 =	vld.idx.msk [tilespmem:v15+s19+$0x0], $0xffff  }
0x695: {  	v13 =	vor.u32 $0x15, v10  }
0x696: {  	v15 =	vadd.s32 $0x4300, v11;
	_ =	sdelay $0x3  }
0x697: {  	[tilespmem:v14+s29+$0x0] =	vst.idx.msk $0xffff, v12  }
0x698: {  	v12 =	vld.idx.msk [tilespmem:v16+s19+$0x0], $0xffff  }
0x699: {  	v14 =	vor.u32 $0x16, v10  }
0x69a: {  	v16 =	vadd.s32 $0x4380, v11;
	_ =	sdelay $0x3  }
0x69b: {  	[tilespmem:v13+s29+$0x0] =	vst.idx.msk $0xffff, v12  }
0x69c: {  	v12 =	vld.idx.msk [tilespmem:v15+s19+$0x0], $0xffff  }
0x69d: {  	v13 =	vor.u32 $0x17, v10  }
0x69e: {  	v15 =	vadd.s32 $0x6000, v11;
	_ =	sdelay $0x3  }
0x69f: {  	[tilespmem:v14+s29+$0x0] =	vst.idx.msk $0xffff, v12  }
0x6a0: {  	v12 =	vld.idx.msk [tilespmem:v16+s19+$0x0], $0xffff  }
0x6a1: {  	v14 =	vor.u32 $0x18, v10  }
0x6a2: {  	v16 =	vadd.s32 $0x6080, v11;
	_ =	sdelay $0x3  }
0x6a3: {  	[tilespmem:v13+s29+$0x0] =	vst.idx.msk $0xffff, v12  }
0x6a4: {  	v12 =	vld.idx.msk [tilespmem:v15+s19+$0x0], $0xffff  }
0x6a5: {  	v13 =	vor.u32 $0x19, v10  }
0x6a6: {  	v15 =	vadd.s32 $0x6100, v11;
	_ =	sdelay $0x3  }
0x6a7: {  	[tilespmem:v14+s29+$0x0] =	vst.idx.msk $0xffff, v12  }
0x6a8: {  	v12 =	vld.idx.msk [tilespmem:v16+s19+$0x0], $0xffff  }
0x6a9: {  	v14 =	vor.u32 $0x1A, v10  }
0x6aa: {  	v16 =	vadd.s32 $0x6180, v11;
	_ =	sdelay $0x3  }
0x6ab: {  	[tilespmem:v13+s29+$0x0] =	vst.idx.msk $0xffff, v12  }
0x6ac: {  	v12 =	vld.idx.msk [tilespmem:v15+s19+$0x0], $0xffff  }
0x6ad: {  	v13 =	vor.u32 $0x1B, v10  }
0x6ae: {  	v15 =	vadd.s32 $0x6200, v11;
	_ =	sdelay $0x3  }
0x6af: {  	[tilespmem:v14+s29+$0x0] =	vst.idx.msk $0xffff, v12  }
0x6b0: {  	v12 =	vld.idx.msk [tilespmem:v16+s19+$0x0], $0xffff  }
0x6b1: {  	v14 =	vor.u32 $0x1C, v10  }
0x6b2: {  	v16 =	vadd.s32 $0x6280, v11;
	_ =	sdelay $0x3  }
0x6b3: {  	[tilespmem:v13+s29+$0x0] =	vst.idx.msk $0xffff, v12  }
0x6b4: {  	v12 =	vld.idx.msk [tilespmem:v15+s19+$0x0], $0xffff  }
0x6b5: {  	v13 =	vor.u32 $0x1D, v10;
	_ =	sdelay $0x4  }
0x6b6: {  	[tilespmem:v14+s29+$0x0] =	vst.idx.msk $0xffff, v12  }
0x6b7: {  	v12 =	vld.idx.msk [tilespmem:v16+s19+$0x0], $0xffff;
	_ =	sdelay $0x1  }
0x6b8: {  	v14 =	vadd.s32 $0x6300, v11;
	_ =	sdelay $0x3  }
0x6b9: {  	[tilespmem:v13+s29+$0x0] =	vst.idx.msk $0xffff, v12  }
0x6ba: {  	v12 =	vld.idx.msk [tilespmem:v14+s19+$0x0], $0xffff  }
0x6bb: {  	v13 =	vor.u32 $0x1E, v10  }
0x6bc: {  	v11 =	vadd.s32 $0x6380, v11;
	_ =	sdelay $0x1  }
.Ltmp33:
0x6bd: {  	(pc) =	sbr.rel @p1 .LBB2_41-.Ltmp33, $4  }
0x6be: {  	_ = 	snop  }
0x6bf: {  	p2 =	slt.s32 s0, $0x70;
	[tilespmem:v13+s29+$0x0] =	vst.idx.msk $0xffff, v12  }
0x6c0: {  	s8 =	simm.s32 @!p2 $0x80;
	s13 =	simm.s32 @!p2 $0x1CD00;
	s3 =	simm.s32 @!p2 $0x18900;
	v11 =	vld.idx.msk [tilespmem:v11+s19+$0x0], $0xffff  }
0x6c1: {  	s0 =	simm.s32 @!p2 $0x0;
	v10 =	vor.u32 $0x1F, v10  }
.Ltmp34:
0x6c2: {  	_ = 	snop;
	(pc) =	sbr.rel .LBB2_42-.Ltmp34, $1  }
0x6c3: {  	_ =	sdelay $0x3  }
.LBB2_44:
0x6c4: {  	_ =	sfence.sel $0x180000  }
0x6c5: {  	[bflag:$0x0] =	sbarrier.arrive $0xFFFF  }
0x6c6: {  	_ =	strace $0x90000047  }
0x6c7: {  	s0 =	stileid.u32;
	[bflag:$0x2] =	sbarrier.arrive $0xFFFF  }
0x6c8: {  	p0 =	sne.s32 s0, $0x0;
	s0 =	rddreg [dreg:$0x4]  }
0x6c9: {  	s0 =	sadd.s32 @!p0 $0x100000, s0  }
0x6ca: {  	[sflag:s0] =	ssyncadd.tile.s32 @!p0 $0x1;
	_ =	shalt  }
.Lfunc_end2:
_tile_overlayer_lowered:
.L_overlay_start_2:
0x6cb: {  	(tag) =	ssettag $0x2  }
0x6cc: {  	s0 =	rddreg [dreg:$0x0];
	s2 =	stileid.u32  }
0x6cd: {  	s1 =	rddreg [dreg:$0x1];
	p0 =	sne.s32 s2, $0x0  }
0x6ce: {  	s3 =	rddreg [dreg:$0x2];
	[bflag:$0x3] =	sbarrier.arrive $0xFFFF;
	s2 =	simm.s32 @!p0 $0x1C04  }
0x6cf: {  	[timem:s3], [sflag:s2] =	dma.local @!p0 [hbm:s0], s1  }
0x6d0: {  	s0 =	simm.s32 @!p0 $0x4  }
0x6d1: {  	_ =	swait.ge @!p0 [sflag:s0], s1  }
0x6d2: {  	s1 =	ssub.s32 @!p0 $0x0, s1;
	[sflag:s0] =	ssyncset.done @!p0 $0x0  }
0x6d3: {  	[sflag:s0] =	ssyncadd.s32 @!p0 s1  }
0x6d4: {  	[bflag:$0x3] =	sbarrier.arrive $0xFFFF  }
0x6d5: {  	_ =	shalt  }

</sc_bundles>
